<compile_context>
chip_gen: v7x
topology: tpu7x:2x2x1
jax: 0.10.2.dev20260603
libtpu: 0.0.44.dev20260713+nightly
codegen_flags: <defaults>
</compile_context>

<pallas_src>
import jax
import jax.numpy as jnp
import numpy as np
from jax import lax
from jax.experimental import pallas as pl
from jax.experimental.pallas import tpu as pltpu
from jax.experimental.pallas import tpu_sc as plsc

_N = 10000
_E = 160000
_D_IN = 256
_D_HID = 128
_D_OUT = 256
_D_EDGE = 16
_NTYPES = 15
_H = 4

_ROW_BLK_N = 400
_ROW_BLK_E = 1000
_CU = 32
_RPT = _N // 16


def _matmul_kernel(x_ref, w_ref, o_ref):
    o_ref[...] = jnp.dot(x_ref[...], w_ref[...],
                         preferred_element_type=jnp.float32)


def _matmul(x, w, block_rows):
    m, k = x.shape
    _, n = w.shape
    return pl.pallas_call(
        _matmul_kernel,
        grid=(m // block_rows,),
        in_specs=[
            pl.BlockSpec((block_rows, k), lambda i: (i, 0)),
            pl.BlockSpec((k, n), lambda i: (0, 0)),
        ],
        out_specs=pl.BlockSpec((block_rows, n), lambda i: (i, 0)),
        out_shape=jax.ShapeDtypeStruct((m, n), jnp.float32),
    )(x, w)


def _edge_feat_kernel(ef_ref, d2_ref, w_ref, wlast_ref, o_ref):
    r = jnp.sqrt(d2_ref[...] + 1e-12)
    o_ref[...] = (jnp.dot(ef_ref[...], w_ref[...],
                          preferred_element_type=jnp.float32)
                  + r * wlast_ref[...])


def _edge_feats(ef, d2, w16, wlast):
    e, _ = ef.shape
    c = w16.shape[1]
    return pl.pallas_call(
        _edge_feat_kernel,
        grid=(e // _ROW_BLK_E,),
        in_specs=[
            pl.BlockSpec((_ROW_BLK_E, _D_EDGE), lambda i: (i, 0)),
            pl.BlockSpec((_ROW_BLK_E, 1), lambda i: (i, 0)),
            pl.BlockSpec((_D_EDGE, c), lambda i: (0, 0)),
            pl.BlockSpec((1, c), lambda i: (0, 0)),
        ],
        out_specs=pl.BlockSpec((_ROW_BLK_E, c), lambda i: (i, 0)),
        out_shape=jax.ShapeDtypeStruct((e, c), jnp.float32),
    )(ef, d2, w16, wlast)


def _finalize_sum_kernel(p0_ref, p1_ref, zc_ref, sm_ref, hm_ref, wo_ref,
                         o_ref):
    agg = p0_ref[...] + p1_ref[...]
    z = jnp.dot(zc_ref[...], sm_ref[...], preferred_element_type=jnp.float32)
    rec = jnp.dot(1.0 / (z + 1e-9), hm_ref[...],
                  preferred_element_type=jnp.float32)
    o_ref[...] = jnp.maximum(
        jnp.dot(agg * rec, wo_ref[...], preferred_element_type=jnp.float32),
        0.0)


def _finalize_cat_kernel(p0_ref, p1_ref, zc_ref, sm_ref, hm_ref, wo_ref,
                         o_ref):
    agg = jnp.concatenate([p0_ref[...], p1_ref[...]], axis=-1)
    z = jnp.dot(zc_ref[...], sm_ref[...], preferred_element_type=jnp.float32)
    rec = jnp.dot(1.0 / (z + 1e-9), hm_ref[...],
                  preferred_element_type=jnp.float32)
    o_ref[...] = jnp.maximum(
        jnp.dot(agg * rec, wo_ref[...], preferred_element_type=jnp.float32),
        0.0)


def _finalize(p0, p1, zcat, sm, hm, wo, concat_mode):
    n = p0.shape[0]
    d = wo.shape[0]
    zw = zcat.shape[1]
    body = _finalize_cat_kernel if concat_mode else _finalize_sum_kernel
    return pl.pallas_call(
        body,
        grid=(n // _ROW_BLK_N,),
        in_specs=[
            pl.BlockSpec((_ROW_BLK_N, 128), lambda i: (i, 0)),
            pl.BlockSpec((_ROW_BLK_N, 128), lambda i: (i, 0)),
            pl.BlockSpec((_ROW_BLK_N, zw), lambda i: (i, 0)),
            pl.BlockSpec((zw, _H), lambda i: (0, 0)),
            pl.BlockSpec((_H, d), lambda i: (0, 0)),
            pl.BlockSpec((d, d), lambda i: (0, 0)),
        ],
        out_specs=pl.BlockSpec((_ROW_BLK_N, d), lambda i: (i, 0)),
        out_shape=jax.ShapeDtypeStruct((n, d), jnp.float32),
    )(p0, p1, zcat, sm, hm, wo)


def _head_kernel(h_ref, w_ref, o_ref):
    o_ref[...] = jax.nn.sigmoid(
        jnp.dot(h_ref[...], w_ref[...], preferred_element_type=jnp.float32))


def _head(h, w):
    n = h.shape[0]
    c = w.shape[1]
    return pl.pallas_call(
        _head_kernel,
        grid=(n // _ROW_BLK_N,),
        in_specs=[
            pl.BlockSpec((_ROW_BLK_N, _D_OUT), lambda i: (i, 0)),
            pl.BlockSpec((_D_OUT, c), lambda i: (0, 0)),
        ],
        out_specs=pl.BlockSpec((_ROW_BLK_N, c), lambda i: (i, 0)),
        out_shape=jax.ShapeDtypeStruct((n, c), jnp.float32),
    )(h, w)


def _lane_sum(v, lane):
    for sh in (8, 4, 2, 1):
        perm = jnp.bitwise_xor(lane, sh)
        v = v + v.at[perm].get(mode="promise_in_bounds")
    return v


def _d2_body(srca, dsta, cpad, eye, d2o, src_v, dst_v, csrc, cdst, d2b, eye_v, sem):
    c = lax.axis_index("c")
    s = lax.axis_index("s")
    wid = c * 16 + s
    base_u = wid * 156 + jnp.minimum(wid, 8)
    cnt = 156 + jnp.minimum(jnp.maximum(8 - wid, 0), 1)
    pltpu.sync_copy(eye, eye_v)
    lane = lax.iota(jnp.int32, 16)

    def chunk(i, _):
        e0 = (base_u + i) * _CU
        pltpu.sync_copy(srca.at[pl.ds(e0, _CU)], src_v)
        pltpu.sync_copy(dsta.at[pl.ds(e0, _CU)], dst_v)
        pltpu.async_copy(cpad.at[src_v], csrc, sem).wait()
        pltpu.async_copy(cpad.at[dst_v], cdst, sem).wait()

        def gb(g, _):
            def eb(e, a):
                erow = 16 * g + e
                d = cdst[erow, pl.ds(0, 16)] - csrc[erow, pl.ds(0, 16)]
                return a + _lane_sum(d * d, lane) * eye_v[e, pl.ds(0, 16)]
            acc = lax.fori_loop(0, 16, eb, jnp.zeros((16,), jnp.float32))
            d2b[pl.ds(16 * g, 16)] = acc
            return 0
        lax.fori_loop(0, _CU // 16, gb, 0)
        pltpu.sync_copy(d2b, d2o.at[pl.ds(e0, _CU)])
        return 0

    lax.fori_loop(0, cnt, chunk, 0)


def _d2_sc(srca, dsta, cpad):
    mesh = plsc.VectorSubcoreMesh(core_axis_name="c", subcore_axis_name="s")
    return pl.kernel(
        _d2_body,
        out_type=jax.ShapeDtypeStruct((_E,), jnp.float32),
        mesh=mesh,
        scratch_types=[
            pltpu.VMEM((_CU,), jnp.int32),
            pltpu.VMEM((_CU,), jnp.int32),
            pltpu.VMEM((_CU, 128), jnp.float32),
            pltpu.VMEM((_CU, 128), jnp.float32),
            pltpu.VMEM((_CU,), jnp.float32),
            pltpu.VMEM((16, 16), jnp.float32),
            pltpu.SemaphoreType.DMA,
        ],
    )(srca, dsta, cpad, jnp.eye(16, dtype=jnp.float32))


def _edge_attention_jnp(q, kv, ekv, src, dst, d, dh):
    qd = jnp.take(q, dst, axis=0).reshape(-1, _H, dh)
    kve = jnp.take(kv, src, axis=0) + ekv
    kk = kve[:, :d].reshape(-1, _H, dh)
    pp = jnp.exp((qd * kk).sum(-1) / np.sqrt(float(dh)))
    vals = (kve[:, d:].reshape(-1, _H, dh) * pp[..., None]).reshape(-1, d)
    both = jax.ops.segment_sum(jnp.concatenate([vals, pp], axis=1), dst,
                               num_segments=_N)
    return both[:, :d], both[:, d:]


def kernel(node_features, edge_features, edge_index, coords,
           Wq1, Wk1, Wv1, Wek1, Wev1, Wo1,
           Wq2, Wk2, Wv2, Wek2, Wev2, Wo2,
           WC1, bC1, WC2, Cw):
    del WC1, bC1, WC2
    x0 = node_features[..., 0]
    ef = edge_features[..., 0]
    srca = edge_index[0].astype(jnp.int32)
    dsta = edge_index[1].astype(jnp.int32)

    cpad = jnp.pad(coords, ((0, 0), (0, 125)))
    d2 = _d2_sc(srca, dsta, cpad).reshape(_E, 1)

    wek_all = jnp.concatenate([Wek1, Wev1, Wek2, Wev2], axis=1)
    ekv_all = _edge_feats(ef, d2, wek_all[:16], wek_all[16:17])
    ekv1 = ekv_all[:, 0:256]
    ek2 = ekv_all[:, 256:512]
    evcat = jnp.concatenate([ekv_all[:, 512:640], ekv_all[:, 640:768]],
                            axis=0)

    hm1 = jnp.asarray(np.repeat(np.eye(_H, dtype=np.float32),
                                _D_HID // _H, axis=1))
    hm2 = jnp.asarray(np.repeat(np.eye(_H, dtype=np.float32),
                                _D_OUT // _H, axis=1))
    sm1 = jnp.asarray(np.tile(np.eye(_H, dtype=np.float32), (2, 1)))
    sm2 = jnp.asarray(np.eye(_H, dtype=np.float32))

    qkv1 = _matmul(x0, jnp.concatenate([Wq1, Wk1, Wv1], axis=1), _ROW_BLK_N)
    q1 = qkv1[:, :128]
    kv1 = qkv1[:, 128:384]
    agg1, z1 = _edge_attention_jnp(q1, kv1, ekv1, srca, dsta, 128, 32)
    zcat1 = jnp.concatenate([z1, jnp.zeros_like(z1)], axis=1)
    h1 = _finalize(agg1, jnp.zeros_like(agg1), zcat1, sm1, hm1, Wo1,
                   concat_mode=False)

    qkv2 = _matmul(h1, jnp.concatenate([Wq2, Wk2, Wv2], axis=1), _ROW_BLK_N)
    q2 = qkv2[:, :256]
    kv2 = qkv2[:, 256:768]
    ekv2 = jnp.concatenate([ek2, evcat[:_E], evcat[_E:]], axis=1)
    agg2, z2 = _edge_attention_jnp(q2, kv2, ekv2, srca, dsta, 256, 64)
    h2 = _finalize(agg2[:, :128], agg2[:, 128:], z2, sm2, hm2, Wo2,
                   concat_mode=True)

    cw_flat = Cw.transpose(1, 0, 2).reshape(_D_OUT, _NTYPES * _NTYPES)
    cw_pad = jnp.pad(cw_flat, ((0, 0), (0, 256 - _NTYPES * _NTYPES)))
    cs_flat = _head(h2, cw_pad)
    cs = cs_flat[:, :_NTYPES * _NTYPES].reshape(_N, _NTYPES, _NTYPES)
    return cs.transpose(1, 0, 2)

# --- scband reference (transcript-rebuilt; emitter-appended) ---
"""Pipeline reference for scband-se3-transformer-wrapper-8100308320264 (READ-ONLY COPY).

The authoritative reference and input builder live on the scoring server;
editing this copy changes nothing except your own understanding.
"""

import jax, jax.numpy as jnp
import numpy as np

N = 10000
E = 160000
D_IN = 256
D_HID = 128
D_OUT = 256
D_EDGE = 16
NTYPES = 15
H = 4


def setup_inputs(seed: int = 0) -> dict:
    key = jax.random.key(seed)
    ks = jax.random.split(key, 24)
    def w(k, s):
        return jax.random.normal(k, s, jnp.float32) * 0.05
    inp = {}
    inp['node_features'] = jax.random.normal(ks[0], (N, D_IN, 1), jnp.float32)
    inp['edge_features'] = jax.random.normal(ks[1], (E, D_EDGE, 1), jnp.float32)
    inp['edge_index'] = jax.random.randint(ks[2], (2, E), 0, N)
    inp['coords'] = jax.random.normal(ks[3], (N, 3), jnp.float32)
    inp['Wq1'] = w(ks[4], (D_IN, D_HID))
    inp['Wk1'] = w(ks[5], (D_IN, D_HID))
    inp['Wv1'] = w(ks[6], (D_IN, D_HID))
    inp['Wek1'] = w(ks[7], (D_EDGE + 1, D_HID))
    inp['Wev1'] = w(ks[8], (D_EDGE + 1, D_HID))
    inp['Wo1'] = w(ks[9], (D_HID, D_HID))
    inp['Wq2'] = w(ks[10], (D_HID, D_OUT))
    inp['Wk2'] = w(ks[11], (D_HID, D_OUT))
    inp['Wv2'] = w(ks[12], (D_HID, D_OUT))
    inp['Wek2'] = w(ks[13], (D_EDGE + 1, D_OUT))
    inp['Wev2'] = w(ks[14], (D_EDGE + 1, D_OUT))
    inp['Wo2'] = w(ks[15], (D_OUT, D_OUT))
    inp['WC1'] = w(ks[16], (D_OUT, D_OUT))
    inp['bC1'] = jnp.zeros((D_OUT,), jnp.float32)
    inp['WC2'] = w(ks[17], (D_OUT, NTYPES))
    inp['Cw'] = w(ks[18], (NTYPES, D_OUT, NTYPES))
    return inp


def _attn_layer(x, eaug, src, dst, Wq, Wk, Wv, Wek, Wev, Wo):
    n = x.shape[0]
    d_out = Wq.shape[1]
    dh = d_out // H
    q = x @ Wq
    k = x @ Wk
    v = x @ Wv
    ek = eaug @ Wek
    ev = eaug @ Wev
    qd = q[dst].reshape(-1, H, dh)
    kk = (k[src] + ek).reshape(-1, H, dh)
    logits = (qd * kk).sum(-1) / jnp.sqrt(float(dh))
    m = jax.ops.segment_max(logits, dst, num_segments=n)
    m = jnp.where(jnp.isfinite(m), m, 0.0)
    p = jnp.exp(logits - m[dst])
    z = jax.ops.segment_sum(p, dst, num_segments=n)
    alpha = p / (z[dst] + 1e-9)
    vals = ((v[src] + ev).reshape(-1, H, dh) * alpha[..., None]).reshape(-1, d_out)
    agg = jax.ops.segment_sum(vals, dst, num_segments=n)
    return jax.nn.relu(agg @ Wo)


def reference(node_features, edge_features, edge_index, coords, Wq1, Wk1, Wv1, Wek1, Wev1, Wo1, Wq2, Wk2, Wv2, Wek2, Wev2, Wo2, WC1, bC1, WC2, Cw):
    src = edge_index[0]
    dst = edge_index[1]
    rel = coords[dst] - coords[src]
    radial = jnp.sqrt(jnp.sum(rel * rel, axis=-1, keepdims=True) + 1e-12)
    eaug = jnp.concatenate([edge_features[..., 0], radial], axis=-1)
    x0 = node_features[..., 0]
    h = _attn_layer(x0, eaug, src, dst, Wq1, Wk1, Wv1, Wek1, Wev1, Wo1)
    h = _attn_layer(h, eaug, src, dst, Wq2, Wk2, Wv2, Wek2, Wev2, Wo2)
    wc = jax.nn.relu((h @ WC1 + bC1) @ WC2)
    cs = jax.nn.sigmoid(jnp.einsum('nd,tdk->tnk', h, Cw))
    return cs

if __name__ == "__main__":
    import jax
    _d = setup_inputs()
    print(jax.jit(kernel)(*tuple(_d.values())))

</pallas_src>

<mosaic_0001>
#map = affine_map<(d0, d1) -> (0)>
#map1 = affine_map<(d0, d1) -> (0, 0)>
module attributes {stable_mosaic.version = 14 : i64} {
  func.func @_d2_body(%arg0: i32, %arg1: i32, %arg2: memref<160000xi32, #tpu.memory_space<hbm>>, %arg3: memref<160000xi32, #tpu.memory_space<hbm>>, %arg4: memref<10000x128xf32, #tpu.memory_space<hbm>>, %arg5: memref<16x16xf32, #tpu.memory_space<hbm>>, %arg6: memref<160000xf32, #tpu.memory_space<hbm>>, %arg7: memref<32xi32, #tpu.memory_space<vmem>>, %arg8: memref<32xi32, #tpu.memory_space<vmem>>, %arg9: memref<32x128xf32, #tpu.memory_space<vmem>>, %arg10: memref<32x128xf32, #tpu.memory_space<vmem>>, %arg11: memref<32xf32, #tpu.memory_space<vmem>>, %arg12: memref<16x16xf32, #tpu.memory_space<vmem>>, %arg13: memref<!tpu.dma_semaphore, #tpu.memory_space<semaphore_mem>>) attributes {dimension_semantics = [#tpu.dimension_semantics<core_parallel>, #tpu.dimension_semantics<subcore_parallel>], iteration_bounds = array<i64: 2, 16>, scalar_prefetch = 0 : i64, scratch_operands = 7 : i64, tpu.core_type = #tpu.core_type<sc_vector_subcore>, window_params = [{transform_indices = #map}, {transform_indices = #map}, {transform_indices = #map1}, {transform_indices = #map1}, {transform_indices = #map}]} {
    %mul3A = arith.constant 16 : i32
    %mul3A_0 = arith.muli %arg0, %mul3A : i32
    %add3A = arith.addi %mul3A_0, %arg1 : i32
    %mul3A_1 = arith.constant 156 : i32
    %mul3A_2 = arith.muli %add3A, %mul3A_1 : i32
    %min3A = arith.constant 8 : i32
    %min3A_3 = arith.minsi %add3A, %min3A : i32
    %add3A_4 = arith.addi %mul3A_2, %min3A_3 : i32
    %sub3A = arith.constant 8 : i32
    %sub3A_5 = arith.subi %sub3A, %add3A : i32
    %max3A = arith.constant 0 : i32
    %max3A_6 = arith.maxsi %sub3A_5, %max3A : i32
    %min3A_7 = arith.constant 1 : i32
    %min3A_8 = arith.minsi %max3A_6, %min3A_7 : i32
    %add3A_9 = arith.constant 156 : i32
    %add3A_10 = arith.addi %add3A_9, %min3A_8 : i32
    "tpu.region"() ({
      %run_scoped3A = tpu.sem_alloc : memref<!tpu.dma_semaphore, #tpu.memory_space<semaphore_mem>>
      tpu.enqueue_dma source(%arg5 : memref<16x16xf32, #tpu.memory_space<hbm>>) target(%arg12 : memref<16x16xf32, #tpu.memory_space<vmem>>) target_semaphore(%run_scoped3A : memref<!tpu.dma_semaphore, #tpu.memory_space<semaphore_mem>>)
      tpu.wait_dma2 semaphore(%run_scoped3A : memref<!tpu.dma_semaphore, #tpu.memory_space<semaphore_mem>>) src(%arg5 : memref<16x16xf32, #tpu.memory_space<hbm>>) dst(%arg12 : memref<16x16xf32, #tpu.memory_space<vmem>>)
      tpu.yield
    }) : () -> ()
    %iota3A = tpu.iota {dimensions = array<i32: 0>} : vector<16xi32>
    %while3A = arith.constant 0 : i32
    %while3A_11 = arith.constant 0 : i32
    %while3A_12 = arith.subi %add3A_10, %while3A : i32
    %while3A_13 = arith.addi %while3A, %while3A_12 : i32
    %while3A_14 = arith.constant 1 : i32
    %while3A_15 = arith.divsi %while3A_12, %while3A_14 : i32
    %while3A_16 = arith.muli %while3A_15, %while3A_14 : i32
    %while3A_17 = arith.addi %while3A, %while3A_16 : i32
    %while3A_18 = arith.constant 1 : i32
    %while3A_19 = scf.for %while3A_22 = %while3A to %while3A_17 step %while3A_18 iter_args(%while3A_23 = %while3A_11) -> (i32)  : i32 {
      %add3A_24 = arith.addi %add3A_4, %while3A_22 : i32
      %mul3A_25 = arith.constant 32 : i32
      %mul3A_26 = arith.muli %add3A_24, %mul3A_25 : i32
      "tpu.region"() ({
        %run_scoped3A = tpu.sem_alloc : memref<!tpu.dma_semaphore, #tpu.memory_space<semaphore_mem>>
        %dma_start3A_44 = tpu.memref_slice %arg2[%mul3A_26] : memref<160000xi32, #tpu.memory_space<hbm>> -> memref<32xi32, #tpu.memory_space<hbm>>
        %dma_start3A_45 = tpu.memref_slice %arg2[%mul3A_26] : memref<160000xi32, #tpu.memory_space<hbm>> -> memref<32xi32, #tpu.memory_space<hbm>>
        tpu.enqueue_dma source(%dma_start3A_45 : memref<32xi32, #tpu.memory_space<hbm>>) target(%arg7 : memref<32xi32, #tpu.memory_space<vmem>>) target_semaphore(%run_scoped3A : memref<!tpu.dma_semaphore, #tpu.memory_space<semaphore_mem>>)
        %dma_wait3A_46 = tpu.memref_slice %arg2[%mul3A_26] : memref<160000xi32, #tpu.memory_space<hbm>> -> memref<32xi32, #tpu.memory_space<hbm>>
        %dma_wait3A_47 = tpu.memref_slice %arg2[%mul3A_26] : memref<160000xi32, #tpu.memory_space<hbm>> -> memref<32xi32, #tpu.memory_space<hbm>>
        tpu.wait_dma2 semaphore(%run_scoped3A : memref<!tpu.dma_semaphore, #tpu.memory_space<semaphore_mem>>) src(%dma_wait3A_47 : memref<32xi32, #tpu.memory_space<hbm>>) dst(%arg7 : memref<32xi32, #tpu.memory_space<vmem>>)
        tpu.yield
      }) : () -> ()
      "tpu.region"() ({
        %run_scoped3A = tpu.sem_alloc : memref<!tpu.dma_semaphore, #tpu.memory_space<semaphore_mem>>
        %dma_start3A_44 = tpu.memref_slice %arg3[%mul3A_26] : memref<160000xi32, #tpu.memory_space<hbm>> -> memref<32xi32, #tpu.memory_space<hbm>>
        %dma_start3A_45 = tpu.memref_slice %arg3[%mul3A_26] : memref<160000xi32, #tpu.memory_space<hbm>> -> memref<32xi32, #tpu.memory_space<hbm>>
        tpu.enqueue_dma source(%dma_start3A_45 : memref<32xi32, #tpu.memory_space<hbm>>) target(%arg8 : memref<32xi32, #tpu.memory_space<vmem>>) target_semaphore(%run_scoped3A : memref<!tpu.dma_semaphore, #tpu.memory_space<semaphore_mem>>)
        %dma_wait3A_46 = tpu.memref_slice %arg3[%mul3A_26] : memref<160000xi32, #tpu.memory_space<hbm>> -> memref<32xi32, #tpu.memory_space<hbm>>
        %dma_wait3A_47 = tpu.memref_slice %arg3[%mul3A_26] : memref<160000xi32, #tpu.memory_space<hbm>> -> memref<32xi32, #tpu.memory_space<hbm>>
        tpu.wait_dma2 semaphore(%run_scoped3A : memref<!tpu.dma_semaphore, #tpu.memory_space<semaphore_mem>>) src(%dma_wait3A_47 : memref<32xi32, #tpu.memory_space<hbm>>) dst(%arg8 : memref<32xi32, #tpu.memory_space<vmem>>)
        tpu.yield
      }) : () -> ()
      %dma_start3A = arith.constant 0 : i32
      %dma_start3A_27 = arith.constant 0 : i32
      %dma_start3A_28 = tpu.memref_slice %arg4[%dma_start3A, %dma_start3A_27] : memref<10000x128xf32, #tpu.memory_space<hbm>> -> memref<10000x128xf32, #tpu.memory_space<hbm>>
      tpu.enqueue_indirect_dma source(%dma_start3A_28 : memref<10000x128xf32, #tpu.memory_space<hbm>>) target(%arg9 : memref<32x128xf32, #tpu.memory_space<vmem>>) offsets(%arg7 : memref<32xi32, #tpu.memory_space<vmem>>) semaphore(%arg13 : memref<!tpu.dma_semaphore, #tpu.memory_space<semaphore_mem>>)
      %dma_wait3A = arith.constant 0 : i32
      %dma_wait3A_29 = arith.constant 0 : i32
      %dma_wait3A_30 = tpu.memref_slice %arg4[%dma_wait3A, %dma_wait3A_29] : memref<10000x128xf32, #tpu.memory_space<hbm>> -> memref<10000x128xf32, #tpu.memory_space<hbm>>
      tpu.wait_indirect_dma semaphore(%arg13 : memref<!tpu.dma_semaphore, #tpu.memory_space<semaphore_mem>>) src(%dma_wait3A_30 : memref<10000x128xf32, #tpu.memory_space<hbm>>) dst(%arg9 : memref<32x128xf32, #tpu.memory_space<vmem>>)
      %dma_start3A_31 = arith.constant 0 : i32
      %dma_start3A_32 = arith.constant 0 : i32
      %dma_start3A_33 = tpu.memref_slice %arg4[%dma_start3A_31, %dma_start3A_32] : memref<10000x128xf32, #tpu.memory_space<hbm>> -> memref<10000x128xf32, #tpu.memory_space<hbm>>
      tpu.enqueue_indirect_dma source(%dma_start3A_33 : memref<10000x128xf32, #tpu.memory_space<hbm>>) target(%arg10 : memref<32x128xf32, #tpu.memory_space<vmem>>) offsets(%arg8 : memref<32xi32, #tpu.memory_space<vmem>>) semaphore(%arg13 : memref<!tpu.dma_semaphore, #tpu.memory_space<semaphore_mem>>)
      %dma_wait3A_34 = arith.constant 0 : i32
      %dma_wait3A_35 = arith.constant 0 : i32
      %dma_wait3A_36 = tpu.memref_slice %arg4[%dma_wait3A_34, %dma_wait3A_35] : memref<10000x128xf32, #tpu.memory_space<hbm>> -> memref<10000x128xf32, #tpu.memory_space<hbm>>
      tpu.wait_indirect_dma semaphore(%arg13 : memref<!tpu.dma_semaphore, #tpu.memory_space<semaphore_mem>>) src(%dma_wait3A_36 : memref<10000x128xf32, #tpu.memory_space<hbm>>) dst(%arg10 : memref<32x128xf32, #tpu.memory_space<vmem>>)
      %scan3A = arith.constant 0 : i32
      %scan3A_37 = arith.constant 0 : i32
      %scan3A_38 = arith.constant 2 : i32
      %scan3A_39 = arith.addi %scan3A_37, %scan3A_38 : i32
      %scan3A_40 = arith.constant 1 : i32
      %scan3A_41 = scf.for %scan3A_44 = %scan3A_37 to %scan3A_39 step %scan3A_40 iter_args(%scan3A_45 = %scan3A) -> (i32)  : i32 {
        %broadcast_in_dim3A = arith.constant 0.000000e+00 : f32
        %broadcast_in_dim3A_46 = vector.broadcast %broadcast_in_dim3A : f32 to vector<16xf32>
        %scan3A_47 = arith.constant 0 : i32
        %scan3A_48 = arith.constant 16 : i32
        %scan3A_49 = arith.addi %scan3A_47, %scan3A_48 : i32
        %scan3A_50 = arith.constant 1 : i32
        %scan3A_51 = scf.for %scan3A_59 = %scan3A_47 to %scan3A_49 step %scan3A_50 iter_args(%scan3A_60 = %broadcast_in_dim3A_46) -> (vector<16xf32>)  : i32 {
          %mul3A_61 = arith.constant 16 : i32
          %mul3A_62 = arith.muli %mul3A_61, %scan3A_44 : i32
          %add3A_63 = arith.addi %mul3A_62, %scan3A_59 : i32
          %get3A = arith.index_cast %add3A_63 : i32 to index
          %get3A_64 = arith.constant 0 : index
          %get3A_65 = tpu.vector_load %arg10[%get3A, %get3A_64] {strides = array<i32>} : memref<32x128xf32, #tpu.memory_space<vmem>>, vector<1x16xf32>,
          %get3A_66 = vector.shape_cast %get3A_65 : vector<1x16xf32> to vector<16xf32>
          %get3A_67 = arith.index_cast %add3A_63 : i32 to index
          %get3A_68 = arith.constant 0 : index
          %get3A_69 = tpu.vector_load %arg9[%get3A_67, %get3A_68] {strides = array<i32>} : memref<32x128xf32, #tpu.memory_space<vmem>>, vector<1x16xf32>,
          %get3A_70 = vector.shape_cast %get3A_69 : vector<1x16xf32> to vector<16xf32>
          %sub3A_71 = arith.subf %get3A_66, %get3A_70 : vector<16xf32>
          %mul3A_72 = arith.mulf %sub3A_71, %sub3A_71 : vector<16xf32>
          %xor3A = arith.constant 8 : i32
          %xor3A_73 = vector.broadcast %xor3A : i32 to vector<16xi32>
          %xor3A_74 = arith.xori %iota3A, %xor3A_73 : vector<16xi32>
          %lt3A = arith.constant 0 : i32
          %lt3A_75 = vector.broadcast %lt3A : i32 to vector<16xi32>
          %lt3A_76 = arith.cmpi slt, %xor3A_74, %lt3A_75 : vector<16xi32>
          %add3A_77 = arith.constant 16 : i32
          %add3A_78 = vector.broadcast %add3A_77 : i32 to vector<16xi32>
          %add3A_79 = arith.addi %xor3A_74, %add3A_78 : vector<16xi32>
          %select_n3A = arith.select %lt3A_76, %add3A_79, %xor3A_74 : vector<16xi1>, vector<16xi32>
          %broadcast_in_dim3A_80 = vector.shape_cast %select_n3A : vector<16xi32> to vector<16x1xi32>
          %gather3A = vector.shape_cast %broadcast_in_dim3A_80 : vector<16x1xi32> to vector<16xi32>
          %gather3A_81 = tpu.dynamic_gather %mul3A_72[%gather3A] in [0] : vector<16xf32>, vector<16xi32> -> vector<16xf32>
          %add3A_82 = arith.addf %mul3A_72, %gather3A_81 : vector<16xf32>
          %xor3A_83 = arith.constant 4 : i32
          %xor3A_84 = vector.broadcast %xor3A_83 : i32 to vector<16xi32>
          %xor3A_85 = arith.xori %iota3A, %xor3A_84 : vector<16xi32>
          %lt3A_86 = arith.constant 0 : i32
          %lt3A_87 = vector.broadcast %lt3A_86 : i32 to vector<16xi32>
          %lt3A_88 = arith.cmpi slt, %xor3A_85, %lt3A_87 : vector<16xi32>
          %add3A_89 = arith.constant 16 : i32
          %add3A_90 = vector.broadcast %add3A_89 : i32 to vector<16xi32>
          %add3A_91 = arith.addi %xor3A_85, %add3A_90 : vector<16xi32>
          %select_n3A_92 = arith.select %lt3A_88, %add3A_91, %xor3A_85 : vector<16xi1>, vector<16xi32>
          %broadcast_in_dim3A_93 = vector.shape_cast %select_n3A_92 : vector<16xi32> to vector<16x1xi32>
          %gather3A_94 = vector.shape_cast %broadcast_in_dim3A_93 : vector<16x1xi32> to vector<16xi32>
          %gather3A_95 = tpu.dynamic_gather %add3A_82[%gather3A_94] in [0] : vector<16xf32>, vector<16xi32> -> vector<16xf32>
          %add3A_96 = arith.addf %add3A_82, %gather3A_95 : vector<16xf32>
          %xor3A_97 = arith.constant 2 : i32
          %xor3A_98 = vector.broadcast %xor3A_97 : i32 to vector<16xi32>
          %xor3A_99 = arith.xori %iota3A, %xor3A_98 : vector<16xi32>
          %lt3A_100 = arith.constant 0 : i32
          %lt3A_101 = vector.broadcast %lt3A_100 : i32 to vector<16xi32>
          %lt3A_102 = arith.cmpi slt, %xor3A_99, %lt3A_101 : vector<16xi32>
          %add3A_103 = arith.constant 16 : i32
          %add3A_104 = vector.broadcast %add3A_103 : i32 to vector<16xi32>
          %add3A_105 = arith.addi %xor3A_99, %add3A_104 : vector<16xi32>
          %select_n3A_106 = arith.select %lt3A_102, %add3A_105, %xor3A_99 : vector<16xi1>, vector<16xi32>
          %broadcast_in_dim3A_107 = vector.shape_cast %select_n3A_106 : vector<16xi32> to vector<16x1xi32>
          %gather3A_108 = vector.shape_cast %broadcast_in_dim3A_107 : vector<16x1xi32> to vector<16xi32>
          %gather3A_109 = tpu.dynamic_gather %add3A_96[%gather3A_108] in [0] : vector<16xf32>, vector<16xi32> -> vector<16xf32>
          %add3A_110 = arith.addf %add3A_96, %gather3A_109 : vector<16xf32>
          %xor3A_111 = arith.constant 1 : i32
          %xor3A_112 = vector.broadcast %xor3A_111 : i32 to vector<16xi32>
          %xor3A_113 = arith.xori %iota3A, %xor3A_112 : vector<16xi32>
          %lt3A_114 = arith.constant 0 : i32
          %lt3A_115 = vector.broadcast %lt3A_114 : i32 to vector<16xi32>
          %lt3A_116 = arith.cmpi slt, %xor3A_113, %lt3A_115 : vector<16xi32>
          %add3A_117 = arith.constant 16 : i32
          %add3A_118 = vector.broadcast %add3A_117 : i32 to vector<16xi32>
          %add3A_119 = arith.addi %xor3A_113, %add3A_118 : vector<16xi32>
          %select_n3A_120 = arith.select %lt3A_116, %add3A_119, %xor3A_113 : vector<16xi1>, vector<16xi32>
          %broadcast_in_dim3A_121 = vector.shape_cast %select_n3A_120 : vector<16xi32> to vector<16x1xi32>
          %gather3A_122 = vector.shape_cast %broadcast_in_dim3A_121 : vector<16x1xi32> to vector<16xi32>
          %gather3A_123 = tpu.dynamic_gather %add3A_110[%gather3A_122] in [0] : vector<16xf32>, vector<16xi32> -> vector<16xf32>
          %add3A_124 = arith.addf %add3A_110, %gather3A_123 : vector<16xf32>
          %get3A_125 = arith.index_cast %scan3A_59 : i32 to index
          %get3A_126 = arith.constant 0 : index
          %get3A_127 = tpu.vector_load %arg12[%get3A_125, %get3A_126] {strides = array<i32>} : memref<16x16xf32, #tpu.memory_space<vmem>>, vector<1x16xf32>,
          %get3A_128 = vector.shape_cast %get3A_127 : vector<1x16xf32> to vector<16xf32>
          %mul3A_129 = arith.mulf %add3A_124, %get3A_128 : vector<16xf32>
          %add3A_130 = arith.addf %scan3A_60, %mul3A_129 : vector<16xf32>
          scf.yield %add3A_130 : vector<16xf32>
        }
        %scan3A_52 = arith.constant 16 : i32
        %mul3A_53 = arith.constant 16 : i32
        %mul3A_54 = arith.muli %mul3A_53, %scan3A_44 : i32
        %swap3A = arith.index_cast %mul3A_54 : i32 to index
        %swap3A_55 = tpu.vector_load %arg11[%swap3A] {strides = array<i32>} : memref<32xf32, #tpu.memory_space<vmem>>, vector<16xf32>,
        %swap3A_56 = vector.shape_cast %swap3A_55 : vector<16xf32> to vector<16xf32>
        %swap3A_57 = vector.shape_cast %scan3A_51 : vector<16xf32> to vector<16xf32>
        tpu.vector_store %arg11[%swap3A], %swap3A_57 {strides = array<i32>} : memref<32xf32, #tpu.memory_space<vmem>>, vector<16xf32>,
        %scan3A_58 = arith.constant 0 : i32
        scf.yield %scan3A_58 : i32
      }
      %scan3A_42 = arith.constant 2 : i32
      "tpu.region"() ({
        %run_scoped3A = tpu.sem_alloc : memref<!tpu.dma_semaphore, #tpu.memory_space<semaphore_mem>>
        %dma_start3A_44 = tpu.memref_slice %arg6[%mul3A_26] : memref<160000xf32, #tpu.memory_space<hbm>> -> memref<32xf32, #tpu.memory_space<hbm>>
        %dma_start3A_45 = tpu.memref_slice %arg6[%mul3A_26] : memref<160000xf32, #tpu.memory_space<hbm>> -> memref<32xf32, #tpu.memory_space<hbm>>
        tpu.enqueue_dma source(%arg11 : memref<32xf32, #tpu.memory_space<vmem>>) target(%dma_start3A_45 : memref<32xf32, #tpu.memory_space<hbm>>) target_semaphore(%run_scoped3A : memref<!tpu.dma_semaphore, #tpu.memory_space<semaphore_mem>>)
        %dma_wait3A_46 = tpu.memref_slice %arg6[%mul3A_26] : memref<160000xf32, #tpu.memory_space<hbm>> -> memref<32xf32, #tpu.memory_space<hbm>>
        %dma_wait3A_47 = tpu.memref_slice %arg6[%mul3A_26] : memref<160000xf32, #tpu.memory_space<hbm>> -> memref<32xf32, #tpu.memory_space<hbm>>
        tpu.wait_dma2 semaphore(%run_scoped3A : memref<!tpu.dma_semaphore, #tpu.memory_space<semaphore_mem>>) src(%arg11 : memref<32xf32, #tpu.memory_space<vmem>>) dst(%dma_wait3A_47 : memref<32xf32, #tpu.memory_space<hbm>>)
        tpu.yield
      }) : () -> ()
      %while3A_43 = arith.constant 0 : i32
      scf.yield %while3A_43 : i32
    }
    %while3A_20 = arith.constant 1 : i32
    %while3A_21 = scf.for %while3A_22 = %while3A_17 to %while3A_13 step %while3A_20 iter_args(%while3A_23 = %while3A_19) -> (i32)  : i32 {
      %add3A_24 = arith.addi %add3A_4, %while3A_22 : i32
      %mul3A_25 = arith.constant 32 : i32
      %mul3A_26 = arith.muli %add3A_24, %mul3A_25 : i32
      "tpu.region"() ({
        %run_scoped3A = tpu.sem_alloc : memref<!tpu.dma_semaphore, #tpu.memory_space<semaphore_mem>>
        %dma_start3A_44 = tpu.memref_slice %arg2[%mul3A_26] : memref<160000xi32, #tpu.memory_space<hbm>> -> memref<32xi32, #tpu.memory_space<hbm>>
        %dma_start3A_45 = tpu.memref_slice %arg2[%mul3A_26] : memref<160000xi32, #tpu.memory_space<hbm>> -> memref<32xi32, #tpu.memory_space<hbm>>
        tpu.enqueue_dma source(%dma_start3A_45 : memref<32xi32, #tpu.memory_space<hbm>>) target(%arg7 : memref<32xi32, #tpu.memory_space<vmem>>) target_semaphore(%run_scoped3A : memref<!tpu.dma_semaphore, #tpu.memory_space<semaphore_mem>>)
        %dma_wait3A_46 = tpu.memref_slice %arg2[%mul3A_26] : memref<160000xi32, #tpu.memory_space<hbm>> -> memref<32xi32, #tpu.memory_space<hbm>>
        %dma_wait3A_47 = tpu.memref_slice %arg2[%mul3A_26] : memref<160000xi32, #tpu.memory_space<hbm>> -> memref<32xi32, #tpu.memory_space<hbm>>
        tpu.wait_dma2 semaphore(%run_scoped3A : memref<!tpu.dma_semaphore, #tpu.memory_space<semaphore_mem>>) src(%dma_wait3A_47 : memref<32xi32, #tpu.memory_space<hbm>>) dst(%arg7 : memref<32xi32, #tpu.memory_space<vmem>>)
        tpu.yield
      }) : () -> ()
      "tpu.region"() ({
        %run_scoped3A = tpu.sem_alloc : memref<!tpu.dma_semaphore, #tpu.memory_space<semaphore_mem>>
        %dma_start3A_44 = tpu.memref_slice %arg3[%mul3A_26] : memref<160000xi32, #tpu.memory_space<hbm>> -> memref<32xi32, #tpu.memory_space<hbm>>
        %dma_start3A_45 = tpu.memref_slice %arg3[%mul3A_26] : memref<160000xi32, #tpu.memory_space<hbm>> -> memref<32xi32, #tpu.memory_space<hbm>>
        tpu.enqueue_dma source(%dma_start3A_45 : memref<32xi32, #tpu.memory_space<hbm>>) target(%arg8 : memref<32xi32, #tpu.memory_space<vmem>>) target_semaphore(%run_scoped3A : memref<!tpu.dma_semaphore, #tpu.memory_space<semaphore_mem>>)
        %dma_wait3A_46 = tpu.memref_slice %arg3[%mul3A_26] : memref<160000xi32, #tpu.memory_space<hbm>> -> memref<32xi32, #tpu.memory_space<hbm>>
        %dma_wait3A_47 = tpu.memref_slice %arg3[%mul3A_26] : memref<160000xi32, #tpu.memory_space<hbm>> -> memref<32xi32, #tpu.memory_space<hbm>>
        tpu.wait_dma2 semaphore(%run_scoped3A : memref<!tpu.dma_semaphore, #tpu.memory_space<semaphore_mem>>) src(%dma_wait3A_47 : memref<32xi32, #tpu.memory_space<hbm>>) dst(%arg8 : memref<32xi32, #tpu.memory_space<vmem>>)
        tpu.yield
      }) : () -> ()
      %dma_start3A = arith.constant 0 : i32
      %dma_start3A_27 = arith.constant 0 : i32
      %dma_start3A_28 = tpu.memref_slice %arg4[%dma_start3A, %dma_start3A_27] : memref<10000x128xf32, #tpu.memory_space<hbm>> -> memref<10000x128xf32, #tpu.memory_space<hbm>>
      tpu.enqueue_indirect_dma source(%dma_start3A_28 : memref<10000x128xf32, #tpu.memory_space<hbm>>) target(%arg9 : memref<32x128xf32, #tpu.memory_space<vmem>>) offsets(%arg7 : memref<32xi32, #tpu.memory_space<vmem>>) semaphore(%arg13 : memref<!tpu.dma_semaphore, #tpu.memory_space<semaphore_mem>>)
      %dma_wait3A = arith.constant 0 : i32
      %dma_wait3A_29 = arith.constant 0 : i32
      %dma_wait3A_30 = tpu.memref_slice %arg4[%dma_wait3A, %dma_wait3A_29] : memref<10000x128xf32, #tpu.memory_space<hbm>> -> memref<10000x128xf32, #tpu.memory_space<hbm>>
      tpu.wait_indirect_dma semaphore(%arg13 : memref<!tpu.dma_semaphore, #tpu.memory_space<semaphore_mem>>) src(%dma_wait3A_30 : memref<10000x128xf32, #tpu.memory_space<hbm>>) dst(%arg9 : memref<32x128xf32, #tpu.memory_space<vmem>>)
      %dma_start3A_31 = arith.constant 0 : i32
      %dma_start3A_32 = arith.constant 0 : i32
      %dma_start3A_33 = tpu.memref_slice %arg4[%dma_start3A_31, %dma_start3A_32] : memref<10000x128xf32, #tpu.memory_space<hbm>> -> memref<10000x128xf32, #tpu.memory_space<hbm>>
      tpu.enqueue_indirect_dma source(%dma_start3A_33 : memref<10000x128xf32, #tpu.memory_space<hbm>>) target(%arg10 : memref<32x128xf32, #tpu.memory_space<vmem>>) offsets(%arg8 : memref<32xi32, #tpu.memory_space<vmem>>) semaphore(%arg13 : memref<!tpu.dma_semaphore, #tpu.memory_space<semaphore_mem>>)
      %dma_wait3A_34 = arith.constant 0 : i32
      %dma_wait3A_35 = arith.constant 0 : i32
      %dma_wait3A_36 = tpu.memref_slice %arg4[%dma_wait3A_34, %dma_wait3A_35] : memref<10000x128xf32, #tpu.memory_space<hbm>> -> memref<10000x128xf32, #tpu.memory_space<hbm>>
      tpu.wait_indirect_dma semaphore(%arg13 : memref<!tpu.dma_semaphore, #tpu.memory_space<semaphore_mem>>) src(%dma_wait3A_36 : memref<10000x128xf32, #tpu.memory_space<hbm>>) dst(%arg10 : memref<32x128xf32, #tpu.memory_space<vmem>>)
      %scan3A = arith.constant 0 : i32
      %scan3A_37 = arith.constant 0 : i32
      %scan3A_38 = arith.constant 2 : i32
      %scan3A_39 = arith.addi %scan3A_37, %scan3A_38 : i32
      %scan3A_40 = arith.constant 1 : i32
      %scan3A_41 = scf.for %scan3A_44 = %scan3A_37 to %scan3A_39 step %scan3A_40 iter_args(%scan3A_45 = %scan3A) -> (i32)  : i32 {
        %broadcast_in_dim3A = arith.constant 0.000000e+00 : f32
        %broadcast_in_dim3A_46 = vector.broadcast %broadcast_in_dim3A : f32 to vector<16xf32>
        %scan3A_47 = arith.constant 0 : i32
        %scan3A_48 = arith.constant 16 : i32
        %scan3A_49 = arith.addi %scan3A_47, %scan3A_48 : i32
        %scan3A_50 = arith.constant 1 : i32
        %scan3A_51 = scf.for %scan3A_59 = %scan3A_47 to %scan3A_49 step %scan3A_50 iter_args(%scan3A_60 = %broadcast_in_dim3A_46) -> (vector<16xf32>)  : i32 {
          %mul3A_61 = arith.constant 16 : i32
          %mul3A_62 = arith.muli %mul3A_61, %scan3A_44 : i32
          %add3A_63 = arith.addi %mul3A_62, %scan3A_59 : i32
          %get3A = arith.index_cast %add3A_63 : i32 to index
          %get3A_64 = arith.constant 0 : index
          %get3A_65 = tpu.vector_load %arg10[%get3A, %get3A_64] {strides = array<i32>} : memref<32x128xf32, #tpu.memory_space<vmem>>, vector<1x16xf32>,
          %get3A_66 = vector.shape_cast %get3A_65 : vector<1x16xf32> to vector<16xf32>
          %get3A_67 = arith.index_cast %add3A_63 : i32 to index
          %get3A_68 = arith.constant 0 : index
          %get3A_69 = tpu.vector_load %arg9[%get3A_67, %get3A_68] {strides = array<i32>} : memref<32x128xf32, #tpu.memory_space<vmem>>, vector<1x16xf32>,
          %get3A_70 = vector.shape_cast %get3A_69 : vector<1x16xf32> to vector<16xf32>
          %sub3A_71 = arith.subf %get3A_66, %get3A_70 : vector<16xf32>
          %mul3A_72 = arith.mulf %sub3A_71, %sub3A_71 : vector<16xf32>
          %xor3A = arith.constant 8 : i32
          %xor3A_73 = vector.broadcast %xor3A : i32 to vector<16xi32>
          %xor3A_74 = arith.xori %iota3A, %xor3A_73 : vector<16xi32>
          %lt3A = arith.constant 0 : i32
          %lt3A_75 = vector.broadcast %lt3A : i32 to vector<16xi32>
          %lt3A_76 = arith.cmpi slt, %xor3A_74, %lt3A_75 : vector<16xi32>
          %add3A_77 = arith.constant 16 : i32
          %add3A_78 = vector.broadcast %add3A_77 : i32 to vector<16xi32>
          %add3A_79 = arith.addi %xor3A_74, %add3A_78 : vector<16xi32>
          %select_n3A = arith.select %lt3A_76, %add3A_79, %xor3A_74 : vector<16xi1>, vector<16xi32>
          %broadcast_in_dim3A_80 = vector.shape_cast %select_n3A : vector<16xi32> to vector<16x1xi32>
          %gather3A = vector.shape_cast %broadcast_in_dim3A_80 : vector<16x1xi32> to vector<16xi32>
          %gather3A_81 = tpu.dynamic_gather %mul3A_72[%gather3A] in [0] : vector<16xf32>, vector<16xi32> -> vector<16xf32>
          %add3A_82 = arith.addf %mul3A_72, %gather3A_81 : vector<16xf32>
          %xor3A_83 = arith.constant 4 : i32
          %xor3A_84 = vector.broadcast %xor3A_83 : i32 to vector<16xi32>
          %xor3A_85 = arith.xori %iota3A, %xor3A_84 : vector<16xi32>
          %lt3A_86 = arith.constant 0 : i32
          %lt3A_87 = vector.broadcast %lt3A_86 : i32 to vector<16xi32>
          %lt3A_88 = arith.cmpi slt, %xor3A_85, %lt3A_87 : vector<16xi32>
          %add3A_89 = arith.constant 16 : i32
          %add3A_90 = vector.broadcast %add3A_89 : i32 to vector<16xi32>
          %add3A_91 = arith.addi %xor3A_85, %add3A_90 : vector<16xi32>
          %select_n3A_92 = arith.select %lt3A_88, %add3A_91, %xor3A_85 : vector<16xi1>, vector<16xi32>
          %broadcast_in_dim3A_93 = vector.shape_cast %select_n3A_92 : vector<16xi32> to vector<16x1xi32>
          %gather3A_94 = vector.shape_cast %broadcast_in_dim3A_93 : vector<16x1xi32> to vector<16xi32>
          %gather3A_95 = tpu.dynamic_gather %add3A_82[%gather3A_94] in [0] : vector<16xf32>, vector<16xi32> -> vector<16xf32>
          %add3A_96 = arith.addf %add3A_82, %gather3A_95 : vector<16xf32>
          %xor3A_97 = arith.constant 2 : i32
          %xor3A_98 = vector.broadcast %xor3A_97 : i32 to vector<16xi32>
          %xor3A_99 = arith.xori %iota3A, %xor3A_98 : vector<16xi32>
          %lt3A_100 = arith.constant 0 : i32
          %lt3A_101 = vector.broadcast %lt3A_100 : i32 to vector<16xi32>
          %lt3A_102 = arith.cmpi slt, %xor3A_99, %lt3A_101 : vector<16xi32>
          %add3A_103 = arith.constant 16 : i32
          %add3A_104 = vector.broadcast %add3A_103 : i32 to vector<16xi32>
          %add3A_105 = arith.addi %xor3A_99, %add3A_104 : vector<16xi32>
          %select_n3A_106 = arith.select %lt3A_102, %add3A_105, %xor3A_99 : vector<16xi1>, vector<16xi32>
          %broadcast_in_dim3A_107 = vector.shape_cast %select_n3A_106 : vector<16xi32> to vector<16x1xi32>
          %gather3A_108 = vector.shape_cast %broadcast_in_dim3A_107 : vector<16x1xi32> to vector<16xi32>
          %gather3A_109 = tpu.dynamic_gather %add3A_96[%gather3A_108] in [0] : vector<16xf32>, vector<16xi32> -> vector<16xf32>
          %add3A_110 = arith.addf %add3A_96, %gather3A_109 : vector<16xf32>
          %xor3A_111 = arith.constant 1 : i32
          %xor3A_112 = vector.broadcast %xor3A_111 : i32 to vector<16xi32>
          %xor3A_113 = arith.xori %iota3A, %xor3A_112 : vector<16xi32>
          %lt3A_114 = arith.constant 0 : i32
          %lt3A_115 = vector.broadcast %lt3A_114 : i32 to vector<16xi32>
          %lt3A_116 = arith.cmpi slt, %xor3A_113, %lt3A_115 : vector<16xi32>
          %add3A_117 = arith.constant 16 : i32
          %add3A_118 = vector.broadcast %add3A_117 : i32 to vector<16xi32>
          %add3A_119 = arith.addi %xor3A_113, %add3A_118 : vector<16xi32>
          %select_n3A_120 = arith.select %lt3A_116, %add3A_119, %xor3A_113 : vector<16xi1>, vector<16xi32>
          %broadcast_in_dim3A_121 = vector.shape_cast %select_n3A_120 : vector<16xi32> to vector<16x1xi32>
          %gather3A_122 = vector.shape_cast %broadcast_in_dim3A_121 : vector<16x1xi32> to vector<16xi32>
          %gather3A_123 = tpu.dynamic_gather %add3A_110[%gather3A_122] in [0] : vector<16xf32>, vector<16xi32> -> vector<16xf32>
          %add3A_124 = arith.addf %add3A_110, %gather3A_123 : vector<16xf32>
          %get3A_125 = arith.index_cast %scan3A_59 : i32 to index
          %get3A_126 = arith.constant 0 : index
          %get3A_127 = tpu.vector_load %arg12[%get3A_125, %get3A_126] {strides = array<i32>} : memref<16x16xf32, #tpu.memory_space<vmem>>, vector<1x16xf32>,
          %get3A_128 = vector.shape_cast %get3A_127 : vector<1x16xf32> to vector<16xf32>
          %mul3A_129 = arith.mulf %add3A_124, %get3A_128 : vector<16xf32>
          %add3A_130 = arith.addf %scan3A_60, %mul3A_129 : vector<16xf32>
          scf.yield %add3A_130 : vector<16xf32>
        }
        %scan3A_52 = arith.constant 16 : i32
        %mul3A_53 = arith.constant 16 : i32
        %mul3A_54 = arith.muli %mul3A_53, %scan3A_44 : i32
        %swap3A = arith.index_cast %mul3A_54 : i32 to index
        %swap3A_55 = tpu.vector_load %arg11[%swap3A] {strides = array<i32>} : memref<32xf32, #tpu.memory_space<vmem>>, vector<16xf32>,
        %swap3A_56 = vector.shape_cast %swap3A_55 : vector<16xf32> to vector<16xf32>
        %swap3A_57 = vector.shape_cast %scan3A_51 : vector<16xf32> to vector<16xf32>
        tpu.vector_store %arg11[%swap3A], %swap3A_57 {strides = array<i32>} : memref<32xf32, #tpu.memory_space<vmem>>, vector<16xf32>,
        %scan3A_58 = arith.constant 0 : i32
        scf.yield %scan3A_58 : i32
      }
      %scan3A_42 = arith.constant 2 : i32
      "tpu.region"() ({
        %run_scoped3A = tpu.sem_alloc : memref<!tpu.dma_semaphore, #tpu.memory_space<semaphore_mem>>
        %dma_start3A_44 = tpu.memref_slice %arg6[%mul3A_26] : memref<160000xf32, #tpu.memory_space<hbm>> -> memref<32xf32, #tpu.memory_space<hbm>>
        %dma_start3A_45 = tpu.memref_slice %arg6[%mul3A_26] : memref<160000xf32, #tpu.memory_space<hbm>> -> memref<32xf32, #tpu.memory_space<hbm>>
        tpu.enqueue_dma source(%arg11 : memref<32xf32, #tpu.memory_space<vmem>>) target(%dma_start3A_45 : memref<32xf32, #tpu.memory_space<hbm>>) target_semaphore(%run_scoped3A : memref<!tpu.dma_semaphore, #tpu.memory_space<semaphore_mem>>)
        %dma_wait3A_46 = tpu.memref_slice %arg6[%mul3A_26] : memref<160000xf32, #tpu.memory_space<hbm>> -> memref<32xf32, #tpu.memory_space<hbm>>
        %dma_wait3A_47 = tpu.memref_slice %arg6[%mul3A_26] : memref<160000xf32, #tpu.memory_space<hbm>> -> memref<32xf32, #tpu.memory_space<hbm>>
        tpu.wait_dma2 semaphore(%run_scoped3A : memref<!tpu.dma_semaphore, #tpu.memory_space<semaphore_mem>>) src(%arg11 : memref<32xf32, #tpu.memory_space<vmem>>) dst(%dma_wait3A_47 : memref<32xf32, #tpu.memory_space<hbm>>)
        tpu.yield
      }) : () -> ()
      %while3A_43 = arith.constant 0 : i32
      scf.yield %while3A_43 : i32
    }
    return
  }
}

module attributes {stable_mosaic.version = 14 : i64} {
  func.func @_matmul_kernel(%arg0: i32, %arg1: memref<400x256xf32, #tpu.memory_space<vmem>>, %arg2: memref<256x384xf32, #tpu.memory_space<vmem>>, %arg3: memref<400x384xf32, #tpu.memory_space<vmem>>) attributes {dimension_semantics = [#tpu.dimension_semantics<arbitrary>], iteration_bounds = array<i64: 25>, scalar_prefetch = 0 : i64, scratch_operands = 0 : i64, tpu.core_type = #tpu.core_type<tc>, window_params = [{transform_indices = @transform_0, window_bounds = array<i64: 400, 256>}, {pipeline_mode = #tpu.pipeline_mode<synchronous>, transform_indices = @transform_1, window_bounds = array<i64: 256, 384>}, {transform_indices = @transform_2, window_bounds = array<i64: 400, 384>}]} {
    %get3A = arith.constant 0 : index
    %get3A_0 = arith.constant 0 : index
    %get3A_1 = vector.load %arg1[%get3A, %get3A_0] : memref<400x256xf32, #tpu.memory_space<vmem>>, vector<400x256xf32>
    %get3A_2 = arith.constant 0 : index
    %get3A_3 = arith.constant 0 : index
    %get3A_4 = vector.load %arg2[%get3A_2, %get3A_3] : memref<256x384xf32, #tpu.memory_space<vmem>>, vector<256x384xf32>
    %dot_general3A = arith.constant dense<0.000000e+00> : vector<400x384xf32>
    %dot_general3A_5 = tpu.matmul %get3A_1, %get3A_4, %dot_general3A {dimension_numbers = #tpu.dot_dimension_numbers<[1], [0], [0], [1], [0, 0, 1, 1], [], []>, transpose_lhs_hint = false} : vector<400x256xf32>, vector<256x384xf32>, vector<400x384xf32> -> vector<400x384xf32>
    %swap3A = arith.constant 0 : index
    %swap3A_6 = arith.constant 0 : index
    %swap3A_7 = vector.load %arg3[%swap3A, %swap3A_6] : memref<400x384xf32, #tpu.memory_space<vmem>>, vector<400x384xf32>
    tpu.vector_store %arg3[%swap3A, %swap3A_6], %dot_general3A_5 {strides = array<i32>} : memref<400x384xf32, #tpu.memory_space<vmem>>, vector<400x384xf32>,
    return
  }
  func.func @transform_0(%arg0: i32) -> (i32, i32) {
    %c0_i32 = arith.constant 0 : i32
    %c0_i32_0 = arith.constant 0 : i32
    return %arg0, %c0_i32 : i32, i32
  }
  func.func @transform_1(%arg0: i32) -> (i32, i32) {
    %c0_i32 = arith.constant 0 : i32
    %c0_i32_0 = arith.constant 0 : i32
    %c0_i32_1 = arith.constant 0 : i32
    return %c0_i32, %c0_i32_0 : i32, i32
  }
  func.func @transform_2(%arg0: i32) -> (i32, i32) {
    %c0_i32 = arith.constant 0 : i32
    %c0_i32_0 = arith.constant 0 : i32
    return %arg0, %c0_i32 : i32, i32
  }
}

module attributes {stable_mosaic.version = 14 : i64} {
  func.func @_edge_feat_kernel(%arg0: i32, %arg1: memref<1000x16xf32, #tpu.memory_space<vmem>>, %arg2: memref<1000x1xf32, #tpu.memory_space<vmem>>, %arg3: memref<16x768xf32, #tpu.memory_space<vmem>>, %arg4: memref<1x768xf32, #tpu.memory_space<vmem>>, %arg5: memref<1000x768xf32, #tpu.memory_space<vmem>>) attributes {dimension_semantics = [#tpu.dimension_semantics<arbitrary>], iteration_bounds = array<i64: 160>, scalar_prefetch = 0 : i64, scratch_operands = 0 : i64, tpu.core_type = #tpu.core_type<tc>, window_params = [{transform_indices = @transform_0, window_bounds = array<i64: 1000, 16>}, {transform_indices = @transform_1, window_bounds = array<i64: 1000, 1>}, {pipeline_mode = #tpu.pipeline_mode<synchronous>, transform_indices = @transform_2, window_bounds = array<i64: 16, 768>}, {pipeline_mode = #tpu.pipeline_mode<synchronous>, transform_indices = @transform_3, window_bounds = array<i64: 1, 768>}, {transform_indices = @transform_4, window_bounds = array<i64: 1000, 768>}]} {
    %get3A = arith.constant 0 : index
    %get3A_0 = arith.constant 0 : index
    %get3A_1 = vector.load %arg2[%get3A, %get3A_0] : memref<1000x1xf32, #tpu.memory_space<vmem>>, vector<1000x1xf32>
    %add3A = arith.constant 9.99999996E-13 : f32
    %add3A_2 = vector.broadcast %add3A : f32 to vector<1000x1xf32>
    %add3A_3 = arith.addf %get3A_1, %add3A_2 : vector<1000x1xf32>
    %sqrt3A = math.sqrt %add3A_3 : vector<1000x1xf32>
    %get3A_4 = arith.constant 0 : index
    %get3A_5 = arith.constant 0 : index
    %get3A_6 = vector.load %arg1[%get3A_4, %get3A_5] : memref<1000x16xf32, #tpu.memory_space<vmem>>, vector<1000x16xf32>
    %get3A_7 = arith.constant 0 : index
    %get3A_8 = arith.constant 0 : index
    %get3A_9 = vector.load %arg3[%get3A_7, %get3A_8] : memref<16x768xf32, #tpu.memory_space<vmem>>, vector<16x768xf32>
    %dot_general3A = arith.constant dense<0.000000e+00> : vector<1000x768xf32>
    %dot_general3A_10 = tpu.matmul %get3A_6, %get3A_9, %dot_general3A {dimension_numbers = #tpu.dot_dimension_numbers<[1], [0], [0], [1], [0, 0, 1, 1], [], []>, transpose_lhs_hint = false} : vector<1000x16xf32>, vector<16x768xf32>, vector<1000x768xf32> -> vector<1000x768xf32>
    %get3A_11 = arith.constant 0 : index
    %get3A_12 = arith.constant 0 : index
    %get3A_13 = vector.load %arg4[%get3A_11, %get3A_12] : memref<1x768xf32, #tpu.memory_space<vmem>>, vector<1x768xf32>
    %mul3A = vector.broadcast %sqrt3A : vector<1000x1xf32> to vector<1000x768xf32>
    %mul3A_14 = vector.broadcast %get3A_13 : vector<1x768xf32> to vector<1000x768xf32>
    %mul3A_15 = arith.mulf %mul3A, %mul3A_14 : vector<1000x768xf32>
    %add3A_16 = arith.addf %dot_general3A_10, %mul3A_15 : vector<1000x768xf32>
    %swap3A = arith.constant 0 : index
    %swap3A_17 = arith.constant 0 : index
    %swap3A_18 = vector.load %arg5[%swap3A, %swap3A_17] : memref<1000x768xf32, #tpu.memory_space<vmem>>, vector<1000x768xf32>
    tpu.vector_store %arg5[%swap3A, %swap3A_17], %add3A_16 {strides = array<i32>} : memref<1000x768xf32, #tpu.memory_space<vmem>>, vector<1000x768xf32>,
    return
  }
  func.func @transform_0(%arg0: i32) -> (i32, i32) {
    %c0_i32 = arith.constant 0 : i32
    %c0_i32_0 = arith.constant 0 : i32
    return %arg0, %c0_i32 : i32, i32
  }
  func.func @transform_1(%arg0: i32) -> (i32, i32) {
    %c0_i32 = arith.constant 0 : i32
    %c0_i32_0 = arith.constant 0 : i32
    return %arg0, %c0_i32 : i32, i32
  }
  func.func @transform_2(%arg0: i32) -> (i32, i32) {
    %c0_i32 = arith.constant 0 : i32
    %c0_i32_0 = arith.constant 0 : i32
    %c0_i32_1 = arith.constant 0 : i32
    return %c0_i32, %c0_i32_0 : i32, i32
  }
  func.func @transform_3(%arg0: i32) -> (i32, i32) {
    %c0_i32 = arith.constant 0 : i32
    %c0_i32_0 = arith.constant 0 : i32
    %c0_i32_1 = arith.constant 0 : i32
    return %c0_i32, %c0_i32_0 : i32, i32
  }
  func.func @transform_4(%arg0: i32) -> (i32, i32) {
    %c0_i32 = arith.constant 0 : i32
    %c0_i32_0 = arith.constant 0 : i32
    return %arg0, %c0_i32 : i32, i32
  }
}

module attributes {stable_mosaic.version = 14 : i64} {
  func.func @_finalize_sum_kernel(%arg0: i32, %arg1: memref<400x128xf32, #tpu.memory_space<vmem>>, %arg2: memref<400x128xf32, #tpu.memory_space<vmem>>, %arg3: memref<400x8xf32, #tpu.memory_space<vmem>>, %arg4: memref<8x4xf32, #tpu.memory_space<vmem>>, %arg5: memref<4x128xf32, #tpu.memory_space<vmem>>, %arg6: memref<128x128xf32, #tpu.memory_space<vmem>>, %arg7: memref<400x128xf32, #tpu.memory_space<vmem>>) attributes {dimension_semantics = [#tpu.dimension_semantics<arbitrary>], iteration_bounds = array<i64: 25>, scalar_prefetch = 0 : i64, scratch_operands = 0 : i64, tpu.core_type = #tpu.core_type<tc>, window_params = [{transform_indices = @transform_0, window_bounds = array<i64: 400, 128>}, {transform_indices = @transform_1, window_bounds = array<i64: 400, 128>}, {transform_indices = @transform_2, window_bounds = array<i64: 400, 8>}, {pipeline_mode = #tpu.pipeline_mode<synchronous>, transform_indices = @transform_3, window_bounds = array<i64: 8, 4>}, {pipeline_mode = #tpu.pipeline_mode<synchronous>, transform_indices = @transform_4, window_bounds = array<i64: 4, 128>}, {pipeline_mode = #tpu.pipeline_mode<synchronous>, transform_indices = @transform_5, window_bounds = array<i64: 128, 128>}, {transform_indices = @transform_6, window_bounds = array<i64: 400, 128>}]} {
    %get3A = arith.constant 0 : index
    %get3A_0 = arith.constant 0 : index
    %get3A_1 = vector.load %arg1[%get3A, %get3A_0] : memref<400x128xf32, #tpu.memory_space<vmem>>, vector<400x128xf32>
    %get3A_2 = arith.constant 0 : index
    %get3A_3 = arith.constant 0 : index
    %get3A_4 = vector.load %arg2[%get3A_2, %get3A_3] : memref<400x128xf32, #tpu.memory_space<vmem>>, vector<400x128xf32>
    %add3A = arith.addf %get3A_1, %get3A_4 : vector<400x128xf32>
    %get3A_5 = arith.constant 0 : index
    %get3A_6 = arith.constant 0 : index
    %get3A_7 = vector.load %arg3[%get3A_5, %get3A_6] : memref<400x8xf32, #tpu.memory_space<vmem>>, vector<400x8xf32>
    %get3A_8 = arith.constant 0 : index
    %get3A_9 = arith.constant 0 : index
    %get3A_10 = vector.load %arg4[%get3A_8, %get3A_9] : memref<8x4xf32, #tpu.memory_space<vmem>>, vector<8x4xf32>
    %dot_general3A = arith.constant dense<0.000000e+00> : vector<400x4xf32>
    %dot_general3A_11 = tpu.matmul %get3A_7, %get3A_10, %dot_general3A {dimension_numbers = #tpu.dot_dimension_numbers<[1], [0], [0], [1], [0, 0, 1, 1], [], []>, transpose_lhs_hint = false} : vector<400x8xf32>, vector<8x4xf32>, vector<400x4xf32> -> vector<400x4xf32>
    %add3A_12 = arith.constant 9.99999971E-10 : f32
    %add3A_13 = vector.broadcast %add3A_12 : f32 to vector<400x4xf32>
    %add3A_14 = arith.addf %dot_general3A_11, %add3A_13 : vector<400x4xf32>
    %div3A = arith.constant 1.000000e+00 : f32
    %div3A_15 = vector.broadcast %div3A : f32 to vector<400x4xf32>
    %div3A_16 = arith.divf %div3A_15, %add3A_14 : vector<400x4xf32>
    %get3A_17 = arith.constant 0 : index
    %get3A_18 = arith.constant 0 : index
    %get3A_19 = vector.load %arg5[%get3A_17, %get3A_18] : memref<4x128xf32, #tpu.memory_space<vmem>>, vector<4x128xf32>
    %dot_general3A_20 = arith.constant dense<0.000000e+00> : vector<400x128xf32>
    %dot_general3A_21 = tpu.matmul %div3A_16, %get3A_19, %dot_general3A_20 {dimension_numbers = #tpu.dot_dimension_numbers<[1], [0], [0], [1], [0, 0, 1, 1], [], []>, transpose_lhs_hint = false} : vector<400x4xf32>, vector<4x128xf32>, vector<400x128xf32> -> vector<400x128xf32>
    %mul3A = arith.mulf %add3A, %dot_general3A_21 : vector<400x128xf32>
    %get3A_22 = arith.constant 0 : index
    %get3A_23 = arith.constant 0 : index
    %get3A_24 = vector.load %arg6[%get3A_22, %get3A_23] : memref<128x128xf32, #tpu.memory_space<vmem>>, vector<128x128xf32>
    %dot_general3A_25 = arith.constant dense<0.000000e+00> : vector<400x128xf32>
    %dot_general3A_26 = tpu.matmul %mul3A, %get3A_24, %dot_general3A_25 {dimension_numbers = #tpu.dot_dimension_numbers<[1], [0], [0], [1], [0, 0, 1, 1], [], []>, transpose_lhs_hint = false} : vector<400x128xf32>, vector<128x128xf32>, vector<400x128xf32> -> vector<400x128xf32>
    %max3A = arith.constant 0.000000e+00 : f32
    %max3A_27 = vector.broadcast %max3A : f32 to vector<400x128xf32>
    %max3A_28 = arith.maximumf %dot_general3A_26, %max3A_27 : vector<400x128xf32>
    %swap3A = arith.constant 0 : index
    %swap3A_29 = arith.constant 0 : index
    %swap3A_30 = vector.load %arg7[%swap3A, %swap3A_29] : memref<400x128xf32, #tpu.memory_space<vmem>>, vector<400x128xf32>
    tpu.vector_store %arg7[%swap3A, %swap3A_29], %max3A_28 {strides = array<i32>} : memref<400x128xf32, #tpu.memory_space<vmem>>, vector<400x128xf32>,
    return
  }
  func.func @transform_0(%arg0: i32) -> (i32, i32) {
    %c0_i32 = arith.constant 0 : i32
    %c0_i32_0 = arith.constant 0 : i32
    return %arg0, %c0_i32 : i32, i32
  }
  func.func @transform_1(%arg0: i32) -> (i32, i32) {
    %c0_i32 = arith.constant 0 : i32
    %c0_i32_0 = arith.constant 0 : i32
    return %arg0, %c0_i32 : i32, i32
  }
  func.func @transform_2(%arg0: i32) -> (i32, i32) {
    %c0_i32 = arith.constant 0 : i32
    %c0_i32_0 = arith.constant 0 : i32
    return %arg0, %c0_i32 : i32, i32
  }
  func.func @transform_3(%arg0: i32) -> (i32, i32) {
    %c0_i32 = arith.constant 0 : i32
    %c0_i32_0 = arith.constant 0 : i32
    %c0_i32_1 = arith.constant 0 : i32
    return %c0_i32, %c0_i32_0 : i32, i32
  }
  func.func @transform_4(%arg0: i32) -> (i32, i32) {
    %c0_i32 = arith.constant 0 : i32
    %c0_i32_0 = arith.constant 0 : i32
    %c0_i32_1 = arith.constant 0 : i32
    return %c0_i32, %c0_i32_0 : i32, i32
  }
  func.func @transform_5(%arg0: i32) -> (i32, i32) {
    %c0_i32 = arith.constant 0 : i32
    %c0_i32_0 = arith.constant 0 : i32
    %c0_i32_1 = arith.constant 0 : i32
    return %c0_i32, %c0_i32_0 : i32, i32
  }
  func.func @transform_6(%arg0: i32) -> (i32, i32) {
    %c0_i32 = arith.constant 0 : i32
    %c0_i32_0 = arith.constant 0 : i32
    return %arg0, %c0_i32 : i32, i32
  }
}

module attributes {stable_mosaic.version = 14 : i64} {
  func.func @_matmul_kernel(%arg0: i32, %arg1: memref<400x128xf32, #tpu.memory_space<vmem>>, %arg2: memref<128x768xf32, #tpu.memory_space<vmem>>, %arg3: memref<400x768xf32, #tpu.memory_space<vmem>>) attributes {dimension_semantics = [#tpu.dimension_semantics<arbitrary>], iteration_bounds = array<i64: 25>, scalar_prefetch = 0 : i64, scratch_operands = 0 : i64, tpu.core_type = #tpu.core_type<tc>, window_params = [{transform_indices = @transform_0, window_bounds = array<i64: 400, 128>}, {pipeline_mode = #tpu.pipeline_mode<synchronous>, transform_indices = @transform_1, window_bounds = array<i64: 128, 768>}, {transform_indices = @transform_2, window_bounds = array<i64: 400, 768>}]} {
    %get3A = arith.constant 0 : index
    %get3A_0 = arith.constant 0 : index
    %get3A_1 = vector.load %arg1[%get3A, %get3A_0] : memref<400x128xf32, #tpu.memory_space<vmem>>, vector<400x128xf32>
    %get3A_2 = arith.constant 0 : index
    %get3A_3 = arith.constant 0 : index
    %get3A_4 = vector.load %arg2[%get3A_2, %get3A_3] : memref<128x768xf32, #tpu.memory_space<vmem>>, vector<128x768xf32>
    %dot_general3A = arith.constant dense<0.000000e+00> : vector<400x768xf32>
    %dot_general3A_5 = tpu.matmul %get3A_1, %get3A_4, %dot_general3A {dimension_numbers = #tpu.dot_dimension_numbers<[1], [0], [0], [1], [0, 0, 1, 1], [], []>, transpose_lhs_hint = false} : vector<400x128xf32>, vector<128x768xf32>, vector<400x768xf32> -> vector<400x768xf32>
    %swap3A = arith.constant 0 : index
    %swap3A_6 = arith.constant 0 : index
    %swap3A_7 = vector.load %arg3[%swap3A, %swap3A_6] : memref<400x768xf32, #tpu.memory_space<vmem>>, vector<400x768xf32>
    tpu.vector_store %arg3[%swap3A, %swap3A_6], %dot_general3A_5 {strides = array<i32>} : memref<400x768xf32, #tpu.memory_space<vmem>>, vector<400x768xf32>,
    return
  }
  func.func @transform_0(%arg0: i32) -> (i32, i32) {
    %c0_i32 = arith.constant 0 : i32
    %c0_i32_0 = arith.constant 0 : i32
    return %arg0, %c0_i32 : i32, i32
  }
  func.func @transform_1(%arg0: i32) -> (i32, i32) {
    %c0_i32 = arith.constant 0 : i32
    %c0_i32_0 = arith.constant 0 : i32
    %c0_i32_1 = arith.constant 0 : i32
    return %c0_i32, %c0_i32_0 : i32, i32
  }
  func.func @transform_2(%arg0: i32) -> (i32, i32) {
    %c0_i32 = arith.constant 0 : i32
    %c0_i32_0 = arith.constant 0 : i32
    return %arg0, %c0_i32 : i32, i32
  }
}

module attributes {stable_mosaic.version = 14 : i64} {
  func.func @_finalize_cat_kernel(%arg0: i32, %arg1: memref<400x128xf32, #tpu.memory_space<vmem>>, %arg2: memref<400x128xf32, #tpu.memory_space<vmem>>, %arg3: memref<400x4xf32, #tpu.memory_space<vmem>>, %arg4: memref<4x4xf32, #tpu.memory_space<vmem>>, %arg5: memref<4x256xf32, #tpu.memory_space<vmem>>, %arg6: memref<256x256xf32, #tpu.memory_space<vmem>>, %arg7: memref<400x256xf32, #tpu.memory_space<vmem>>) attributes {dimension_semantics = [#tpu.dimension_semantics<arbitrary>], iteration_bounds = array<i64: 25>, scalar_prefetch = 0 : i64, scratch_operands = 0 : i64, tpu.core_type = #tpu.core_type<tc>, window_params = [{transform_indices = @transform_0, window_bounds = array<i64: 400, 128>}, {transform_indices = @transform_1, window_bounds = array<i64: 400, 128>}, {transform_indices = @transform_2, window_bounds = array<i64: 400, 4>}, {pipeline_mode = #tpu.pipeline_mode<synchronous>, transform_indices = @transform_3, window_bounds = array<i64: 4, 4>}, {pipeline_mode = #tpu.pipeline_mode<synchronous>, transform_indices = @transform_4, window_bounds = array<i64: 4, 256>}, {pipeline_mode = #tpu.pipeline_mode<synchronous>, transform_indices = @transform_5, window_bounds = array<i64: 256, 256>}, {transform_indices = @transform_6, window_bounds = array<i64: 400, 256>}]} {
    %get3A = arith.constant 0 : index
    %get3A_0 = arith.constant 0 : index
    %get3A_1 = vector.load %arg1[%get3A, %get3A_0] : memref<400x128xf32, #tpu.memory_space<vmem>>, vector<400x128xf32>
    %get3A_2 = arith.constant 0 : index
    %get3A_3 = arith.constant 0 : index
    %get3A_4 = vector.load %arg2[%get3A_2, %get3A_3] : memref<400x128xf32, #tpu.memory_space<vmem>>, vector<400x128xf32>
    %concatenate3A = tpu.concatenate %get3A_1, %get3A_4 in 1 : vector<400x128xf32>, vector<400x128xf32> -> vector<400x256xf32>
    %get3A_5 = arith.constant 0 : index
    %get3A_6 = arith.constant 0 : index
    %get3A_7 = vector.load %arg3[%get3A_5, %get3A_6] : memref<400x4xf32, #tpu.memory_space<vmem>>, vector<400x4xf32>
    %get3A_8 = arith.constant 0 : index
    %get3A_9 = arith.constant 0 : index
    %get3A_10 = vector.load %arg4[%get3A_8, %get3A_9] : memref<4x4xf32, #tpu.memory_space<vmem>>, vector<4x4xf32>
    %dot_general3A = arith.constant dense<0.000000e+00> : vector<400x4xf32>
    %dot_general3A_11 = tpu.matmul %get3A_7, %get3A_10, %dot_general3A {dimension_numbers = #tpu.dot_dimension_numbers<[1], [0], [0], [1], [0, 0, 1, 1], [], []>, transpose_lhs_hint = false} : vector<400x4xf32>, vector<4x4xf32>, vector<400x4xf32> -> vector<400x4xf32>
    %add3A = arith.constant 9.99999971E-10 : f32
    %add3A_12 = vector.broadcast %add3A : f32 to vector<400x4xf32>
    %add3A_13 = arith.addf %dot_general3A_11, %add3A_12 : vector<400x4xf32>
    %div3A = arith.constant 1.000000e+00 : f32
    %div3A_14 = vector.broadcast %div3A : f32 to vector<400x4xf32>
    %div3A_15 = arith.divf %div3A_14, %add3A_13 : vector<400x4xf32>
    %get3A_16 = arith.constant 0 : index
    %get3A_17 = arith.constant 0 : index
    %get3A_18 = vector.load %arg5[%get3A_16, %get3A_17] : memref<4x256xf32, #tpu.memory_space<vmem>>, vector<4x256xf32>
    %dot_general3A_19 = arith.constant dense<0.000000e+00> : vector<400x256xf32>
    %dot_general3A_20 = tpu.matmul %div3A_15, %get3A_18, %dot_general3A_19 {dimension_numbers = #tpu.dot_dimension_numbers<[1], [0], [0], [1], [0, 0, 1, 1], [], []>, transpose_lhs_hint = false} : vector<400x4xf32>, vector<4x256xf32>, vector<400x256xf32> -> vector<400x256xf32>
    %mul3A = arith.mulf %concatenate3A, %dot_general3A_20 : vector<400x256xf32>
    %get3A_21 = arith.constant 0 : index
    %get3A_22 = arith.constant 0 : index
    %get3A_23 = vector.load %arg6[%get3A_21, %get3A_22] : memref<256x256xf32, #tpu.memory_space<vmem>>, vector<256x256xf32>
    %dot_general3A_24 = arith.constant dense<0.000000e+00> : vector<400x256xf32>
    %dot_general3A_25 = tpu.matmul %mul3A, %get3A_23, %dot_general3A_24 {dimension_numbers = #tpu.dot_dimension_numbers<[1], [0], [0], [1], [0, 0, 1, 1], [], []>, transpose_lhs_hint = false} : vector<400x256xf32>, vector<256x256xf32>, vector<400x256xf32> -> vector<400x256xf32>
    %max3A = arith.constant 0.000000e+00 : f32
    %max3A_26 = vector.broadcast %max3A : f32 to vector<400x256xf32>
    %max3A_27 = arith.maximumf %dot_general3A_25, %max3A_26 : vector<400x256xf32>
    %swap3A = arith.constant 0 : index
    %swap3A_28 = arith.constant 0 : index
    %swap3A_29 = vector.load %arg7[%swap3A, %swap3A_28] : memref<400x256xf32, #tpu.memory_space<vmem>>, vector<400x256xf32>
    tpu.vector_store %arg7[%swap3A, %swap3A_28], %max3A_27 {strides = array<i32>} : memref<400x256xf32, #tpu.memory_space<vmem>>, vector<400x256xf32>,
    return
  }
  func.func @transform_0(%arg0: i32) -> (i32, i32) {
    %c0_i32 = arith.constant 0 : i32
    %c0_i32_0 = arith.constant 0 : i32
    return %arg0, %c0_i32 : i32, i32
  }
  func.func @transform_1(%arg0: i32) -> (i32, i32) {
    %c0_i32 = arith.constant 0 : i32
    %c0_i32_0 = arith.constant 0 : i32
    return %arg0, %c0_i32 : i32, i32
  }
  func.func @transform_2(%arg0: i32) -> (i32, i32) {
    %c0_i32 = arith.constant 0 : i32
    %c0_i32_0 = arith.constant 0 : i32
    return %arg0, %c0_i32 : i32, i32
  }
  func.func @transform_3(%arg0: i32) -> (i32, i32) {
    %c0_i32 = arith.constant 0 : i32
    %c0_i32_0 = arith.constant 0 : i32
    %c0_i32_1 = arith.constant 0 : i32
    return %c0_i32, %c0_i32_0 : i32, i32
  }
  func.func @transform_4(%arg0: i32) -> (i32, i32) {
    %c0_i32 = arith.constant 0 : i32
    %c0_i32_0 = arith.constant 0 : i32
    %c0_i32_1 = arith.constant 0 : i32
    return %c0_i32, %c0_i32_0 : i32, i32
  }
  func.func @transform_5(%arg0: i32) -> (i32, i32) {
    %c0_i32 = arith.constant 0 : i32
    %c0_i32_0 = arith.constant 0 : i32
    %c0_i32_1 = arith.constant 0 : i32
    return %c0_i32, %c0_i32_0 : i32, i32
  }
  func.func @transform_6(%arg0: i32) -> (i32, i32) {
    %c0_i32 = arith.constant 0 : i32
    %c0_i32_0 = arith.constant 0 : i32
    return %arg0, %c0_i32 : i32, i32
  }
}

module attributes {stable_mosaic.version = 14 : i64} {
  func.func @_head_kernel(%arg0: i32, %arg1: memref<400x256xf32, #tpu.memory_space<vmem>>, %arg2: memref<256x256xf32, #tpu.memory_space<vmem>>, %arg3: memref<400x256xf32, #tpu.memory_space<vmem>>) attributes {dimension_semantics = [#tpu.dimension_semantics<arbitrary>], iteration_bounds = array<i64: 25>, scalar_prefetch = 0 : i64, scratch_operands = 0 : i64, tpu.core_type = #tpu.core_type<tc>, window_params = [{transform_indices = @transform_0, window_bounds = array<i64: 400, 256>}, {pipeline_mode = #tpu.pipeline_mode<synchronous>, transform_indices = @transform_1, window_bounds = array<i64: 256, 256>}, {transform_indices = @transform_2, window_bounds = array<i64: 400, 256>}]} {
    %get3A = arith.constant 0 : index
    %get3A_0 = arith.constant 0 : index
    %get3A_1 = vector.load %arg1[%get3A, %get3A_0] : memref<400x256xf32, #tpu.memory_space<vmem>>, vector<400x256xf32>
    %get3A_2 = arith.constant 0 : index
    %get3A_3 = arith.constant 0 : index
    %get3A_4 = vector.load %arg2[%get3A_2, %get3A_3] : memref<256x256xf32, #tpu.memory_space<vmem>>, vector<256x256xf32>
    %dot_general3A = arith.constant dense<0.000000e+00> : vector<400x256xf32>
    %dot_general3A_5 = tpu.matmul %get3A_1, %get3A_4, %dot_general3A {dimension_numbers = #tpu.dot_dimension_numbers<[1], [0], [0], [1], [0, 0, 1, 1], [], []>, transpose_lhs_hint = false} : vector<400x256xf32>, vector<256x256xf32>, vector<400x256xf32> -> vector<400x256xf32>
    %logistic3A = arith.negf %dot_general3A_5 : vector<400x256xf32>
    %logistic3A_6 = math.exp %logistic3A : vector<400x256xf32>
    %logistic3A_7 = arith.constant 1.000000e+00 : f32
    %logistic3A_8 = vector.broadcast %logistic3A_7 : f32 to vector<400x256xf32>
    %logistic3A_9 = arith.addf %logistic3A_8, %logistic3A_6 : vector<400x256xf32>
    %logistic3A_10 = arith.divf %logistic3A_8, %logistic3A_9 : vector<400x256xf32>
    %swap3A = arith.constant 0 : index
    %swap3A_11 = arith.constant 0 : index
    %swap3A_12 = vector.load %arg3[%swap3A, %swap3A_11] : memref<400x256xf32, #tpu.memory_space<vmem>>, vector<400x256xf32>
    tpu.vector_store %arg3[%swap3A, %swap3A_11], %logistic3A_10 {strides = array<i32>} : memref<400x256xf32, #tpu.memory_space<vmem>>, vector<400x256xf32>,
    return
  }
  func.func @transform_0(%arg0: i32) -> (i32, i32) {
    %c0_i32 = arith.constant 0 : i32
    %c0_i32_0 = arith.constant 0 : i32
    return %arg0, %c0_i32 : i32, i32
  }
  func.func @transform_1(%arg0: i32) -> (i32, i32) {
    %c0_i32 = arith.constant 0 : i32
    %c0_i32_0 = arith.constant 0 : i32
    %c0_i32_1 = arith.constant 0 : i32
    return %c0_i32, %c0_i32_0 : i32, i32
  }
  func.func @transform_2(%arg0: i32) -> (i32, i32) {
    %c0_i32 = arith.constant 0 : i32
    %c0_i32_0 = arith.constant 0 : i32
    return %arg0, %c0_i32 : i32, i32
  }
}

</mosaic_0001>

<sc_bundles>
// kernel: kernel.9.cloned.1.call-start
scs
__scs_entry_jumppad:
0x0: {  	(pc) =	sbr.rel $0x88, $3  }
0x1: {  	(tag) =	ssettag $0x0;
	lr =	simm.s32 $0x1  }
0x2: {  	[smem:$0x3F90] =	sst lr;
	_ =	strace $0xD0000000  }
0x3: {  	_ = 	snop  }
0x4: {  	_ = 	snop  }
0x5: {  	_ = 	snop  }
0x6: {  	_ = 	snop  }
0x7: {  	_ = 	snop  }
__scs_overlays_trampoline_lowered:
0x8: {  	[smem:$0x3F9F] =	sst s0  }
0x9: {  	[smem:$0x3FA0] =	sst s1  }
0xa: {  	[smem:$0x3FA1] =	sst s2  }
0xb: {  	[smem:$0x3FA2] =	sst s3  }
0xc: {  	[smem:$0x3FA3] =	sst s4  }
0xd: {  	[smem:$0x3FA4] =	sst s5  }
0xe: {  	[smem:$0x3FA5] =	sst s6  }
0xf: {  	[smem:$0x3FA6] =	sst s7  }
0x10: {  	[smem:$0x3FA7] =	sst s8  }
0x11: {  	[smem:$0x3FA8] =	sst s9;
	s0 =	simm.s32 @!p0 $0x0  }
0x12: {  	s1 =	sld [smem:$0x3F8E];
	s0 =	simm.s32 @p0 $0x1  }
0x13: {  	[smem:$0x3FA9] =	sst s0;
	s0 =	simm.s32 @!p1 $0x0  }
0x14: {  	s2 =	sld [smem:$0x3F8D];
	s0 =	simm.s32 @p1 $0x1  }
0x15: {  	[smem:$0x3FAA] =	sst s0;
	s0 =	simm.s32 @!p2 $0x0  }
0x16: {  	s3 =	sld [smem:$0x3FDB];
	s0 =	simm.s32 @p2 $0x1  }
0x17: {  	s4 =	simm.s32 $0x1BF5;
	[smem:$0x3FAC] =	sst s0  }
0x18: {  	s0 =	sld [smem:$0x3F8F];
	_ =	swait.ge [sflag:s4], $0x0  }
0x19: {  	s7 =	sld [smem:$0x3F90]  }
0x1a: {  	s8 =	sadd.s32 $0xFFFFE003, lr  }
0x1b: {  	s9 =	sadd.s32 $0xFFFFFEF7, lr;
	s5 =	simm.s32 $0xFFFFFFFF;
	p2 =	slt.u32 s8, $0xFFFFF086  }
0x1c: {  	p1 =	slt.u32 s9, $0xF7A;
	s5 =	simm.s32 @!p2 $0x0  }
0x1d: {  	s5 =	simm.s32 @p1 $0x1;
	p0 =	seq.s32 s7, s2  }
0x1e: {  	s7 =	smul.u32 @!p0 $0xF7A, s2;
	p2 =	seq.s32 @!p0 s5, $0x0  }
0x1f: {  	s9 =	smul.u32 $0xF7A, s1;
	s8 =	simm.s32 @!p0 $0x1BF5;
	p2 =	por !p2, p0  }
0x20: {  	[sflag:s8] =	ssyncset.s32 @!p0 $0xFFFFF086;
	s6 =	sadd.s32 @!p0 s3, s7;
	s7 =	simm.s32 @!p0 $0x108  }
0x21: {  	s3 =	sadd.s32 s3, s9;
	s6 =	sadd.s32 @!p0 $0x88, s6;
	s7 =	simm.s32 @p2 $0x1082  }
0x22: {  	[simem:s7], [sflag:s8] =	dma.local @!p0 [hbm:s6], $0xF7A  }
0x23: {  	s9 =	sor.u32 $0xD0000000, s2;
	s6 =	simm.s32 $0x108;
	_ =	swait.ge @!p0 [sflag:s8], $0x0  }
0x24: {  	s3 =	sadd.s32 $0x88, s3;
	s6 =	simm.s32 @!p1 $0x1082;
	[sflag:s4] =	ssyncset.s32 $0xFFFFF086  }
0x25: {  	[simem:s6], [sflag:s4] =	dma.local [hbm:s3], $0xF7A  }
0x26: {  	[smem:$0x3F90] =	sst s1;
	(tag) =	ssettag s2;
	_ =	strace s9  }
0x27: {  	s1 =	sld [smem:$0x3FA0]  }
0x28: {  	s2 =	sld [smem:$0x3FA1]  }
0x29: {  	s4 =	sld [smem:$0x3FA3]  }
0x2a: {  	p0 =	seq.s32 s5, $0x0;
	s5 =	sld [smem:$0x3FA4]  }
0x2b: {  	s6 =	sld [smem:$0x3FA5]  }
0x2c: {  	s7 =	sld [smem:$0x3FA6]  }
0x2d: {  	s3 =	simm.s32 $0x108;
	s8 =	sld [smem:$0x3FA7]  }
0x2e: {  	s3 =	simm.s32 @!p0 $0x1082;
	s9 =	sld [smem:$0x3FA8]  }
0x2f: {  	lr =	sadd.s32 s0, s3;
	s0 =	sld [smem:$0x3F9F]  }
0x30: {  	s3 =	sld [smem:$0x3FA2]  }
0x31: {  	[smem:$0x3FAB] =	sst s10  }
0x32: {  	s10 =	sld [smem:$0x3FA9];
	_ =	sdelay $0x3  }
0x33: {  	p0 =	seq.s32 s10, $0x1;
	s10 =	sld [smem:$0x3FAB];
	_ =	sdelay $0x3  }
0x34: {  	[smem:$0x3FAB] =	sst s10  }
0x35: {  	s10 =	sld [smem:$0x3FAA];
	_ =	sdelay $0x3  }
0x36: {  	p1 =	seq.s32 s10, $0x1;
	s10 =	sld [smem:$0x3FAB];
	_ =	sdelay $0x3  }
0x37: {  	[smem:$0x3FAB] =	sst s10  }
0x38: {  	s10 =	sld [smem:$0x3FAC]  }
0x39: {  	_ = 	snop;
	(pc) =	sbr.ind lr, $3  }
0x3a: {  	_ = 	snop  }
0x3b: {  	_ = 	snop  }
0x3c: {  	p2 =	seq.s32 s10, $0x1;
	s10 =	sld [smem:$0x3FAB]  }
0x3d: {  	_ =	shalt  }
0x3e: {  	_ =	shalt  }
0x3f: {  	_ =	shalt  }
0x40: {  	_ =	shalt  }
0x41: {  	_ =	shalt  }
0x42: {  	_ =	shalt  }
0x43: {  	_ =	shalt  }
0x44: {  	_ =	shalt  }
0x45: {  	_ =	shalt  }
0x46: {  	_ =	shalt  }
0x47: {  	_ =	shalt  }
0x48: {  	_ =	shalt  }
0x49: {  	_ =	shalt  }
0x4a: {  	_ =	shalt  }
0x4b: {  	_ =	shalt  }
0x4c: {  	_ =	shalt  }
0x4d: {  	_ =	shalt  }
0x4e: {  	_ =	shalt  }
0x4f: {  	_ =	shalt  }
0x50: {  	_ =	shalt  }
0x51: {  	_ =	shalt  }
0x52: {  	_ =	shalt  }
0x53: {  	_ =	shalt  }
0x54: {  	_ =	shalt  }
0x55: {  	_ =	shalt  }
0x56: {  	_ =	shalt  }
0x57: {  	_ =	shalt  }
0x58: {  	_ =	shalt  }
0x59: {  	_ =	shalt  }
0x5a: {  	_ =	shalt  }
0x5b: {  	_ =	shalt  }
0x5c: {  	_ =	shalt  }
0x5d: {  	_ =	shalt  }
0x5e: {  	_ =	shalt  }
0x5f: {  	_ =	shalt  }
0x60: {  	_ =	shalt  }
0x61: {  	_ =	shalt  }
0x62: {  	_ =	shalt  }
0x63: {  	_ =	shalt  }
0x64: {  	_ =	shalt  }
0x65: {  	_ =	shalt  }
0x66: {  	_ =	shalt  }
0x67: {  	_ =	shalt  }
0x68: {  	_ =	shalt  }
0x69: {  	_ =	shalt  }
0x6a: {  	_ =	shalt  }
0x6b: {  	_ =	shalt  }
0x6c: {  	_ =	shalt  }
0x6d: {  	_ =	shalt  }
0x6e: {  	_ =	shalt  }
0x6f: {  	_ =	shalt  }
0x70: {  	_ =	shalt  }
0x71: {  	_ =	shalt  }
0x72: {  	_ =	shalt  }
0x73: {  	_ =	shalt  }
0x74: {  	_ =	shalt  }
0x75: {  	_ =	shalt  }
0x76: {  	_ =	shalt  }
0x77: {  	_ =	shalt  }
0x78: {  	_ =	shalt  }
0x79: {  	_ =	shalt  }
0x7a: {  	_ =	shalt  }
0x7b: {  	_ =	shalt  }
0x7c: {  	_ =	shalt  }
0x7d: {  	_ =	shalt  }
0x7e: {  	_ =	shalt  }
0x7f: {  	_ =	shalt  }
0x80: {  	_ =	shalt  }
0x81: {  	_ =	shalt  }
0x82: {  	_ =	shalt  }
0x83: {  	_ =	shalt  }
0x84: {  	_ =	shalt  }
0x85: {  	_ =	shalt  }
0x86: {  	_ =	shalt  }
0x87: {  	_ =	shalt  }
.Lfunc_end0:
.L_simem_size_0:
called_computation.7_lowered:
.L_overlay_start_0:
0x88: {  	s2 =	sld [smem:$0x3FD9]  }
0x89: {  	s3 =	sld [smem:$0x3FFE];
	_ =	sdelay $0x1  }
0x8a: {  	s1 =	srdreg.scid  }
0x8b: {  	s0 =	sand.u32 $0x1, s1  }
0x8c: {  	s17 =	sshll.u32 s0, $0xA;
	s2 =	sadd.s32 s3, s2  }
0x8d: {  	s2 =	sadd.s32 s2, s17  }
0x8e: {  	[smem:$0x3FB7] =	sst s2  }
0x8f: {  	_ = 	snop  }
0x90: {  	s2 =	sld [smem:$0x3FD0];
	(tm) =	ssettm $0x1  }
0x91: {  	s18 =	sld [smem:$0x3FFB];
	_ =	sdelay $0x3  }
0x92: {  	_ =	strace s18  }
0x93: {  	s3 =	sld [smem:$0x3FFC];
	_ =	sdelay $0x3  }
0x94: {  	_ =	strace s3  }
0x95: {  	s3 =	sld [smem:$0x3FFD];
	_ =	sdelay $0x3  }
0x96: {  	_ =	strace s3  }
0x97: {  	_ =	strace $0x8FFFFFFF  }
0x98: {  	s19 =	sld [smem:$0x3FDB];
	_ =	sdelay $0x1  }
0x99: {  	s4 =	simm.s32 $_scs_section_size  }
0x9a: {  	s5 =	simm.s32 $_size__tile_overlayer_lowered;
	s6 =	simm.s32 $_tile_overlayer_lowered  }
0x9b: {  	s22 =	simm.s32 $0x1BFF;
	s21 =	sshll.u32 s6, $0x1;
	s3 =	sadd.s32 s4, s19  }
0x9c: {  	s7 =	simm.s32 $0x0;
	s20 =	sshll.u32 s5, $0x1;
	s5 =	sadd.s32 s21, s3  }
0x9d: {  	[timem:s7], [sflag:s22] =	dma.local [hbm:s5], s20  }
0x9e: {  	_ =	swait.ge [sflag:s22], s20  }
0x9f: {  	s4 =	ssub.s32 $0x0, s20;
	[sflag:s22] =	ssyncset.done $0x0  }
0xa0: {  	[sflag:s22] =	ssyncadd.s32 s4;
	_ =	sdelay $0x1  }
0xa1: {  	s23 =	simm.s32 $0x1B8B  }
0xa2: {  	_ =	swait.ge [sflag:s23], $0x1  }
0xa3: {  	[sflag:s23] =	ssyncset.done $0x0  }
0xa4: {  	s25 =	simm.s32 $0x1B8E;
	s24 =	sld [smem:$0x3FFE];
	[sflag:s23] =	ssyncadd.s32 $0xFFFFFFFF  }
0xa5: {  	s26 =	simm.s32 $execute0_lowered;
	[smem:$0x3FD2] =	sst s25  }
0xa6: {  	s5 =	sshll.u32 s26, $0x1;
	_ =	strace $0x80000046;
	[dreg:$0x1] =	wrdreg $0xFFFFFFFF  }
0xa7: {  	s28 =	simm.s32 $_size_execute0_lowered;
	s3 =	sadd.s32 s3, s5;
	[dreg:$0x0] =	wrdreg $0x0  }
0xa8: {  	s5 =	sshll.u32 s28, $0x1;
	[dreg:$0x2] =	wrdreg s3  }
0xa9: {  	[dreg:$0x3] =	wrdreg s5  }
0xaa: {  	[dreg:$0x4] =	wrdreg $0xC0  }
0xab: {  	_ =	task [dreg:s7], $0x5FFFF  }
0xac: {  	[dreg:$0x1] =	wrdreg $0xFFFFFFFF  }
0xad: {  	[dreg:$0x0] =	wrdreg $0x60  }
0xae: {  	[dreg:$0x2] =	wrdreg s24  }
0xaf: {  	[dreg:$0x3] =	wrdreg s2  }
0xb0: {  	[dreg:$0x4] =	wrdreg $0xA  }
0xb1: {  	_ =	task.clear_ibuf [dreg:s7], $0x5FFFF;
	_ =	strace $0x90000046  }
0xb2: {  	s29 =	simm.s32 $0xA;
	_ =	strace $0x80000048  }
0xb3: {  	_ =	swait.ge [sflag:s29], $0x1  }
0xb4: {  	[sflag:s29] =	ssyncadd.s32 $0xFFFFFFFF  }
0xb5: {  	_ =	strace $0x90000048  }
0xb6: {  	_ =	sfence  }
0xb7: {  	s30 =	sld [smem:$0x0];
	_ =	sdelay $0x2  }
0xb8: {  	s31 =	sshll.u32 s1, $0xD;
	s1 =	sshrl.u32 s1, $0x2  }
0xb9: {  	s3 =	sand.u32 $0x4000, s31;
	s1 =	sadd.s32 s1, s30  }
0xba: {  	s0 =	sor.u32 s3, s0;
	s1 =	sshll.u32 s1, $0x11  }
0xbb: {  	s0 =	sor.u32 s1, s0  }
0xbc: {  	s0 =	sadd.s32 $0x8F2B, s0  }
0xbd: {  	[sflag:s0] =	ssyncadd.remote.s32 $0x1  }
0xbe: {  	_ =	sfence.sel $0xFFFF  }
0xbf: {  	[dreg:$0x0] =	wrdreg $0xFFFFFFFF;
	(pc) =	sbr.abs _section_cstart, $3  }
0xc0: {  	[dreg:$0x1] =	wrdreg $0xFFFFFFFF  }
0xc1: {  	_ =	task.clear_ibuf [dreg:s7], $0x2FFFF;
	_ =	strace $0x9FFFFFFF  }
0xc2: {  	(tm) =	ssettm $0x7FFFFFFF  }
0xc3: {  	_ =	shalt  }
tec
execute0_lowered:
.L_overlay_start_1:
0x0: {  	(tag) =	ssettag $0x1  }
0x1: {  	s7 =	rddreg [dreg:$0x0]  }
0x2: {  	s1 =	rddreg [dreg:$0x1]  }
0x3: {  	v0 =	vimm.s32 $0xFEDCBA98;
	s0 =	rddreg [dreg:$0x2];
	s2 =	simm.s32 $0x0;
	v1 =	vimm.s32 $0x76543210;
	v2 =	vimm.s32 $0xBA98FEDC  }
0x4: {  	s3 =	srdreg.scid;
	v3 =	vimm.s32 $0x32107654;
	v4 =	vimm.s32 $0xDCFE98BA;
	v5 =	vimm.s32 $0x54761032;
	s13 =	simm.s32 $0x80;
	s14 =	simm.s32 $0x20  }
0x5: {  	v6 =	vimm.s32 $0xEFCDAB89;
	v7 =	vimm.s32 $0x67452301;
	s15 =	simm.s32 $0x100;
	s16 =	simm.s32 $0x1;
	s17 =	simm.s32 $0x1100  }
0x6: {  	s18 =	simm.s32 $0x2100;
	s19 =	simm.s32 $0x0;
	v0 =	vunpack.c.l.s4.s8 v0;
	[smem:$0x7FF] =	sst s2;
	v1 =	vunpack.c.l.s4.s8 v1;
	v2 =	vunpack.c.l.s4.s8 v2  }
0x7: {  	s4 =	sadd.s32 $0x4000, s7;
	s5 =	sadd.s32 $0x9000, s7;
	s8 =	sand.u32 $0x1, s3;
	v3 =	vunpack.c.l.s4.s8 v3;
	v4 =	vunpack.c.l.s4.s8 v4;
	v5 =	vunpack.c.l.s4.s8 v5  }
0x8: {  	s6 =	sadd.s32 $0x3E00, s7;
	s3 =	stileid.u32;
	v6 =	vunpack.c.l.s4.s8 v6;
	v7 =	vunpack.c.l.s4.s8 v7;
	s9 =	sshll.u32 s8, $0x4;
	v0 =	vunpack.c.0.s8.s32 v0  }
0x9: {  	s7 =	sadd.s32 $0xE000, s7;
	s8 =	ssub.s32 $0x2, s8;
	v1 =	vunpack.c.0.s8.s32 v1;
	s9 =	sor.u32 s3, s9;
	v2 =	vunpack.c.0.s8.s32 v2;
	v3 =	vunpack.c.0.s8.s32 v3  }
0xa: {  	_ =	strace $0x80000047;
	s10 =	sshrl.u32 s8, $0x1;
	v6 =	vunpack.c.0.s8.s32 v6;
	v7 =	vunpack.c.0.s8.s32 v7;
	s11 =	smul.u32 $0x9C, s9;
	v0 =	vand.u32 $0xF, v0  }
0xb: {  	v4 =	vunpack.c.0.s8.s32 v4;
	v5 =	vunpack.c.0.s8.s32 v5;
	s10 =	ssub.s32 s8, s10;
	p0 =	slt.u32 s9, $0x8;
	s8 =	simm.s32 $0x9D;
	v0 =	vcombine.low v0, v1  }
0xc: {  	s12 =	smin.u32 s9, $0x8;
	s8 =	simm.s32 @!p0 $0x9C;
	s10 =	smax.u32 s10, $0x1;
	v1 =	vcombine.low v3, v2;
	v3 =	vcombine.low v7, v6  }
0xd: {  	s9 =	sadd.s32 s12, s11;
	s11 =	simm.s32 $0x2180;
	s12 =	simm.s32 $0x2;
	v2 =	vcombine.low v5, v4  }
.LBB2_1:
0xe: {  	[tilespmem:s11], [sflag:$0x2] =	stream.linear.gather [hbm4b:s6+s2], $0x800, $0x38;
	[tilespmem:$0x2980] =	vst v63  }
0xf: {  	_ =	swait.ge [sflag:s12], $0x800  }
0x10: {  	[sflag:s12] =	ssyncset.done $0x0  }
0x11: {  	s20 =	simm.s32 $0x0;
	[sflag:s12] =	ssyncadd.s32 $0xFFFFF800  }
.LBB2_2:
0x12: {  	s21 =	sadd.s32 s20, s9  }
0x13: {  	s21 =	sshll.u32 s21, $0x2  }
0x14: {  	s21 =	sand.u32 $0x1FFFFFFC, s21  }
0x15: {  	s23 =	simm.s32 $0x0;
	s22 =	sadd.s32 s4, s21  }
0x16: {  	[tilespmem:s23], [sflag:$0x2] =	stream.linear.gather [hbm4b:s22+s23], $0x20, $0x38;
	[tilespmem:$0x2980] =	vst v63  }
0x17: {  	_ =	swait.ge [sflag:s12], $0x20  }
0x18: {  	[sflag:s12] =	ssyncset.done $0x0  }
0x19: {  	s31 =	sadd.s32 s5, s21;
	[sflag:s12] =	ssyncadd.s32 $0xFFFFFFE0  }
0x1a: {  	[tilespmem:s13], [sflag:$0x2] =	stream.linear.gather [hbm4b:s31+s23], $0x20, $0x38;
	[tilespmem:$0x2980] =	vst v63  }
0x1b: {  	_ =	swait.ge [sflag:s12], $0x20  }
0x1c: {  	[sflag:s12] =	ssyncset.done $0x0  }
0x1d: {  	[sflag:s12] =	ssyncadd.s32 $0xFFFFFFE0  }
0x1e: {  	[tilespmem:s15], [sflag:$0x1] =	stream.indirect.gather [hbm4b:s1+s14], $0x80, s23, s14, $0xb8;
	[tilespmem:$0x2980] =	vst v63  }
0x1f: {  	_ =	swait.ge [sflag:s16], $0x1000  }
0x20: {  	[sflag:s16] =	ssyncset.done $0x0  }
0x21: {  	[sflag:s16] =	ssyncadd.s32 $0xFFFFF000  }
0x22: {  	[tilespmem:s17], [sflag:$0x1] =	stream.indirect.gather [hbm4b:s1+s14], $0x80, s13, s14, $0xb8;
	[tilespmem:$0x2980] =	vst v63  }
0x23: {  	_ =	swait.ge [sflag:s16], $0x1000  }
0x24: {  	[sflag:s16] =	ssyncset.done $0x0  }
0x25: {  	s24 =	simm.s32 $0x0;
	[sflag:s16] =	ssyncadd.s32 $0xFFFFF000  }
0x26: {  	v4 =	vld [tilespmem:s24+$0x1100]  }
0x27: {  	v5 =	vld [tilespmem:s24+$0x100];
	_ =	sdelay $0x3  }
0x28: {  	s26 =	simm.s32 $0x80  }
0x29: {  	v6 =	vld [tilespmem:s26+$0x1100];
	v4 =	vsub.f32 v4, v5  }
0x2a: {  	v5 =	vld [tilespmem:s26+$0x100]  }
0x2b: {  	v4 =	vmul.f32 v4, v4;
	_ =	sdelay $0x1  }
0x2c: {  	s22 =	simm.s32 $0x100;
	v7 =	vperm.xlane v4, v0  }
0x2d: {  	v8 =	vld [tilespmem:s22+$0x1100]  }
0x2e: {  	v5 =	vsub.f32 v6, v5;
	v6 =	vld [tilespmem:s22+$0x100];
	v4 =	vadd.f32 v4, v7;
	_ =	sdelay $0x1  }
0x2f: {  	v5 =	vmul.f32 v5, v5;
	v7 =	vperm.xlane v4, v1  }
0x30: {  	s23 =	simm.s32 $0x180  }
0x31: {  	v9 =	vperm.xlane v5, v0;
	v4 =	vadd.f32 v4, v7;
	v7 =	vld [tilespmem:s23+$0x1100]  }
0x32: {  	v6 =	vsub.f32 v8, v6;
	v8 =	vld [tilespmem:s23+$0x100]  }
0x33: {  	v5 =	vadd.f32 v5, v9;
	v9 =	vperm.xlane v4, v2  }
0x34: {  	v6 =	vmul.f32 v6, v6  }
0x35: {  	v10 =	vperm.xlane v5, v1;
	v4 =	vadd.f32 v4, v9  }
0x36: {  	v13 =	vld [tilespmem:s24+$0x2180];
	v9 =	vperm.xlane v6, v0  }
0x37: {  	s24 =	simm.s32 $0x200;
	v5 =	vadd.f32 v5, v10;
	v11 =	vsub.f32 v7, v8;
	v10 =	vperm.xlane v4, v3  }
0x38: {  	v7 =	vld [tilespmem:s24+$0x1100];
	v8 =	vadd.f32 v6, v9  }
0x39: {  	v6 =	vperm.xlane v5, v2;
	v9 =	vmul.f32 v11, v11;
	v11 =	vld [tilespmem:s24+$0x100];
	v10 =	vadd.f32 v4, v10;
	_ =	sdelay $0x1  }
0x3a: {  	v12 =	vperm.xlane v8, v1;
	v6 =	vadd.f32 v5, v6;
	v10 =	vmul.f32 v10, v13  }
0x3b: {  	s25 =	simm.s32 $0xA00;
	v4 =	vimm.f32 $0.0e+00;
	v5 =	vld [tilespmem:s26+$0x2180];
	v13 =	vperm.xlane v9, v0  }
.LBB2_3:
0x3c: {  	s26 =	sshra.s32 s25, $0x2;
	v14 =	vadd.f32 v8, v12;
	v12 =	vperm.xlane v6, v3;
	v4 =	vadd.f32 v10, v4;
	p0 =	sne.s32 s25, $0x1E00  }
.Ltmp0:
0x3d: {  	v10 =	vsub.f32 v7, v11;
	v7 =	vld [tilespmem:s26+$0x1100];
	(pc) =	sbr.rel @p0 .LBB2_3-.Ltmp0, $4  }
0x3e: {  	s25 =	sadd.s32 $0x200, s25;
	v8 =	vadd.f32 v9, v13;
	v11 =	vld [tilespmem:s26+$0x100];
	v13 =	vperm.xlane v14, v2;
	v15 =	vadd.f32 v6, v12  }
0x3f: {  	v9 =	vmul.f32 v10, v10  }
0x40: {  	v12 =	vperm.xlane v8, v1;
	v6 =	vadd.f32 v14, v13;
	v10 =	vmul.f32 v15, v5  }
0x41: {  	v13 =	vperm.xlane v9, v0;
	v5 =	vld [tilespmem:s22+$0x2180];
	s22 =	smov.u32 s23;
	s23 =	smov.u32 s24;
	s24 =	smov.u32 s26  }
0x42: {  	_ = 	snop  }
0x43: {  	v7 =	vsub.f32 v7, v11;
	_ =	sdelay $0x1  }
0x44: {  	v7 =	vmul.f32 v7, v7;
	_ =	sdelay $0x1  }
0x45: {  	v9 =	vadd.f32 v9, v13;
	v11 =	vperm.xlane v7, v0;
	_ =	sdelay $0x1  }
0x46: {  	v8 =	vadd.f32 v8, v12;
	v12 =	vperm.xlane v9, v1;
	v7 =	vadd.f32 v7, v11;
	_ =	sdelay $0x1  }
0x47: {  	v9 =	vadd.f32 v9, v12;
	v11 =	vperm.xlane v8, v2;
	v12 =	vperm.xlane v7, v1  }
0x48: {  	v13 =	vperm.xlane v6, v3  }
0x49: {  	v8 =	vadd.f32 v8, v11;
	v11 =	vperm.xlane v9, v2;
	v7 =	vadd.f32 v7, v12  }
0x4a: {  	v6 =	vadd.f32 v6, v13;
	v12 =	vld [tilespmem:s22+$0x2180]  }
0x4b: {  	v13 =	vperm.xlane v8, v3;
	v9 =	vadd.f32 v9, v11;
	v11 =	vperm.xlane v7, v2  }
0x4c: {  	v4 =	vadd.f32 v10, v4;
	v5 =	vmul.f32 v6, v5;
	v6 =	vld [tilespmem:s23+$0x2180]  }
0x4d: {  	v8 =	vadd.f32 v8, v13;
	v10 =	vperm.xlane v9, v3;
	v7 =	vadd.f32 v7, v11  }
0x4e: {  	v4 =	vadd.f32 v5, v4;
	v5 =	vld [tilespmem:s24+$0x2180]  }
0x4f: {  	v9 =	vadd.f32 v9, v10;
	v8 =	vmul.f32 v8, v12;
	v10 =	vperm.xlane v7, v3;
	_ =	sdelay $0x1  }
0x50: {  	v6 =	vmul.f32 v9, v6;
	v4 =	vadd.f32 v8, v4;
	v7 =	vadd.f32 v7, v10;
	_ =	sdelay $0x1  }
0x51: {  	v4 =	vadd.f32 v6, v4;
	v5 =	vmul.f32 v7, v5;
	_ =	sdelay $0x1  }
0x52: {  	v4 =	vadd.f32 v5, v4;
	_ =	sdelay $0x1  }
0x53: {  	s31 =	simm.s32 $0x0;
	[tilespmem:$0x2100] =	vst v4  }
0x54: {  	v4 =	vld [tilespmem:s31+$0x1900]  }
0x55: {  	v5 =	vld [tilespmem:s31+$0x900];
	_ =	sdelay $0x3  }
0x56: {  	s26 =	simm.s32 $0x80  }
0x57: {  	v6 =	vld [tilespmem:s26+$0x1900];
	v4 =	vsub.f32 v4, v5  }
0x58: {  	v5 =	vld [tilespmem:s26+$0x900]  }
0x59: {  	v4 =	vmul.f32 v4, v4;
	_ =	sdelay $0x1  }
0x5a: {  	s22 =	simm.s32 $0x100;
	v7 =	vperm.xlane v4, v0  }
0x5b: {  	v8 =	vld [tilespmem:s22+$0x1900]  }
0x5c: {  	v5 =	vsub.f32 v6, v5;
	v6 =	vld [tilespmem:s22+$0x900];
	v4 =	vadd.f32 v4, v7;
	_ =	sdelay $0x1  }
0x5d: {  	v5 =	vmul.f32 v5, v5;
	v7 =	vperm.xlane v4, v1  }
0x5e: {  	s23 =	simm.s32 $0x180  }
0x5f: {  	v9 =	vperm.xlane v5, v0;
	v4 =	vadd.f32 v4, v7;
	v7 =	vld [tilespmem:s23+$0x1900]  }
0x60: {  	v6 =	vsub.f32 v8, v6;
	v8 =	vld [tilespmem:s23+$0x900]  }
0x61: {  	v5 =	vadd.f32 v5, v9;
	v9 =	vperm.xlane v4, v2  }
0x62: {  	v6 =	vmul.f32 v6, v6  }
0x63: {  	v10 =	vperm.xlane v5, v1;
	v4 =	vadd.f32 v4, v9  }
0x64: {  	v13 =	vld [tilespmem:s31+$0x2180];
	v9 =	vperm.xlane v6, v0  }
0x65: {  	s24 =	simm.s32 $0x200;
	v5 =	vadd.f32 v5, v10;
	v11 =	vsub.f32 v7, v8;
	v10 =	vperm.xlane v4, v3  }
0x66: {  	v7 =	vld [tilespmem:s24+$0x1900];
	v8 =	vadd.f32 v6, v9  }
0x67: {  	v6 =	vperm.xlane v5, v2;
	v9 =	vmul.f32 v11, v11;
	v11 =	vld [tilespmem:s24+$0x900];
	v10 =	vadd.f32 v4, v10;
	_ =	sdelay $0x1  }
0x68: {  	v12 =	vperm.xlane v8, v1;
	v6 =	vadd.f32 v5, v6;
	v10 =	vmul.f32 v10, v13  }
0x69: {  	s25 =	simm.s32 $0xA00;
	v4 =	vimm.f32 $0.0e+00;
	v5 =	vld [tilespmem:s26+$0x2180];
	v13 =	vperm.xlane v9, v0  }
.LBB2_5:
0x6a: {  	s26 =	sshra.s32 s25, $0x2;
	v14 =	vadd.f32 v8, v12;
	v12 =	vperm.xlane v6, v3;
	v4 =	vadd.f32 v10, v4;
	p0 =	sne.s32 s25, $0x1E00  }
.Ltmp1:
0x6b: {  	v10 =	vsub.f32 v7, v11;
	v7 =	vld [tilespmem:s26+$0x1900];
	(pc) =	sbr.rel @p0 .LBB2_5-.Ltmp1, $4  }
0x6c: {  	s25 =	sadd.s32 $0x200, s25;
	v8 =	vadd.f32 v9, v13;
	v11 =	vld [tilespmem:s26+$0x900];
	v13 =	vperm.xlane v14, v2;
	v15 =	vadd.f32 v6, v12  }
0x6d: {  	v9 =	vmul.f32 v10, v10  }
0x6e: {  	v12 =	vperm.xlane v8, v1;
	v6 =	vadd.f32 v14, v13;
	v10 =	vmul.f32 v15, v5  }
0x6f: {  	v13 =	vperm.xlane v9, v0;
	v5 =	vld [tilespmem:s22+$0x2180];
	s22 =	smov.u32 s23;
	s23 =	smov.u32 s24;
	s24 =	smov.u32 s26  }
0x70: {  	_ = 	snop  }
0x71: {  	v7 =	vsub.f32 v7, v11;
	_ =	sdelay $0x1  }
0x72: {  	v7 =	vmul.f32 v7, v7;
	_ =	sdelay $0x1  }
0x73: {  	v9 =	vadd.f32 v9, v13;
	v52 =	vperm.xlane v7, v0;
	_ =	sdelay $0x1  }
0x74: {  	v8 =	vadd.f32 v8, v12;
	v53 =	vperm.xlane v9, v1;
	v7 =	vadd.f32 v7, v52;
	_ =	sdelay $0x1  }
0x75: {  	v54 =	vperm.xlane v8, v2;
	v9 =	vadd.f32 v9, v53;
	v55 =	vperm.xlane v7, v1  }
0x76: {  	v56 =	vperm.xlane v6, v3  }
0x77: {  	v8 =	vadd.f32 v8, v54;
	v57 =	vperm.xlane v9, v2;
	v7 =	vadd.f32 v7, v55  }
0x78: {  	v58 =	vld [tilespmem:s22+$0x2180];
	v6 =	vadd.f32 v6, v56  }
0x79: {  	v59 =	vperm.xlane v8, v3;
	v9 =	vadd.f32 v9, v57;
	v60 =	vperm.xlane v7, v2  }
0x7a: {  	v4 =	vadd.f32 v10, v4;
	v61 =	vld [tilespmem:s23+$0x2180];
	v5 =	vmul.f32 v6, v5  }
0x7b: {  	v8 =	vadd.f32 v8, v59;
	v62 =	vperm.xlane v9, v3;
	v7 =	vadd.f32 v7, v60  }
0x7c: {  	v4 =	vadd.f32 v5, v4;
	v5 =	vld [tilespmem:s24+$0x2180]  }
0x7d: {  	v8 =	vmul.f32 v8, v58;
	v9 =	vadd.f32 v9, v62;
	v63 =	vperm.xlane v7, v3;
	_ =	sdelay $0x1  }
0x7e: {  	v4 =	vadd.f32 v8, v4;
	v6 =	vmul.f32 v9, v61;
	v7 =	vadd.f32 v7, v63;
	_ =	sdelay $0x1  }
0x7f: {  	v4 =	vadd.f32 v6, v4;
	v5 =	vmul.f32 v7, v5;
	_ =	sdelay $0x1  }
0x80: {  	s20 =	sadd.s32 $0x1, s20;
	v4 =	vadd.f32 v5, v4  }
0x81: {  	p0 =	sne.s32 s20, s8  }
.Ltmp2:
0x82: {  	s21 =	sadd.s32 s7, s21;
	[tilespmem:$0x2110] =	vst v4;
	(pc) =	sbr.rel @p0 .LBB2_2-.Ltmp2, $4  }
0x83: {  	[hbm4b:s21+s2] =	stream.linear.scatter [tilespmem:s18], [sflag:$0x2], $0x20, $0x38;
	[tilespmem:$0x2980] =	vst v63  }
0x84: {  	_ =	swait.ge [sflag:s12], $0x20  }
0x85: {  	[sflag:s12] =	ssyncset.done $0x0  }
0x86: {  	[sflag:s12] =	ssyncadd.s32 $0xFFFFFFE0  }
0x87: {  	s19 =	sadd.s32 $0x1, s19  }
0x88: {  	p0 =	sne.s32 s19, s10  }
.Ltmp3:
0x89: {  	_ = 	snop;
	(pc) =	sbr.rel @p0 .LBB2_1-.Ltmp3, $1  }
0x8a: {  	_ =	sdelay $0x3  }
0x8b: {  	_ =	sfence.sel $0x180000  }
0x8c: {  	[bflag:$0x0] =	sbarrier.arrive $0xFFFF  }
0x8d: {  	p0 =	sne.s32 s3, $0x0;
	_ =	strace $0x90000047  }
0x8e: {  	s0 =	sadd.s32 @!p0 $0x100000, s0;
	[bflag:$0x2] =	sbarrier.arrive $0xFFFF  }
0x8f: {  	[sflag:s0] =	ssyncadd.tile.s32 @!p0 $0x1;
	_ =	shalt  }
.Lfunc_end2:
_tile_overlayer_lowered:
.L_overlay_start_2:
0x90: {  	(tag) =	ssettag $0x2  }
0x91: {  	s0 =	rddreg [dreg:$0x0];
	s2 =	stileid.u32  }
0x92: {  	s1 =	rddreg [dreg:$0x1];
	p0 =	sne.s32 s2, $0x0  }
0x93: {  	s3 =	rddreg [dreg:$0x2];
	[bflag:$0x3] =	sbarrier.arrive $0xFFFF;
	s2 =	simm.s32 @!p0 $0x1C02  }
0x94: {  	[timem:s3], [sflag:s2] =	dma.local @!p0 [hbm:s0], s1  }
0x95: {  	s0 =	simm.s32 @!p0 $0x2  }
0x96: {  	_ =	swait.ge @!p0 [sflag:s0], s1  }
0x97: {  	s1 =	ssub.s32 @!p0 $0x0, s1;
	[sflag:s0] =	ssyncset.done @!p0 $0x0  }
0x98: {  	[sflag:s0] =	ssyncadd.s32 @!p0 s1  }
0x99: {  	[bflag:$0x3] =	sbarrier.arrive $0xFFFF  }
0x9a: {  	_ =	shalt  }

// kernel: scatter_offload_async_start.1
scs
__scs_entry_jumppad:
0x0: {  	(pc) =	sbr.rel $0x88, $3  }
0x1: {  	(tag) =	ssettag $0x0;
	lr =	simm.s32 $0x1  }
0x2: {  	[smem:$0x3F90] =	sst lr;
	_ =	strace $0xD0000000  }
0x3: {  	_ = 	snop  }
0x4: {  	_ = 	snop  }
0x5: {  	_ = 	snop  }
0x6: {  	_ = 	snop  }
0x7: {  	_ = 	snop  }
__scs_overlays_trampoline_lowered:
0x8: {  	[smem:$0x3F9F] =	sst s0  }
0x9: {  	[smem:$0x3FA0] =	sst s1  }
0xa: {  	[smem:$0x3FA1] =	sst s2  }
0xb: {  	[smem:$0x3FA2] =	sst s3  }
0xc: {  	[smem:$0x3FA3] =	sst s4  }
0xd: {  	[smem:$0x3FA4] =	sst s5  }
0xe: {  	[smem:$0x3FA5] =	sst s6  }
0xf: {  	[smem:$0x3FA6] =	sst s7  }
0x10: {  	[smem:$0x3FA7] =	sst s8  }
0x11: {  	[smem:$0x3FA8] =	sst s9;
	s0 =	simm.s32 @!p0 $0x0  }
0x12: {  	s1 =	sld [smem:$0x3F8E];
	s0 =	simm.s32 @p0 $0x1  }
0x13: {  	[smem:$0x3FA9] =	sst s0;
	s0 =	simm.s32 @!p1 $0x0  }
0x14: {  	s2 =	sld [smem:$0x3F8D];
	s0 =	simm.s32 @p1 $0x1  }
0x15: {  	[smem:$0x3FAA] =	sst s0;
	s0 =	simm.s32 @!p2 $0x0  }
0x16: {  	s3 =	sld [smem:$0x3FDB];
	s0 =	simm.s32 @p2 $0x1  }
0x17: {  	s4 =	simm.s32 $0x1BF5;
	[smem:$0x3FAC] =	sst s0  }
0x18: {  	s0 =	sld [smem:$0x3F8F];
	_ =	swait.ge [sflag:s4], $0x0  }
0x19: {  	s7 =	sld [smem:$0x3F90]  }
0x1a: {  	s8 =	sadd.s32 $0xFFFFE003, lr  }
0x1b: {  	s9 =	sadd.s32 $0xFFFFFEF7, lr;
	s5 =	simm.s32 $0xFFFFFFFF;
	p2 =	slt.u32 s8, $0xFFFFF086  }
0x1c: {  	p1 =	slt.u32 s9, $0xF7A;
	s5 =	simm.s32 @!p2 $0x0  }
0x1d: {  	s5 =	simm.s32 @p1 $0x1;
	p0 =	seq.s32 s7, s2  }
0x1e: {  	s7 =	smul.u32 @!p0 $0xF7A, s2;
	p2 =	seq.s32 @!p0 s5, $0x0  }
0x1f: {  	s9 =	smul.u32 $0xF7A, s1;
	s8 =	simm.s32 @!p0 $0x1BF5;
	p2 =	por !p2, p0  }
0x20: {  	[sflag:s8] =	ssyncset.s32 @!p0 $0xFFFFF086;
	s6 =	sadd.s32 @!p0 s3, s7;
	s7 =	simm.s32 @!p0 $0x108  }
0x21: {  	s3 =	sadd.s32 s3, s9;
	s6 =	sadd.s32 @!p0 $0x88, s6;
	s7 =	simm.s32 @p2 $0x1082  }
0x22: {  	[simem:s7], [sflag:s8] =	dma.local @!p0 [hbm:s6], $0xF7A  }
0x23: {  	s9 =	sor.u32 $0xD0000000, s2;
	s6 =	simm.s32 $0x108;
	_ =	swait.ge @!p0 [sflag:s8], $0x0  }
0x24: {  	s3 =	sadd.s32 $0x88, s3;
	s6 =	simm.s32 @!p1 $0x1082;
	[sflag:s4] =	ssyncset.s32 $0xFFFFF086  }
0x25: {  	[simem:s6], [sflag:s4] =	dma.local [hbm:s3], $0xF7A  }
0x26: {  	[smem:$0x3F90] =	sst s1;
	(tag) =	ssettag s2;
	_ =	strace s9  }
0x27: {  	s1 =	sld [smem:$0x3FA0]  }
0x28: {  	s2 =	sld [smem:$0x3FA1]  }
0x29: {  	s4 =	sld [smem:$0x3FA3]  }
0x2a: {  	p0 =	seq.s32 s5, $0x0;
	s5 =	sld [smem:$0x3FA4]  }
0x2b: {  	s6 =	sld [smem:$0x3FA5]  }
0x2c: {  	s7 =	sld [smem:$0x3FA6]  }
0x2d: {  	s3 =	simm.s32 $0x108;
	s8 =	sld [smem:$0x3FA7]  }
0x2e: {  	s3 =	simm.s32 @!p0 $0x1082;
	s9 =	sld [smem:$0x3FA8]  }
0x2f: {  	lr =	sadd.s32 s0, s3;
	s0 =	sld [smem:$0x3F9F]  }
0x30: {  	s3 =	sld [smem:$0x3FA2]  }
0x31: {  	[smem:$0x3FAB] =	sst s10  }
0x32: {  	s10 =	sld [smem:$0x3FA9];
	_ =	sdelay $0x3  }
0x33: {  	p0 =	seq.s32 s10, $0x1;
	s10 =	sld [smem:$0x3FAB];
	_ =	sdelay $0x3  }
0x34: {  	[smem:$0x3FAB] =	sst s10  }
0x35: {  	s10 =	sld [smem:$0x3FAA];
	_ =	sdelay $0x3  }
0x36: {  	p1 =	seq.s32 s10, $0x1;
	s10 =	sld [smem:$0x3FAB];
	_ =	sdelay $0x3  }
0x37: {  	[smem:$0x3FAB] =	sst s10  }
0x38: {  	s10 =	sld [smem:$0x3FAC]  }
0x39: {  	_ = 	snop;
	(pc) =	sbr.ind lr, $3  }
0x3a: {  	_ = 	snop  }
0x3b: {  	_ = 	snop  }
0x3c: {  	p2 =	seq.s32 s10, $0x1;
	s10 =	sld [smem:$0x3FAB]  }
0x3d: {  	_ =	shalt  }
0x3e: {  	_ =	shalt  }
0x3f: {  	_ =	shalt  }
0x40: {  	_ =	shalt  }
0x41: {  	_ =	shalt  }
0x42: {  	_ =	shalt  }
0x43: {  	_ =	shalt  }
0x44: {  	_ =	shalt  }
0x45: {  	_ =	shalt  }
0x46: {  	_ =	shalt  }
0x47: {  	_ =	shalt  }
0x48: {  	_ =	shalt  }
0x49: {  	_ =	shalt  }
0x4a: {  	_ =	shalt  }
0x4b: {  	_ =	shalt  }
0x4c: {  	_ =	shalt  }
0x4d: {  	_ =	shalt  }
0x4e: {  	_ =	shalt  }
0x4f: {  	_ =	shalt  }
0x50: {  	_ =	shalt  }
0x51: {  	_ =	shalt  }
0x52: {  	_ =	shalt  }
0x53: {  	_ =	shalt  }
0x54: {  	_ =	shalt  }
0x55: {  	_ =	shalt  }
0x56: {  	_ =	shalt  }
0x57: {  	_ =	shalt  }
0x58: {  	_ =	shalt  }
0x59: {  	_ =	shalt  }
0x5a: {  	_ =	shalt  }
0x5b: {  	_ =	shalt  }
0x5c: {  	_ =	shalt  }
0x5d: {  	_ =	shalt  }
0x5e: {  	_ =	shalt  }
0x5f: {  	_ =	shalt  }
0x60: {  	_ =	shalt  }
0x61: {  	_ =	shalt  }
0x62: {  	_ =	shalt  }
0x63: {  	_ =	shalt  }
0x64: {  	_ =	shalt  }
0x65: {  	_ =	shalt  }
0x66: {  	_ =	shalt  }
0x67: {  	_ =	shalt  }
0x68: {  	_ =	shalt  }
0x69: {  	_ =	shalt  }
0x6a: {  	_ =	shalt  }
0x6b: {  	_ =	shalt  }
0x6c: {  	_ =	shalt  }
0x6d: {  	_ =	shalt  }
0x6e: {  	_ =	shalt  }
0x6f: {  	_ =	shalt  }
0x70: {  	_ =	shalt  }
0x71: {  	_ =	shalt  }
0x72: {  	_ =	shalt  }
0x73: {  	_ =	shalt  }
0x74: {  	_ =	shalt  }
0x75: {  	_ =	shalt  }
0x76: {  	_ =	shalt  }
0x77: {  	_ =	shalt  }
0x78: {  	_ =	shalt  }
0x79: {  	_ =	shalt  }
0x7a: {  	_ =	shalt  }
0x7b: {  	_ =	shalt  }
0x7c: {  	_ =	shalt  }
0x7d: {  	_ =	shalt  }
0x7e: {  	_ =	shalt  }
0x7f: {  	_ =	shalt  }
0x80: {  	_ =	shalt  }
0x81: {  	_ =	shalt  }
0x82: {  	_ =	shalt  }
0x83: {  	_ =	shalt  }
0x84: {  	_ =	shalt  }
0x85: {  	_ =	shalt  }
0x86: {  	_ =	shalt  }
0x87: {  	_ =	shalt  }
.Lfunc_end0:
.L_simem_size_0:
called_computation.1_lowered:
.L_overlay_start_0:
0x88: {  	s2 =	sld [smem:$0x3FD9]  }
0x89: {  	s3 =	sld [smem:$0x3FFE];
	_ =	sdelay $0x1  }
0x8a: {  	s1 =	srdreg.scid  }
0x8b: {  	s0 =	sand.u32 $0x1, s1  }
0x8c: {  	s15 =	sshll.u32 s0, $0xA;
	s2 =	sadd.s32 s3, s2  }
0x8d: {  	s2 =	sadd.s32 s2, s15  }
0x8e: {  	[smem:$0x3FB7] =	sst s2  }
0x8f: {  	_ = 	snop  }
0x90: {  	(tm) =	ssettm $0x1  }
0x91: {  	s16 =	sld [smem:$0x3FFB];
	_ =	sdelay $0x3  }
0x92: {  	_ =	strace s16  }
0x93: {  	s2 =	sld [smem:$0x3FFC];
	_ =	sdelay $0x3  }
0x94: {  	_ =	strace s2  }
0x95: {  	s2 =	sld [smem:$0x3FFD];
	_ =	sdelay $0x3  }
0x96: {  	_ =	strace s2  }
0x97: {  	_ =	strace $0x8FFFFFFF  }
0x98: {  	s17 =	sld [smem:$0x3FDB];
	_ =	sdelay $0x1  }
0x99: {  	s18 =	simm.s32 $_scs_section_size  }
0x9a: {  	s4 =	simm.s32 $_size__tile_overlayer_lowered;
	s5 =	simm.s32 $_tile_overlayer_lowered  }
0x9b: {  	s21 =	simm.s32 $0x1BFF;
	s20 =	sshll.u32 s5, $0x1;
	s2 =	sadd.s32 s18, s17  }
0x9c: {  	s6 =	simm.s32 $0x0;
	s19 =	sshll.u32 s4, $0x1;
	s4 =	sadd.s32 s20, s2  }
0x9d: {  	[timem:s6], [sflag:s21] =	dma.local [hbm:s4], s19  }
0x9e: {  	_ =	swait.ge [sflag:s21], s19  }
0x9f: {  	s3 =	ssub.s32 $0x0, s19;
	[sflag:s21] =	ssyncset.done $0x0  }
0xa0: {  	[sflag:s21] =	ssyncadd.s32 s3;
	_ =	sdelay $0x1  }
0xa1: {  	s22 =	simm.s32 $0x1B8B  }
0xa2: {  	_ =	swait.ge [sflag:s22], $0x1  }
0xa3: {  	[sflag:s22] =	ssyncset.done $0x0  }
0xa4: {  	s23 =	sld [smem:$0x3FFE];
	[sflag:s22] =	ssyncadd.s32 $0xFFFFFFFF  }
0xa5: {  	s25 =	simm.s32 $0x1B8E;
	s24 =	sld [smem:$0x0]  }
0xa6: {  	s26 =	simm.s32 $execute0_lowered;
	[smem:$0x3FD2] =	sst s25  }
0xa7: {  	s5 =	sshll.u32 s26, $0x1;
	_ =	strace $0x8000005B;
	[dreg:$0x1] =	wrdreg $0xFFFFFFFF  }
0xa8: {  	s28 =	simm.s32 $_size_execute0_lowered;
	s2 =	sadd.s32 s2, s5;
	[dreg:$0x0] =	wrdreg $0x0  }
0xa9: {  	s5 =	sshll.u32 s28, $0x1;
	[dreg:$0x2] =	wrdreg s2  }
0xaa: {  	[dreg:$0x3] =	wrdreg s5  }
0xab: {  	[dreg:$0x4] =	wrdreg $0xC0  }
0xac: {  	_ =	task [dreg:s6], $0x5FFFF  }
0xad: {  	[dreg:$0x1] =	wrdreg $0xFFFFFFFF  }
0xae: {  	[dreg:$0x0] =	wrdreg $0x60  }
0xaf: {  	[dreg:$0x2] =	wrdreg s23  }
0xb0: {  	[dreg:$0x3] =	wrdreg s1  }
0xb1: {  	[dreg:$0x4] =	wrdreg s24  }
0xb2: {  	[dreg:$0x5] =	wrdreg $0x9  }
0xb3: {  	_ =	task.clear_ibuf [dreg:s6], $0x6FFFF;
	_ =	strace $0x9000005B  }
0xb4: {  	s29 =	simm.s32 $0x9;
	_ =	strace $0x8000005D  }
0xb5: {  	_ =	swait.ge [sflag:s29], $0x1  }
0xb6: {  	[sflag:s29] =	ssyncadd.s32 $0xFFFFFFFF  }
0xb7: {  	_ =	strace $0x9000005D  }
0xb8: {  	_ =	sfence  }
0xb9: {  	s30 =	sld [smem:$0x0];
	_ =	sdelay $0x2  }
0xba: {  	s31 =	sshll.u32 s1, $0xD;
	s1 =	sshrl.u32 s1, $0x2  }
0xbb: {  	s3 =	sand.u32 $0x4000, s31;
	s1 =	sadd.s32 s1, s30  }
0xbc: {  	s0 =	sor.u32 s3, s0;
	s1 =	sshll.u32 s1, $0x11  }
0xbd: {  	s0 =	sor.u32 s1, s0  }
0xbe: {  	s0 =	sadd.s32 $0x8F2B, s0  }
0xbf: {  	[sflag:s0] =	ssyncadd.remote.s32 $0x1  }
0xc0: {  	_ =	sfence.sel $0xFFFF  }
0xc1: {  	[dreg:$0x0] =	wrdreg $0xFFFFFFFF;
	(pc) =	sbr.abs _section_cstart, $3  }
0xc2: {  	[dreg:$0x1] =	wrdreg $0xFFFFFFFF  }
0xc3: {  	_ =	task.clear_ibuf [dreg:s6], $0x2FFFF;
	_ =	strace $0x9FFFFFFF  }
0xc4: {  	(tm) =	ssettm $0x7FFFFFFF  }
0xc5: {  	_ =	shalt  }
tec
execute0_lowered:
.L_overlay_start_1:
0x0: {  	(tag) =	ssettag $0x1  }
0x1: {  	s7 =	rddreg [dreg:$0x0]  }
0x2: {  	s2 =	rddreg [dreg:$0x1];
	_ =	strace $0x8000005C;
	s0 =	simm.s32 $0x1  }
0x3: {  	v0 =	vimm.s32 $0x0;
	[sflag:s0] =	ssyncpa.u1 $0x0  }
0x4: {  	[tilespmem:$0x228] =	vst v0  }
0x5: {  	[tilespmem:$0x238] =	vst v0  }
0x6: {  	[tilespmem:$0x248] =	vst v0  }
0x7: {  	[tilespmem:$0x258] =	vst v0  }
0x8: {  	[tilespmem:$0x268] =	vst v0  }
0x9: {  	[tilespmem:$0x278] =	vst v0  }
0xa: {  	[tilespmem:$0x288] =	vst v0  }
0xb: {  	[tilespmem:$0x298] =	vst v0  }
0xc: {  	[tilespmem:$0x2A8] =	vst v0  }
0xd: {  	[tilespmem:$0x2B8] =	vst v0  }
0xe: {  	[tilespmem:$0x2C8] =	vst v0  }
0xf: {  	[tilespmem:$0x2D8] =	vst v0  }
0x10: {  	[tilespmem:$0x2E8] =	vst v0  }
0x11: {  	[tilespmem:$0x2F8] =	vst v0  }
0x12: {  	[tilespmem:$0x308] =	vst v0  }
0x13: {  	[tilespmem:$0x318] =	vst v0  }
0x14: {  	[tilespmem:$0x328] =	vst v0  }
0x15: {  	[tilespmem:$0x338] =	vst v0  }
0x16: {  	[tilespmem:$0x348] =	vst v0  }
0x17: {  	[tilespmem:$0x358] =	vst v0  }
0x18: {  	[tilespmem:$0x368] =	vst v0  }
0x19: {  	[tilespmem:$0x378] =	vst v0  }
0x1a: {  	[tilespmem:$0x388] =	vst v0  }
0x1b: {  	[tilespmem:$0x398] =	vst v0  }
0x1c: {  	[tilespmem:$0x3A8] =	vst v0  }
0x1d: {  	[tilespmem:$0x3B8] =	vst v0  }
0x1e: {  	[tilespmem:$0x3C8] =	vst v0  }
0x1f: {  	[tilespmem:$0x3D8] =	vst v0  }
0x20: {  	[tilespmem:$0x3E8] =	vst v0  }
0x21: {  	[tilespmem:$0x3F8] =	vst v0  }
0x22: {  	[tilespmem:$0x408] =	vst v0  }
0x23: {  	[tilespmem:$0x418] =	vst v0  }
0x24: {  	[tilespmem:$0x428] =	vst v0  }
0x25: {  	[tilespmem:$0x438] =	vst v0  }
0x26: {  	[tilespmem:$0x448] =	vst v0  }
0x27: {  	[tilespmem:$0x458] =	vst v0  }
0x28: {  	[tilespmem:$0x468] =	vst v0  }
0x29: {  	[tilespmem:$0x478] =	vst v0  }
0x2a: {  	[tilespmem:$0x488] =	vst v0  }
0x2b: {  	[tilespmem:$0x498] =	vst v0  }
0x2c: {  	[tilespmem:$0x4A8] =	vst v0  }
0x2d: {  	[tilespmem:$0x4B8] =	vst v0  }
0x2e: {  	[tilespmem:$0x4C8] =	vst v0  }
0x2f: {  	[tilespmem:$0x4D8] =	vst v0  }
0x30: {  	[tilespmem:$0x4E8] =	vst v0  }
0x31: {  	[tilespmem:$0x4F8] =	vst v0  }
0x32: {  	[tilespmem:$0x508] =	vst v0  }
0x33: {  	[tilespmem:$0x518] =	vst v0  }
0x34: {  	[tilespmem:$0x528] =	vst v0  }
0x35: {  	[tilespmem:$0x538] =	vst v0  }
0x36: {  	[tilespmem:$0x548] =	vst v0  }
0x37: {  	[tilespmem:$0x558] =	vst v0  }
0x38: {  	[tilespmem:$0x568] =	vst v0  }
0x39: {  	[tilespmem:$0x578] =	vst v0  }
0x3a: {  	[tilespmem:$0x588] =	vst v0  }
0x3b: {  	[tilespmem:$0x598] =	vst v0  }
0x3c: {  	[tilespmem:$0x5A8] =	vst v0  }
0x3d: {  	[tilespmem:$0x5B8] =	vst v0  }
0x3e: {  	[tilespmem:$0x5C8] =	vst v0  }
0x3f: {  	[tilespmem:$0x5D8] =	vst v0  }
0x40: {  	[tilespmem:$0x5E8] =	vst v0  }
0x41: {  	[tilespmem:$0x5F8] =	vst v0  }
0x42: {  	[tilespmem:$0x608] =	vst v0  }
0x43: {  	[tilespmem:$0x618] =	vst v0  }
0x44: {  	[tilespmem:$0x628] =	vst v0  }
0x45: {  	[tilespmem:$0x638] =	vst v0  }
0x46: {  	[tilespmem:$0x648] =	vst v0  }
0x47: {  	[tilespmem:$0x658] =	vst v0  }
0x48: {  	[tilespmem:$0x668] =	vst v0  }
0x49: {  	[tilespmem:$0x678] =	vst v0  }
0x4a: {  	[tilespmem:$0x688] =	vst v0  }
0x4b: {  	[tilespmem:$0x698] =	vst v0  }
0x4c: {  	[tilespmem:$0x6A8] =	vst v0  }
0x4d: {  	[tilespmem:$0x6B8] =	vst v0  }
0x4e: {  	[tilespmem:$0x6C8] =	vst v0  }
0x4f: {  	[tilespmem:$0x6D8] =	vst v0  }
0x50: {  	[tilespmem:$0x6E8] =	vst v0  }
0x51: {  	[tilespmem:$0x6F8] =	vst v0  }
0x52: {  	[tilespmem:$0x708] =	vst v0  }
0x53: {  	[tilespmem:$0x718] =	vst v0  }
0x54: {  	[tilespmem:$0x728] =	vst v0  }
0x55: {  	[tilespmem:$0x738] =	vst v0  }
0x56: {  	[tilespmem:$0x748] =	vst v0  }
0x57: {  	[tilespmem:$0x758] =	vst v0  }
0x58: {  	[tilespmem:$0x768] =	vst v0  }
0x59: {  	[tilespmem:$0x778] =	vst v0  }
0x5a: {  	[tilespmem:$0x788] =	vst v0  }
0x5b: {  	[tilespmem:$0x798] =	vst v0  }
0x5c: {  	[tilespmem:$0x7A8] =	vst v0  }
0x5d: {  	[tilespmem:$0x7B8] =	vst v0  }
0x5e: {  	[tilespmem:$0x7C8] =	vst v0  }
0x5f: {  	[tilespmem:$0x7D8] =	vst v0  }
0x60: {  	[tilespmem:$0x7E8] =	vst v0  }
0x61: {  	[tilespmem:$0x7F8] =	vst v0  }
0x62: {  	[tilespmem:$0x808] =	vst v0  }
0x63: {  	[tilespmem:$0x818] =	vst v0  }
0x64: {  	[tilespmem:$0x828] =	vst v0  }
0x65: {  	[tilespmem:$0x838] =	vst v0  }
0x66: {  	[tilespmem:$0x848] =	vst v0  }
0x67: {  	[tilespmem:$0x858] =	vst v0  }
0x68: {  	[tilespmem:$0x868] =	vst v0  }
0x69: {  	[tilespmem:$0x878] =	vst v0  }
0x6a: {  	[tilespmem:$0x888] =	vst v0  }
0x6b: {  	[tilespmem:$0x898] =	vst v0  }
0x6c: {  	[tilespmem:$0x8A8] =	vst v0  }
0x6d: {  	[tilespmem:$0x8B8] =	vst v0  }
0x6e: {  	[tilespmem:$0x8C8] =	vst v0  }
0x6f: {  	[tilespmem:$0x8D8] =	vst v0  }
0x70: {  	[tilespmem:$0x8E8] =	vst v0  }
0x71: {  	[tilespmem:$0x8F8] =	vst v0  }
0x72: {  	[tilespmem:$0x908] =	vst v0  }
0x73: {  	[tilespmem:$0x918] =	vst v0  }
0x74: {  	[tilespmem:$0x928] =	vst v0  }
0x75: {  	[tilespmem:$0x938] =	vst v0  }
0x76: {  	[tilespmem:$0x948] =	vst v0  }
0x77: {  	[tilespmem:$0x958] =	vst v0  }
0x78: {  	[tilespmem:$0x968] =	vst v0  }
0x79: {  	[tilespmem:$0x978] =	vst v0  }
0x7a: {  	[tilespmem:$0x988] =	vst v0  }
0x7b: {  	[tilespmem:$0x998] =	vst v0  }
0x7c: {  	[tilespmem:$0x9A8] =	vst v0  }
0x7d: {  	[tilespmem:$0x9B8] =	vst v0  }
0x7e: {  	[tilespmem:$0x9C8] =	vst v0  }
0x7f: {  	[tilespmem:$0x9D8] =	vst v0  }
0x80: {  	[tilespmem:$0x9E8] =	vst v0  }
0x81: {  	[tilespmem:$0x9F8] =	vst v0  }
0x82: {  	[tilespmem:$0xA08] =	vst v0  }
0x83: {  	[tilespmem:$0xA18] =	vst v0  }
0x84: {  	[tilespmem:$0xA28] =	vst v0  }
0x85: {  	[tilespmem:$0xA38] =	vst v0  }
0x86: {  	[tilespmem:$0xA48] =	vst v0  }
0x87: {  	[tilespmem:$0xA58] =	vst v0  }
0x88: {  	[tilespmem:$0xA68] =	vst v0  }
0x89: {  	[tilespmem:$0xA78] =	vst v0  }
0x8a: {  	[tilespmem:$0xA88] =	vst v0  }
0x8b: {  	[tilespmem:$0xA98] =	vst v0  }
0x8c: {  	[tilespmem:$0xAA8] =	vst v0  }
0x8d: {  	[tilespmem:$0xAB8] =	vst v0  }
0x8e: {  	[tilespmem:$0xAC8] =	vst v0  }
0x8f: {  	[tilespmem:$0xAD8] =	vst v0  }
0x90: {  	[tilespmem:$0xAE8] =	vst v0  }
0x91: {  	[tilespmem:$0xAF8] =	vst v0  }
0x92: {  	[tilespmem:$0xB08] =	vst v0  }
0x93: {  	[tilespmem:$0xB18] =	vst v0  }
0x94: {  	[tilespmem:$0xB28] =	vst v0  }
0x95: {  	[tilespmem:$0xB38] =	vst v0  }
0x96: {  	[tilespmem:$0xB48] =	vst v0  }
0x97: {  	[tilespmem:$0xB58] =	vst v0  }
0x98: {  	[tilespmem:$0xB68] =	vst v0  }
0x99: {  	[tilespmem:$0xB78] =	vst v0  }
0x9a: {  	[tilespmem:$0xB88] =	vst v0  }
0x9b: {  	[tilespmem:$0xB98] =	vst v0  }
0x9c: {  	[tilespmem:$0xBA8] =	vst v0  }
0x9d: {  	[tilespmem:$0xBB8] =	vst v0  }
0x9e: {  	[tilespmem:$0xBC8] =	vst v0  }
0x9f: {  	[tilespmem:$0xBD8] =	vst v0  }
0xa0: {  	[tilespmem:$0xBE8] =	vst v0  }
0xa1: {  	[tilespmem:$0xBF8] =	vst v0  }
0xa2: {  	[tilespmem:$0xC08] =	vst v0  }
0xa3: {  	[tilespmem:$0xC18] =	vst v0  }
0xa4: {  	[tilespmem:$0xC28] =	vst v0  }
0xa5: {  	[tilespmem:$0xC38] =	vst v0  }
0xa6: {  	[tilespmem:$0xC48] =	vst v0  }
0xa7: {  	[tilespmem:$0xC58] =	vst v0  }
0xa8: {  	[tilespmem:$0xC68] =	vst v0  }
0xa9: {  	[tilespmem:$0xC78] =	vst v0  }
0xaa: {  	[tilespmem:$0xC88] =	vst v0  }
0xab: {  	[tilespmem:$0xC98] =	vst v0  }
0xac: {  	[tilespmem:$0xCA8] =	vst v0  }
0xad: {  	[tilespmem:$0xCB8] =	vst v0  }
0xae: {  	[tilespmem:$0xCC8] =	vst v0  }
0xaf: {  	[tilespmem:$0xCD8] =	vst v0  }
0xb0: {  	[tilespmem:$0xCE8] =	vst v0  }
0xb1: {  	[tilespmem:$0xCF8] =	vst v0  }
0xb2: {  	[tilespmem:$0xD08] =	vst v0  }
0xb3: {  	[tilespmem:$0xD18] =	vst v0  }
0xb4: {  	[tilespmem:$0xD28] =	vst v0  }
0xb5: {  	[tilespmem:$0xD38] =	vst v0  }
0xb6: {  	[tilespmem:$0xD48] =	vst v0  }
0xb7: {  	[tilespmem:$0xD58] =	vst v0  }
0xb8: {  	[tilespmem:$0xD68] =	vst v0  }
0xb9: {  	[tilespmem:$0xD78] =	vst v0  }
0xba: {  	[tilespmem:$0xD88] =	vst v0  }
0xbb: {  	[tilespmem:$0xD98] =	vst v0  }
0xbc: {  	[tilespmem:$0xDA8] =	vst v0  }
0xbd: {  	[tilespmem:$0xDB8] =	vst v0  }
0xbe: {  	[tilespmem:$0xDC8] =	vst v0  }
0xbf: {  	[tilespmem:$0xDD8] =	vst v0  }
0xc0: {  	[tilespmem:$0xDE8] =	vst v0  }
0xc1: {  	[tilespmem:$0xDF8] =	vst v0  }
0xc2: {  	[tilespmem:$0xE08] =	vst v0  }
0xc3: {  	[tilespmem:$0xE18] =	vst v0  }
0xc4: {  	[tilespmem:$0xE28] =	vst v0  }
0xc5: {  	[tilespmem:$0xE38] =	vst v0  }
0xc6: {  	[tilespmem:$0xE48] =	vst v0  }
0xc7: {  	[tilespmem:$0xE58] =	vst v0  }
0xc8: {  	[tilespmem:$0xE68] =	vst v0  }
0xc9: {  	[tilespmem:$0xE78] =	vst v0  }
0xca: {  	[tilespmem:$0xE88] =	vst v0  }
0xcb: {  	[tilespmem:$0xE98] =	vst v0  }
0xcc: {  	[tilespmem:$0xEA8] =	vst v0  }
0xcd: {  	[tilespmem:$0xEB8] =	vst v0  }
0xce: {  	[tilespmem:$0xEC8] =	vst v0  }
0xcf: {  	[tilespmem:$0xED8] =	vst v0  }
0xd0: {  	[tilespmem:$0xEE8] =	vst v0  }
0xd1: {  	[tilespmem:$0xEF8] =	vst v0  }
0xd2: {  	[tilespmem:$0xF08] =	vst v0  }
0xd3: {  	[tilespmem:$0xF18] =	vst v0  }
0xd4: {  	[tilespmem:$0xF28] =	vst v0  }
0xd5: {  	[tilespmem:$0xF38] =	vst v0  }
0xd6: {  	[tilespmem:$0xF48] =	vst v0  }
0xd7: {  	[tilespmem:$0xF58] =	vst v0  }
0xd8: {  	[tilespmem:$0xF68] =	vst v0  }
0xd9: {  	[tilespmem:$0xF78] =	vst v0  }
0xda: {  	[tilespmem:$0xF88] =	vst v0  }
0xdb: {  	[tilespmem:$0xF98] =	vst v0  }
0xdc: {  	[tilespmem:$0xFA8] =	vst v0  }
0xdd: {  	[tilespmem:$0xFB8] =	vst v0  }
0xde: {  	[tilespmem:$0xFC8] =	vst v0  }
0xdf: {  	[tilespmem:$0xFD8] =	vst v0  }
0xe0: {  	[tilespmem:$0xFE8] =	vst v0  }
0xe1: {  	[tilespmem:$0xFF8] =	vst v0  }
0xe2: {  	[tilespmem:$0x1008] =	vst v0  }
0xe3: {  	[tilespmem:$0x1018] =	vst v0  }
0xe4: {  	[tilespmem:$0x1028] =	vst v0  }
0xe5: {  	[tilespmem:$0x1038] =	vst v0  }
0xe6: {  	[tilespmem:$0x1048] =	vst v0  }
0xe7: {  	[tilespmem:$0x1058] =	vst v0  }
0xe8: {  	[tilespmem:$0x1068] =	vst v0  }
0xe9: {  	[tilespmem:$0x1078] =	vst v0  }
0xea: {  	[tilespmem:$0x1088] =	vst v0  }
0xeb: {  	[tilespmem:$0x1098] =	vst v0  }
0xec: {  	[tilespmem:$0x10A8] =	vst v0  }
0xed: {  	[tilespmem:$0x10B8] =	vst v0  }
0xee: {  	[tilespmem:$0x10C8] =	vst v0  }
0xef: {  	[tilespmem:$0x10D8] =	vst v0  }
0xf0: {  	[tilespmem:$0x10E8] =	vst v0  }
0xf1: {  	[tilespmem:$0x10F8] =	vst v0  }
0xf2: {  	[tilespmem:$0x1108] =	vst v0  }
0xf3: {  	[tilespmem:$0x1118] =	vst v0  }
0xf4: {  	[tilespmem:$0x1128] =	vst v0  }
0xf5: {  	[tilespmem:$0x1138] =	vst v0  }
0xf6: {  	[tilespmem:$0x1148] =	vst v0  }
0xf7: {  	[tilespmem:$0x1158] =	vst v0  }
0xf8: {  	[tilespmem:$0x1168] =	vst v0  }
0xf9: {  	[tilespmem:$0x1178] =	vst v0  }
0xfa: {  	[tilespmem:$0x1188] =	vst v0  }
0xfb: {  	[tilespmem:$0x1198] =	vst v0  }
0xfc: {  	[tilespmem:$0x11A8] =	vst v0  }
0xfd: {  	[tilespmem:$0x11B8] =	vst v0  }
0xfe: {  	[tilespmem:$0x11C8] =	vst v0  }
0xff: {  	[tilespmem:$0x11D8] =	vst v0  }
0x100: {  	[tilespmem:$0x11E8] =	vst v0  }
0x101: {  	[tilespmem:$0x11F8] =	vst v0  }
0x102: {  	[tilespmem:$0x1208] =	vst v0  }
0x103: {  	[tilespmem:$0x1A18] =	vst v0  }
0x104: {  	[tilespmem:$0x1A08] =	vst v0  }
0x105: {  	[tilespmem:$0x19F8] =	vst v0  }
0x106: {  	[tilespmem:$0x1218] =	vst v0  }
0x107: {  	[tilespmem:$0x1228] =	vst v0  }
0x108: {  	[tilespmem:$0x1238] =	vst v0  }
0x109: {  	[tilespmem:$0x1248] =	vst v0  }
0x10a: {  	[tilespmem:$0x1258] =	vst v0  }
0x10b: {  	[tilespmem:$0x1268] =	vst v0  }
0x10c: {  	[tilespmem:$0x1278] =	vst v0  }
0x10d: {  	[tilespmem:$0x1288] =	vst v0  }
0x10e: {  	[tilespmem:$0x1298] =	vst v0  }
0x10f: {  	[tilespmem:$0x12A8] =	vst v0  }
0x110: {  	[tilespmem:$0x12B8] =	vst v0  }
0x111: {  	[tilespmem:$0x12C8] =	vst v0  }
0x112: {  	[tilespmem:$0x12D8] =	vst v0  }
0x113: {  	[tilespmem:$0x12E8] =	vst v0  }
0x114: {  	[tilespmem:$0x12F8] =	vst v0  }
0x115: {  	[tilespmem:$0x1308] =	vst v0  }
0x116: {  	[tilespmem:$0x1318] =	vst v0  }
0x117: {  	[tilespmem:$0x1328] =	vst v0  }
0x118: {  	[tilespmem:$0x1338] =	vst v0  }
0x119: {  	[tilespmem:$0x1348] =	vst v0  }
0x11a: {  	[tilespmem:$0x1358] =	vst v0  }
0x11b: {  	[tilespmem:$0x1368] =	vst v0  }
0x11c: {  	[tilespmem:$0x1378] =	vst v0  }
0x11d: {  	[tilespmem:$0x1388] =	vst v0  }
0x11e: {  	[tilespmem:$0x1398] =	vst v0  }
0x11f: {  	[tilespmem:$0x13A8] =	vst v0  }
0x120: {  	[tilespmem:$0x13B8] =	vst v0  }
0x121: {  	[tilespmem:$0x13C8] =	vst v0  }
0x122: {  	[tilespmem:$0x13D8] =	vst v0  }
0x123: {  	[tilespmem:$0x13E8] =	vst v0  }
0x124: {  	[tilespmem:$0x13F8] =	vst v0  }
0x125: {  	[tilespmem:$0x1408] =	vst v0  }
0x126: {  	[tilespmem:$0x1418] =	vst v0  }
0x127: {  	[tilespmem:$0x1428] =	vst v0  }
0x128: {  	[tilespmem:$0x1438] =	vst v0  }
0x129: {  	[tilespmem:$0x1448] =	vst v0  }
0x12a: {  	[tilespmem:$0x1458] =	vst v0  }
0x12b: {  	[tilespmem:$0x1468] =	vst v0  }
0x12c: {  	[tilespmem:$0x1478] =	vst v0  }
0x12d: {  	[tilespmem:$0x1488] =	vst v0  }
0x12e: {  	[tilespmem:$0x1498] =	vst v0  }
0x12f: {  	[tilespmem:$0x14A8] =	vst v0  }
0x130: {  	[tilespmem:$0x14B8] =	vst v0  }
0x131: {  	[tilespmem:$0x14C8] =	vst v0  }
0x132: {  	[tilespmem:$0x14D8] =	vst v0  }
0x133: {  	[tilespmem:$0x14E8] =	vst v0  }
0x134: {  	[tilespmem:$0x14F8] =	vst v0  }
0x135: {  	[tilespmem:$0x1508] =	vst v0  }
0x136: {  	[tilespmem:$0x1518] =	vst v0  }
0x137: {  	[tilespmem:$0x1528] =	vst v0  }
0x138: {  	[tilespmem:$0x1538] =	vst v0  }
0x139: {  	[tilespmem:$0x1548] =	vst v0  }
0x13a: {  	[tilespmem:$0x1558] =	vst v0  }
0x13b: {  	[tilespmem:$0x1568] =	vst v0  }
0x13c: {  	[tilespmem:$0x1578] =	vst v0  }
0x13d: {  	[tilespmem:$0x1588] =	vst v0  }
0x13e: {  	[tilespmem:$0x1598] =	vst v0  }
0x13f: {  	[tilespmem:$0x15A8] =	vst v0  }
0x140: {  	[tilespmem:$0x15B8] =	vst v0  }
0x141: {  	[tilespmem:$0x15C8] =	vst v0  }
0x142: {  	[tilespmem:$0x15D8] =	vst v0  }
0x143: {  	[tilespmem:$0x15E8] =	vst v0  }
0x144: {  	[tilespmem:$0x15F8] =	vst v0  }
0x145: {  	[tilespmem:$0x1608] =	vst v0  }
0x146: {  	[tilespmem:$0x1618] =	vst v0  }
0x147: {  	[tilespmem:$0x1628] =	vst v0  }
0x148: {  	[tilespmem:$0x1638] =	vst v0  }
0x149: {  	[tilespmem:$0x1648] =	vst v0  }
0x14a: {  	[tilespmem:$0x1658] =	vst v0  }
0x14b: {  	[tilespmem:$0x1668] =	vst v0  }
0x14c: {  	[tilespmem:$0x1678] =	vst v0  }
0x14d: {  	[tilespmem:$0x1688] =	vst v0  }
0x14e: {  	[tilespmem:$0x1698] =	vst v0  }
0x14f: {  	[tilespmem:$0x16A8] =	vst v0  }
0x150: {  	[tilespmem:$0x16B8] =	vst v0  }
0x151: {  	[tilespmem:$0x16C8] =	vst v0  }
0x152: {  	[tilespmem:$0x16D8] =	vst v0  }
0x153: {  	[tilespmem:$0x16E8] =	vst v0  }
0x154: {  	[tilespmem:$0x16F8] =	vst v0  }
0x155: {  	[tilespmem:$0x1708] =	vst v0  }
0x156: {  	[tilespmem:$0x1718] =	vst v0  }
0x157: {  	[tilespmem:$0x1728] =	vst v0  }
0x158: {  	[tilespmem:$0x1738] =	vst v0  }
0x159: {  	[tilespmem:$0x1748] =	vst v0  }
0x15a: {  	[tilespmem:$0x1758] =	vst v0  }
0x15b: {  	[tilespmem:$0x1768] =	vst v0  }
0x15c: {  	[tilespmem:$0x1778] =	vst v0  }
0x15d: {  	[tilespmem:$0x1788] =	vst v0  }
0x15e: {  	[tilespmem:$0x1798] =	vst v0  }
0x15f: {  	[tilespmem:$0x17A8] =	vst v0  }
0x160: {  	[tilespmem:$0x17B8] =	vst v0  }
0x161: {  	[tilespmem:$0x17C8] =	vst v0  }
0x162: {  	[tilespmem:$0x17D8] =	vst v0  }
0x163: {  	[tilespmem:$0x17E8] =	vst v0  }
0x164: {  	[tilespmem:$0x17F8] =	vst v0  }
0x165: {  	[tilespmem:$0x1808] =	vst v0  }
0x166: {  	[tilespmem:$0x1818] =	vst v0  }
0x167: {  	[tilespmem:$0x1828] =	vst v0  }
0x168: {  	[tilespmem:$0x1838] =	vst v0  }
0x169: {  	[tilespmem:$0x1848] =	vst v0  }
0x16a: {  	[tilespmem:$0x1858] =	vst v0  }
0x16b: {  	[tilespmem:$0x1868] =	vst v0  }
0x16c: {  	[tilespmem:$0x1878] =	vst v0  }
0x16d: {  	[tilespmem:$0x1888] =	vst v0  }
0x16e: {  	[tilespmem:$0x1898] =	vst v0  }
0x16f: {  	[tilespmem:$0x18A8] =	vst v0  }
0x170: {  	[tilespmem:$0x18B8] =	vst v0  }
0x171: {  	[tilespmem:$0x18C8] =	vst v0  }
0x172: {  	[tilespmem:$0x18D8] =	vst v0  }
0x173: {  	[tilespmem:$0x18E8] =	vst v0  }
0x174: {  	[tilespmem:$0x18F8] =	vst v0  }
0x175: {  	[tilespmem:$0x1908] =	vst v0  }
0x176: {  	[tilespmem:$0x1918] =	vst v0  }
0x177: {  	[tilespmem:$0x1928] =	vst v0  }
0x178: {  	[tilespmem:$0x1938] =	vst v0  }
0x179: {  	[tilespmem:$0x1948] =	vst v0  }
0x17a: {  	[tilespmem:$0x1958] =	vst v0  }
0x17b: {  	[tilespmem:$0x1968] =	vst v0  }
0x17c: {  	[tilespmem:$0x1978] =	vst v0  }
0x17d: {  	[tilespmem:$0x1988] =	vst v0  }
0x17e: {  	[tilespmem:$0x1998] =	vst v0  }
0x17f: {  	[tilespmem:$0x19A8] =	vst v0  }
0x180: {  	[tilespmem:$0x19B8] =	vst v0  }
0x181: {  	[tilespmem:$0x19C8] =	vst v0  }
0x182: {  	[tilespmem:$0x19D8] =	vst v0  }
0x183: {  	[tilespmem:$0x19E8] =	vst v0  }
0x184: {  	[tilespmem:$0x1A28] =	vst v0  }
0x185: {  	[tilespmem:$0x1A38] =	vst v0  }
0x186: {  	[tilespmem:$0x1A48] =	vst v0  }
0x187: {  	[tilespmem:$0x1A58] =	vst v0  }
0x188: {  	[tilespmem:$0x1A68] =	vst v0  }
0x189: {  	[tilespmem:$0x1A78] =	vst v0  }
0x18a: {  	[tilespmem:$0x1A88] =	vst v0  }
0x18b: {  	[tilespmem:$0x1A98] =	vst v0  }
0x18c: {  	[tilespmem:$0x1AA8] =	vst v0  }
0x18d: {  	[tilespmem:$0x1AB8] =	vst v0  }
0x18e: {  	[tilespmem:$0x1AC8] =	vst v0  }
0x18f: {  	[tilespmem:$0x1AD8] =	vst v0  }
0x190: {  	[tilespmem:$0x1AE8] =	vst v0  }
0x191: {  	[tilespmem:$0x1AF8] =	vst v0  }
0x192: {  	[tilespmem:$0x1B08] =	vst v0  }
0x193: {  	[tilespmem:$0x1B18] =	vst v0  }
0x194: {  	[tilespmem:$0x1B28] =	vst v0  }
0x195: {  	[tilespmem:$0x1B38] =	vst v0  }
0x196: {  	[tilespmem:$0x1B48] =	vst v0  }
0x197: {  	[tilespmem:$0x1B58] =	vst v0  }
0x198: {  	[tilespmem:$0x1B68] =	vst v0  }
0x199: {  	[tilespmem:$0x1B78] =	vst v0  }
0x19a: {  	[tilespmem:$0x1B88] =	vst v0  }
0x19b: {  	[tilespmem:$0x1B98] =	vst v0  }
0x19c: {  	[tilespmem:$0x1BA8] =	vst v0  }
0x19d: {  	[tilespmem:$0x1BB8] =	vst v0  }
0x19e: {  	[tilespmem:$0x1BC8] =	vst v0  }
0x19f: {  	[tilespmem:$0x1BD8] =	vst v0  }
0x1a0: {  	[tilespmem:$0x1BE8] =	vst v0  }
0x1a1: {  	[tilespmem:$0x1BF8] =	vst v0  }
0x1a2: {  	[tilespmem:$0x1C08] =	vst v0  }
0x1a3: {  	[tilespmem:$0x1C18] =	vst v0  }
0x1a4: {  	[tilespmem:$0x1C28] =	vst v0  }
0x1a5: {  	[tilespmem:$0x1C38] =	vst v0  }
0x1a6: {  	[tilespmem:$0x1C48] =	vst v0  }
0x1a7: {  	[tilespmem:$0x1C58] =	vst v0  }
0x1a8: {  	[tilespmem:$0x1C68] =	vst v0  }
0x1a9: {  	[tilespmem:$0x1C78] =	vst v0  }
0x1aa: {  	[tilespmem:$0x1C88] =	vst v0  }
0x1ab: {  	[tilespmem:$0x1C98] =	vst v0  }
0x1ac: {  	[tilespmem:$0x1CA8] =	vst v0  }
0x1ad: {  	[tilespmem:$0x1CB8] =	vst v0  }
0x1ae: {  	[tilespmem:$0x1CC8] =	vst v0  }
0x1af: {  	[tilespmem:$0x1CD8] =	vst v0  }
0x1b0: {  	[tilespmem:$0x1CE8] =	vst v0  }
0x1b1: {  	[tilespmem:$0x1CF8] =	vst v0  }
0x1b2: {  	[tilespmem:$0x1D08] =	vst v0  }
0x1b3: {  	[tilespmem:$0x1D18] =	vst v0  }
0x1b4: {  	[tilespmem:$0x1D28] =	vst v0  }
0x1b5: {  	[tilespmem:$0x1D38] =	vst v0  }
0x1b6: {  	[tilespmem:$0x1D48] =	vst v0  }
0x1b7: {  	[tilespmem:$0x1D58] =	vst v0  }
0x1b8: {  	[tilespmem:$0x1D68] =	vst v0  }
0x1b9: {  	[tilespmem:$0x1D78] =	vst v0  }
0x1ba: {  	[tilespmem:$0x1D88] =	vst v0  }
0x1bb: {  	[tilespmem:$0x1D98] =	vst v0  }
0x1bc: {  	[tilespmem:$0x1DA8] =	vst v0  }
0x1bd: {  	[tilespmem:$0x1DB8] =	vst v0  }
0x1be: {  	[tilespmem:$0x1DC8] =	vst v0  }
0x1bf: {  	[tilespmem:$0x1DD8] =	vst v0  }
0x1c0: {  	[tilespmem:$0x1DE8] =	vst v0  }
0x1c1: {  	[tilespmem:$0x1DF8] =	vst v0  }
0x1c2: {  	[tilespmem:$0x1E08] =	vst v0  }
0x1c3: {  	[tilespmem:$0x1E18] =	vst v0  }
0x1c4: {  	[tilespmem:$0x1E28] =	vst v0  }
0x1c5: {  	[tilespmem:$0x1E38] =	vst v0  }
0x1c6: {  	[tilespmem:$0x1E48] =	vst v0  }
0x1c7: {  	[tilespmem:$0x1E58] =	vst v0  }
0x1c8: {  	[tilespmem:$0x1E68] =	vst v0  }
0x1c9: {  	[tilespmem:$0x1E78] =	vst v0  }
0x1ca: {  	[tilespmem:$0x1E88] =	vst v0  }
0x1cb: {  	[tilespmem:$0x1E98] =	vst v0  }
0x1cc: {  	[tilespmem:$0x1EA8] =	vst v0  }
0x1cd: {  	[tilespmem:$0x1EB8] =	vst v0  }
0x1ce: {  	[tilespmem:$0x1EC8] =	vst v0  }
0x1cf: {  	[tilespmem:$0x1ED8] =	vst v0  }
0x1d0: {  	[tilespmem:$0x1EE8] =	vst v0  }
0x1d1: {  	[tilespmem:$0x1EF8] =	vst v0  }
0x1d2: {  	[tilespmem:$0x1F08] =	vst v0  }
0x1d3: {  	[tilespmem:$0x1F18] =	vst v0  }
0x1d4: {  	[tilespmem:$0x1F28] =	vst v0  }
0x1d5: {  	[tilespmem:$0x1F38] =	vst v0  }
0x1d6: {  	[tilespmem:$0x1F48] =	vst v0  }
0x1d7: {  	[tilespmem:$0x1F58] =	vst v0  }
0x1d8: {  	[tilespmem:$0x1F68] =	vst v0  }
0x1d9: {  	[tilespmem:$0x1F78] =	vst v0  }
0x1da: {  	[tilespmem:$0x1F88] =	vst v0  }
0x1db: {  	[tilespmem:$0x1F98] =	vst v0  }
0x1dc: {  	[tilespmem:$0x1FA8] =	vst v0  }
0x1dd: {  	[tilespmem:$0x1FB8] =	vst v0  }
0x1de: {  	[tilespmem:$0x1FC8] =	vst v0  }
0x1df: {  	[tilespmem:$0x1FD8] =	vst v0  }
0x1e0: {  	[tilespmem:$0x1FE8] =	vst v0  }
0x1e1: {  	[tilespmem:$0x1FF8] =	vst v0  }
0x1e2: {  	[tilespmem:$0x2008] =	vst v0  }
0x1e3: {  	[tilespmem:$0x2018] =	vst v0  }
0x1e4: {  	[tilespmem:$0x2028] =	vst v0  }
0x1e5: {  	[tilespmem:$0x2038] =	vst v0  }
0x1e6: {  	[tilespmem:$0x2048] =	vst v0  }
0x1e7: {  	[tilespmem:$0x2058] =	vst v0  }
0x1e8: {  	[tilespmem:$0x2068] =	vst v0  }
0x1e9: {  	[tilespmem:$0x2078] =	vst v0  }
0x1ea: {  	[tilespmem:$0x2088] =	vst v0  }
0x1eb: {  	[tilespmem:$0x2098] =	vst v0  }
0x1ec: {  	[tilespmem:$0x20A8] =	vst v0  }
0x1ed: {  	[tilespmem:$0x20B8] =	vst v0  }
0x1ee: {  	[tilespmem:$0x20C8] =	vst v0  }
0x1ef: {  	[tilespmem:$0x20D8] =	vst v0  }
0x1f0: {  	[tilespmem:$0x20E8] =	vst v0  }
0x1f1: {  	[tilespmem:$0x20F8] =	vst v0  }
0x1f2: {  	[tilespmem:$0x2108] =	vst v0  }
0x1f3: {  	[tilespmem:$0x2118] =	vst v0  }
0x1f4: {  	[tilespmem:$0x2128] =	vst v0  }
0x1f5: {  	[tilespmem:$0x2138] =	vst v0  }
0x1f6: {  	[tilespmem:$0x2148] =	vst v0  }
0x1f7: {  	[tilespmem:$0x2158] =	vst v0  }
0x1f8: {  	[tilespmem:$0x2168] =	vst v0  }
0x1f9: {  	[tilespmem:$0x2178] =	vst v0  }
0x1fa: {  	[tilespmem:$0x2188] =	vst v0  }
0x1fb: {  	[tilespmem:$0x2198] =	vst v0  }
0x1fc: {  	[tilespmem:$0x21A8] =	vst v0  }
0x1fd: {  	[tilespmem:$0x21B8] =	vst v0  }
0x1fe: {  	[tilespmem:$0x21C8] =	vst v0  }
0x1ff: {  	[tilespmem:$0x21D8] =	vst v0  }
0x200: {  	[tilespmem:$0x21E8] =	vst v0  }
0x201: {  	[tilespmem:$0x21F8] =	vst v0  }
0x202: {  	[tilespmem:$0x2208] =	vst v0  }
0x203: {  	[tilespmem:$0x2218] =	vst v0  }
0x204: {  	[tilespmem:$0x2228] =	vst v0  }
0x205: {  	[tilespmem:$0x2238] =	vst v0  }
0x206: {  	[tilespmem:$0x2248] =	vst v0  }
0x207: {  	[tilespmem:$0x2258] =	vst v0  }
0x208: {  	[tilespmem:$0x2268] =	vst v0  }
0x209: {  	[tilespmem:$0x2278] =	vst v0  }
0x20a: {  	[tilespmem:$0x2288] =	vst v0  }
0x20b: {  	[tilespmem:$0x2298] =	vst v0  }
0x20c: {  	[tilespmem:$0x22A8] =	vst v0  }
0x20d: {  	[tilespmem:$0x22B8] =	vst v0  }
0x20e: {  	[tilespmem:$0x22C8] =	vst v0  }
0x20f: {  	[tilespmem:$0x22D8] =	vst v0  }
0x210: {  	[tilespmem:$0x22E8] =	vst v0  }
0x211: {  	[tilespmem:$0x22F8] =	vst v0  }
0x212: {  	[tilespmem:$0x2308] =	vst v0  }
0x213: {  	[tilespmem:$0x2318] =	vst v0  }
0x214: {  	[tilespmem:$0x2328] =	vst v0  }
0x215: {  	[tilespmem:$0x2338] =	vst v0  }
0x216: {  	[tilespmem:$0x2348] =	vst v0  }
0x217: {  	[tilespmem:$0x2358] =	vst v0  }
0x218: {  	[tilespmem:$0x2368] =	vst v0  }
0x219: {  	[tilespmem:$0x2378] =	vst v0  }
0x21a: {  	[tilespmem:$0x2388] =	vst v0  }
0x21b: {  	[tilespmem:$0x2398] =	vst v0  }
0x21c: {  	[tilespmem:$0x23A8] =	vst v0  }
0x21d: {  	[tilespmem:$0x23B8] =	vst v0  }
0x21e: {  	[tilespmem:$0x23C8] =	vst v0  }
0x21f: {  	[tilespmem:$0x23D8] =	vst v0  }
0x220: {  	[tilespmem:$0x23E8] =	vst v0  }
0x221: {  	[tilespmem:$0x23F8] =	vst v0  }
0x222: {  	[tilespmem:$0x2408] =	vst v0  }
0x223: {  	[tilespmem:$0x2418] =	vst v0  }
0x224: {  	[tilespmem:$0x2428] =	vst v0  }
0x225: {  	[tilespmem:$0x2438] =	vst v0  }
0x226: {  	[tilespmem:$0x2448] =	vst v0  }
0x227: {  	[tilespmem:$0x2458] =	vst v0  }
0x228: {  	[tilespmem:$0x2468] =	vst v0  }
0x229: {  	[tilespmem:$0x2478] =	vst v0  }
0x22a: {  	[tilespmem:$0x2488] =	vst v0  }
0x22b: {  	[tilespmem:$0x2498] =	vst v0  }
0x22c: {  	[tilespmem:$0x24A8] =	vst v0  }
0x22d: {  	[tilespmem:$0x24B8] =	vst v0  }
0x22e: {  	[tilespmem:$0x24C8] =	vst v0  }
0x22f: {  	[tilespmem:$0x24D8] =	vst v0  }
0x230: {  	[tilespmem:$0x24E8] =	vst v0  }
0x231: {  	[tilespmem:$0x24F8] =	vst v0  }
0x232: {  	[tilespmem:$0x2508] =	vst v0  }
0x233: {  	[tilespmem:$0x2518] =	vst v0  }
0x234: {  	[tilespmem:$0x2528] =	vst v0  }
0x235: {  	[tilespmem:$0x2538] =	vst v0  }
0x236: {  	[tilespmem:$0x2548] =	vst v0  }
0x237: {  	[tilespmem:$0x2558] =	vst v0  }
0x238: {  	[tilespmem:$0x2568] =	vst v0  }
0x239: {  	[tilespmem:$0x2578] =	vst v0  }
0x23a: {  	[tilespmem:$0x2588] =	vst v0  }
0x23b: {  	[tilespmem:$0x2598] =	vst v0  }
0x23c: {  	[tilespmem:$0x25A8] =	vst v0  }
0x23d: {  	[tilespmem:$0x25B8] =	vst v0  }
0x23e: {  	[tilespmem:$0x25C8] =	vst v0  }
0x23f: {  	[tilespmem:$0x25D8] =	vst v0  }
0x240: {  	[tilespmem:$0x25E8] =	vst v0  }
0x241: {  	[tilespmem:$0x25F8] =	vst v0  }
0x242: {  	[tilespmem:$0x2608] =	vst v0  }
0x243: {  	[tilespmem:$0x2618] =	vst v0  }
0x244: {  	[tilespmem:$0x2628] =	vst v0  }
0x245: {  	[tilespmem:$0x2638] =	vst v0  }
0x246: {  	[tilespmem:$0x2648] =	vst v0  }
0x247: {  	[tilespmem:$0x2658] =	vst v0  }
0x248: {  	[tilespmem:$0x2668] =	vst v0  }
0x249: {  	[tilespmem:$0x2678] =	vst v0  }
0x24a: {  	[tilespmem:$0x2688] =	vst v0  }
0x24b: {  	[tilespmem:$0x2698] =	vst v0  }
0x24c: {  	[tilespmem:$0x26A8] =	vst v0  }
0x24d: {  	[tilespmem:$0x26B8] =	vst v0  }
0x24e: {  	[tilespmem:$0x26C8] =	vst v0  }
0x24f: {  	[tilespmem:$0x26D8] =	vst v0  }
0x250: {  	[tilespmem:$0x26E8] =	vst v0  }
0x251: {  	[tilespmem:$0x26F8] =	vst v0  }
0x252: {  	[tilespmem:$0x2708] =	vst v0  }
0x253: {  	[tilespmem:$0x2718] =	vst v0  }
0x254: {  	[tilespmem:$0x2728] =	vst v0  }
0x255: {  	[tilespmem:$0x2738] =	vst v0  }
0x256: {  	[tilespmem:$0x2748] =	vst v0  }
0x257: {  	[tilespmem:$0x2758] =	vst v0  }
0x258: {  	[tilespmem:$0x2768] =	vst v0  }
0x259: {  	[tilespmem:$0x2778] =	vst v0  }
0x25a: {  	[tilespmem:$0x2788] =	vst v0  }
0x25b: {  	[tilespmem:$0x2798] =	vst v0  }
0x25c: {  	[tilespmem:$0x27A8] =	vst v0  }
0x25d: {  	[tilespmem:$0x27B8] =	vst v0  }
0x25e: {  	[tilespmem:$0x27C8] =	vst v0  }
0x25f: {  	[tilespmem:$0x27D8] =	vst v0  }
0x260: {  	[tilespmem:$0x27E8] =	vst v0  }
0x261: {  	[tilespmem:$0x27F8] =	vst v0  }
0x262: {  	[tilespmem:$0x2808] =	vst v0  }
0x263: {  	[tilespmem:$0x2818] =	vst v0  }
0x264: {  	[tilespmem:$0x2828] =	vst v0  }
0x265: {  	[tilespmem:$0x2838] =	vst v0  }
0x266: {  	[tilespmem:$0x2848] =	vst v0  }
0x267: {  	[tilespmem:$0x2858] =	vst v0  }
0x268: {  	[tilespmem:$0x2868] =	vst v0  }
0x269: {  	[tilespmem:$0x2878] =	vst v0  }
0x26a: {  	[tilespmem:$0x2888] =	vst v0  }
0x26b: {  	[tilespmem:$0x2898] =	vst v0  }
0x26c: {  	[tilespmem:$0x28A8] =	vst v0  }
0x26d: {  	[tilespmem:$0x28B8] =	vst v0  }
0x26e: {  	[tilespmem:$0x28C8] =	vst v0  }
0x26f: {  	[tilespmem:$0x28D8] =	vst v0  }
0x270: {  	[tilespmem:$0x28E8] =	vst v0  }
0x271: {  	[tilespmem:$0x28F8] =	vst v0  }
0x272: {  	[tilespmem:$0x2908] =	vst v0  }
0x273: {  	[tilespmem:$0x2918] =	vst v0  }
0x274: {  	[tilespmem:$0x2928] =	vst v0  }
0x275: {  	[tilespmem:$0x2938] =	vst v0  }
0x276: {  	[tilespmem:$0x2948] =	vst v0  }
0x277: {  	[tilespmem:$0x2958] =	vst v0  }
0x278: {  	[tilespmem:$0x2968] =	vst v0  }
0x279: {  	[tilespmem:$0x2978] =	vst v0  }
0x27a: {  	[tilespmem:$0x2988] =	vst v0  }
0x27b: {  	[tilespmem:$0x2998] =	vst v0  }
0x27c: {  	[tilespmem:$0x29A8] =	vst v0  }
0x27d: {  	[tilespmem:$0x29B8] =	vst v0  }
0x27e: {  	[tilespmem:$0x29C8] =	vst v0  }
0x27f: {  	[tilespmem:$0x29D8] =	vst v0  }
0x280: {  	[tilespmem:$0x29E8] =	vst v0  }
0x281: {  	[tilespmem:$0x29F8] =	vst v0  }
0x282: {  	[tilespmem:$0x3928] =	vst v0  }
0x283: {  	[tilespmem:$0x3918] =	vst v0  }
0x284: {  	[tilespmem:$0x3908] =	vst v0  }
0x285: {  	[tilespmem:$0x3958] =	vst v0  }
0x286: {  	[tilespmem:$0x3948] =	vst v0  }
0x287: {  	[tilespmem:$0x3938] =	vst v0  }
0x288: {  	[tilespmem:$0x2A08] =	vst v0  }
0x289: {  	[tilespmem:$0x2A18] =	vst v0  }
0x28a: {  	[tilespmem:$0x2A28] =	vst v0  }
0x28b: {  	[tilespmem:$0x2A38] =	vst v0  }
0x28c: {  	[tilespmem:$0x2A48] =	vst v0  }
0x28d: {  	[tilespmem:$0x2A58] =	vst v0  }
0x28e: {  	[tilespmem:$0x2A68] =	vst v0  }
0x28f: {  	[tilespmem:$0x2A78] =	vst v0  }
0x290: {  	[tilespmem:$0x2A88] =	vst v0  }
0x291: {  	[tilespmem:$0x2A98] =	vst v0  }
0x292: {  	[tilespmem:$0x2AA8] =	vst v0  }
0x293: {  	[tilespmem:$0x2AB8] =	vst v0  }
0x294: {  	[tilespmem:$0x2AC8] =	vst v0  }
0x295: {  	[tilespmem:$0x2AD8] =	vst v0  }
0x296: {  	[tilespmem:$0x2AE8] =	vst v0  }
0x297: {  	[tilespmem:$0x2AF8] =	vst v0  }
0x298: {  	[tilespmem:$0x2B08] =	vst v0  }
0x299: {  	[tilespmem:$0x2B18] =	vst v0  }
0x29a: {  	[tilespmem:$0x2B28] =	vst v0  }
0x29b: {  	[tilespmem:$0x2B38] =	vst v0  }
0x29c: {  	[tilespmem:$0x2B48] =	vst v0  }
0x29d: {  	[tilespmem:$0x2B58] =	vst v0  }
0x29e: {  	[tilespmem:$0x2B68] =	vst v0  }
0x29f: {  	[tilespmem:$0x2B78] =	vst v0  }
0x2a0: {  	[tilespmem:$0x2B88] =	vst v0  }
0x2a1: {  	[tilespmem:$0x2B98] =	vst v0  }
0x2a2: {  	[tilespmem:$0x2BA8] =	vst v0  }
0x2a3: {  	[tilespmem:$0x2BB8] =	vst v0  }
0x2a4: {  	[tilespmem:$0x2BC8] =	vst v0  }
0x2a5: {  	[tilespmem:$0x2BD8] =	vst v0  }
0x2a6: {  	[tilespmem:$0x2BE8] =	vst v0  }
0x2a7: {  	[tilespmem:$0x2BF8] =	vst v0  }
0x2a8: {  	[tilespmem:$0x2C08] =	vst v0  }
0x2a9: {  	[tilespmem:$0x2C18] =	vst v0  }
0x2aa: {  	[tilespmem:$0x2C28] =	vst v0  }
0x2ab: {  	[tilespmem:$0x2C38] =	vst v0  }
0x2ac: {  	[tilespmem:$0x2C48] =	vst v0  }
0x2ad: {  	[tilespmem:$0x2C58] =	vst v0  }
0x2ae: {  	[tilespmem:$0x2C68] =	vst v0  }
0x2af: {  	[tilespmem:$0x2C78] =	vst v0  }
0x2b0: {  	[tilespmem:$0x2C88] =	vst v0  }
0x2b1: {  	[tilespmem:$0x2C98] =	vst v0  }
0x2b2: {  	[tilespmem:$0x2CA8] =	vst v0  }
0x2b3: {  	[tilespmem:$0x2CB8] =	vst v0  }
0x2b4: {  	[tilespmem:$0x2CC8] =	vst v0  }
0x2b5: {  	[tilespmem:$0x2CD8] =	vst v0  }
0x2b6: {  	[tilespmem:$0x2CE8] =	vst v0  }
0x2b7: {  	[tilespmem:$0x2CF8] =	vst v0  }
0x2b8: {  	[tilespmem:$0x2D08] =	vst v0  }
0x2b9: {  	[tilespmem:$0x2D18] =	vst v0  }
0x2ba: {  	[tilespmem:$0x2D28] =	vst v0  }
0x2bb: {  	[tilespmem:$0x2D38] =	vst v0  }
0x2bc: {  	[tilespmem:$0x2D48] =	vst v0  }
0x2bd: {  	[tilespmem:$0x2D58] =	vst v0  }
0x2be: {  	[tilespmem:$0x2D68] =	vst v0  }
0x2bf: {  	[tilespmem:$0x2D78] =	vst v0  }
0x2c0: {  	[tilespmem:$0x2D88] =	vst v0  }
0x2c1: {  	[tilespmem:$0x2D98] =	vst v0  }
0x2c2: {  	[tilespmem:$0x2DA8] =	vst v0  }
0x2c3: {  	[tilespmem:$0x2DB8] =	vst v0  }
0x2c4: {  	[tilespmem:$0x2DC8] =	vst v0  }
0x2c5: {  	[tilespmem:$0x2DD8] =	vst v0  }
0x2c6: {  	[tilespmem:$0x2DE8] =	vst v0  }
0x2c7: {  	[tilespmem:$0x2DF8] =	vst v0  }
0x2c8: {  	[tilespmem:$0x2E08] =	vst v0  }
0x2c9: {  	[tilespmem:$0x2E18] =	vst v0  }
0x2ca: {  	[tilespmem:$0x2E28] =	vst v0  }
0x2cb: {  	[tilespmem:$0x2E38] =	vst v0  }
0x2cc: {  	[tilespmem:$0x2E48] =	vst v0  }
0x2cd: {  	[tilespmem:$0x2E58] =	vst v0  }
0x2ce: {  	[tilespmem:$0x2E68] =	vst v0  }
0x2cf: {  	[tilespmem:$0x2E78] =	vst v0  }
0x2d0: {  	[tilespmem:$0x2E88] =	vst v0  }
0x2d1: {  	[tilespmem:$0x2E98] =	vst v0  }
0x2d2: {  	[tilespmem:$0x2EA8] =	vst v0  }
0x2d3: {  	[tilespmem:$0x2EB8] =	vst v0  }
0x2d4: {  	[tilespmem:$0x2EC8] =	vst v0  }
0x2d5: {  	[tilespmem:$0x2ED8] =	vst v0  }
0x2d6: {  	[tilespmem:$0x2EE8] =	vst v0  }
0x2d7: {  	[tilespmem:$0x2EF8] =	vst v0  }
0x2d8: {  	[tilespmem:$0x2F08] =	vst v0  }
0x2d9: {  	[tilespmem:$0x2F18] =	vst v0  }
0x2da: {  	[tilespmem:$0x2F28] =	vst v0  }
0x2db: {  	[tilespmem:$0x2F38] =	vst v0  }
0x2dc: {  	[tilespmem:$0x2F48] =	vst v0  }
0x2dd: {  	[tilespmem:$0x2F58] =	vst v0  }
0x2de: {  	[tilespmem:$0x2F68] =	vst v0  }
0x2df: {  	[tilespmem:$0x2F78] =	vst v0  }
0x2e0: {  	[tilespmem:$0x2F88] =	vst v0  }
0x2e1: {  	[tilespmem:$0x2F98] =	vst v0  }
0x2e2: {  	[tilespmem:$0x2FA8] =	vst v0  }
0x2e3: {  	[tilespmem:$0x2FB8] =	vst v0  }
0x2e4: {  	[tilespmem:$0x2FC8] =	vst v0  }
0x2e5: {  	[tilespmem:$0x2FD8] =	vst v0  }
0x2e6: {  	[tilespmem:$0x2FE8] =	vst v0  }
0x2e7: {  	[tilespmem:$0x2FF8] =	vst v0  }
0x2e8: {  	[tilespmem:$0x3008] =	vst v0  }
0x2e9: {  	[tilespmem:$0x3018] =	vst v0  }
0x2ea: {  	[tilespmem:$0x3028] =	vst v0  }
0x2eb: {  	[tilespmem:$0x3038] =	vst v0  }
0x2ec: {  	[tilespmem:$0x3048] =	vst v0  }
0x2ed: {  	[tilespmem:$0x3058] =	vst v0  }
0x2ee: {  	[tilespmem:$0x3068] =	vst v0  }
0x2ef: {  	[tilespmem:$0x3078] =	vst v0  }
0x2f0: {  	[tilespmem:$0x3088] =	vst v0  }
0x2f1: {  	[tilespmem:$0x3098] =	vst v0  }
0x2f2: {  	[tilespmem:$0x30A8] =	vst v0  }
0x2f3: {  	[tilespmem:$0x30B8] =	vst v0  }
0x2f4: {  	[tilespmem:$0x30C8] =	vst v0  }
0x2f5: {  	[tilespmem:$0x30D8] =	vst v0  }
0x2f6: {  	[tilespmem:$0x30E8] =	vst v0  }
0x2f7: {  	[tilespmem:$0x30F8] =	vst v0  }
0x2f8: {  	[tilespmem:$0x3108] =	vst v0  }
0x2f9: {  	[tilespmem:$0x3118] =	vst v0  }
0x2fa: {  	[tilespmem:$0x3128] =	vst v0  }
0x2fb: {  	[tilespmem:$0x3138] =	vst v0  }
0x2fc: {  	[tilespmem:$0x3148] =	vst v0  }
0x2fd: {  	[tilespmem:$0x3158] =	vst v0  }
0x2fe: {  	[tilespmem:$0x3168] =	vst v0  }
0x2ff: {  	[tilespmem:$0x3178] =	vst v0  }
0x300: {  	[tilespmem:$0x3188] =	vst v0  }
0x301: {  	[tilespmem:$0x3198] =	vst v0  }
0x302: {  	[tilespmem:$0x31A8] =	vst v0  }
0x303: {  	[tilespmem:$0x31B8] =	vst v0  }
0x304: {  	[tilespmem:$0x31C8] =	vst v0  }
0x305: {  	[tilespmem:$0x31D8] =	vst v0  }
0x306: {  	[tilespmem:$0x31E8] =	vst v0  }
0x307: {  	[tilespmem:$0x31F8] =	vst v0  }
0x308: {  	[tilespmem:$0x3208] =	vst v0  }
0x309: {  	[tilespmem:$0x3218] =	vst v0  }
0x30a: {  	[tilespmem:$0x3228] =	vst v0  }
0x30b: {  	[tilespmem:$0x3238] =	vst v0  }
0x30c: {  	[tilespmem:$0x3248] =	vst v0  }
0x30d: {  	[tilespmem:$0x3258] =	vst v0  }
0x30e: {  	[tilespmem:$0x3268] =	vst v0  }
0x30f: {  	[tilespmem:$0x3278] =	vst v0  }
0x310: {  	[tilespmem:$0x3288] =	vst v0  }
0x311: {  	[tilespmem:$0x3298] =	vst v0  }
0x312: {  	[tilespmem:$0x32A8] =	vst v0  }
0x313: {  	[tilespmem:$0x32B8] =	vst v0  }
0x314: {  	[tilespmem:$0x32C8] =	vst v0  }
0x315: {  	[tilespmem:$0x32D8] =	vst v0  }
0x316: {  	[tilespmem:$0x32E8] =	vst v0  }
0x317: {  	[tilespmem:$0x32F8] =	vst v0  }
0x318: {  	[tilespmem:$0x3308] =	vst v0  }
0x319: {  	[tilespmem:$0x3318] =	vst v0  }
0x31a: {  	[tilespmem:$0x3328] =	vst v0  }
0x31b: {  	[tilespmem:$0x3338] =	vst v0  }
0x31c: {  	[tilespmem:$0x3348] =	vst v0  }
0x31d: {  	[tilespmem:$0x3358] =	vst v0  }
0x31e: {  	[tilespmem:$0x3368] =	vst v0  }
0x31f: {  	[tilespmem:$0x3378] =	vst v0  }
0x320: {  	[tilespmem:$0x3388] =	vst v0  }
0x321: {  	[tilespmem:$0x3398] =	vst v0  }
0x322: {  	[tilespmem:$0x33A8] =	vst v0  }
0x323: {  	[tilespmem:$0x33B8] =	vst v0  }
0x324: {  	[tilespmem:$0x33C8] =	vst v0  }
0x325: {  	[tilespmem:$0x33D8] =	vst v0  }
0x326: {  	[tilespmem:$0x33E8] =	vst v0  }
0x327: {  	[tilespmem:$0x33F8] =	vst v0  }
0x328: {  	[tilespmem:$0x3408] =	vst v0  }
0x329: {  	[tilespmem:$0x3418] =	vst v0  }
0x32a: {  	[tilespmem:$0x3428] =	vst v0  }
0x32b: {  	[tilespmem:$0x3438] =	vst v0  }
0x32c: {  	[tilespmem:$0x3448] =	vst v0  }
0x32d: {  	[tilespmem:$0x3458] =	vst v0  }
0x32e: {  	[tilespmem:$0x3468] =	vst v0  }
0x32f: {  	[tilespmem:$0x3478] =	vst v0  }
0x330: {  	[tilespmem:$0x3488] =	vst v0  }
0x331: {  	[tilespmem:$0x3498] =	vst v0  }
0x332: {  	[tilespmem:$0x34A8] =	vst v0  }
0x333: {  	[tilespmem:$0x34B8] =	vst v0  }
0x334: {  	[tilespmem:$0x34C8] =	vst v0  }
0x335: {  	[tilespmem:$0x34D8] =	vst v0  }
0x336: {  	[tilespmem:$0x34E8] =	vst v0  }
0x337: {  	[tilespmem:$0x34F8] =	vst v0  }
0x338: {  	[tilespmem:$0x3508] =	vst v0  }
0x339: {  	[tilespmem:$0x3518] =	vst v0  }
0x33a: {  	[tilespmem:$0x3528] =	vst v0  }
0x33b: {  	[tilespmem:$0x3538] =	vst v0  }
0x33c: {  	[tilespmem:$0x3548] =	vst v0  }
0x33d: {  	[tilespmem:$0x3558] =	vst v0  }
0x33e: {  	[tilespmem:$0x3568] =	vst v0  }
0x33f: {  	[tilespmem:$0x3578] =	vst v0  }
0x340: {  	[tilespmem:$0x3588] =	vst v0  }
0x341: {  	[tilespmem:$0x3598] =	vst v0  }
0x342: {  	[tilespmem:$0x35A8] =	vst v0  }
0x343: {  	[tilespmem:$0x35B8] =	vst v0  }
0x344: {  	[tilespmem:$0x35C8] =	vst v0  }
0x345: {  	[tilespmem:$0x35D8] =	vst v0  }
0x346: {  	[tilespmem:$0x35E8] =	vst v0  }
0x347: {  	[tilespmem:$0x35F8] =	vst v0  }
0x348: {  	[tilespmem:$0x3608] =	vst v0  }
0x349: {  	[tilespmem:$0x3618] =	vst v0  }
0x34a: {  	[tilespmem:$0x3628] =	vst v0  }
0x34b: {  	[tilespmem:$0x3638] =	vst v0  }
0x34c: {  	[tilespmem:$0x3648] =	vst v0  }
0x34d: {  	[tilespmem:$0x3658] =	vst v0  }
0x34e: {  	[tilespmem:$0x3668] =	vst v0  }
0x34f: {  	[tilespmem:$0x3678] =	vst v0  }
0x350: {  	[tilespmem:$0x3688] =	vst v0  }
0x351: {  	[tilespmem:$0x3698] =	vst v0  }
0x352: {  	[tilespmem:$0x36A8] =	vst v0  }
0x353: {  	[tilespmem:$0x36B8] =	vst v0  }
0x354: {  	[tilespmem:$0x36C8] =	vst v0  }
0x355: {  	[tilespmem:$0x36D8] =	vst v0  }
0x356: {  	[tilespmem:$0x36E8] =	vst v0  }
0x357: {  	[tilespmem:$0x36F8] =	vst v0  }
0x358: {  	[tilespmem:$0x3708] =	vst v0  }
0x359: {  	[tilespmem:$0x3718] =	vst v0  }
0x35a: {  	[tilespmem:$0x3728] =	vst v0  }
0x35b: {  	[tilespmem:$0x3738] =	vst v0  }
0x35c: {  	[tilespmem:$0x3748] =	vst v0  }
0x35d: {  	[tilespmem:$0x3758] =	vst v0  }
0x35e: {  	[tilespmem:$0x3768] =	vst v0  }
0x35f: {  	[tilespmem:$0x3778] =	vst v0  }
0x360: {  	[tilespmem:$0x3788] =	vst v0  }
0x361: {  	[tilespmem:$0x3798] =	vst v0  }
0x362: {  	[tilespmem:$0x37A8] =	vst v0  }
0x363: {  	[tilespmem:$0x37B8] =	vst v0  }
0x364: {  	[tilespmem:$0x37C8] =	vst v0  }
0x365: {  	[tilespmem:$0x37D8] =	vst v0  }
0x366: {  	[tilespmem:$0x37E8] =	vst v0  }
0x367: {  	[tilespmem:$0x37F8] =	vst v0  }
0x368: {  	[tilespmem:$0x3808] =	vst v0  }
0x369: {  	[tilespmem:$0x3818] =	vst v0  }
0x36a: {  	[tilespmem:$0x3828] =	vst v0  }
0x36b: {  	[tilespmem:$0x3838] =	vst v0  }
0x36c: {  	[tilespmem:$0x3848] =	vst v0  }
0x36d: {  	[tilespmem:$0x3858] =	vst v0  }
0x36e: {  	[tilespmem:$0x3868] =	vst v0  }
0x36f: {  	[tilespmem:$0x3878] =	vst v0  }
0x370: {  	[tilespmem:$0x3888] =	vst v0  }
0x371: {  	[tilespmem:$0x3898] =	vst v0  }
0x372: {  	[tilespmem:$0x38A8] =	vst v0  }
0x373: {  	[tilespmem:$0x38B8] =	vst v0  }
0x374: {  	[tilespmem:$0x38C8] =	vst v0  }
0x375: {  	[tilespmem:$0x38D8] =	vst v0  }
0x376: {  	[tilespmem:$0x38E8] =	vst v0  }
0x377: {  	[tilespmem:$0x38F8] =	vst v0  }
0x378: {  	[tilespmem:$0x3968] =	vst v0  }
0x379: {  	[tilespmem:$0x3978] =	vst v0  }
0x37a: {  	[tilespmem:$0x3988] =	vst v0  }
0x37b: {  	[tilespmem:$0x3998] =	vst v0  }
0x37c: {  	[tilespmem:$0x39A8] =	vst v0  }
0x37d: {  	[tilespmem:$0x39B8] =	vst v0  }
0x37e: {  	[tilespmem:$0x39C8] =	vst v0  }
0x37f: {  	[tilespmem:$0x39D8] =	vst v0  }
0x380: {  	[tilespmem:$0x39E8] =	vst v0  }
0x381: {  	[tilespmem:$0x39F8] =	vst v0  }
0x382: {  	[tilespmem:$0x3A08] =	vst v0  }
0x383: {  	[tilespmem:$0x3A18] =	vst v0  }
0x384: {  	[tilespmem:$0x3A28] =	vst v0  }
0x385: {  	[tilespmem:$0x3A38] =	vst v0  }
0x386: {  	[tilespmem:$0x3A48] =	vst v0  }
0x387: {  	[tilespmem:$0x3A58] =	vst v0  }
0x388: {  	[tilespmem:$0x3A68] =	vst v0  }
0x389: {  	[tilespmem:$0x3A78] =	vst v0  }
0x38a: {  	[tilespmem:$0x3A88] =	vst v0  }
0x38b: {  	[tilespmem:$0x3A98] =	vst v0  }
0x38c: {  	[tilespmem:$0x3AA8] =	vst v0  }
0x38d: {  	[tilespmem:$0x3AB8] =	vst v0  }
0x38e: {  	[tilespmem:$0x3AC8] =	vst v0  }
0x38f: {  	[tilespmem:$0x3AD8] =	vst v0  }
0x390: {  	[tilespmem:$0x3AE8] =	vst v0  }
0x391: {  	[tilespmem:$0x3AF8] =	vst v0  }
0x392: {  	[tilespmem:$0x3B08] =	vst v0  }
0x393: {  	[tilespmem:$0x3B18] =	vst v0  }
0x394: {  	[tilespmem:$0x3B28] =	vst v0  }
0x395: {  	[tilespmem:$0x3B38] =	vst v0  }
0x396: {  	[tilespmem:$0x3B48] =	vst v0  }
0x397: {  	[tilespmem:$0x3B58] =	vst v0  }
0x398: {  	[tilespmem:$0x3B68] =	vst v0  }
0x399: {  	[tilespmem:$0x3B78] =	vst v0  }
0x39a: {  	[tilespmem:$0x3B88] =	vst v0  }
0x39b: {  	[tilespmem:$0x3B98] =	vst v0  }
0x39c: {  	[tilespmem:$0x3BA8] =	vst v0  }
0x39d: {  	[tilespmem:$0x3BB8] =	vst v0  }
0x39e: {  	[tilespmem:$0x3BC8] =	vst v0  }
0x39f: {  	[tilespmem:$0x3BD8] =	vst v0  }
0x3a0: {  	[tilespmem:$0x3BE8] =	vst v0  }
0x3a1: {  	[tilespmem:$0x3BF8] =	vst v0  }
0x3a2: {  	[tilespmem:$0x3C08] =	vst v0  }
0x3a3: {  	[tilespmem:$0x3C18] =	vst v0  }
0x3a4: {  	[tilespmem:$0x3C28] =	vst v0  }
0x3a5: {  	[tilespmem:$0x3C38] =	vst v0  }
0x3a6: {  	[tilespmem:$0x3C48] =	vst v0  }
0x3a7: {  	[tilespmem:$0x3C58] =	vst v0  }
0x3a8: {  	[tilespmem:$0x3C68] =	vst v0  }
0x3a9: {  	[tilespmem:$0x3C78] =	vst v0  }
0x3aa: {  	[tilespmem:$0x3C88] =	vst v0  }
0x3ab: {  	[tilespmem:$0x3C98] =	vst v0  }
0x3ac: {  	[tilespmem:$0x3CA8] =	vst v0  }
0x3ad: {  	[tilespmem:$0x3CB8] =	vst v0  }
0x3ae: {  	[tilespmem:$0x3CC8] =	vst v0  }
0x3af: {  	[tilespmem:$0x3CD8] =	vst v0  }
0x3b0: {  	[tilespmem:$0x3CE8] =	vst v0  }
0x3b1: {  	[tilespmem:$0x3CF8] =	vst v0  }
0x3b2: {  	[tilespmem:$0x3D08] =	vst v0  }
0x3b3: {  	[tilespmem:$0x3D18] =	vst v0  }
0x3b4: {  	[tilespmem:$0x3D28] =	vst v0  }
0x3b5: {  	[tilespmem:$0x3D38] =	vst v0  }
0x3b6: {  	[tilespmem:$0x3D48] =	vst v0  }
0x3b7: {  	[tilespmem:$0x3D58] =	vst v0  }
0x3b8: {  	[tilespmem:$0x3D68] =	vst v0  }
0x3b9: {  	[tilespmem:$0x3D78] =	vst v0  }
0x3ba: {  	[tilespmem:$0x3D88] =	vst v0  }
0x3bb: {  	[tilespmem:$0x3D98] =	vst v0  }
0x3bc: {  	[tilespmem:$0x3DA8] =	vst v0  }
0x3bd: {  	[tilespmem:$0x3DB8] =	vst v0  }
0x3be: {  	[tilespmem:$0x3DC8] =	vst v0  }
0x3bf: {  	[tilespmem:$0x3DD8] =	vst v0  }
0x3c0: {  	[tilespmem:$0x3DE8] =	vst v0  }
0x3c1: {  	[tilespmem:$0x3DF8] =	vst v0  }
0x3c2: {  	[tilespmem:$0x3E08] =	vst v0  }
0x3c3: {  	[tilespmem:$0x3E18] =	vst v0  }
0x3c4: {  	[tilespmem:$0x3E28] =	vst v0  }
0x3c5: {  	[tilespmem:$0x3E38] =	vst v0  }
0x3c6: {  	[tilespmem:$0x3E48] =	vst v0  }
0x3c7: {  	[tilespmem:$0x3E58] =	vst v0  }
0x3c8: {  	[tilespmem:$0x3E68] =	vst v0  }
0x3c9: {  	[tilespmem:$0x3E78] =	vst v0  }
0x3ca: {  	[tilespmem:$0x3E88] =	vst v0  }
0x3cb: {  	[tilespmem:$0x3E98] =	vst v0  }
0x3cc: {  	[tilespmem:$0x3EA8] =	vst v0  }
0x3cd: {  	[tilespmem:$0x3EB8] =	vst v0  }
0x3ce: {  	[tilespmem:$0x3EC8] =	vst v0  }
0x3cf: {  	[tilespmem:$0x3ED8] =	vst v0  }
0x3d0: {  	[tilespmem:$0x3EE8] =	vst v0  }
0x3d1: {  	[tilespmem:$0x3EF8] =	vst v0  }
0x3d2: {  	[tilespmem:$0x3F08] =	vst v0  }
0x3d3: {  	[tilespmem:$0x3F18] =	vst v0  }
0x3d4: {  	[tilespmem:$0x3F28] =	vst v0  }
0x3d5: {  	[tilespmem:$0x3F38] =	vst v0  }
0x3d6: {  	[tilespmem:$0x3F48] =	vst v0  }
0x3d7: {  	[tilespmem:$0x3F58] =	vst v0  }
0x3d8: {  	[tilespmem:$0x3F68] =	vst v0  }
0x3d9: {  	[tilespmem:$0x3F78] =	vst v0  }
0x3da: {  	[tilespmem:$0x3F88] =	vst v0  }
0x3db: {  	[tilespmem:$0x3F98] =	vst v0  }
0x3dc: {  	[tilespmem:$0x3FA8] =	vst v0  }
0x3dd: {  	[tilespmem:$0x3FB8] =	vst v0  }
0x3de: {  	[tilespmem:$0x3FC8] =	vst v0  }
0x3df: {  	[tilespmem:$0x3FD8] =	vst v0  }
0x3e0: {  	[tilespmem:$0x3FE8] =	vst v0  }
0x3e1: {  	[tilespmem:$0x3FF8] =	vst v0  }
0x3e2: {  	[tilespmem:$0x4008] =	vst v0  }
0x3e3: {  	[tilespmem:$0x4018] =	vst v0  }
0x3e4: {  	[tilespmem:$0x4028] =	vst v0  }
0x3e5: {  	[tilespmem:$0x4038] =	vst v0  }
0x3e6: {  	[tilespmem:$0x4048] =	vst v0  }
0x3e7: {  	[tilespmem:$0x4058] =	vst v0  }
0x3e8: {  	[tilespmem:$0x4068] =	vst v0  }
0x3e9: {  	[tilespmem:$0x4078] =	vst v0  }
0x3ea: {  	[tilespmem:$0x4088] =	vst v0  }
0x3eb: {  	[tilespmem:$0x4098] =	vst v0  }
0x3ec: {  	[tilespmem:$0x40A8] =	vst v0  }
0x3ed: {  	[tilespmem:$0x40B8] =	vst v0  }
0x3ee: {  	[tilespmem:$0x40C8] =	vst v0  }
0x3ef: {  	[tilespmem:$0x40D8] =	vst v0  }
0x3f0: {  	[tilespmem:$0x40E8] =	vst v0  }
0x3f1: {  	[tilespmem:$0x40F8] =	vst v0  }
0x3f2: {  	[tilespmem:$0x4108] =	vst v0  }
0x3f3: {  	[tilespmem:$0x4118] =	vst v0  }
0x3f4: {  	[tilespmem:$0x4128] =	vst v0  }
0x3f5: {  	[tilespmem:$0x4138] =	vst v0  }
0x3f6: {  	[tilespmem:$0x4148] =	vst v0  }
0x3f7: {  	[tilespmem:$0x4158] =	vst v0  }
0x3f8: {  	[tilespmem:$0x4168] =	vst v0  }
0x3f9: {  	[tilespmem:$0x4178] =	vst v0  }
0x3fa: {  	[tilespmem:$0x4188] =	vst v0  }
0x3fb: {  	[tilespmem:$0x4198] =	vst v0  }
0x3fc: {  	[tilespmem:$0x41A8] =	vst v0  }
0x3fd: {  	[tilespmem:$0x41B8] =	vst v0  }
0x3fe: {  	[tilespmem:$0x41C8] =	vst v0  }
0x3ff: {  	[tilespmem:$0x41D8] =	vst v0  }
0x400: {  	[tilespmem:$0x41E8] =	vst v0  }
0x401: {  	[tilespmem:$0x41F8] =	vst v0  }
0x402: {  	[tilespmem:$0x4208] =	vst v0  }
0x403: {  	[tilespmem:$0x4218] =	vst v0  }
0x404: {  	[tilespmem:$0x4228] =	vst v0  }
0x405: {  	[tilespmem:$0x4238] =	vst v0  }
0x406: {  	[tilespmem:$0x4248] =	vst v0  }
0x407: {  	[tilespmem:$0x4258] =	vst v0  }
0x408: {  	[tilespmem:$0x4268] =	vst v0  }
0x409: {  	[tilespmem:$0x4278] =	vst v0  }
0x40a: {  	[tilespmem:$0x4288] =	vst v0  }
0x40b: {  	[tilespmem:$0x4298] =	vst v0  }
0x40c: {  	[tilespmem:$0x42A8] =	vst v0  }
0x40d: {  	[tilespmem:$0x42B8] =	vst v0  }
0x40e: {  	[tilespmem:$0x42C8] =	vst v0  }
0x40f: {  	[tilespmem:$0x42D8] =	vst v0  }
0x410: {  	[tilespmem:$0x42E8] =	vst v0  }
0x411: {  	[tilespmem:$0x42F8] =	vst v0  }
0x412: {  	[tilespmem:$0x4308] =	vst v0  }
0x413: {  	[tilespmem:$0x4318] =	vst v0  }
0x414: {  	[tilespmem:$0x4328] =	vst v0  }
0x415: {  	[tilespmem:$0x4338] =	vst v0  }
0x416: {  	[tilespmem:$0x4348] =	vst v0  }
0x417: {  	[tilespmem:$0x4358] =	vst v0  }
0x418: {  	[tilespmem:$0x4368] =	vst v0  }
0x419: {  	[tilespmem:$0x4378] =	vst v0  }
0x41a: {  	[tilespmem:$0x4388] =	vst v0  }
0x41b: {  	[tilespmem:$0x4398] =	vst v0  }
0x41c: {  	[tilespmem:$0x43A8] =	vst v0  }
0x41d: {  	[tilespmem:$0x43B8] =	vst v0  }
0x41e: {  	[tilespmem:$0x43C8] =	vst v0  }
0x41f: {  	[tilespmem:$0x43D8] =	vst v0  }
0x420: {  	[tilespmem:$0x43E8] =	vst v0  }
0x421: {  	[tilespmem:$0x43F8] =	vst v0  }
0x422: {  	[tilespmem:$0x4408] =	vst v0  }
0x423: {  	[tilespmem:$0x4418] =	vst v0  }
0x424: {  	[tilespmem:$0x4428] =	vst v0  }
0x425: {  	[tilespmem:$0x4438] =	vst v0  }
0x426: {  	[tilespmem:$0x4448] =	vst v0  }
0x427: {  	[tilespmem:$0x4458] =	vst v0  }
0x428: {  	[tilespmem:$0x4468] =	vst v0  }
0x429: {  	[tilespmem:$0x4478] =	vst v0  }
0x42a: {  	[tilespmem:$0x4488] =	vst v0  }
0x42b: {  	[tilespmem:$0x4498] =	vst v0  }
0x42c: {  	[tilespmem:$0x44A8] =	vst v0  }
0x42d: {  	[tilespmem:$0x44B8] =	vst v0  }
0x42e: {  	[tilespmem:$0x44C8] =	vst v0  }
0x42f: {  	[tilespmem:$0x44D8] =	vst v0  }
0x430: {  	[tilespmem:$0x44E8] =	vst v0  }
0x431: {  	[tilespmem:$0x44F8] =	vst v0  }
0x432: {  	[tilespmem:$0x4508] =	vst v0  }
0x433: {  	[tilespmem:$0x4518] =	vst v0  }
0x434: {  	[tilespmem:$0x4528] =	vst v0  }
0x435: {  	[tilespmem:$0x4538] =	vst v0  }
0x436: {  	[tilespmem:$0x4548] =	vst v0  }
0x437: {  	[tilespmem:$0x4558] =	vst v0  }
0x438: {  	[tilespmem:$0x4568] =	vst v0  }
0x439: {  	[tilespmem:$0x4578] =	vst v0  }
0x43a: {  	[tilespmem:$0x4588] =	vst v0  }
0x43b: {  	[tilespmem:$0x4598] =	vst v0  }
0x43c: {  	[tilespmem:$0x45A8] =	vst v0  }
0x43d: {  	[tilespmem:$0x45B8] =	vst v0  }
0x43e: {  	[tilespmem:$0x45C8] =	vst v0  }
0x43f: {  	[tilespmem:$0x45D8] =	vst v0  }
0x440: {  	[tilespmem:$0x45E8] =	vst v0  }
0x441: {  	[tilespmem:$0x45F8] =	vst v0  }
0x442: {  	[tilespmem:$0x4608] =	vst v0  }
0x443: {  	[tilespmem:$0x4618] =	vst v0  }
0x444: {  	[tilespmem:$0x4628] =	vst v0  }
0x445: {  	[tilespmem:$0x4638] =	vst v0  }
0x446: {  	[tilespmem:$0x4648] =	vst v0  }
0x447: {  	[tilespmem:$0x4658] =	vst v0  }
0x448: {  	[tilespmem:$0x4668] =	vst v0  }
0x449: {  	[tilespmem:$0x4678] =	vst v0  }
0x44a: {  	[tilespmem:$0x4688] =	vst v0  }
0x44b: {  	[tilespmem:$0x4698] =	vst v0  }
0x44c: {  	[tilespmem:$0x46A8] =	vst v0  }
0x44d: {  	[tilespmem:$0x46B8] =	vst v0  }
0x44e: {  	[tilespmem:$0x46C8] =	vst v0  }
0x44f: {  	[tilespmem:$0x46D8] =	vst v0  }
0x450: {  	[tilespmem:$0x46E8] =	vst v0  }
0x451: {  	[tilespmem:$0x46F8] =	vst v0  }
0x452: {  	[tilespmem:$0x4708] =	vst v0  }
0x453: {  	[tilespmem:$0x4718] =	vst v0  }
0x454: {  	[tilespmem:$0x4728] =	vst v0  }
0x455: {  	[tilespmem:$0x4738] =	vst v0  }
0x456: {  	[tilespmem:$0x4748] =	vst v0  }
0x457: {  	[tilespmem:$0x4758] =	vst v0  }
0x458: {  	[tilespmem:$0x4768] =	vst v0  }
0x459: {  	[tilespmem:$0x4778] =	vst v0  }
0x45a: {  	[tilespmem:$0x4788] =	vst v0  }
0x45b: {  	[tilespmem:$0x4798] =	vst v0  }
0x45c: {  	[tilespmem:$0x47A8] =	vst v0  }
0x45d: {  	[tilespmem:$0x47B8] =	vst v0  }
0x45e: {  	[tilespmem:$0x47C8] =	vst v0  }
0x45f: {  	[tilespmem:$0x47D8] =	vst v0  }
0x460: {  	[tilespmem:$0x47E8] =	vst v0  }
0x461: {  	[tilespmem:$0x47F8] =	vst v0  }
0x462: {  	[tilespmem:$0x4808] =	vst v0  }
0x463: {  	[tilespmem:$0x4818] =	vst v0  }
0x464: {  	[tilespmem:$0x4828] =	vst v0  }
0x465: {  	[tilespmem:$0x4838] =	vst v0  }
0x466: {  	[tilespmem:$0x4848] =	vst v0  }
0x467: {  	[tilespmem:$0x4858] =	vst v0  }
0x468: {  	[tilespmem:$0x4868] =	vst v0  }
0x469: {  	[tilespmem:$0x4878] =	vst v0  }
0x46a: {  	[tilespmem:$0x4888] =	vst v0  }
0x46b: {  	[tilespmem:$0x4898] =	vst v0  }
0x46c: {  	[tilespmem:$0x48A8] =	vst v0  }
0x46d: {  	[tilespmem:$0x48B8] =	vst v0  }
0x46e: {  	[tilespmem:$0x48C8] =	vst v0  }
0x46f: {  	[tilespmem:$0x48D8] =	vst v0  }
0x470: {  	[tilespmem:$0x48E8] =	vst v0  }
0x471: {  	[tilespmem:$0x48F8] =	vst v0  }
0x472: {  	[tilespmem:$0x4908] =	vst v0  }
0x473: {  	[tilespmem:$0x4918] =	vst v0  }
0x474: {  	[tilespmem:$0x4928] =	vst v0  }
0x475: {  	[tilespmem:$0x4948] =	vst v0  }
0x476: {  	[tilespmem:$0x49F8] =	vst v0  }
0x477: {  	[tilespmem:$0x5828] =	vst v0  }
0x478: {  	[tilespmem:$0x5818] =	vst v0  }
0x479: {  	[tilespmem:$0x5808] =	vst v0  }
0x47a: {  	[tilespmem:$0x57F8] =	vst v0  }
0x47b: {  	[tilespmem:$0x4978] =	vst v0  }
0x47c: {  	[tilespmem:$0x57E8] =	vst v0  }
0x47d: {  	[tilespmem:$0x57D8] =	vst v0  }
0x47e: {  	[tilespmem:$0x57C8] =	vst v0  }
0x47f: {  	[tilespmem:$0x57B8] =	vst v0  }
0x480: {  	[tilespmem:$0x57A8] =	vst v0  }
0x481: {  	[tilespmem:$0x5798] =	vst v0  }
0x482: {  	[tilespmem:$0x5788] =	vst v0  }
0x483: {  	[tilespmem:$0x5778] =	vst v0  }
0x484: {  	[tilespmem:$0x5768] =	vst v0  }
0x485: {  	[tilespmem:$0x5758] =	vst v0  }
0x486: {  	[tilespmem:$0x5748] =	vst v0  }
0x487: {  	[tilespmem:$0x5738] =	vst v0  }
0x488: {  	[tilespmem:$0x5728] =	vst v0  }
0x489: {  	[tilespmem:$0x5718] =	vst v0  }
0x48a: {  	[tilespmem:$0x5708] =	vst v0  }
0x48b: {  	[tilespmem:$0x56F8] =	vst v0  }
0x48c: {  	[tilespmem:$0x56E8] =	vst v0  }
0x48d: {  	[tilespmem:$0x56D8] =	vst v0  }
0x48e: {  	[tilespmem:$0x56C8] =	vst v0  }
0x48f: {  	[tilespmem:$0x56B8] =	vst v0  }
0x490: {  	[tilespmem:$0x56A8] =	vst v0  }
0x491: {  	[tilespmem:$0x5698] =	vst v0  }
0x492: {  	[tilespmem:$0x5688] =	vst v0  }
0x493: {  	[tilespmem:$0x5678] =	vst v0  }
0x494: {  	[tilespmem:$0x5668] =	vst v0  }
0x495: {  	[tilespmem:$0x5658] =	vst v0  }
0x496: {  	[tilespmem:$0x5648] =	vst v0  }
0x497: {  	[tilespmem:$0x5638] =	vst v0  }
0x498: {  	[tilespmem:$0x5628] =	vst v0  }
0x499: {  	[tilespmem:$0x5618] =	vst v0  }
0x49a: {  	[tilespmem:$0x5608] =	vst v0  }
0x49b: {  	[tilespmem:$0x55F8] =	vst v0  }
0x49c: {  	[tilespmem:$0x55E8] =	vst v0  }
0x49d: {  	[tilespmem:$0x55D8] =	vst v0  }
0x49e: {  	[tilespmem:$0x55C8] =	vst v0  }
0x49f: {  	[tilespmem:$0x55B8] =	vst v0  }
0x4a0: {  	[tilespmem:$0x55A8] =	vst v0  }
0x4a1: {  	[tilespmem:$0x5598] =	vst v0  }
0x4a2: {  	[tilespmem:$0x5588] =	vst v0  }
0x4a3: {  	[tilespmem:$0x5578] =	vst v0  }
0x4a4: {  	[tilespmem:$0x5568] =	vst v0  }
0x4a5: {  	[tilespmem:$0x5558] =	vst v0  }
0x4a6: {  	[tilespmem:$0x5548] =	vst v0  }
0x4a7: {  	[tilespmem:$0x5538] =	vst v0  }
0x4a8: {  	[tilespmem:$0x5528] =	vst v0  }
0x4a9: {  	[tilespmem:$0x5518] =	vst v0  }
0x4aa: {  	[tilespmem:$0x5508] =	vst v0  }
0x4ab: {  	[tilespmem:$0x54F8] =	vst v0  }
0x4ac: {  	[tilespmem:$0x54E8] =	vst v0  }
0x4ad: {  	[tilespmem:$0x54D8] =	vst v0  }
0x4ae: {  	[tilespmem:$0x54C8] =	vst v0  }
0x4af: {  	[tilespmem:$0x54B8] =	vst v0  }
0x4b0: {  	[tilespmem:$0x54A8] =	vst v0  }
0x4b1: {  	[tilespmem:$0x5498] =	vst v0  }
0x4b2: {  	[tilespmem:$0x5488] =	vst v0  }
0x4b3: {  	[tilespmem:$0x5478] =	vst v0  }
0x4b4: {  	[tilespmem:$0x5468] =	vst v0  }
0x4b5: {  	[tilespmem:$0x5458] =	vst v0  }
0x4b6: {  	[tilespmem:$0x5448] =	vst v0  }
0x4b7: {  	[tilespmem:$0x5438] =	vst v0  }
0x4b8: {  	[tilespmem:$0x5428] =	vst v0  }
0x4b9: {  	[tilespmem:$0x5418] =	vst v0  }
0x4ba: {  	[tilespmem:$0x5408] =	vst v0  }
0x4bb: {  	[tilespmem:$0x53F8] =	vst v0  }
0x4bc: {  	[tilespmem:$0x53E8] =	vst v0  }
0x4bd: {  	[tilespmem:$0x53D8] =	vst v0  }
0x4be: {  	[tilespmem:$0x53C8] =	vst v0  }
0x4bf: {  	[tilespmem:$0x53B8] =	vst v0  }
0x4c0: {  	[tilespmem:$0x53A8] =	vst v0  }
0x4c1: {  	[tilespmem:$0x5398] =	vst v0  }
0x4c2: {  	[tilespmem:$0x5388] =	vst v0  }
0x4c3: {  	[tilespmem:$0x5378] =	vst v0  }
0x4c4: {  	[tilespmem:$0x5368] =	vst v0  }
0x4c5: {  	[tilespmem:$0x5358] =	vst v0  }
0x4c6: {  	[tilespmem:$0x5348] =	vst v0  }
0x4c7: {  	[tilespmem:$0x5338] =	vst v0  }
0x4c8: {  	[tilespmem:$0x5328] =	vst v0  }
0x4c9: {  	[tilespmem:$0x5318] =	vst v0  }
0x4ca: {  	[tilespmem:$0x5308] =	vst v0  }
0x4cb: {  	[tilespmem:$0x52F8] =	vst v0  }
0x4cc: {  	[tilespmem:$0x52E8] =	vst v0  }
0x4cd: {  	[tilespmem:$0x52D8] =	vst v0  }
0x4ce: {  	[tilespmem:$0x52C8] =	vst v0  }
0x4cf: {  	[tilespmem:$0x52B8] =	vst v0  }
0x4d0: {  	[tilespmem:$0x52A8] =	vst v0  }
0x4d1: {  	[tilespmem:$0x5298] =	vst v0  }
0x4d2: {  	[tilespmem:$0x5288] =	vst v0  }
0x4d3: {  	[tilespmem:$0x5278] =	vst v0  }
0x4d4: {  	[tilespmem:$0x5268] =	vst v0  }
0x4d5: {  	[tilespmem:$0x5258] =	vst v0  }
0x4d6: {  	[tilespmem:$0x5248] =	vst v0  }
0x4d7: {  	[tilespmem:$0x5238] =	vst v0  }
0x4d8: {  	[tilespmem:$0x5228] =	vst v0  }
0x4d9: {  	[tilespmem:$0x5218] =	vst v0  }
0x4da: {  	[tilespmem:$0x5208] =	vst v0  }
0x4db: {  	[tilespmem:$0x51F8] =	vst v0  }
0x4dc: {  	[tilespmem:$0x51E8] =	vst v0  }
0x4dd: {  	[tilespmem:$0x51D8] =	vst v0  }
0x4de: {  	[tilespmem:$0x51C8] =	vst v0  }
0x4df: {  	[tilespmem:$0x51B8] =	vst v0  }
0x4e0: {  	[tilespmem:$0x51A8] =	vst v0  }
0x4e1: {  	[tilespmem:$0x5198] =	vst v0  }
0x4e2: {  	[tilespmem:$0x5188] =	vst v0  }
0x4e3: {  	[tilespmem:$0x5178] =	vst v0  }
0x4e4: {  	[tilespmem:$0x5168] =	vst v0  }
0x4e5: {  	[tilespmem:$0x5158] =	vst v0  }
0x4e6: {  	[tilespmem:$0x5148] =	vst v0  }
0x4e7: {  	[tilespmem:$0x5138] =	vst v0  }
0x4e8: {  	[tilespmem:$0x5128] =	vst v0  }
0x4e9: {  	[tilespmem:$0x5118] =	vst v0  }
0x4ea: {  	[tilespmem:$0x5108] =	vst v0  }
0x4eb: {  	[tilespmem:$0x50F8] =	vst v0  }
0x4ec: {  	[tilespmem:$0x50E8] =	vst v0  }
0x4ed: {  	[tilespmem:$0x50D8] =	vst v0  }
0x4ee: {  	[tilespmem:$0x50C8] =	vst v0  }
0x4ef: {  	[tilespmem:$0x50B8] =	vst v0  }
0x4f0: {  	[tilespmem:$0x50A8] =	vst v0  }
0x4f1: {  	[tilespmem:$0x5098] =	vst v0  }
0x4f2: {  	[tilespmem:$0x5088] =	vst v0  }
0x4f3: {  	[tilespmem:$0x5078] =	vst v0  }
0x4f4: {  	[tilespmem:$0x5068] =	vst v0  }
0x4f5: {  	[tilespmem:$0x5058] =	vst v0  }
0x4f6: {  	[tilespmem:$0x5048] =	vst v0  }
0x4f7: {  	[tilespmem:$0x5038] =	vst v0  }
0x4f8: {  	[tilespmem:$0x5028] =	vst v0  }
0x4f9: {  	[tilespmem:$0x5018] =	vst v0  }
0x4fa: {  	[tilespmem:$0x5008] =	vst v0  }
0x4fb: {  	[tilespmem:$0x4FF8] =	vst v0  }
0x4fc: {  	[tilespmem:$0x4FE8] =	vst v0  }
0x4fd: {  	[tilespmem:$0x4FD8] =	vst v0  }
0x4fe: {  	[tilespmem:$0x4FC8] =	vst v0  }
0x4ff: {  	[tilespmem:$0x4FB8] =	vst v0  }
0x500: {  	[tilespmem:$0x4FA8] =	vst v0  }
0x501: {  	[tilespmem:$0x4F98] =	vst v0  }
0x502: {  	[tilespmem:$0x4F88] =	vst v0  }
0x503: {  	[tilespmem:$0x4F78] =	vst v0  }
0x504: {  	[tilespmem:$0x4F68] =	vst v0  }
0x505: {  	[tilespmem:$0x4F58] =	vst v0  }
0x506: {  	[tilespmem:$0x4F48] =	vst v0  }
0x507: {  	[tilespmem:$0x4F38] =	vst v0  }
0x508: {  	[tilespmem:$0x4F28] =	vst v0  }
0x509: {  	[tilespmem:$0x4F18] =	vst v0  }
0x50a: {  	[tilespmem:$0x4F08] =	vst v0  }
0x50b: {  	[tilespmem:$0x4EF8] =	vst v0  }
0x50c: {  	[tilespmem:$0x4EE8] =	vst v0  }
0x50d: {  	[tilespmem:$0x4ED8] =	vst v0  }
0x50e: {  	[tilespmem:$0x4EC8] =	vst v0  }
0x50f: {  	[tilespmem:$0x4EB8] =	vst v0  }
0x510: {  	[tilespmem:$0x4EA8] =	vst v0  }
0x511: {  	[tilespmem:$0x4E98] =	vst v0  }
0x512: {  	[tilespmem:$0x4E88] =	vst v0  }
0x513: {  	[tilespmem:$0x4E78] =	vst v0  }
0x514: {  	[tilespmem:$0x4E68] =	vst v0  }
0x515: {  	[tilespmem:$0x4E58] =	vst v0  }
0x516: {  	[tilespmem:$0x4E48] =	vst v0  }
0x517: {  	[tilespmem:$0x4E38] =	vst v0  }
0x518: {  	[tilespmem:$0x4E28] =	vst v0  }
0x519: {  	[tilespmem:$0x4E18] =	vst v0  }
0x51a: {  	[tilespmem:$0x4E08] =	vst v0  }
0x51b: {  	[tilespmem:$0x4DF8] =	vst v0  }
0x51c: {  	[tilespmem:$0x4DE8] =	vst v0  }
0x51d: {  	[tilespmem:$0x4DD8] =	vst v0  }
0x51e: {  	[tilespmem:$0x4DC8] =	vst v0  }
0x51f: {  	[tilespmem:$0x4DB8] =	vst v0  }
0x520: {  	[tilespmem:$0x4DA8] =	vst v0  }
0x521: {  	[tilespmem:$0x4D98] =	vst v0  }
0x522: {  	[tilespmem:$0x4D88] =	vst v0  }
0x523: {  	[tilespmem:$0x4D78] =	vst v0  }
0x524: {  	[tilespmem:$0x4D68] =	vst v0  }
0x525: {  	[tilespmem:$0x4D58] =	vst v0  }
0x526: {  	[tilespmem:$0x4D48] =	vst v0  }
0x527: {  	[tilespmem:$0x4D38] =	vst v0  }
0x528: {  	[tilespmem:$0x4D28] =	vst v0  }
0x529: {  	[tilespmem:$0x4D18] =	vst v0  }
0x52a: {  	[tilespmem:$0x4D08] =	vst v0  }
0x52b: {  	[tilespmem:$0x4CF8] =	vst v0  }
0x52c: {  	[tilespmem:$0x4CE8] =	vst v0  }
0x52d: {  	[tilespmem:$0x4CD8] =	vst v0  }
0x52e: {  	[tilespmem:$0x4CC8] =	vst v0  }
0x52f: {  	[tilespmem:$0x4CB8] =	vst v0  }
0x530: {  	[tilespmem:$0x4CA8] =	vst v0  }
0x531: {  	[tilespmem:$0x4C98] =	vst v0  }
0x532: {  	[tilespmem:$0x4C88] =	vst v0  }
0x533: {  	[tilespmem:$0x4C78] =	vst v0  }
0x534: {  	[tilespmem:$0x4C68] =	vst v0  }
0x535: {  	[tilespmem:$0x4C58] =	vst v0  }
0x536: {  	[tilespmem:$0x4C48] =	vst v0  }
0x537: {  	[tilespmem:$0x4C38] =	vst v0  }
0x538: {  	[tilespmem:$0x4C28] =	vst v0  }
0x539: {  	[tilespmem:$0x4C18] =	vst v0  }
0x53a: {  	[tilespmem:$0x4C08] =	vst v0  }
0x53b: {  	[tilespmem:$0x4BF8] =	vst v0  }
0x53c: {  	[tilespmem:$0x4BE8] =	vst v0  }
0x53d: {  	[tilespmem:$0x4BD8] =	vst v0  }
0x53e: {  	[tilespmem:$0x4BC8] =	vst v0  }
0x53f: {  	[tilespmem:$0x4BB8] =	vst v0  }
0x540: {  	[tilespmem:$0x4BA8] =	vst v0  }
0x541: {  	[tilespmem:$0x4B98] =	vst v0  }
0x542: {  	[tilespmem:$0x4B88] =	vst v0  }
0x543: {  	[tilespmem:$0x4B78] =	vst v0  }
0x544: {  	[tilespmem:$0x4B68] =	vst v0  }
0x545: {  	[tilespmem:$0x4B58] =	vst v0  }
0x546: {  	[tilespmem:$0x4B48] =	vst v0  }
0x547: {  	[tilespmem:$0x4B38] =	vst v0  }
0x548: {  	[tilespmem:$0x4B28] =	vst v0  }
0x549: {  	[tilespmem:$0x4B18] =	vst v0  }
0x54a: {  	[tilespmem:$0x4B08] =	vst v0  }
0x54b: {  	[tilespmem:$0x4AF8] =	vst v0  }
0x54c: {  	[tilespmem:$0x4AE8] =	vst v0  }
0x54d: {  	[tilespmem:$0x4AD8] =	vst v0  }
0x54e: {  	[tilespmem:$0x4AC8] =	vst v0  }
0x54f: {  	[tilespmem:$0x4AB8] =	vst v0  }
0x550: {  	[tilespmem:$0x4AA8] =	vst v0  }
0x551: {  	[tilespmem:$0x4A98] =	vst v0  }
0x552: {  	[tilespmem:$0x4A88] =	vst v0  }
0x553: {  	[tilespmem:$0x4A78] =	vst v0  }
0x554: {  	[tilespmem:$0x4A68] =	vst v0  }
0x555: {  	[tilespmem:$0x4A58] =	vst v0  }
0x556: {  	[tilespmem:$0x4A48] =	vst v0  }
0x557: {  	[tilespmem:$0x4A38] =	vst v0  }
0x558: {  	s6 =	stileid.u32;
	[tilespmem:$0x4A28] =	vst v0  }
0x559: {  	s25 =	smul.u32 $0x3E, s6;
	[tilespmem:$0x4A18] =	vst v0  }
0x55a: {  	s1 =	smin.u32 s6, $0x8;
	[tilespmem:$0x4A08] =	vst v0  }
0x55b: {  	[tilespmem:$0x49D8] =	vst v0;
	s0 =	sadd.s32 s1, s25  }
0x55c: {  	p0 =	slt.u32 s6, $0x8;
	[tilespmem:$0x49E8] =	vst v0;
	s1 =	simm.s32 $0x13B0;
	s21 =	smul.u32 $0x50, s0  }
0x55d: {  	s4 =	simm.s32 $0x2;
	[tilespmem:$0x49C8] =	vst v0;
	s1 =	simm.s32 @!p0 $0x1360  }
0x55e: {  	s8 =	simm.s32 $0x9;
	s28 =	simm.s32 $0xA;
	[tilespmem:$0x4958] =	vst v0;
	s0 =	sadd.s32 s1, s21  }
0x55f: {  	s29 =	simm.s32 $0xB;
	p1 =	por $0x0, $0x0;
	[tilespmem:$0x49B8] =	vst v0;
	s9 =	smin.u32 s0, $0x13880  }
0x560: {  	s19 =	simm.s32 $0x80;
	s20 =	simm.s32 $0x400;
	[tilespmem:$0x49A8] =	vst v0;
	s0 =	ssub.s32 s9, s21  }
0x561: {  	s17 =	simm.s32 $0xC;
	s22 =	simm.s32 $0x0;
	[tilespmem:$0x4998] =	vst v0;
	p0 =	sgt.s32 s0, $0x0  }
0x562: {  	s2 =	sand.u32 $0x1, s2;
	s30 =	smul.u32 $0x880, s6;
	s0 =	simm.s32 @!p0 $0x0;
	[tilespmem:$0x4988] =	vst v0  }
0x563: {  	s24 =	simm.s32 $0x0;
	[dreg:$0x4] =	wrdreg s2;
	s26 =	smulhi.u32 $0x66666667, s0;
	[tilespmem:$0x4968] =	vst v0  }
0x564: {  	[tilespmem:$0x4938] =	vst v0;
	s2 =	smul.u32 $0x2710, s2;
	[sflag:s4] =	ssyncpa.u1 $0x0;
	v0 =	vimm.s32 $0xFFFFFFFF;
	s4 =	sadd.s32 $0xDE00, s7  }
0x565: {  	[tilespmem:$0xAE48] =	vst v0;
	[sflag:s8] =	ssyncpa.u1 $0x0;
	s15 =	sshrl.u32 s30, $0x2;
	s1 =	sshrl.u32 s26, $0x5  }
0x566: {  	s25 =	simm.s32 $0x0;
	s2 =	sadd.s32 s2, s7;
	s5 =	smul.u32 $0x50, s1  }
.Ltmp0:
0x567: {  	[sflag:s28] =	ssyncpa.u1 $0x0;
	s7 =	sadd.s32 $0x4EFE00, s7;
	(pc) =	sbr.rel .LBB2_1-.Ltmp0, $4  }
0x568: {  	[dreg:$0x6] =	wrdreg s15;
	p0 =	sne.s32 s0, s5;
	s0 =	simm.s32 $0x1  }
0x569: {  	[sflag:s29] =	ssyncpa.u1 $0x0;
	s31 =	sadd.s32 $0x3E00, s2;
	s0 =	simm.s32 @!p0 $0x0  }
0x56a: {  	s12 =	sadd.s32 $0x8E00, s2;
	[dreg:$0x5] =	wrdreg s31;
	s14 =	sadd.s32 s0, s1  }
0x56b: {  	v0 =	vlaneseq.u32;
	s23 =	smov.u32 s21;
	p0 =	por $0x1, $0x1;
	s13 =	sadd.s32 $0x1, s14  }
.LBB2_28:
0x56c: {  	s2 =	sshrl.u32 s2, $0x2  }
.LBB2_30:
0x56d: {  	_ =	swait.ge [sflag:s17], s2  }
0x56e: {  	s31 =	ssub.s32 $0x0, s2;
	v1 =	vmov s0;
	vm0 =	veq.s32 v0, $0x0;
	[sflag:s17] =	ssyncset.done $0x0  }
0x56f: {  	vm15 =	veq.s32 v0, $0x2;
	v1 =	vsel vm0, s1, v1;
	[sflag:s17] =	ssyncadd.s32 s31  }
0x570: {  	v1 =	vsel vm15, s25, v1;
	[sflag:s17] =	ssyncpa.u1 $0x1  }
0x571: {  	[tilespmem:$0xAE48] =	vst v1  }
.LBB2_31:
0x572: {  	s0 =	sadd.s32 $0x50, s23  }
0x573: {  	s1 =	smov.u32 s21;
	p2 =	slt.s32 s0, s9  }
0x574: {  	s1 =	smov.u32 @p2 s0;
	p2 =	sne.s32 s24, s13  }
.Ltmp1:
0x575: {  	_ = 	snop;
	(pc) =	sbr.rel @!p2 .LBB2_32-.Ltmp1, $4  }
0x576: {  	_ = 	snop  }
0x577: {  	s25 =	smov.u32 s22  }
0x578: {  	s31 =	sadd.s32 $0x1, s24;
	s22 =	smov.u32 s23;
	p0 =	por !p0, !p0  }
0x579: {  	p1 =	por !p1, !p1;
	s24 =	smov.u32 s31;
	s23 =	smov.u32 s1  }
.LBB2_1:
0x57a: {  	p2 =	sge.u32 s24, s14  }
0x57b: {  	s0 =	smulhi.u32 @!p2 $0xAAAAAAAB, s24  }
0x57c: {  	s1 =	smov.u32 s23;
	p3 =	sgt.s32 @!p2 s23, $0x13830  }
0x57d: {  	s2 =	sshra.s32 @!p2 s23, $0x1F;
	p3 =	por !p3, p2;
	s0 =	sshrl.u32 @!p2 s0, $0x1  }
0x57e: {  	s2 =	sand.u32 @!p2 s2, s23;
	s1 =	simm.s32 @p3 $0x13830;
	s0 =	smul.u32 @!p2 $0x3, s0  }
0x57f: {  	s1 =	ssub.s32 @!p2 s1, s2  }
0x580: {  	s1 =	sadd.s32 @!p2 $0xFFFEC7D0, s1;
	s0 =	ssub.s32 @!p2 s24, s0  }
0x581: {  	s2 =	sshll.u32 @!p2 s1, $0x2;
	p3 =	sgt.s32 @!p2 s1, $0x4F;
	s0 =	smul.u32 @!p2 $0x140, s0  }
0x582: {  	s5 =	sand.u32 @!p2 $0x7, s23;
	s1 =	ssub.s32 @!p2 $0x140, s2;
	p3 =	por !p3, p2  }
0x583: {  	s2 =	sshrl.u32 @!p2 s23, $0x3;
	s1 =	sshrl.u32 @!p2 s1, $0x2;
	s0 =	sshrl.u32 @!p2 s0, $0x2  }
0x584: {  	s2 =	sadd.s32 @!p2 s2, s12;
	s1 =	simm.s32 @!p3 $0x0;
	s0 =	sadd.s32 @!p2 $0xD088, s0  }
0x585: {  	[tilespmem:s0], [sflag:$0xA] =	stream.linear.gather @!p2 [hbm4b:s2+s5], s1, $0x38;
	[tilespmem:$0x1C218] =	vst v63  }
0x586: {  	s0 =	sadd.s32 $0xFFFFFFFF, s24  }
0x587: {  	p2 =	sge.u32 s0, s14  }
.Ltmp2:
0x588: {  	_ = 	snop;
	(pc) =	sbr.rel @p2 .LBB2_13-.Ltmp2, $1  }
0x589: {  	_ =	sdelay $0x3  }
0x58a: {  	p2 =	sgt.s32 s22, $0x13830;
	s2 =	smov.u32 s22;
	s5 =	sshra.s32 s22, $0x1F  }
0x58b: {  	s11 =	smulhi.u32 $0xAAAAAAAB, s0;
	s2 =	simm.s32 @!p2 $0x13830;
	s5 =	sand.u32 s5, s22  }
0x58c: {  	s2 =	ssub.s32 s2, s5  }
0x58d: {  	s15 =	sand.u32 $0x1, s0;
	s5 =	sshrl.u32 s11, $0x1;
	s2 =	sadd.s32 $0xFFFEC7D0, s2  }
0x58e: {  	s8 =	simm.s32 $0xA;
	s5 =	smul.u32 $0x3, s5;
	s6 =	sshll.u32 s2, $0x2  }
0x58f: {  	s10 =	sshrl.u32 s22, $0x3;
	s18 =	smul.u32 $0x140, s15;
	s6 =	ssub.s32 $0x140, s6  }
0x590: {  	p2 =	sgt.s32 s2, $0x4F;
	s16 =	ssub.s32 s0, s5;
	s2 =	sshrl.u32 s6, $0x2  }
0x591: {  	s5 =	sshrl.u32 s18, $0x2;
	s0 =	smul.u32 $0x140, s16;
	s2 =	simm.s32 @p2 $0x0  }
0x592: {  	s5 =	sadd.s32 $0xD178, s5;
	_ =	swait.ge [sflag:s8], s2;
	s31 =	ssub.s32 $0x0, s2  }
0x593: {  	s28 =	sshrl.u32 s0, $0x2;
	[sflag:s8] =	ssyncset.done $0x0;
	s3 =	rddreg [dreg:$0x5]  }
0x594: {  	[sflag:s8] =	ssyncadd.s32 s31;
	s3 =	sadd.s32 s10, s3;
	s8 =	sand.u32 $0x7, s22  }
0x595: {  	[tilespmem:s5], [sflag:$0xB] =	stream.linear.gather [hbm4b:s3+s8], s2, $0x38;
	[tilespmem:$0x1C218] =	vst v63  }
0x596: {  	v1 =	vld.msk [tilespmem:s28+$0xD088], $0xffff;
	_ =	sdelay $0x3  }
0x597: {  	s10 =	simm.s32 $0x0  }
0x598: {  	(v2sf) =	vpush v1, s10;
	_ =	sdelay $0x5  }
0x599: {  	s11 =	simm.s32 $0x1  }
0x59a: {  	(v2sf) =	vpush v1, s11;
	_ =	sdelay $0x4  }
0x59b: {  	s18 =	simm.s32 $0x2  }
0x59c: {  	(v2sf) =	vpush v1, s18  }
0x59d: {  	s31 =	simm.s32 $0x3  }
0x59e: {  	s1 =	simm.s32 $0x1;
	s15 =	spop (v2sf);
	(v2sf) =	vpush v1, s31  }
0x59f: {  	s1 =	simm.s32 @!p0 $0x0  }
0x5a0: {  	s1 =	smul.u32 $0x1E000, s1;
	s16 =	sshrl.u32 s15, $0x3  }
0x5a1: {  	s2 =	sshll.u32 s15, $0x7;
	s5 =	smul.u32 $0xC00, s16  }
0x5a2: {  	s1 =	sshrl.u32 s1, $0x2;
	s2 =	sand.u32 $0x380, s2  }
0x5a3: {  	s26 =	sadd.s32 $0x13218, s1;
	s29 =	sadd.s32 $0x11A18, s1;
	s2 =	sor.u32 s2, s5  }
0x5a4: {  	s30 =	sor.u32 $0x10218, s1;
	s0 =	sadd.s32 $0xEA18, s1;
	s2 =	sshrl.u32 s2, $0x3  }
0x5a5: {  	s1 =	sadd.s32 $0xD218, s1;
	s5 =	spop (v2sf);
	s2 =	sadd.s32 s7, s2  }
0x5a6: {  	[tilespmem:s1], [sflag:$0x9] =	stream.strided.gather [hbm4b:s2+s19], $0x180, s20, s19, $0x38;
	[tilespmem:$0x1C218] =	vst v63  }
0x5a7: {  	s6 =	sshrl.u32 s5, $0x3;
	s2 =	simm.s32 $0x4  }
.LBB2_3:
0x5a8: {  	(v2sf) =	vpush v1, s2;
	s6 =	smul.u32 $0xC00, s6;
	s5 =	sshll.u32 s5, $0x7;
	p2 =	seq.s32 s2, $0xF  }
.Ltmp3:
0x5a9: {  	s2 =	sadd.s32 $0x1, s2;
	s5 =	sand.u32 $0x380, s5;
	(pc) =	sbr.rel @!p2 .LBB2_3-.Ltmp3, $4  }
0x5aa: {  	s6 =	sor.u32 s5, s6  }
0x5ab: {  	s5 =	spop (v2sf);
	s10 =	sshrl.u32 s6, $0x3  }
0x5ac: {  	s1 =	sadd.s32 $0x180, s1;
	s6 =	sshrl.u32 s5, $0x3;
	s10 =	sadd.s32 s7, s10  }
0x5ad: {  	[tilespmem:s1], [sflag:$0x9] =	stream.strided.gather [hbm4b:s10+s19], $0x180, s20, s19, $0x38;
	[tilespmem:$0x1C218] =	vst v63  }
0x5ae: {  	s2 =	smul.u32 $0xC00, s6;
	s5 =	sshll.u32 s5, $0x7  }
0x5af: {  	s5 =	sand.u32 $0x380, s5  }
0x5b0: {  	s15 =	spop (v2sf);
	s1 =	sadd.s32 $0x180, s1;
	s2 =	sor.u32 s5, s2  }
0x5b1: {  	s16 =	sshrl.u32 s15, $0x3;
	s5 =	sshll.u32 s15, $0x7;
	s2 =	sshrl.u32 s2, $0x3  }
0x5b2: {  	s18 =	smul.u32 $0xC00, s16;
	s5 =	sand.u32 $0x380, s5;
	s2 =	sadd.s32 s7, s2  }
0x5b3: {  	[tilespmem:s1], [sflag:$0x9] =	stream.strided.gather [hbm4b:s2+s19], $0x180, s20, s19, $0x38;
	[tilespmem:$0x1C218] =	vst v63  }
0x5b4: {  	s2 =	sor.u32 s5, s18  }
0x5b5: {  	s2 =	sshrl.u32 s2, $0x3  }
0x5b6: {  	s1 =	sadd.s32 $0x180, s1;
	s2 =	sadd.s32 s7, s2  }
0x5b7: {  	[tilespmem:s1], [sflag:$0x9] =	stream.strided.gather [hbm4b:s2+s19], $0x180, s20, s19, $0x38;
	[tilespmem:$0x1C218] =	vst v63  }
0x5b8: {  	s31 =	spop (v2sf)  }
0x5b9: {  	s3 =	sshrl.u32 s31, $0x3  }
0x5ba: {  	s5 =	sshll.u32 s31, $0x7;
	s8 =	smul.u32 $0xC00, s3  }
0x5bb: {  	s5 =	sand.u32 $0x380, s5  }
0x5bc: {  	s2 =	sor.u32 s5, s8  }
0x5bd: {  	s2 =	sshrl.u32 s2, $0x3  }
0x5be: {  	s1 =	sadd.s32 $0x180, s1;
	s2 =	sadd.s32 s7, s2  }
0x5bf: {  	[tilespmem:s1], [sflag:$0x9] =	stream.strided.gather [hbm4b:s2+s19], $0x180, s20, s19, $0x38;
	[tilespmem:$0x1C218] =	vst v63  }
0x5c0: {  	v1 =	vld.msk [tilespmem:s28+$0xD098], $0xffff;
	_ =	sdelay $0x3  }
0x5c1: {  	s10 =	simm.s32 $0x0  }
0x5c2: {  	(v2sf) =	vpush v1, s10;
	_ =	sdelay $0x7  }
0x5c3: {  	s11 =	simm.s32 $0x1  }
0x5c4: {  	(v2sf) =	vpush v1, s11;
	_ =	sdelay $0x4  }
0x5c5: {  	s18 =	simm.s32 $0x2  }
0x5c6: {  	s15 =	spop (v2sf);
	(v2sf) =	vpush v1, s18  }
0x5c7: {  	s31 =	simm.s32 $0x3  }
0x5c8: {  	(v2sf) =	vpush v1, s31;
	_ =	sdelay $0x1  }
0x5c9: {  	s16 =	sshrl.u32 s15, $0x3  }
0x5ca: {  	s1 =	sshll.u32 s15, $0x7;
	s2 =	smul.u32 $0xC00, s16  }
0x5cb: {  	s1 =	sand.u32 $0x380, s1  }
0x5cc: {  	s1 =	sor.u32 s1, s2  }
0x5cd: {  	s1 =	sshrl.u32 s1, $0x3  }
0x5ce: {  	s2 =	spop (v2sf);
	s1 =	sadd.s32 s7, s1  }
0x5cf: {  	[tilespmem:s0], [sflag:$0x9] =	stream.strided.gather [hbm4b:s1+s19], $0x180, s20, s19, $0x38;
	[tilespmem:$0x1C218] =	vst v63  }
0x5d0: {  	s5 =	sshrl.u32 s2, $0x3;
	s1 =	simm.s32 $0x4  }
.LBB2_5:
0x5d1: {  	(v2sf) =	vpush v1, s1;
	s5 =	smul.u32 $0xC00, s5;
	s2 =	sshll.u32 s2, $0x7;
	p2 =	sne.s32 s1, $0xF  }
.Ltmp4:
0x5d2: {  	s1 =	sadd.s32 $0x1, s1;
	s2 =	sand.u32 $0x380, s2;
	(pc) =	sbr.rel @p2 .LBB2_5-.Ltmp4, $4  }
0x5d3: {  	s5 =	sor.u32 s2, s5  }
0x5d4: {  	s2 =	spop (v2sf);
	s6 =	sshrl.u32 s5, $0x3  }
0x5d5: {  	s0 =	sadd.s32 $0x180, s0;
	s5 =	sshrl.u32 s2, $0x3;
	s6 =	sadd.s32 s7, s6  }
0x5d6: {  	[tilespmem:s0], [sflag:$0x9] =	stream.strided.gather [hbm4b:s6+s19], $0x180, s20, s19, $0x38;
	[tilespmem:$0x1C218] =	vst v63  }
0x5d7: {  	s1 =	smul.u32 $0xC00, s5;
	s2 =	sshll.u32 s2, $0x7  }
0x5d8: {  	s2 =	sand.u32 $0x380, s2  }
0x5d9: {  	s16 =	spop (v2sf);
	s0 =	sadd.s32 $0x180, s0;
	s1 =	sor.u32 s2, s1  }
0x5da: {  	s18 =	sshrl.u32 s16, $0x3;
	s2 =	sshll.u32 s16, $0x7;
	s1 =	sshrl.u32 s1, $0x3  }
0x5db: {  	s31 =	smul.u32 $0xC00, s18;
	s2 =	sand.u32 $0x380, s2;
	s1 =	sadd.s32 s7, s1  }
0x5dc: {  	[tilespmem:s0], [sflag:$0x9] =	stream.strided.gather [hbm4b:s1+s19], $0x180, s20, s19, $0x38;
	[tilespmem:$0x1C218] =	vst v63  }
0x5dd: {  	s1 =	sor.u32 s2, s31  }
0x5de: {  	s1 =	sshrl.u32 s1, $0x3  }
0x5df: {  	s0 =	sadd.s32 $0x180, s0;
	s1 =	sadd.s32 s7, s1  }
0x5e0: {  	[tilespmem:s0], [sflag:$0x9] =	stream.strided.gather [hbm4b:s1+s19], $0x180, s20, s19, $0x38;
	[tilespmem:$0x1C218] =	vst v63  }
0x5e1: {  	s3 =	spop (v2sf)  }
0x5e2: {  	s6 =	sshrl.u32 s3, $0x3  }
0x5e3: {  	s2 =	sshll.u32 s3, $0x7;
	s8 =	smul.u32 $0xC00, s6  }
0x5e4: {  	s2 =	sand.u32 $0x380, s2  }
0x5e5: {  	s1 =	sor.u32 s2, s8  }
0x5e6: {  	s1 =	sshrl.u32 s1, $0x3  }
0x5e7: {  	s0 =	sadd.s32 $0x180, s0;
	s1 =	sadd.s32 s7, s1  }
0x5e8: {  	[tilespmem:s0], [sflag:$0x9] =	stream.strided.gather [hbm4b:s1+s19], $0x180, s20, s19, $0x38;
	[tilespmem:$0x1C218] =	vst v63  }
0x5e9: {  	v1 =	vld.msk [tilespmem:s28+$0xD0A8], $0xffff;
	_ =	sdelay $0x3  }
0x5ea: {  	s10 =	simm.s32 $0x0  }
0x5eb: {  	(v2sf) =	vpush v1, s10;
	_ =	sdelay $0x7  }
0x5ec: {  	s11 =	simm.s32 $0x1  }
0x5ed: {  	(v2sf) =	vpush v1, s11;
	_ =	sdelay $0x4  }
0x5ee: {  	s18 =	simm.s32 $0x2  }
0x5ef: {  	s15 =	spop (v2sf);
	(v2sf) =	vpush v1, s18  }
0x5f0: {  	s31 =	simm.s32 $0x3  }
0x5f1: {  	(v2sf) =	vpush v1, s31;
	_ =	sdelay $0x1  }
0x5f2: {  	s16 =	sshrl.u32 s15, $0x3  }
0x5f3: {  	s0 =	sshll.u32 s15, $0x7;
	s1 =	smul.u32 $0xC00, s16  }
0x5f4: {  	s0 =	sand.u32 $0x380, s0  }
0x5f5: {  	s0 =	sor.u32 s0, s1  }
0x5f6: {  	s0 =	sshrl.u32 s0, $0x3  }
0x5f7: {  	s1 =	spop (v2sf);
	s0 =	sadd.s32 s7, s0  }
0x5f8: {  	[tilespmem:s30], [sflag:$0x9] =	stream.strided.gather [hbm4b:s0+s19], $0x180, s20, s19, $0x38;
	[tilespmem:$0x1C218] =	vst v63  }
0x5f9: {  	s2 =	sshrl.u32 s1, $0x3;
	s0 =	simm.s32 $0x4  }
.LBB2_7:
0x5fa: {  	(v2sf) =	vpush v1, s0;
	s2 =	smul.u32 $0xC00, s2;
	s1 =	sshll.u32 s1, $0x7;
	p2 =	sne.s32 s0, $0xF  }
.Ltmp5:
0x5fb: {  	s0 =	sadd.s32 $0x1, s0;
	s1 =	sand.u32 $0x380, s1;
	(pc) =	sbr.rel @p2 .LBB2_7-.Ltmp5, $4  }
0x5fc: {  	s2 =	sor.u32 s1, s2  }
0x5fd: {  	s1 =	spop (v2sf);
	s5 =	sshrl.u32 s2, $0x3  }
0x5fe: {  	s30 =	sadd.s32 $0x180, s30;
	s2 =	sshrl.u32 s1, $0x3;
	s5 =	sadd.s32 s7, s5  }
0x5ff: {  	[tilespmem:s30], [sflag:$0x9] =	stream.strided.gather [hbm4b:s5+s19], $0x180, s20, s19, $0x38;
	[tilespmem:$0x1C218] =	vst v63  }
0x600: {  	s0 =	smul.u32 $0xC00, s2;
	s1 =	sshll.u32 s1, $0x7  }
0x601: {  	s1 =	sand.u32 $0x380, s1  }
0x602: {  	s18 =	spop (v2sf);
	s5 =	sadd.s32 $0x180, s30;
	s0 =	sor.u32 s1, s0  }
0x603: {  	s31 =	sshrl.u32 s18, $0x3;
	s1 =	sshll.u32 s18, $0x7;
	s0 =	sshrl.u32 s0, $0x3  }
0x604: {  	s2 =	smul.u32 $0xC00, s31;
	s1 =	sand.u32 $0x380, s1;
	s0 =	sadd.s32 s7, s0  }
0x605: {  	[tilespmem:s5], [sflag:$0x9] =	stream.strided.gather [hbm4b:s0+s19], $0x180, s20, s19, $0x38;
	[tilespmem:$0x1C218] =	vst v63  }
0x606: {  	s0 =	sor.u32 s1, s2  }
0x607: {  	s0 =	sshrl.u32 s0, $0x3  }
0x608: {  	s5 =	sadd.s32 $0x180, s5;
	s0 =	sadd.s32 s7, s0  }
0x609: {  	[tilespmem:s5], [sflag:$0x9] =	stream.strided.gather [hbm4b:s0+s19], $0x180, s20, s19, $0x38;
	[tilespmem:$0x1C218] =	vst v63  }
0x60a: {  	s3 =	spop (v2sf)  }
0x60b: {  	s6 =	sshrl.u32 s3, $0x3  }
0x60c: {  	s1 =	sshll.u32 s3, $0x7;
	s8 =	smul.u32 $0xC00, s6  }
0x60d: {  	s1 =	sand.u32 $0x380, s1  }
0x60e: {  	s0 =	sor.u32 s1, s8  }
0x60f: {  	s0 =	sshrl.u32 s0, $0x3  }
0x610: {  	s10 =	sadd.s32 $0x180, s5;
	s0 =	sadd.s32 s7, s0  }
0x611: {  	[tilespmem:s10], [sflag:$0x9] =	stream.strided.gather [hbm4b:s0+s19], $0x180, s20, s19, $0x38;
	[tilespmem:$0x1C218] =	vst v63  }
0x612: {  	v1 =	vld.msk [tilespmem:s28+$0xD0B8], $0xffff;
	_ =	sdelay $0x3  }
0x613: {  	s11 =	simm.s32 $0x0  }
0x614: {  	(v2sf) =	vpush v1, s11;
	_ =	sdelay $0x7  }
0x615: {  	s15 =	simm.s32 $0x1  }
0x616: {  	(v2sf) =	vpush v1, s15;
	_ =	sdelay $0x4  }
0x617: {  	s30 =	simm.s32 $0x2  }
0x618: {  	s16 =	spop (v2sf);
	(v2sf) =	vpush v1, s30  }
0x619: {  	s31 =	simm.s32 $0x3  }
0x61a: {  	(v2sf) =	vpush v1, s31;
	_ =	sdelay $0x1  }
0x61b: {  	s18 =	sshrl.u32 s16, $0x3  }
0x61c: {  	s0 =	sshll.u32 s16, $0x7;
	s1 =	smul.u32 $0xC00, s18  }
0x61d: {  	s0 =	sand.u32 $0x380, s0  }
0x61e: {  	s0 =	sor.u32 s0, s1  }
0x61f: {  	s0 =	sshrl.u32 s0, $0x3  }
0x620: {  	s1 =	spop (v2sf);
	s0 =	sadd.s32 s7, s0  }
0x621: {  	[tilespmem:s29], [sflag:$0x9] =	stream.strided.gather [hbm4b:s0+s19], $0x180, s20, s19, $0x38;
	[tilespmem:$0x1C218] =	vst v63  }
0x622: {  	s2 =	sshrl.u32 s1, $0x3;
	s0 =	simm.s32 $0x4  }
.LBB2_9:
0x623: {  	(v2sf) =	vpush v1, s0;
	s2 =	smul.u32 $0xC00, s2;
	s1 =	sshll.u32 s1, $0x7;
	p2 =	sne.s32 s0, $0xF  }
.Ltmp6:
0x624: {  	s0 =	sadd.s32 $0x1, s0;
	s1 =	sand.u32 $0x380, s1;
	(pc) =	sbr.rel @p2 .LBB2_9-.Ltmp6, $4  }
0x625: {  	s2 =	sor.u32 s1, s2  }
0x626: {  	s1 =	spop (v2sf);
	s5 =	sshrl.u32 s2, $0x3  }
0x627: {  	s29 =	sadd.s32 $0x180, s29;
	s2 =	sshrl.u32 s1, $0x3;
	s5 =	sadd.s32 s7, s5  }
0x628: {  	[tilespmem:s29], [sflag:$0x9] =	stream.strided.gather [hbm4b:s5+s19], $0x180, s20, s19, $0x38;
	[tilespmem:$0x1C218] =	vst v63  }
0x629: {  	s0 =	smul.u32 $0xC00, s2;
	s1 =	sshll.u32 s1, $0x7  }
0x62a: {  	s1 =	sand.u32 $0x380, s1  }
0x62b: {  	s31 =	spop (v2sf);
	s5 =	sadd.s32 $0x180, s29;
	s0 =	sor.u32 s1, s0  }
0x62c: {  	s3 =	sshrl.u32 s31, $0x3;
	s1 =	sshll.u32 s31, $0x7;
	s0 =	sshrl.u32 s0, $0x3  }
0x62d: {  	s6 =	smul.u32 $0xC00, s3;
	s1 =	sand.u32 $0x380, s1;
	s0 =	sadd.s32 s7, s0  }
0x62e: {  	[tilespmem:s5], [sflag:$0x9] =	stream.strided.gather [hbm4b:s0+s19], $0x180, s20, s19, $0x38;
	[tilespmem:$0x1C218] =	vst v63  }
0x62f: {  	s0 =	sor.u32 s1, s6  }
0x630: {  	s0 =	sshrl.u32 s0, $0x3  }
0x631: {  	s5 =	sadd.s32 $0x180, s5;
	s0 =	sadd.s32 s7, s0  }
0x632: {  	[tilespmem:s5], [sflag:$0x9] =	stream.strided.gather [hbm4b:s0+s19], $0x180, s20, s19, $0x38;
	[tilespmem:$0x1C218] =	vst v63  }
0x633: {  	s8 =	spop (v2sf)  }
0x634: {  	s10 =	sshrl.u32 s8, $0x3  }
0x635: {  	s1 =	sshll.u32 s8, $0x7;
	s11 =	smul.u32 $0xC00, s10  }
0x636: {  	s1 =	sand.u32 $0x380, s1  }
0x637: {  	s0 =	sor.u32 s1, s11  }
0x638: {  	s0 =	sshrl.u32 s0, $0x3  }
0x639: {  	s15 =	sadd.s32 $0x180, s5;
	s0 =	sadd.s32 s7, s0  }
0x63a: {  	[tilespmem:s15], [sflag:$0x9] =	stream.strided.gather [hbm4b:s0+s19], $0x180, s20, s19, $0x38;
	[tilespmem:$0x1C218] =	vst v63  }
0x63b: {  	v1 =	vld.msk [tilespmem:s28+$0xD0C8], $0xffff;
	_ =	sdelay $0x3  }
0x63c: {  	s16 =	simm.s32 $0x0  }
0x63d: {  	(v2sf) =	vpush v1, s16;
	_ =	sdelay $0x7  }
0x63e: {  	s18 =	simm.s32 $0x1  }
0x63f: {  	(v2sf) =	vpush v1, s18;
	_ =	sdelay $0x4  }
0x640: {  	s30 =	simm.s32 $0x2  }
0x641: {  	s28 =	spop (v2sf);
	(v2sf) =	vpush v1, s30  }
0x642: {  	s31 =	simm.s32 $0x3  }
0x643: {  	(v2sf) =	vpush v1, s31;
	_ =	sdelay $0x1  }
0x644: {  	s29 =	sshrl.u32 s28, $0x3  }
0x645: {  	s0 =	sshll.u32 s28, $0x7;
	s1 =	smul.u32 $0xC00, s29  }
0x646: {  	s0 =	sand.u32 $0x380, s0  }
0x647: {  	s0 =	sor.u32 s0, s1  }
0x648: {  	s0 =	sshrl.u32 s0, $0x3  }
0x649: {  	s1 =	spop (v2sf);
	s0 =	sadd.s32 s7, s0  }
0x64a: {  	[tilespmem:s26], [sflag:$0x9] =	stream.strided.gather [hbm4b:s0+s19], $0x180, s20, s19, $0x38;
	[tilespmem:$0x1C218] =	vst v63  }
0x64b: {  	s2 =	sshrl.u32 s1, $0x3;
	s0 =	simm.s32 $0x4  }
.LBB2_11:
0x64c: {  	(v2sf) =	vpush v1, s0;
	s2 =	smul.u32 $0xC00, s2;
	s1 =	sshll.u32 s1, $0x7;
	p2 =	seq.s32 s0, $0xF  }
.Ltmp7:
0x64d: {  	s0 =	sadd.s32 $0x1, s0;
	s1 =	sand.u32 $0x380, s1;
	(pc) =	sbr.rel @!p2 .LBB2_11-.Ltmp7, $4  }
0x64e: {  	s2 =	sor.u32 s1, s2  }
0x64f: {  	s1 =	spop (v2sf);
	s5 =	sshrl.u32 s2, $0x3  }
0x650: {  	s26 =	sadd.s32 $0x180, s26;
	s2 =	sshrl.u32 s1, $0x3;
	s5 =	sadd.s32 s7, s5  }
0x651: {  	[tilespmem:s26], [sflag:$0x9] =	stream.strided.gather [hbm4b:s5+s19], $0x180, s20, s19, $0x38;
	[tilespmem:$0x1C218] =	vst v63  }
0x652: {  	s0 =	smul.u32 $0xC00, s2;
	s1 =	sshll.u32 s1, $0x7  }
0x653: {  	s1 =	sand.u32 $0x380, s1  }
0x654: {  	s16 =	spop (v2sf);
	s5 =	sadd.s32 $0x180, s26;
	s0 =	sor.u32 s1, s0  }
0x655: {  	s18 =	sshrl.u32 s16, $0x3;
	s1 =	sshll.u32 s16, $0x7;
	s0 =	sshrl.u32 s0, $0x3  }
0x656: {  	s26 =	smul.u32 $0xC00, s18;
	s1 =	sand.u32 $0x380, s1;
	s0 =	sadd.s32 s7, s0  }
0x657: {  	[tilespmem:s5], [sflag:$0x9] =	stream.strided.gather [hbm4b:s0+s19], $0x180, s20, s19, $0x38;
	[tilespmem:$0x1C218] =	vst v63  }
0x658: {  	s0 =	sor.u32 s1, s26  }
0x659: {  	s0 =	sshrl.u32 s0, $0x3  }
0x65a: {  	s5 =	sadd.s32 $0x180, s5;
	s0 =	sadd.s32 s7, s0  }
0x65b: {  	[tilespmem:s5], [sflag:$0x9] =	stream.strided.gather [hbm4b:s0+s19], $0x180, s20, s19, $0x38;
	[tilespmem:$0x1C218] =	vst v63  }
0x65c: {  	s28 =	spop (v2sf)  }
0x65d: {  	s29 =	sshrl.u32 s28, $0x3  }
0x65e: {  	s1 =	sshll.u32 s28, $0x7;
	s30 =	smul.u32 $0xC00, s29  }
0x65f: {  	s1 =	sand.u32 $0x380, s1  }
0x660: {  	s0 =	sor.u32 s1, s30  }
0x661: {  	s0 =	sshrl.u32 s0, $0x3  }
0x662: {  	s31 =	sadd.s32 $0x180, s5;
	s0 =	sadd.s32 s7, s0  }
0x663: {  	[tilespmem:s31], [sflag:$0x9] =	stream.strided.gather [hbm4b:s0+s19], $0x180, s20, s19, $0x38;
	[tilespmem:$0x1C218] =	vst v63  }
.LBB2_13:
0x664: {  	p2 =	slt.u32 s24, $0x2  }
.Ltmp8:
0x665: {  	_ = 	snop;
	(pc) =	sbr.rel @p2 .LBB2_31-.Ltmp8, $1  }
0x666: {  	_ =	sdelay $0x3  }
0x667: {  	p2 =	sgt.s32 s25, $0x13830;
	s0 =	smov.u32 s25;
	s1 =	sshra.s32 s25, $0x1F  }
0x668: {  	s0 =	simm.s32 @!p2 $0x13830;
	s1 =	sand.u32 s1, s25  }
0x669: {  	s0 =	ssub.s32 s0, s1  }
0x66a: {  	s0 =	sadd.s32 $0xFFFEC7D0, s0  }
0x66b: {  	s2 =	simm.s32 $0x9;
	s28 =	sshll.u32 s0, $0x2  }
0x66c: {  	_ =	swait.ge [sflag:s2], $0x7800;
	s1 =	ssub.s32 $0x140, s28  }
0x66d: {  	[sflag:s2] =	ssyncset.done $0x0;
	p2 =	sgt.s32 s0, $0x4F;
	s0 =	sshrl.u32 s1, $0x2  }
0x66e: {  	s30 =	simm.s32 $0xB;
	[sflag:s2] =	ssyncadd.s32 $0xFFFF8800;
	s0 =	simm.s32 @p2 $0x0  }
0x66f: {  	_ =	swait.ge [sflag:s30], s0  }
0x670: {  	s0 =	ssub.s32 $0x0, s0;
	[sflag:s30] =	ssyncset.done $0x0  }
0x671: {  	[sflag:s30] =	ssyncadd.s32 s0  }
0x672: {  	v1 =	vld [tilespmem:$0xAE48];
	_ =	sdelay $0x4  }
0x673: {  	(v2sf) =	vpush v1, $0x0  }
0x674: {  	(v2sf) =	vpush v1, $0x1  }
0x675: {  	(v2sf) =	vpush v1, $0x2;
	_ =	sdelay $0x3  }
0x676: {  	s0 =	sadd.s32 $0x50, s25  }
0x677: {  	s5 =	ssub.s32 $0x27100, s25;
	p2 =	slt.s32 s9, s0  }
0x678: {  	s0 =	smov.u32 @p2 s9;
	p2 =	sgt.s32 s5, $0x0  }
0x679: {  	s1 =	ssub.s32 s0, s25;
	s5 =	simm.s32 @!p2 $0x0  }
0x67a: {  	p2 =	slt.s32 s5, s1  }
0x67b: {  	s1 =	smov.u32 @p2 s5  }
0x67c: {  	s2 =	simm.s32 $0x1;
	p2 =	slt.s32 s1, $0x1  }
.Ltmp9:
0x67d: {  	s2 =	simm.s32 @!p1 $0x0;
	(pc) =	sbr.rel @p2 .LBB2_18-.Ltmp9, $4  }
0x67e: {  	s31 =	smul.u32 $0x140, s2  }
0x67f: {  	s6 =	spop (v2sf)  }
0x680: {  	s0 =	sshrl.u32 s31, $0x2;
	s29 =	spop (v2sf)  }
0x681: {  	s26 =	sadd.s32 $0xD178, s0;
	s25 =	spop (v2sf)  }
0x682: {  	s0 =	smin.u32 s1, $0x10  }
0x683: {  	v1 =	vmov s0  }
0x684: {  	vm1 =	vgt.u32 v1, v0;
	_ =	sdelay $0x1  }
0x685: {  	p3 =	sgt.s32 s1, $0x10  }
.Ltmp10:
0x686: {  	_ = 	snop;
	(pc) =	sbr.rel @!p3 .LBB2_17-.Ltmp10, $3  }
0x687: {  	_ =	sdelay $0x1  }
0x688: {  	v1 =	vld.msk [tilespmem:s26+$0x0 ss:$0x1], vm1  }
0x689: {  	s5 =	simm.s32 $0x10;
	s16 =	sadd.s32 $0xFFFFFFF0, s1;
	s0 =	smov.u32 s26;
	vm0 =	vmmov vm1  }
.LBB2_16:
0x68a: {  	s10 =	smin.u32 s16, $0x10;
	s5 =	sadd.s32 $0x10, s5  }
0x68b: {  	v2 =	vmov s10;
	p3 =	slt.s32 s5, s1  }
0x68c: {  	vm1 =	vgt.u32 v2, v0  }
0x68d: {  	v2 =	vshrl.u32 v1, $0x3  }
0x68e: {  	v1 =	vshll.u32 v1, $0x4;
	v2 =	vmul.u32 $0x180, v2  }
0x68f: {  	v1 =	vand.u32 $0x70, v1  }
.Ltmp11:
0x690: {  	v1 =	vor.u32 v1, v2;
	(pc) =	sbr.rel @p3 .LBB2_16-.Ltmp11, $3  }
0x691: {  	[tilespmem:s0+$0x0] =	vst.msk vm0, v1;
	s0 =	sadd.s32 $0x10, s0;
	vm0 =	vmmov vm1  }
0x692: {  	v1 =	vld.msk [tilespmem:s0+$0x0 ss:$0x1], vm1;
	_ =	sdelay $0x1  }
0x693: {  	s16 =	sadd.s32 $0xFFFFFFF0, s16  }
.LBB2_17:
0x694: {  	_ =	sdelay $0x2  }
0x695: {  	v2 =	vshrl.u32 v1, $0x3  }
0x696: {  	v1 =	vshll.u32 v1, $0x4;
	v2 =	vmul.u32 $0x180, v2  }
0x697: {  	v1 =	vand.u32 $0x70, v1  }
0x698: {  	v1 =	vor.u32 v1, v2  }
0x699: {  	[tilespmem:s0+$0x0] =	vst.msk vm0, v1  }
.LBB2_18:
0x69a: {  	s0 =	sand.u32 $0x1, s24  }
0x69b: {  	s0 =	smul.u32 $0x50, s0  }
0x69c: {  	p3 =	sne.s32 s29, $0xFFFFFFFF  }
0x69d: {  	v1 =	vld.msk @!p3 [tilespmem:s0+$0xD178], $0x1;
	_ =	sdelay $0x4  }
0x69e: {  	(v2sf) =	vpush @!p3 v1, $0x0;
	_ =	sdelay $0xc  }
.Ltmp12:
0x69f: {  	_ = 	snop;
	(pc) =	sbr.rel @p2 .LBB2_29-.Ltmp12, $4  }
0x6a0: {  	_ = 	snop  }
0x6a1: {  	s28 =	spop @!p3 (v2sf)  }
0x6a2: {  	s25 =	simm.s32 @!p3 $0x0;
	s0 =	smov.u32 s28  }
0x6a3: {  	[sflag:s17] =	ssyncpa.u1 $0x0;
	s28 =	smov.u32 @p3 s6;
	s0 =	smov.u32 @p3 s29  }
0x6a4: {  	v1 =	vld.msk [tilespmem:s26+$0x0], $0x1;
	_ =	sdelay $0x4  }
0x6a5: {  	(v2sf) =	vpush v1, $0x0;
	_ =	sdelay $0xd  }
0x6a6: {  	s17 =	smov.u32 s14  }
0x6a7: {  	s14 =	smov.u32 s9;
	s5 =	smul.u32 $0x1E000, s2;
	s2 =	spop (v2sf)  }
0x6a8: {  	s9 =	smov.u32 s13;
	s3 =	smov.u32 s12;
	p2 =	seq.s32 s28, s2  }
0x6a9: {  	s29 =	simm.s32 $0x0;
	s30 =	ssub.s32 $0x0, s1;
	p3 =	sgt.s32 @!p2 s28, $0x0  }
0x6aa: {  	s10 =	smov.u32 s28;
	s6 =	smul.u32 @!p2 $0x440, s29;
	p3 =	por !p3, p2  }
0x6ab: {  	s1 =	sadd.s32 $0x1, s30;
	s5 =	sshrl.u32 s5, $0x2;
	s10 =	simm.s32 @p3 $0x0  }
0x6ac: {  	s31 =	sadd.s32 $0xD298, s5;
	s6 =	sshra.s32 @!p2 s6, $0x2;
	s10 =	smin.u32 @!p2 s10, $0x751FF  }
0x6ad: {  	p3 =	seq.s32 s1, $0x0;
	s11 =	sadd.s32 @!p2 $0x5838, s6;
	s16 =	sand.u32 @!p2 $0x7FFF8, s10  }
0x6ae: {  	s12 =	sadd.s32 @!p2 $0x80, s10;
	s13 =	sadd.s32 @!p2 s4, s16;
	s16 =	sand.u32 @!p2 $0x7, s10  }
0x6af: {  	[tilespmem:s11], [sflag:$0x2] =	stream.linear.gather @!p2 [hbm4b:s13+s16], $0x80, $0x38;
	[tilespmem:$0x1C218] =	vst v63  }
.Ltmp13:
0x6b0: {  	s5 =	simm.s32 @!p2 $0x1;
	s12 =	sand.u32 @!p2 $0xFFFF8, s12;
	(pc) =	sbr.rel @p3 .LBB2_21-.Ltmp13, $4  }
0x6b1: {  	s10 =	sadd.s32 @!p2 $0x100, s10;
	s11 =	sadd.s32 @!p2 $0x58B8, s6;
	s12 =	sadd.s32 @!p2 s4, s12  }
0x6b2: {  	[tilespmem:s11], [sflag:$0x2] =	stream.linear.gather @!p2 [hbm4b:s12+s16], $0x80, $0x38;
	[tilespmem:$0x1C218] =	vst v63  }
0x6b3: {  	s5 =	smov.u32 @p2 s29;
	s11 =	sand.u32 @!p2 $0xFFFF8, s10  }
0x6b4: {  	s10 =	sadd.s32 @!p2 $0x5938, s6;
	s6 =	sadd.s32 $0x1, s26;
	s11 =	sadd.s32 @!p2 s4, s11  }
.LBB2_20:
0x6b5: {  	s12 =	smov.u32 s5  }
0x6b6: {  	[tilespmem:s10], [sflag:$0x2] =	stream.linear.gather @!p2 [hbm4b:s11+s16], $0x4, $0x38;
	[tilespmem:$0x1C218] =	vst v63  }
0x6b7: {  	s1 =	sadd.s32 $0x1, s1;
	s10 =	smov.u32 s2  }
0x6b8: {  	p3 =	seq.s32 s1, $0x0;
	v1 =	vld.msk [tilespmem:s6+$0x0], $0x1;
	_ =	sdelay $0x4  }
0x6b9: {  	(v2sf) =	vpush v1, $0x0;
	_ =	sdelay $0xe  }
0x6ba: {  	s2 =	spop (v2sf)  }
0x6bb: {  	p2 =	seq.s32 s10, s2  }
0x6bc: {  	p4 =	sgt.s32 @!p2 s10, $0x0  }
0x6bd: {  	s11 =	smul.u32 @!p2 $0x440, s5;
	s5 =	sadd.s32 @!p2 $0x1, s5;
	p4 =	por !p4, p2  }
0x6be: {  	s5 =	smov.u32 @p2 s12;
	s10 =	simm.s32 @p4 $0x0  }
0x6bf: {  	s11 =	sshra.s32 @!p2 s11, $0x2;
	s10 =	smin.u32 @!p2 s10, $0x751FF  }
0x6c0: {  	s12 =	sadd.s32 @!p2 $0x5838, s11;
	s13 =	sadd.s32 @!p2 $0x58B8, s11;
	s16 =	sand.u32 @!p2 $0x7FFF8, s10  }
0x6c1: {  	s15 =	sadd.s32 @!p2 $0x80, s10;
	s18 =	sadd.s32 @!p2 $0x100, s10;
	s8 =	sadd.s32 @!p2 s4, s16  }
.Ltmp14:
0x6c2: {  	s16 =	sand.u32 @!p2 $0x7, s10;
	s10 =	sand.u32 @!p2 $0xFFFF8, s15;
	(pc) =	sbr.rel @!p3 .LBB2_20-.Ltmp14, $4  }
0x6c3: {  	[tilespmem:s12], [sflag:$0x2] =	stream.linear.gather @!p2 [hbm4b:s8+s16], $0x80, $0x38;
	[tilespmem:$0x1C218] =	vst v63  }
0x6c4: {  	s8 =	sadd.s32 @!p2 s4, s10;
	s12 =	sand.u32 @!p2 $0xFFFF8, s18;
	s10 =	sadd.s32 @!p2 $0x5938, s11  }
0x6c5: {  	[tilespmem:s13], [sflag:$0x2] =	stream.linear.gather @!p2 [hbm4b:s8+s16], $0x80, $0x38;
	[tilespmem:$0x1C218] =	vst v63  }
0x6c6: {  	s6 =	sadd.s32 $0x1, s6;
	s11 =	sadd.s32 @!p2 s4, s12  }
.LBB2_21:
0x6c7: {  	s1 =	smul.u32 $0x410, s5  }
0x6c8: {  	[tilespmem:s10], [sflag:$0x2] =	stream.linear.gather @!p2 [hbm4b:s11+s16], $0x4, $0x38;
	[tilespmem:$0x1C218] =	vst v63  }
.Ltmp15:
0x6c9: {  	s2 =	simm.s32 $0x2;
	s12 =	smov.u32 s3;
	(pc) =	sbr.rel .LBB2_22-.Ltmp15, $4  }
0x6ca: {  	s3 =	simm.s32 $0x1;
	s13 =	smov.u32 s9;
	s1 =	sshrl.u32 s1, $0x2  }
0x6cb: {  	s9 =	smov.u32 s14;
	s14 =	smov.u32 s17;
	_ =	swait.ge [sflag:s2], s1  }
0x6cc: {  	s17 =	simm.s32 $0xC;
	s1 =	ssub.s32 $0x0, s1;
	[sflag:s2] =	ssyncset.done $0x0  }
0x6cd: {  	s15 =	rddreg [dreg:$0x6];
	[sflag:s2] =	ssyncadd.s32 s1;
	s2 =	simm.s32 $0x0  }
.LBB2_23:
0x6ce: {  	v1 =	vld [tilespmem:s31+$0xFFFFFF80];
	_ =	sdelay $0x4  }
0x6cf: {  	[tilespmem:s6+$0x228] =	vst.add.f32.msk $0xffff, v1  }
0x6d0: {  	v1 =	vld [tilespmem:s31+$0xFFFFFF90];
	_ =	sdelay $0x4  }
0x6d1: {  	[tilespmem:s6+$0x238] =	vst.add.f32.msk $0xffff, v1  }
0x6d2: {  	v1 =	vld [tilespmem:s31+$0xFFFFFFA0];
	_ =	sdelay $0x4  }
0x6d3: {  	[tilespmem:s6+$0x248] =	vst.add.f32.msk $0xffff, v1  }
0x6d4: {  	v1 =	vld [tilespmem:s31+$0xFFFFFFB0];
	_ =	sdelay $0x4  }
0x6d5: {  	[tilespmem:s6+$0x258] =	vst.add.f32.msk $0xffff, v1  }
0x6d6: {  	v1 =	vld [tilespmem:s31+$0xFFFFFFC0];
	_ =	sdelay $0x4  }
0x6d7: {  	[tilespmem:s6+$0x268] =	vst.add.f32.msk $0xffff, v1  }
0x6d8: {  	v1 =	vld [tilespmem:s31+$0xFFFFFFD0];
	_ =	sdelay $0x4  }
0x6d9: {  	[tilespmem:s6+$0x278] =	vst.add.f32.msk $0xffff, v1  }
0x6da: {  	v1 =	vld [tilespmem:s31+$0xFFFFFFE0];
	_ =	sdelay $0x4  }
0x6db: {  	[tilespmem:s6+$0x288] =	vst.add.f32.msk $0xffff, v1  }
0x6dc: {  	v1 =	vld [tilespmem:s31+$0xFFFFFFF0];
	_ =	sdelay $0x4  }
0x6dd: {  	[tilespmem:s6+$0x298] =	vst.add.f32.msk $0xffff, v1  }
0x6de: {  	v1 =	vld [tilespmem:s31+$0x0];
	_ =	sdelay $0x4  }
0x6df: {  	[tilespmem:s6+$0x2A8] =	vst.add.f32.msk $0xffff, v1  }
0x6e0: {  	v1 =	vld [tilespmem:s31+$0x10];
	_ =	sdelay $0x4  }
0x6e1: {  	[tilespmem:s6+$0x2B8] =	vst.add.f32.msk $0xffff, v1  }
0x6e2: {  	v1 =	vld [tilespmem:s31+$0x20];
	_ =	sdelay $0x4  }
0x6e3: {  	[tilespmem:s6+$0x2C8] =	vst.add.f32.msk $0xffff, v1  }
0x6e4: {  	v1 =	vld [tilespmem:s31+$0x30];
	_ =	sdelay $0x4  }
0x6e5: {  	[tilespmem:s6+$0x2D8] =	vst.add.f32.msk $0xffff, v1  }
0x6e6: {  	v1 =	vld [tilespmem:s31+$0x40];
	_ =	sdelay $0x4  }
0x6e7: {  	[tilespmem:s6+$0x2E8] =	vst.add.f32.msk $0xffff, v1  }
0x6e8: {  	v1 =	vld [tilespmem:s31+$0x50];
	_ =	sdelay $0x4  }
0x6e9: {  	[tilespmem:s6+$0x2F8] =	vst.add.f32.msk $0xffff, v1  }
0x6ea: {  	v1 =	vld [tilespmem:s31+$0x60];
	_ =	sdelay $0x4  }
0x6eb: {  	[tilespmem:s6+$0x308] =	vst.add.f32.msk $0xffff, v1  }
0x6ec: {  	v1 =	vld [tilespmem:s31+$0x70];
	_ =	sdelay $0x4  }
0x6ed: {  	[tilespmem:s6+$0x318] =	vst.add.f32.msk $0xffff, v1  }
0x6ee: {  	v1 =	vld.msk [tilespmem:s31+$0x80], $0xf;
	_ =	sdelay $0x4  }
0x6ef: {  	[tilespmem:s6+$0x328] =	vst.add.f32.msk $0xf, v1  }
.LBB2_27:
0x6f0: {  	s30 =	sadd.s32 $0x1, s30  }
0x6f1: {  	p2 =	seq.s32 s30, $0x0  }
.Ltmp16:
0x6f2: {  	_ = 	snop;
	(pc) =	sbr.rel @p2 .LBB2_28-.Ltmp16, $2  }
0x6f3: {  	_ =	sdelay $0x2  }
0x6f4: {  	s26 =	sadd.s32 $0x1, s26;
	s31 =	sadd.s32 $0x180, s31;
	s28 =	smov.u32 s1  }
.LBB2_22:
0x6f5: {  	v1 =	vld.msk [tilespmem:s26+$0x0], $0x1;
	_ =	sdelay $0x4  }
0x6f6: {  	(v2sf) =	vpush v1, $0x0;
	_ =	sdelay $0xe  }
0x6f7: {  	s1 =	spop (v2sf)  }
0x6f8: {  	p2 =	sne.s32 s28, s1  }
.Ltmp17:
0x6f9: {  	_ = 	snop;
	(pc) =	sbr.rel @!p2 .LBB2_23-.Ltmp17, $3  }
0x6fa: {  	_ = 	snop  }
0x6fb: {  	s5 =	smul.u32 $0x440, s25;
	_ =	sdelay $0x1  }
0x6fc: {  	s6 =	sshra.s32 s5, $0x2  }
0x6fd: {  	p2 =	seq.s32 s28, s0  }
.Ltmp18:
0x6fe: {  	_ = 	snop;
	(pc) =	sbr.rel @!p2 .LBB2_25-.Ltmp18, $1  }
0x6ff: {  	_ =	sdelay $0x3  }
.Ltmp19:
0x700: {  	s5 =	sadd.s32 $0x228, s6;
	(pc) =	sbr.rel .LBB2_26-.Ltmp19, $4  }
0x701: {  	[spmem:s15] =	stream.linear.scatter [tilespmem:s5], [sflag:$0x1], $0x104, $0x38;
	[tilespmem:$0x1C218] =	vst v63  }
0x702: {  	_ =	swait.ge [sflag:s3], $0x104  }
0x703: {  	[sflag:s3] =	ssyncset.done $0x0  }
0x704: {  	[sflag:s3] =	ssyncadd.s32 $0xFFFFFEFC  }
.LBB2_25:
0x705: {  	s5 =	smul.u32 $0x440, s29;
	_ =	sdelay $0x1  }
0x706: {  	s5 =	sshra.s32 s5, $0x2  }
0x707: {  	v1 =	vld [tilespmem:s5+$0x5838];
	_ =	sdelay $0x4  }
0x708: {  	[tilespmem:s6+$0x228] =	vst.add.f32.msk $0xffff, v1  }
0x709: {  	v1 =	vld [tilespmem:s5+$0x5848];
	_ =	sdelay $0x4  }
0x70a: {  	[tilespmem:s6+$0x238] =	vst.add.f32.msk $0xffff, v1  }
0x70b: {  	v1 =	vld [tilespmem:s5+$0x5858];
	_ =	sdelay $0x4  }
0x70c: {  	[tilespmem:s6+$0x248] =	vst.add.f32.msk $0xffff, v1  }
0x70d: {  	v1 =	vld [tilespmem:s5+$0x5868];
	_ =	sdelay $0x4  }
0x70e: {  	[tilespmem:s6+$0x258] =	vst.add.f32.msk $0xffff, v1  }
0x70f: {  	v1 =	vld [tilespmem:s5+$0x5878];
	_ =	sdelay $0x4  }
0x710: {  	[tilespmem:s6+$0x268] =	vst.add.f32.msk $0xffff, v1  }
0x711: {  	v1 =	vld [tilespmem:s5+$0x5888];
	_ =	sdelay $0x4  }
0x712: {  	[tilespmem:s6+$0x278] =	vst.add.f32.msk $0xffff, v1  }
0x713: {  	v1 =	vld [tilespmem:s5+$0x5898];
	_ =	sdelay $0x4  }
0x714: {  	[tilespmem:s6+$0x288] =	vst.add.f32.msk $0xffff, v1  }
0x715: {  	v1 =	vld [tilespmem:s5+$0x58A8];
	_ =	sdelay $0x4  }
0x716: {  	[tilespmem:s6+$0x298] =	vst.add.f32.msk $0xffff, v1  }
0x717: {  	v1 =	vld [tilespmem:s5+$0x58B8];
	_ =	sdelay $0x4  }
0x718: {  	[tilespmem:s6+$0x2A8] =	vst.add.f32.msk $0xffff, v1  }
0x719: {  	v1 =	vld [tilespmem:s5+$0x58C8];
	_ =	sdelay $0x4  }
0x71a: {  	[tilespmem:s6+$0x2B8] =	vst.add.f32.msk $0xffff, v1  }
0x71b: {  	v1 =	vld [tilespmem:s5+$0x58D8];
	_ =	sdelay $0x4  }
0x71c: {  	[tilespmem:s6+$0x2C8] =	vst.add.f32.msk $0xffff, v1  }
0x71d: {  	v1 =	vld [tilespmem:s5+$0x58E8];
	_ =	sdelay $0x4  }
0x71e: {  	[tilespmem:s6+$0x2D8] =	vst.add.f32.msk $0xffff, v1  }
0x71f: {  	v1 =	vld [tilespmem:s5+$0x58F8];
	_ =	sdelay $0x4  }
0x720: {  	[tilespmem:s6+$0x2E8] =	vst.add.f32.msk $0xffff, v1  }
0x721: {  	v1 =	vld [tilespmem:s5+$0x5908];
	_ =	sdelay $0x4  }
0x722: {  	[tilespmem:s6+$0x2F8] =	vst.add.f32.msk $0xffff, v1  }
0x723: {  	v1 =	vld [tilespmem:s5+$0x5918];
	_ =	sdelay $0x4  }
0x724: {  	[tilespmem:s6+$0x308] =	vst.add.f32.msk $0xffff, v1  }
0x725: {  	v1 =	vld [tilespmem:s5+$0x5928];
	_ =	sdelay $0x4  }
0x726: {  	[tilespmem:s6+$0x318] =	vst.add.f32.msk $0xffff, v1  }
0x727: {  	v1 =	vld.msk [tilespmem:s5+$0x5938], $0xf;
	_ =	sdelay $0x2  }
0x728: {  	p2 =	sgt.u32 s28, $0x751FF  }
0x729: {  	s5 =	sand.u32 @!p2 $0x7FFF8, s28  }
0x72a: {  	s8 =	sadd.s32 $0x228, s6;
	s10 =	sand.u32 @!p2 $0x7, s28;
	s5 =	sadd.s32 @!p2 s4, s5;
	[tilespmem:s6+$0x328] =	vst.add.f32.msk $0xf, v1  }
0x72b: {  	[hbm4b:s5+s10] =	stream.linear.scatter @!p2 [tilespmem:s8], [sflag:$0xC], $0x80, $0x38;
	[tilespmem:$0x1C218] =	vst v63  }
0x72c: {  	s5 =	sadd.s32 @!p2 $0x80, s28  }
0x72d: {  	s5 =	sand.u32 @!p2 $0xFFFF8, s5  }
0x72e: {  	s8 =	sadd.s32 $0x2A8, s6;
	s5 =	sadd.s32 @!p2 s4, s5  }
0x72f: {  	[hbm4b:s5+s10] =	stream.linear.scatter @!p2 [tilespmem:s8], [sflag:$0xC], $0x80, $0x38;
	[tilespmem:$0x1C218] =	vst v63  }
0x730: {  	s5 =	sadd.s32 @!p2 $0x100, s28  }
0x731: {  	s5 =	sand.u32 @!p2 $0xFFFF8, s5  }
0x732: {  	s6 =	sadd.s32 $0x328, s6;
	s5 =	sadd.s32 @!p2 s4, s5  }
0x733: {  	[hbm4b:s5+s10] =	stream.linear.scatter @!p2 [tilespmem:s6], [sflag:$0xC], $0x4, $0x38;
	[tilespmem:$0x1C218] =	vst v63  }
0x734: {  	s5 =	simm.s32 $0x0  }
0x735: {  	s5 =	simm.s32 @!p2 $0x410  }
0x736: {  	s2 =	sadd.s32 s5, s2  }
.LBB2_26:
0x737: {  	s5 =	sadd.s32 $0x1, s25  }
0x738: {  	s6 =	smulhi.u32 $0xCCCCCCCD, s5;
	_ =	sdelay $0x1  }
0x739: {  	s6 =	sshrl.u32 s6, $0x6  }
0x73a: {  	s6 =	smul.u32 $0x50, s6  }
0x73b: {  	v1 =	vld [tilespmem:s31+$0xFFFFFF80]  }
0x73c: {  	s25 =	ssub.s32 s5, s6  }
0x73d: {  	s5 =	smul.u32 $0x440, s25;
	_ =	sdelay $0x1  }
0x73e: {  	s5 =	sshrl.u32 s5, $0x2  }
0x73f: {  	[tilespmem:s5+$0x228] =	vst v1  }
0x740: {  	v1 =	vld [tilespmem:s31+$0xFFFFFF90];
	_ =	sdelay $0x4  }
0x741: {  	[tilespmem:s5+$0x238] =	vst v1  }
0x742: {  	v1 =	vld [tilespmem:s31+$0xFFFFFFA0];
	_ =	sdelay $0x4  }
0x743: {  	[tilespmem:s5+$0x248] =	vst v1  }
0x744: {  	v1 =	vld [tilespmem:s31+$0xFFFFFFB0];
	_ =	sdelay $0x4  }
0x745: {  	[tilespmem:s5+$0x258] =	vst v1  }
0x746: {  	v1 =	vld [tilespmem:s31+$0xFFFFFFC0];
	_ =	sdelay $0x4  }
0x747: {  	[tilespmem:s5+$0x268] =	vst v1  }
0x748: {  	v1 =	vld [tilespmem:s31+$0xFFFFFFD0];
	_ =	sdelay $0x4  }
0x749: {  	[tilespmem:s5+$0x278] =	vst v1  }
0x74a: {  	v1 =	vld [tilespmem:s31+$0xFFFFFFE0];
	_ =	sdelay $0x4  }
0x74b: {  	[tilespmem:s5+$0x288] =	vst v1  }
0x74c: {  	v1 =	vld [tilespmem:s31+$0xFFFFFFF0];
	_ =	sdelay $0x4  }
0x74d: {  	[tilespmem:s5+$0x298] =	vst v1  }
0x74e: {  	v1 =	vld [tilespmem:s31+$0x0];
	_ =	sdelay $0x4  }
0x74f: {  	[tilespmem:s5+$0x2A8] =	vst v1  }
0x750: {  	v1 =	vld [tilespmem:s31+$0x10];
	_ =	sdelay $0x4  }
0x751: {  	[tilespmem:s5+$0x2B8] =	vst v1  }
0x752: {  	v1 =	vld [tilespmem:s31+$0x20];
	_ =	sdelay $0x4  }
0x753: {  	[tilespmem:s5+$0x2C8] =	vst v1  }
0x754: {  	v1 =	vld [tilespmem:s31+$0x30];
	_ =	sdelay $0x4  }
0x755: {  	[tilespmem:s5+$0x2D8] =	vst v1  }
0x756: {  	v1 =	vld [tilespmem:s31+$0x40];
	_ =	sdelay $0x4  }
0x757: {  	[tilespmem:s5+$0x2E8] =	vst v1  }
0x758: {  	v1 =	vld [tilespmem:s31+$0x50];
	_ =	sdelay $0x4  }
0x759: {  	[tilespmem:s5+$0x2F8] =	vst v1  }
0x75a: {  	v1 =	vld [tilespmem:s31+$0x60];
	_ =	sdelay $0x4  }
0x75b: {  	[tilespmem:s5+$0x308] =	vst v1  }
0x75c: {  	v1 =	vld [tilespmem:s31+$0x70];
	_ =	sdelay $0x4  }
0x75d: {  	[tilespmem:s5+$0x318] =	vst v1  }
0x75e: {  	v1 =	vld.msk [tilespmem:s31+$0x80], $0xf  }
.Ltmp20:
0x75f: {  	_ = 	snop;
	(pc) =	sbr.rel .LBB2_27-.Ltmp20, $2  }
0x760: {  	_ =	sdelay $0x2  }
0x761: {  	s29 =	sadd.s32 $0x1, s29;
	[tilespmem:s5+$0x328] =	vst.msk $0xf, v1  }
.LBB2_29:
.Ltmp21:
0x762: {  	(pc) =	sbr.rel .LBB2_30-.Ltmp21, $4  }
0x763: {  	_ = 	snop  }
0x764: {  	s1 =	simm.s32 $0x2  }
0x765: {  	_ =	swait.ge [sflag:s1], $0x0  }
0x766: {  	s2 =	simm.s32 $0x0;
	[sflag:s1] =	ssyncset.done $0x0;
	s1 =	smov.u32 s28  }
.LBB2_32:
0x767: {  	_ =	sfence.sel $0x180000  }
0x768: {  	s0 =	simm.s32 $0x9;
	[bflag:$0x0] =	sbarrier.arrive $0xFFFF  }
0x769: {  	s24 =	simm.s32 $0xA;
	[sflag:s0] =	ssyncpa.u1 $0x1  }
0x76a: {  	s25 =	simm.s32 $0xB;
	[sflag:s24] =	ssyncpa.u1 $0x1  }
0x76b: {  	s26 =	simm.s32 $0x2;
	[sflag:s25] =	ssyncpa.u1 $0x1  }
0x76c: {  	[sflag:s26] =	ssyncpa.u1 $0x1  }
0x76d: {  	v0 =	vld [tilespmem:$0xAE48];
	_ =	sdelay $0x4  }
0x76e: {  	(v2sf) =	vpush v0, $0x0  }
0x76f: {  	(v2sf) =	vpush v0, $0x1  }
0x770: {  	(v2sf) =	vpush v0, $0x2;
	_ =	sdelay $0xc  }
0x771: {  	s0 =	spop (v2sf)  }
0x772: {  	s1 =	spop (v2sf)  }
0x773: {  	s2 =	smov.u32 s0;
	p0 =	sne.s32 s0, s1;
	s3 =	spop (v2sf)  }
0x774: {  	s2 =	simm.s32 @!p0 $0xFFFFFFFF;
	p0 =	seq.s32 s3, $0xFFFFFFFF  }
0x775: {  	v2 =	vimm.s32 $0x1;
	v3 =	vlaneseq.u32;
	v1 =	vmov s2;
	p1 =	sne.s32 @!p0 s0, s1  }
0x776: {  	s15 =	stileid.u32;
	v0 =	vperm.xlane v0, v2;
	s0 =	simm.s32 @!p0 $0x1;
	v1 =	vperm.xlane v1, v3;
	p1 =	por !p1, p0  }
0x777: {  	vm0 =	vcmask $0x3F04;
	s2 =	sshll.u32 s15, $0x1;
	s1 =	smul.u32 @!p0 $0x440, s3;
	s0 =	simm.s32 @p1 $0x0  }
0x778: {  	s6 =	simm.s32 $0xAE48;
	v0 =	vsel vm0, v1, v0;
	s0 =	sor.u32 @!p0 s0, s2  }
0x779: {  	s5 =	sor.u32 $0x2200, s2;
	s1 =	sshra.s32 @!p0 s1, $0x2;
	[tilespmem:$0xAE48] =	vst v0;
	s0 =	smul.u32 @!p0 $0x440, s0  }
0x77a: {  	[spmem:s5] =	stream.linear.scatter [tilespmem:s6], [sflag:$0x1], $0x2, $0x38;
	[tilespmem:$0x1C218] =	vst v63  }
0x77b: {  	s1 =	sadd.s32 @!p0 $0x228, s1;
	s0 =	sshrl.u32 @!p0 s0, $0x2  }
0x77c: {  	[spmem:s0] =	stream.linear.scatter @!p0 [tilespmem:s1], [sflag:$0x1], $0x110, $0x38;
	[tilespmem:$0x1C218] =	vst v63  }
0x77d: {  	s0 =	simm.s32 @!p0 $0x112  }
0x77e: {  	s28 =	simm.s32 $0x1;
	s0 =	simm.s32 @p0 $0x2  }
0x77f: {  	_ =	swait.ge [sflag:s28], s0  }
0x780: {  	s0 =	ssub.s32 $0x0, s0;
	[sflag:s28] =	ssyncset.done $0x0  }
0x781: {  	p0 =	sne.s32 s15, $0x0;
	[sflag:s28] =	ssyncadd.s32 s0  }
.Ltmp22:
0x782: {  	_ =	sfence.stream.spmem;
	(pc) =	sbr.rel @p0 .LBB2_49-.Ltmp22, $4  }
0x783: {  	s29 =	simm.s32 $0x3;
	[bflag:$0x0] =	sbarrier.arrive $0xFFFF  }
0x784: {  	s30 =	simm.s32 $0x4;
	[sflag:s29] =	ssyncpa.u1 $0x1  }
0x785: {  	s31 =	simm.s32 $0x3C;
	[sflag:s30] =	ssyncpa.u1 $0x1  }
0x786: {  	s16 =	rddreg [dreg:$0x4];
	[sflag:s31] =	ssyncpa.u1 $0x1  }
0x787: {  	_ =	sfence.stream.spmem;
	s0 =	simm.s32 $0x5  }
0x788: {  	s1 =	simm.s32 $0x2200;
	s2 =	simm.s32 $0xAE58;
	[sflag:s0] =	ssyncpa.u1 $0x0  }
0x789: {  	[tilespmem:s2], [sflag:$0x5] =	stream.linear.gather [spmem:s1], $0x20, $0x38;
	[tilespmem:$0x1C218] =	vst v63  }
0x78a: {  	s26 =	simm.s32 $0x0;
	s28 =	simm.s32 $0xAE78  }
0x78b: {  	[tilespmem:s28], [sflag:$0x5] =	stream.linear.gather [spmem:s26], $0x2200, $0x38;
	[tilespmem:$0x1C218] =	vst v63  }
0x78c: {  	_ =	swait.ge [sflag:s0], $0x2220  }
0x78d: {  	[sflag:s0] =	ssyncset.done $0x0  }
0x78e: {  	s29 =	simm.s32 $0x0;
	[sflag:s0] =	ssyncadd.s32 $0xFFFFDDE0  }
0x78f: {  	v0 =	vld.msk [tilespmem:s29+$0xAE58], $0x1;
	_ =	sdelay $0x1  }
0x790: {  	s30 =	simm.s32 $0x1  }
0x791: {  	v1 =	vld.msk [tilespmem:s30+$0xAE58], $0x1;
	_ =	sdelay $0x1  }
0x792: {  	(v2sf) =	vpush v0, $0x0;
	_ =	sdelay $0x2  }
0x793: {  	(v2sf) =	vpush v1, $0x0;
	_ =	sdelay $0x2  }
0x794: {  	s31 =	simm.s32 $0x2  }
0x795: {  	v0 =	vld.msk [tilespmem:s31+$0xAE58], $0x1;
	_ =	sdelay $0x2  }
0x796: {  	s2 =	simm.s32 $0xFFFFFFFF;
	s1 =	simm.s32 $0xFFFFFFFF;
	s0 =	simm.s32 $0xC  }
.LBB2_34:
0x797: {  	s3 =	smov.u32 s1;
	s5 =	smov.u32 s2  }
0x798: {  	s1 =	sshra.s32 s0, $0x2;
	p1 =	sne.s32 s0, $0x7C;
	s0 =	sadd.s32 $0x4, s0;
	(v2sf) =	vpush v0, $0x0  }
0x799: {  	v0 =	vld.msk [tilespmem:s1+$0xAE58], $0x1  }
.Ltmp23:
0x79a: {  	(pc) =	sbr.rel @p1 .LBB2_34-.Ltmp23, $4  }
0x79b: {  	s1 =	spop (v2sf)  }
0x79c: {  	p2 =	sne.s32 s2, $0xFFFFFFFF;
	s2 =	smov.u32 s1  }
0x79d: {  	p3 =	seq.s32 s1, $0xFFFFFFFF;
	s2 =	smov.u32 @p2 s5  }
0x79e: {  	s1 =	smov.u32 @p3 s3;
	s2 =	smov.u32 @p3 s5  }
0x79f: {  	(v2sf) =	vpush v0, $0x0;
	_ =	sdelay $0x8  }
0x7a0: {  	s0 =	spop (v2sf);
	p1 =	sne.s32 s2, $0xFFFFFFFF  }
0x7a1: {  	s9 =	simm.s32 $0x6;
	s10 =	simm.s32 $0xAD38;
	s3 =	smov.u32 s0  }
0x7a2: {  	s11 =	simm.s32 $0xADB8;
	p2 =	seq.s32 s0, $0xFFFFFFFF;
	s3 =	smov.u32 @p1 s2  }
0x7a3: {  	s12 =	simm.s32 $0xAE38;
	s3 =	smov.u32 @p2 s2;
	s2 =	spop (v2sf)  }
0x7a4: {  	s13 =	simm.s32 $0x0;
	p1 =	sne.s32 s3, $0xFFFFFFFF;
	s5 =	smov.u32 s2  }
.Ltmp24:
0x7a5: {  	s5 =	smov.u32 @p1 s3;
	p1 =	seq.s32 s2, $0xFFFFFFFF;
	(pc) =	sbr.rel .LBB2_36-.Ltmp24, $4  }
0x7a6: {  	[sflag:s9] =	ssyncpa.u1 $0x0;
	s5 =	smov.u32 @p1 s3;
	s7 =	spop (v2sf)  }
0x7a7: {  	s0 =	smov.u32 @p2 s1;
	p2 =	sne.s32 s5, $0xFFFFFFFF;
	s8 =	smov.u32 s7  }
0x7a8: {  	s2 =	smov.u32 @p1 s0;
	p1 =	seq.s32 s7, $0xFFFFFFFF;
	s8 =	smov.u32 @p2 s5  }
0x7a9: {  	s3 =	simm.s32 $0x0;
	s7 =	smov.u32 @p1 s2;
	s8 =	smov.u32 @p1 s5  }
.LBB2_42:
0x7aa: {  	p1 =	sgt.u32 s0, $0x751FF  }
0x7ab: {  	p2 =	seq.s32 @!p1 s0, s8  }
0x7ac: {  	p1 =	por p1, p2  }
0x7ad: {  	p2 =	sne.s32 @!p1 s0, s7  }
0x7ae: {  	p1 =	por p1, !p2  }
0x7af: {  	s0 =	smul.u32 @p1 $0x440, s13;
	_ =	sdelay $0x1  }
0x7b0: {  	s1 =	sand.u32 @!p1 $0x7FFF8, s0  }
0x7b1: {  	s2 =	sand.u32 @!p1 $0x7, s0;
	s1 =	sadd.s32 @!p1 s4, s1  }
0x7b2: {  	[tilespmem:s10], [sflag:$0x6] =	stream.linear.gather @!p1 [hbm4b:s1+s2], $0x80, $0x38;
	[tilespmem:$0x1C218] =	vst v63  }
0x7b3: {  	s1 =	sadd.s32 @!p1 $0x80, s0  }
0x7b4: {  	s0 =	sadd.s32 @!p1 $0x100, s0;
	s1 =	sand.u32 @!p1 $0xFFFF8, s1  }
0x7b5: {  	s0 =	sand.u32 @!p1 $0xFFFF8, s0;
	s1 =	sadd.s32 @!p1 s4, s1  }
0x7b6: {  	[tilespmem:s11], [sflag:$0x6] =	stream.linear.gather @!p1 [hbm4b:s1+s2], $0x80, $0x38;
	[tilespmem:$0x1C218] =	vst v63  }
0x7b7: {  	s0 =	sadd.s32 @!p1 s4, s0  }
0x7b8: {  	[tilespmem:s12], [sflag:$0x6] =	stream.linear.gather @!p1 [hbm4b:s0+s2], $0x4, $0x38;
	[tilespmem:$0x1C218] =	vst v63  }
0x7b9: {  	_ =	swait.ge @!p1 [sflag:s9], $0x104  }
0x7ba: {  	[sflag:s9] =	ssyncset.done @!p1 $0x0  }
0x7bb: {  	[sflag:s9] =	ssyncadd.s32 @!p1 $0xFFFFFEFC  }
0x7bc: {  	v1 =	vld @!p1 [tilespmem:$0xAD38];
	_ =	sdelay $0x1  }
0x7bd: {  	s0 =	smul.u32 @!p1 $0x440, s13;
	_ =	sdelay $0x1  }
0x7be: {  	s1 =	sshra.s32 @!p1 s0, $0x2  }
0x7bf: {  	[tilespmem:s1+$0xAE78] =	vst.add.f32.msk @!p1 $0xffff, v1  }
0x7c0: {  	v1 =	vld @!p1 [tilespmem:$0xAD48];
	_ =	sdelay $0x4  }
0x7c1: {  	[tilespmem:s1+$0xAE88] =	vst.add.f32.msk @!p1 $0xffff, v1  }
0x7c2: {  	v1 =	vld @!p1 [tilespmem:$0xAD58];
	_ =	sdelay $0x4  }
0x7c3: {  	[tilespmem:s1+$0xAE98] =	vst.add.f32.msk @!p1 $0xffff, v1  }
0x7c4: {  	v1 =	vld @!p1 [tilespmem:$0xAD68];
	_ =	sdelay $0x4  }
0x7c5: {  	[tilespmem:s1+$0xAEA8] =	vst.add.f32.msk @!p1 $0xffff, v1  }
0x7c6: {  	v1 =	vld @!p1 [tilespmem:$0xAD78];
	_ =	sdelay $0x4  }
0x7c7: {  	[tilespmem:s1+$0xAEB8] =	vst.add.f32.msk @!p1 $0xffff, v1  }
0x7c8: {  	v1 =	vld @!p1 [tilespmem:$0xAD88];
	_ =	sdelay $0x4  }
0x7c9: {  	[tilespmem:s1+$0xAEC8] =	vst.add.f32.msk @!p1 $0xffff, v1  }
0x7ca: {  	v1 =	vld @!p1 [tilespmem:$0xAD98];
	_ =	sdelay $0x4  }
0x7cb: {  	[tilespmem:s1+$0xAED8] =	vst.add.f32.msk @!p1 $0xffff, v1  }
0x7cc: {  	v1 =	vld @!p1 [tilespmem:$0xADA8];
	_ =	sdelay $0x4  }
0x7cd: {  	[tilespmem:s1+$0xAEE8] =	vst.add.f32.msk @!p1 $0xffff, v1  }
0x7ce: {  	v1 =	vld @!p1 [tilespmem:$0xADB8];
	_ =	sdelay $0x4  }
0x7cf: {  	[tilespmem:s1+$0xAEF8] =	vst.add.f32.msk @!p1 $0xffff, v1  }
0x7d0: {  	v1 =	vld @!p1 [tilespmem:$0xADC8];
	_ =	sdelay $0x4  }
0x7d1: {  	[tilespmem:s1+$0xAF08] =	vst.add.f32.msk @!p1 $0xffff, v1  }
0x7d2: {  	v1 =	vld @!p1 [tilespmem:$0xADD8];
	_ =	sdelay $0x4  }
0x7d3: {  	[tilespmem:s1+$0xAF18] =	vst.add.f32.msk @!p1 $0xffff, v1  }
0x7d4: {  	v1 =	vld @!p1 [tilespmem:$0xADE8];
	_ =	sdelay $0x4  }
0x7d5: {  	[tilespmem:s1+$0xAF28] =	vst.add.f32.msk @!p1 $0xffff, v1  }
0x7d6: {  	v1 =	vld @!p1 [tilespmem:$0xADF8];
	_ =	sdelay $0x4  }
0x7d7: {  	[tilespmem:s1+$0xAF38] =	vst.add.f32.msk @!p1 $0xffff, v1  }
0x7d8: {  	v1 =	vld @!p1 [tilespmem:$0xAE08];
	_ =	sdelay $0x4  }
0x7d9: {  	[tilespmem:s1+$0xAF48] =	vst.add.f32.msk @!p1 $0xffff, v1  }
0x7da: {  	v1 =	vld @!p1 [tilespmem:$0xAE18];
	_ =	sdelay $0x4  }
0x7db: {  	[tilespmem:s1+$0xAF58] =	vst.add.f32.msk @!p1 $0xffff, v1  }
0x7dc: {  	v1 =	vld @!p1 [tilespmem:$0xAE28];
	_ =	sdelay $0x4  }
0x7dd: {  	[tilespmem:s1+$0xAF68] =	vst.add.f32.msk @!p1 $0xffff, v1  }
0x7de: {  	v1 =	vld @!p1 [tilespmem:$0xAE38];
	_ =	sdelay $0x4  }
0x7df: {  	[tilespmem:s1+$0xAF78] =	vst.add.f32.msk @!p1 $0xffff, v1  }
0x7e0: {  	s0 =	sshra.s32 s0, $0x2;
	[tilespmem:s3+$0xAE58] =	vst.msk $0x1, v0  }
0x7e1: {  	v0 =	vld [tilespmem:s0+$0xAE78];
	_ =	sdelay $0x1  }
0x7e2: {  	s31 =	smul.u32 $0x440, s3;
	_ =	sdelay $0x1  }
0x7e3: {  	s1 =	sshra.s32 s31, $0x2  }
0x7e4: {  	[tilespmem:s1+$0xAE78] =	vst v0  }
0x7e5: {  	v0 =	vld [tilespmem:s0+$0xAE88];
	_ =	sdelay $0x4  }
0x7e6: {  	[tilespmem:s1+$0xAE88] =	vst v0  }
0x7e7: {  	v0 =	vld [tilespmem:s0+$0xAE98];
	_ =	sdelay $0x4  }
0x7e8: {  	[tilespmem:s1+$0xAE98] =	vst v0  }
0x7e9: {  	v0 =	vld [tilespmem:s0+$0xAEA8];
	_ =	sdelay $0x4  }
0x7ea: {  	[tilespmem:s1+$0xAEA8] =	vst v0  }
0x7eb: {  	v0 =	vld [tilespmem:s0+$0xAEB8];
	_ =	sdelay $0x4  }
0x7ec: {  	[tilespmem:s1+$0xAEB8] =	vst v0  }
0x7ed: {  	v0 =	vld [tilespmem:s0+$0xAEC8];
	_ =	sdelay $0x4  }
0x7ee: {  	[tilespmem:s1+$0xAEC8] =	vst v0  }
0x7ef: {  	v0 =	vld [tilespmem:s0+$0xAED8];
	_ =	sdelay $0x4  }
0x7f0: {  	[tilespmem:s1+$0xAED8] =	vst v0  }
0x7f1: {  	v0 =	vld [tilespmem:s0+$0xAEE8];
	_ =	sdelay $0x4  }
0x7f2: {  	[tilespmem:s1+$0xAEE8] =	vst v0  }
0x7f3: {  	v0 =	vld [tilespmem:s0+$0xAEF8];
	_ =	sdelay $0x4  }
0x7f4: {  	[tilespmem:s1+$0xAEF8] =	vst v0  }
0x7f5: {  	v0 =	vld [tilespmem:s0+$0xAF08];
	_ =	sdelay $0x4  }
0x7f6: {  	[tilespmem:s1+$0xAF08] =	vst v0  }
0x7f7: {  	v0 =	vld [tilespmem:s0+$0xAF18];
	_ =	sdelay $0x4  }
0x7f8: {  	[tilespmem:s1+$0xAF18] =	vst v0  }
0x7f9: {  	v0 =	vld [tilespmem:s0+$0xAF28];
	_ =	sdelay $0x4  }
0x7fa: {  	[tilespmem:s1+$0xAF28] =	vst v0  }
0x7fb: {  	v0 =	vld [tilespmem:s0+$0xAF38];
	_ =	sdelay $0x4  }
0x7fc: {  	[tilespmem:s1+$0xAF38] =	vst v0  }
0x7fd: {  	v0 =	vld [tilespmem:s0+$0xAF48];
	_ =	sdelay $0x4  }
0x7fe: {  	[tilespmem:s1+$0xAF48] =	vst v0  }
0x7ff: {  	v0 =	vld [tilespmem:s0+$0xAF58];
	_ =	sdelay $0x4  }
0x800: {  	[tilespmem:s1+$0xAF58] =	vst v0  }
0x801: {  	v0 =	vld [tilespmem:s0+$0xAF68];
	_ =	sdelay $0x4  }
0x802: {  	[tilespmem:s1+$0xAF68] =	vst v0  }
0x803: {  	v0 =	vld [tilespmem:s0+$0xAF78];
	_ =	sdelay $0x4  }
0x804: {  	s3 =	sadd.s32 $0x1, s3;
	[tilespmem:s1+$0xAF78] =	vst v0  }
.LBB2_43:
0x805: {  	s13 =	sadd.s32 $0x1, s13  }
0x806: {  	p1 =	sne.s32 s13, $0x20  }
.Ltmp25:
0x807: {  	_ = 	snop;
	(pc) =	sbr.rel @!p1 .LBB2_44-.Ltmp25, $1  }
0x808: {  	_ =	sdelay $0x3  }
.LBB2_36:
0x809: {  	v0 =	vld.msk [tilespmem:s13+$0xAE58], $0x1;
	_ =	sdelay $0x4  }
0x80a: {  	(v2sf) =	vpush v0, $0x0;
	_ =	sdelay $0xe  }
0x80b: {  	s0 =	spop (v2sf)  }
0x80c: {  	p1 =	seq.s32 s0, $0xFFFFFFFF  }
.Ltmp26:
0x80d: {  	_ = 	snop;
	(pc) =	sbr.rel @p1 .LBB2_43-.Ltmp26, $1  }
0x80e: {  	_ =	sdelay $0x3  }
0x80f: {  	p1 =	slt.s32 s3, $0x1  }
.Ltmp27:
0x810: {  	_ = 	snop;
	(pc) =	sbr.rel @p1 .LBB2_42-.Ltmp27, $1  }
0x811: {  	_ =	sdelay $0x3  }
0x812: {  	s1 =	simm.s32 $0xAE58;
	p1 =	por $0x0, $0x0  }
0x813: {  	v1 =	vld.msk @!p1 [tilespmem:s1+$0x0], $0x1;
	_ =	sdelay $0x4  }
0x814: {  	(v2sf) =	vpush @!p1 v1, $0x0;
	_ =	sdelay $0xd  }
0x815: {  	p3 =	sne.s32 s3, $0x1  }
.Ltmp28:
0x816: {  	s2 =	spop @!p1 (v2sf);
	(pc) =	sbr.rel @!p3 .LBB2_40-.Ltmp28, $4  }
0x817: {  	p2 =	seq.s32 @!p1 s0, s2  }
0x818: {  	s2 =	simm.s32 $0x0;
	p2 =	por !p2, p1  }
0x819: {  	s6 =	simm.s32 $0xFFFFFFFF;
	s2 =	simm.s32 @p2 $0xFFFFFFFF  }
0x81a: {  	s5 =	simm.s32 $0x1;
	s2 =	smov.u32 @p1 s6  }
.LBB2_39:
0x81b: {  	s6 =	smov.u32 s2;
	p1 =	sne.s32 s2, $0xFFFFFFFF  }
0x81c: {  	s1 =	sadd.s32 $0x1, s1;
	s2 =	smov.u32 s5;
	s5 =	sadd.s32 $0x1, s5  }
0x81d: {  	p2 =	sne.s32 s3, s5;
	v1 =	vld.msk @!p1 [tilespmem:s1+$0x0], $0x1;
	_ =	sdelay $0x4  }
0x81e: {  	(v2sf) =	vpush @!p1 v1, $0x0;
	_ =	sdelay $0xe  }
.Ltmp29:
0x81f: {  	s14 =	spop @!p1 (v2sf);
	(pc) =	sbr.rel @p2 .LBB2_39-.Ltmp29, $4  }
0x820: {  	p3 =	seq.s32 @!p1 s0, s14  }
0x821: {  	p3 =	por !p3, p1  }
0x822: {  	s2 =	simm.s32 @p3 $0xFFFFFFFF  }
0x823: {  	s2 =	smov.u32 @p1 s6  }
.LBB2_40:
0x824: {  	p1 =	seq.s32 s2, $0xFFFFFFFF  }
.Ltmp30:
0x825: {  	_ = 	snop;
	(pc) =	sbr.rel @p1 .LBB2_42-.Ltmp30, $1  }
0x826: {  	_ =	sdelay $0x3  }
0x827: {  	s0 =	smul.u32 $0x440, s13;
	_ =	sdelay $0x1  }
0x828: {  	s0 =	sshra.s32 s0, $0x2  }
0x829: {  	v0 =	vld [tilespmem:s0+$0xAE78];
	_ =	sdelay $0x1  }
0x82a: {  	s1 =	smul.u32 $0x440, s2;
	_ =	sdelay $0x1  }
0x82b: {  	s1 =	sshra.s32 s1, $0x2  }
0x82c: {  	[tilespmem:s1+$0xAE78] =	vst.add.f32.msk $0xffff, v0  }
0x82d: {  	v0 =	vld [tilespmem:s0+$0xAE88];
	_ =	sdelay $0x4  }
0x82e: {  	[tilespmem:s1+$0xAE88] =	vst.add.f32.msk $0xffff, v0  }
0x82f: {  	v0 =	vld [tilespmem:s0+$0xAE98];
	_ =	sdelay $0x4  }
0x830: {  	[tilespmem:s1+$0xAE98] =	vst.add.f32.msk $0xffff, v0  }
0x831: {  	v0 =	vld [tilespmem:s0+$0xAEA8];
	_ =	sdelay $0x4  }
0x832: {  	[tilespmem:s1+$0xAEA8] =	vst.add.f32.msk $0xffff, v0  }
0x833: {  	v0 =	vld [tilespmem:s0+$0xAEB8];
	_ =	sdelay $0x4  }
0x834: {  	[tilespmem:s1+$0xAEB8] =	vst.add.f32.msk $0xffff, v0  }
0x835: {  	v0 =	vld [tilespmem:s0+$0xAEC8];
	_ =	sdelay $0x4  }
0x836: {  	[tilespmem:s1+$0xAEC8] =	vst.add.f32.msk $0xffff, v0  }
0x837: {  	v0 =	vld [tilespmem:s0+$0xAED8];
	_ =	sdelay $0x4  }
0x838: {  	[tilespmem:s1+$0xAED8] =	vst.add.f32.msk $0xffff, v0  }
0x839: {  	v0 =	vld [tilespmem:s0+$0xAEE8];
	_ =	sdelay $0x4  }
0x83a: {  	[tilespmem:s1+$0xAEE8] =	vst.add.f32.msk $0xffff, v0  }
0x83b: {  	v0 =	vld [tilespmem:s0+$0xAEF8];
	_ =	sdelay $0x4  }
0x83c: {  	[tilespmem:s1+$0xAEF8] =	vst.add.f32.msk $0xffff, v0  }
0x83d: {  	v0 =	vld [tilespmem:s0+$0xAF08];
	_ =	sdelay $0x4  }
0x83e: {  	[tilespmem:s1+$0xAF08] =	vst.add.f32.msk $0xffff, v0  }
0x83f: {  	v0 =	vld [tilespmem:s0+$0xAF18];
	_ =	sdelay $0x4  }
0x840: {  	[tilespmem:s1+$0xAF18] =	vst.add.f32.msk $0xffff, v0  }
0x841: {  	v0 =	vld [tilespmem:s0+$0xAF28];
	_ =	sdelay $0x4  }
0x842: {  	[tilespmem:s1+$0xAF28] =	vst.add.f32.msk $0xffff, v0  }
0x843: {  	v0 =	vld [tilespmem:s0+$0xAF38];
	_ =	sdelay $0x4  }
0x844: {  	[tilespmem:s1+$0xAF38] =	vst.add.f32.msk $0xffff, v0  }
0x845: {  	v0 =	vld [tilespmem:s0+$0xAF48];
	_ =	sdelay $0x4  }
0x846: {  	[tilespmem:s1+$0xAF48] =	vst.add.f32.msk $0xffff, v0  }
0x847: {  	v0 =	vld [tilespmem:s0+$0xAF58];
	_ =	sdelay $0x4  }
0x848: {  	[tilespmem:s1+$0xAF58] =	vst.add.f32.msk $0xffff, v0  }
0x849: {  	v0 =	vld [tilespmem:s0+$0xAF68];
	_ =	sdelay $0x4  }
0x84a: {  	[tilespmem:s1+$0xAF68] =	vst.add.f32.msk $0xffff, v0  }
0x84b: {  	v0 =	vld [tilespmem:s0+$0xAF78]  }
.Ltmp31:
0x84c: {  	_ = 	snop;
	(pc) =	sbr.rel .LBB2_43-.Ltmp31, $2  }
0x84d: {  	_ =	sdelay $0x2  }
0x84e: {  	[tilespmem:s1+$0xAF78] =	vst.add.f32.msk $0xffff, v0  }
.LBB2_44:
0x84f: {  	s0 =	simm.s32 $0x6;
	p1 =	seq.s32 s3, $0x0  }
0x850: {  	[sflag:s0] =	ssyncpa.u1 $0x1;
	v0 =	vimm.s32 @p1 $0xFFFFFFFF  }
0x851: {  	s0 =	sadd.s32 $0xFFFFFFFF, s3;
	[tilespmem:$0xD078] =	vst @p1 v0  }
0x852: {  	v0 =	vld.msk @!p1 [tilespmem:s0+$0xAE58], $0x1;
	_ =	sdelay $0x1  }
0x853: {  	v1 =	vld.msk @!p1 [tilespmem:$0xAE58], $0x1;
	_ =	sdelay $0x2  }
0x854: {  	p2 =	seq.s32 @!p1 s0, $0x0;
	v0 =	vbroadcast @!p1 v0, $0x0  }
0x855: {  	vm0 =	vmmov @!p1 $0x1;
	p3 =	por !p2, p1  }
0x856: {  	p2 =	sne.s32 @!p1 s8, s7;
	v1 =	vnsel @!p1 vm0, $0xFFFFFFFF, v1;
	vm0 =	vcmask @!p1 $0x308;
	v0 =	vpsel !p3, $0xFFFFFFFF, v0  }
0x857: {  	p3 =	por !p2, p1;
	v0 =	vsel @!p1 vm0, v1, v0  }
0x858: {  	s1 =	simm.s32 @!p1 $0xAE78;
	s2 =	simm.s32 @!p1 $0x0;
	s5 =	smul.u32 @!p3 $0x440, s0;
	[tilespmem:$0xD078] =	vst @!p1 v0  }
0x859: {  	[spmem:s2] =	stream.linear.scatter @!p1 [tilespmem:s1], [sflag:$0x1], $0x110, $0x38;
	[tilespmem:$0x1C218] =	vst v63  }
0x85a: {  	s1 =	sshra.s32 @!p3 s5, $0x2  }
0x85b: {  	s2 =	simm.s32 @!p3 $0x110;
	s1 =	sadd.s32 @!p3 $0xAE78, s1  }
0x85c: {  	[spmem:s2] =	stream.linear.scatter @!p3 [tilespmem:s1], [sflag:$0x1], $0x110, $0x38;
	[tilespmem:$0x1C218] =	vst v63  }
0x85d: {  	s1 =	simm.s32 @!p3 $0x1  }
0x85e: {  	_ =	swait.ge @!p3 [sflag:s1], $0x220  }
0x85f: {  	p1 =	por p2, p1;
	[sflag:s1] =	ssyncset.done @!p3 $0x0  }
0x860: {  	[sflag:s1] =	ssyncadd.s32 @!p3 $0xFFFFFDE0;
	s1 =	simm.s32 @!p1 $0x1  }
0x861: {  	_ =	swait.ge @!p1 [sflag:s1], $0x110  }
0x862: {  	s29 =	simm.s32 $0xD078;
	[sflag:s1] =	ssyncset.done @!p1 $0x0  }
0x863: {  	s30 =	simm.s32 $0x2200;
	s31 =	simm.s32 $0x1;
	[sflag:s1] =	ssyncadd.s32 @!p1 $0xFFFFFEF0  }
0x864: {  	[spmem:s30] =	stream.linear.scatter [tilespmem:s29], [sflag:$0x1], $0x10, $0x38;
	[tilespmem:$0x1C218] =	vst v63  }
0x865: {  	_ =	swait.ge [sflag:s31], $0x10  }
0x866: {  	[sflag:s31] =	ssyncset.done $0x0  }
0x867: {  	p1 =	seq.s32 s16, $0x0;
	s9 =	rddreg [dreg:$0x1];
	[sflag:s31] =	ssyncadd.s32 $0xFFFFFFF0  }
0x868: {  	s2 =	sshll.u32 @p1 s9, $0xE;
	s8 =	rddreg [dreg:$0x2]  }
0x869: {  	s1 =	sadd.s32 @p1 $0x15C3C, s2;
	s2 =	sshll.u32 @p1 s8, $0x11  }
0x86a: {  	_ =	sfence.stream.spmem;
	s1 =	sor.u32 @p1 s2, s1  }
0x86b: {  	[sflag:s1] =	ssyncadd.remote.s32 @p1 $0x1;
	s1 =	simm.s32 @p1 $0x4  }
0x86c: {  	s5 =	simm.s32 @!p1 $0x3C;
	s2 =	sand.u32 $0xFFFFFFFE, s9;
	_ =	swait.ge @p1 [sflag:s1], $0x46  }
0x86d: {  	s6 =	simm.s32 @!p1 $0x0;
	s2 =	sadd.s32 @!p1 $0x4, s2;
	[sflag:s1] =	ssyncset.done @p1 $0x0  }
0x86e: {  	s7 =	simm.s32 @!p1 $0x220;
	[sflag:s1] =	ssyncadd.s32 @p1 $0xFFFFFFBA;
	s1 =	sshll.u32 @!p1 s2, $0x1A  }
0x86f: {  	s2 =	sshll.u32 @!p1 s2, $0xD;
	s1 =	sor.u32 @!p1 s1, s8;
	_ =	swait.eq @!p1 [sflag:s5], $0x1  }
0x870: {  	s2 =	sor.u32 @!p1 $0x1C04, s2;
	s5 =	simm.s32 @!p1 $0x1C03;
	s1 =	sor.u32 @!p1 $0x80004000, s1  }
0x871: {  	[spmem:s7], [sflag:s2] =	dma.general @!p1 [spmem:s6], [sflag:s5], length:$0x44, [dreg:$0x0], stride_count:$0x0, ici_dest:s1, dma_misc:DstOpCode:WRITE  }
0x872: {  	p2 =	slt.s32 s0, $0x2;
	s6 =	simm.s32 @!p1 $0x440;
	s7 =	simm.s32 @!p1 $0x442  }
0x873: {  	[spmem:s7], [sflag:s2] =	dma.general @!p1 [spmem:s6], [sflag:s5], length:$0x2, [dreg:$0x0], stride_count:$0x0, ici_dest:s1, dma_misc:DstOpCode:WRITE  }
.Ltmp32:
0x874: {  	s1 =	simm.s32 @!p1 $0x3;
	(pc) =	sbr.rel @p2 .LBB2_48-.Ltmp32, $4  }
0x875: {  	s2 =	sshll.u32 @!p1 s9, $0xE;
	_ =	swait.ge @!p1 [sflag:s1], $0x46  }
0x876: {  	s5 =	sshll.u32 @!p1 s8, $0x11;
	s2 =	sadd.s32 @!p1 $0x11C3C, s2;
	[sflag:s1] =	ssyncset.done @!p1 $0x0  }
0x877: {  	[sflag:s1] =	ssyncadd.s32 @!p1 $0xFFFFFFBA;
	s1 =	sor.u32 @!p1 s5, s2  }
0x878: {  	s0 =	simm.s32 $0x0;
	[sflag:s1] =	ssyncadd.remote.s32 @!p1 $0xFFFFFFFF  }
0x879: {  	s0 =	simm.s32 $0xAE59  }
0x87a: {  	v0 =	vld.msk [tilespmem:s0+$0x0], $0x1;
	_ =	sdelay $0x4  }
0x87b: {  	(v2sf) =	vpush v0, $0x0;
	_ =	sdelay $0xe  }
0x87c: {  	s1 =	spop (v2sf)  }
0x87d: {  	s2 =	sadd.s32 $0xFFFFFFFE, s3;
	s0 =	simm.s32 $0xAF88;
	p1 =	sgt.u32 s1, $0x751FF  }
0x87e: {  	s3 =	sand.u32 @!p1 $0x7FFF8, s1;
	s5 =	sadd.s32 @!p1 $0x80, s1;
	s6 =	sadd.s32 @!p1 $0x100, s1  }
0x87f: {  	s7 =	sand.u32 @!p1 $0x7, s1;
	s3 =	sadd.s32 @!p1 s4, s3;
	s1 =	sand.u32 @!p1 $0xFFFF8, s5  }
0x880: {  	[hbm4b:s3+s7] =	stream.linear.scatter @!p1 [tilespmem:s0], [sflag:$0x5], $0x80, $0x38;
	[tilespmem:$0x1C218] =	vst v63  }
0x881: {  	s3 =	simm.s32 @!p1 $0xB008;
	s1 =	sadd.s32 @!p1 s4, s1  }
0x882: {  	[hbm4b:s1+s7] =	stream.linear.scatter @!p1 [tilespmem:s3], [sflag:$0x5], $0x80, $0x38;
	[tilespmem:$0x1C218] =	vst v63  }
0x883: {  	s1 =	sadd.s32 $0xFFFFFFFF, s2  }
0x884: {  	p2 =	sne.s32 s1, $0x0  }
.Ltmp33:
0x885: {  	_ = 	snop;
	(pc) =	sbr.rel @!p2 .LBB2_47-.Ltmp33, $4  }
0x886: {  	s5 =	sand.u32 @!p1 $0xFFFF8, s6  }
0x887: {  	s2 =	simm.s32 @!p1 $0xB088;
	s3 =	sadd.s32 @!p1 s4, s5  }
0x888: {  	[hbm4b:s3+s7] =	stream.linear.scatter @!p1 [tilespmem:s2], [sflag:$0x5], $0x4, $0x38;
	[tilespmem:$0x1C218] =	vst v63  }
0x889: {  	s6 =	simm.s32 $0xAE5A;
	s2 =	simm.s32 $0x0;
	s3 =	simm.s32 $0x0  }
.LBB2_46:
0x88a: {  	s5 =	simm.s32 $0x0  }
0x88b: {  	v0 =	vld.msk [tilespmem:s6+$0x0], $0x1;
	s1 =	sadd.s32 $0xFFFFFFFF, s1;
	s5 =	simm.s32 @!p1 $0x410  }
0x88c: {  	p2 =	sne.s32 s1, $0x0;
	s3 =	sadd.s32 s3, s5;
	_ =	sdelay $0x3  }
0x88d: {  	(v2sf) =	vpush v0, $0x0;
	_ =	sdelay $0xe  }
0x88e: {  	s5 =	spop (v2sf)  }
0x88f: {  	s0 =	sadd.s32 $0x110, s0;
	p1 =	sgt.u32 s5, $0x751FF  }
0x890: {  	s7 =	sand.u32 @!p1 $0x7FFF8, s5;
	s8 =	sadd.s32 @!p1 $0x80, s5;
	s9 =	sadd.s32 @!p1 $0x100, s5  }
0x891: {  	s5 =	sand.u32 @!p1 $0x7, s5;
	s7 =	sadd.s32 @!p1 s4, s7;
	s8 =	sand.u32 @!p1 $0xFFFF8, s8  }
0x892: {  	[hbm4b:s7+s5] =	stream.linear.scatter @!p1 [tilespmem:s0], [sflag:$0x5], $0x80, $0x38;
	[tilespmem:$0x1C218] =	vst v63  }
.Ltmp34:
0x893: {  	_ = 	snop;
	(pc) =	sbr.rel @p2 .LBB2_46-.Ltmp34, $4  }
0x894: {  	s9 =	sand.u32 @!p1 $0xFFFF8, s9;
	s7 =	sadd.s32 @!p1 $0x80, s0;
	s8 =	sadd.s32 @!p1 s4, s8  }
0x895: {  	[hbm4b:s8+s5] =	stream.linear.scatter @!p1 [tilespmem:s7], [sflag:$0x5], $0x80, $0x38;
	[tilespmem:$0x1C218] =	vst v63  }
0x896: {  	s6 =	sadd.s32 $0x1, s6;
	s7 =	sadd.s32 @!p1 $0x100, s0;
	s8 =	sadd.s32 @!p1 s4, s9  }
0x897: {  	[hbm4b:s8+s5] =	stream.linear.scatter @!p1 [tilespmem:s7], [sflag:$0x5], $0x4, $0x38;
	[tilespmem:$0x1C218] =	vst v63  }
.LBB2_47:
0x898: {  	s2 =	simm.s32 @!p1 $0x410  }
0x899: {  	s0 =	sadd.s32 s3, s2  }
0x89a: {  	s0 =	sshrl.u32 s0, $0x2  }
.LBB2_48:
0x89b: {  	s1 =	simm.s32 $0x5  }
0x89c: {  	_ =	swait.ge [sflag:s1], s0  }
0x89d: {  	s31 =	ssub.s32 $0x0, s0;
	[sflag:s1] =	ssyncset.done $0x0  }
0x89e: {  	[sflag:s1] =	ssyncadd.s32 s31  }
0x89f: {  	[sflag:s1] =	ssyncpa.u1 $0x1  }
.LBB2_49:
0x8a0: {  	s0 =	sor.u32 s16, s15  }
0x8a1: {  	p1 =	sne.s32 s0, $0x0  }
.Ltmp35:
0x8a2: {  	_ = 	snop;
	(pc) =	sbr.rel @p1 .LBB2_64-.Ltmp35, $3  }
0x8a3: {  	_ =	sdelay $0x1  }
0x8a4: {  	[bflag:$0x0] =	sbarrier.arrive $0xFFFF  }
0x8a5: {  	_ =	sfence  }
0x8a6: {  	s0 =	simm.s32 $0x7  }
0x8a7: {  	s1 =	simm.s32 $0x2200;
	s2 =	simm.s32 $0xAE58;
	[sflag:s0] =	ssyncpa.u1 $0x0  }
0x8a8: {  	[tilespmem:s2], [sflag:$0x7] =	stream.linear.gather [spmem:s1], $0x20, $0x38;
	[tilespmem:$0x1C218] =	vst v63  }
0x8a9: {  	s30 =	simm.s32 $0xAE78;
	s1 =	simm.s32 $0x0  }
0x8aa: {  	[tilespmem:s30], [sflag:$0x7] =	stream.linear.gather [spmem:s1], $0x2200, $0x38;
	[tilespmem:$0x1C218] =	vst v63  }
.Ltmp36:
0x8ab: {  	_ = 	snop;
	(pc) =	sbr.rel .LBB2_51-.Ltmp36, $4  }
0x8ac: {  	_ =	swait.ge [sflag:s0], $0x2220  }
0x8ad: {  	[sflag:s0] =	ssyncset.done $0x0  }
0x8ae: {  	s31 =	simm.s32 $0x8;
	[sflag:s0] =	ssyncadd.s32 $0xFFFFDDE0  }
0x8af: {  	s2 =	simm.s32 $0x0;
	[sflag:s31] =	ssyncpa.u1 $0x0  }
.LBB2_57:
0x8b0: {  	p1 =	slt.u32 s0, $0x75200  }
0x8b1: {  	s3 =	sand.u32 @p1 $0x7FFF8, s0  }
0x8b2: {  	s5 =	sand.u32 @p1 $0x7, s0;
	s6 =	simm.s32 @p1 $0xAD38;
	s3 =	sadd.s32 @p1 s4, s3  }
0x8b3: {  	[tilespmem:s6], [sflag:$0x8] =	stream.linear.gather @p1 [hbm4b:s3+s5], $0x80, $0x38;
	[tilespmem:$0x1C218] =	vst v63  }
0x8b4: {  	s3 =	sadd.s32 @p1 $0x80, s0  }
0x8b5: {  	s0 =	sadd.s32 @p1 $0x100, s0;
	s3 =	sand.u32 @p1 $0xFFFF8, s3  }
0x8b6: {  	s6 =	simm.s32 @p1 $0xADB8;
	s0 =	sand.u32 @p1 $0xFFFF8, s0;
	s3 =	sadd.s32 @p1 s4, s3  }
0x8b7: {  	[tilespmem:s6], [sflag:$0x8] =	stream.linear.gather @p1 [hbm4b:s3+s5], $0x80, $0x38;
	[tilespmem:$0x1C218] =	vst v63  }
0x8b8: {  	s0 =	sadd.s32 @p1 s4, s0;
	s3 =	simm.s32 @p1 $0xAE38  }
0x8b9: {  	[tilespmem:s3], [sflag:$0x8] =	stream.linear.gather @p1 [hbm4b:s0+s5], $0x4, $0x38;
	[tilespmem:$0x1C218] =	vst v63  }
0x8ba: {  	s0 =	simm.s32 @p1 $0x8  }
0x8bb: {  	_ =	swait.ge @p1 [sflag:s0], $0x104  }
0x8bc: {  	[sflag:s0] =	ssyncset.done @p1 $0x0  }
0x8bd: {  	[sflag:s0] =	ssyncadd.s32 @p1 $0xFFFFFEFC  }
0x8be: {  	v1 =	vld @p1 [tilespmem:$0xAD38];
	_ =	sdelay $0x1  }
0x8bf: {  	s0 =	smul.u32 @p1 $0x440, s2;
	_ =	sdelay $0x1  }
0x8c0: {  	s3 =	sshra.s32 @p1 s0, $0x2  }
0x8c1: {  	[tilespmem:s3+$0xAE78] =	vst.add.f32.msk @p1 $0xffff, v1  }
0x8c2: {  	v1 =	vld @p1 [tilespmem:$0xAD48];
	_ =	sdelay $0x4  }
0x8c3: {  	[tilespmem:s3+$0xAE88] =	vst.add.f32.msk @p1 $0xffff, v1  }
0x8c4: {  	v1 =	vld @p1 [tilespmem:$0xAD58];
	_ =	sdelay $0x4  }
0x8c5: {  	[tilespmem:s3+$0xAE98] =	vst.add.f32.msk @p1 $0xffff, v1  }
0x8c6: {  	v1 =	vld @p1 [tilespmem:$0xAD68];
	_ =	sdelay $0x4  }
0x8c7: {  	[tilespmem:s3+$0xAEA8] =	vst.add.f32.msk @p1 $0xffff, v1  }
0x8c8: {  	v1 =	vld @p1 [tilespmem:$0xAD78];
	_ =	sdelay $0x4  }
0x8c9: {  	[tilespmem:s3+$0xAEB8] =	vst.add.f32.msk @p1 $0xffff, v1  }
0x8ca: {  	v1 =	vld @p1 [tilespmem:$0xAD88];
	_ =	sdelay $0x4  }
0x8cb: {  	[tilespmem:s3+$0xAEC8] =	vst.add.f32.msk @p1 $0xffff, v1  }
0x8cc: {  	v1 =	vld @p1 [tilespmem:$0xAD98];
	_ =	sdelay $0x4  }
0x8cd: {  	[tilespmem:s3+$0xAED8] =	vst.add.f32.msk @p1 $0xffff, v1  }
0x8ce: {  	v1 =	vld @p1 [tilespmem:$0xADA8];
	_ =	sdelay $0x4  }
0x8cf: {  	[tilespmem:s3+$0xAEE8] =	vst.add.f32.msk @p1 $0xffff, v1  }
0x8d0: {  	v1 =	vld @p1 [tilespmem:$0xADB8];
	_ =	sdelay $0x4  }
0x8d1: {  	[tilespmem:s3+$0xAEF8] =	vst.add.f32.msk @p1 $0xffff, v1  }
0x8d2: {  	v1 =	vld @p1 [tilespmem:$0xADC8];
	_ =	sdelay $0x4  }
0x8d3: {  	[tilespmem:s3+$0xAF08] =	vst.add.f32.msk @p1 $0xffff, v1  }
0x8d4: {  	v1 =	vld @p1 [tilespmem:$0xADD8];
	_ =	sdelay $0x4  }
0x8d5: {  	[tilespmem:s3+$0xAF18] =	vst.add.f32.msk @p1 $0xffff, v1  }
0x8d6: {  	v1 =	vld @p1 [tilespmem:$0xADE8];
	_ =	sdelay $0x4  }
0x8d7: {  	[tilespmem:s3+$0xAF28] =	vst.add.f32.msk @p1 $0xffff, v1  }
0x8d8: {  	v1 =	vld @p1 [tilespmem:$0xADF8];
	_ =	sdelay $0x4  }
0x8d9: {  	[tilespmem:s3+$0xAF38] =	vst.add.f32.msk @p1 $0xffff, v1  }
0x8da: {  	v1 =	vld @p1 [tilespmem:$0xAE08];
	_ =	sdelay $0x4  }
0x8db: {  	[tilespmem:s3+$0xAF48] =	vst.add.f32.msk @p1 $0xffff, v1  }
0x8dc: {  	v1 =	vld @p1 [tilespmem:$0xAE18];
	_ =	sdelay $0x4  }
0x8dd: {  	[tilespmem:s3+$0xAF58] =	vst.add.f32.msk @p1 $0xffff, v1  }
0x8de: {  	v1 =	vld @p1 [tilespmem:$0xAE28];
	_ =	sdelay $0x4  }
0x8df: {  	[tilespmem:s3+$0xAF68] =	vst.add.f32.msk @p1 $0xffff, v1  }
0x8e0: {  	v1 =	vld @p1 [tilespmem:$0xAE38];
	_ =	sdelay $0x2  }
0x8e1: {  	s5 =	smul.u32 @!p1 $0x440, s2;
	_ =	sdelay $0x1  }
0x8e2: {  	s5 =	smov.u32 @p1 s0;
	[tilespmem:s3+$0xAF78] =	vst.add.f32.msk @p1 $0xffff, v1  }
0x8e3: {  	s0 =	sshra.s32 s5, $0x2;
	[tilespmem:s1+$0xAE58] =	vst.msk $0x1, v0  }
0x8e4: {  	v0 =	vld [tilespmem:s0+$0xAE78];
	_ =	sdelay $0x1  }
0x8e5: {  	s31 =	smul.u32 $0x440, s1;
	_ =	sdelay $0x1  }
0x8e6: {  	s3 =	sshra.s32 s31, $0x2  }
0x8e7: {  	[tilespmem:s3+$0xAE78] =	vst v0  }
0x8e8: {  	v0 =	vld [tilespmem:s0+$0xAE88];
	_ =	sdelay $0x4  }
0x8e9: {  	[tilespmem:s3+$0xAE88] =	vst v0  }
0x8ea: {  	v0 =	vld [tilespmem:s0+$0xAE98];
	_ =	sdelay $0x4  }
0x8eb: {  	[tilespmem:s3+$0xAE98] =	vst v0  }
0x8ec: {  	v0 =	vld [tilespmem:s0+$0xAEA8];
	_ =	sdelay $0x4  }
0x8ed: {  	[tilespmem:s3+$0xAEA8] =	vst v0  }
0x8ee: {  	v0 =	vld [tilespmem:s0+$0xAEB8];
	_ =	sdelay $0x4  }
0x8ef: {  	[tilespmem:s3+$0xAEB8] =	vst v0  }
0x8f0: {  	v0 =	vld [tilespmem:s0+$0xAEC8];
	_ =	sdelay $0x4  }
0x8f1: {  	[tilespmem:s3+$0xAEC8] =	vst v0  }
0x8f2: {  	v0 =	vld [tilespmem:s0+$0xAED8];
	_ =	sdelay $0x4  }
0x8f3: {  	[tilespmem:s3+$0xAED8] =	vst v0  }
0x8f4: {  	v0 =	vld [tilespmem:s0+$0xAEE8];
	_ =	sdelay $0x4  }
0x8f5: {  	[tilespmem:s3+$0xAEE8] =	vst v0  }
0x8f6: {  	v0 =	vld [tilespmem:s0+$0xAEF8];
	_ =	sdelay $0x4  }
0x8f7: {  	[tilespmem:s3+$0xAEF8] =	vst v0  }
0x8f8: {  	v0 =	vld [tilespmem:s0+$0xAF08];
	_ =	sdelay $0x4  }
0x8f9: {  	[tilespmem:s3+$0xAF08] =	vst v0  }
0x8fa: {  	v0 =	vld [tilespmem:s0+$0xAF18];
	_ =	sdelay $0x4  }
0x8fb: {  	[tilespmem:s3+$0xAF18] =	vst v0  }
0x8fc: {  	v0 =	vld [tilespmem:s0+$0xAF28];
	_ =	sdelay $0x4  }
0x8fd: {  	[tilespmem:s3+$0xAF28] =	vst v0  }
0x8fe: {  	v0 =	vld [tilespmem:s0+$0xAF38];
	_ =	sdelay $0x4  }
0x8ff: {  	[tilespmem:s3+$0xAF38] =	vst v0  }
0x900: {  	v0 =	vld [tilespmem:s0+$0xAF48];
	_ =	sdelay $0x4  }
0x901: {  	[tilespmem:s3+$0xAF48] =	vst v0  }
0x902: {  	v0 =	vld [tilespmem:s0+$0xAF58];
	_ =	sdelay $0x4  }
0x903: {  	[tilespmem:s3+$0xAF58] =	vst v0  }
0x904: {  	v0 =	vld [tilespmem:s0+$0xAF68];
	_ =	sdelay $0x4  }
0x905: {  	[tilespmem:s3+$0xAF68] =	vst v0  }
0x906: {  	v0 =	vld [tilespmem:s0+$0xAF78];
	_ =	sdelay $0x4  }
0x907: {  	s1 =	sadd.s32 $0x1, s1;
	[tilespmem:s3+$0xAF78] =	vst v0  }
.LBB2_58:
0x908: {  	s2 =	sadd.s32 $0x1, s2  }
0x909: {  	p1 =	sne.s32 s2, $0x20  }
.Ltmp37:
0x90a: {  	_ = 	snop;
	(pc) =	sbr.rel @!p1 .LBB2_59-.Ltmp37, $1  }
0x90b: {  	_ =	sdelay $0x3  }
.LBB2_51:
0x90c: {  	v0 =	vld.msk [tilespmem:s2+$0xAE58], $0x1;
	_ =	sdelay $0x4  }
0x90d: {  	(v2sf) =	vpush v0, $0x0;
	_ =	sdelay $0xe  }
0x90e: {  	s0 =	spop (v2sf)  }
0x90f: {  	p1 =	seq.s32 s0, $0xFFFFFFFF  }
.Ltmp38:
0x910: {  	_ = 	snop;
	(pc) =	sbr.rel @p1 .LBB2_58-.Ltmp38, $1  }
0x911: {  	_ =	sdelay $0x3  }
0x912: {  	p1 =	slt.s32 s1, $0x1  }
.Ltmp39:
0x913: {  	_ = 	snop;
	(pc) =	sbr.rel @p1 .LBB2_57-.Ltmp39, $1  }
0x914: {  	_ =	sdelay $0x3  }
0x915: {  	s3 =	simm.s32 $0xAE58;
	p1 =	por $0x0, $0x0  }
0x916: {  	v1 =	vld.msk @!p1 [tilespmem:s3+$0x0], $0x1;
	_ =	sdelay $0x4  }
0x917: {  	(v2sf) =	vpush @!p1 v1, $0x0;
	_ =	sdelay $0xd  }
0x918: {  	p3 =	sne.s32 s1, $0x1  }
.Ltmp40:
0x919: {  	s5 =	spop @!p1 (v2sf);
	(pc) =	sbr.rel @!p3 .LBB2_55-.Ltmp40, $4  }
0x91a: {  	p2 =	seq.s32 @!p1 s0, s5  }
0x91b: {  	s5 =	simm.s32 $0x0;
	p2 =	por !p2, p1  }
0x91c: {  	s7 =	simm.s32 $0xFFFFFFFF;
	s5 =	simm.s32 @p2 $0xFFFFFFFF  }
0x91d: {  	s6 =	simm.s32 $0x1;
	s5 =	smov.u32 @p1 s7  }
.LBB2_54:
0x91e: {  	s7 =	smov.u32 s5;
	p1 =	sne.s32 s5, $0xFFFFFFFF  }
0x91f: {  	s3 =	sadd.s32 $0x1, s3;
	s5 =	smov.u32 s6;
	s6 =	sadd.s32 $0x1, s6  }
0x920: {  	p2 =	sne.s32 s1, s6;
	v1 =	vld.msk @!p1 [tilespmem:s3+$0x0], $0x1;
	_ =	sdelay $0x4  }
0x921: {  	(v2sf) =	vpush @!p1 v1, $0x0;
	_ =	sdelay $0xe  }
.Ltmp41:
0x922: {  	s8 =	spop @!p1 (v2sf);
	(pc) =	sbr.rel @p2 .LBB2_54-.Ltmp41, $4  }
0x923: {  	p3 =	seq.s32 @!p1 s0, s8  }
0x924: {  	p3 =	por !p3, p1  }
0x925: {  	s5 =	simm.s32 @p3 $0xFFFFFFFF  }
0x926: {  	s5 =	smov.u32 @p1 s7  }
.LBB2_55:
0x927: {  	p1 =	seq.s32 s5, $0xFFFFFFFF  }
.Ltmp42:
0x928: {  	_ = 	snop;
	(pc) =	sbr.rel @p1 .LBB2_57-.Ltmp42, $1  }
0x929: {  	_ =	sdelay $0x3  }
0x92a: {  	s0 =	smul.u32 $0x440, s2;
	_ =	sdelay $0x1  }
0x92b: {  	s0 =	sshra.s32 s0, $0x2  }
0x92c: {  	v0 =	vld [tilespmem:s0+$0xAE78];
	_ =	sdelay $0x1  }
0x92d: {  	s3 =	smul.u32 $0x440, s5;
	_ =	sdelay $0x1  }
0x92e: {  	s3 =	sshra.s32 s3, $0x2  }
0x92f: {  	[tilespmem:s3+$0xAE78] =	vst.add.f32.msk $0xffff, v0  }
0x930: {  	v0 =	vld [tilespmem:s0+$0xAE88];
	_ =	sdelay $0x4  }
0x931: {  	[tilespmem:s3+$0xAE88] =	vst.add.f32.msk $0xffff, v0  }
0x932: {  	v0 =	vld [tilespmem:s0+$0xAE98];
	_ =	sdelay $0x4  }
0x933: {  	[tilespmem:s3+$0xAE98] =	vst.add.f32.msk $0xffff, v0  }
0x934: {  	v0 =	vld [tilespmem:s0+$0xAEA8];
	_ =	sdelay $0x4  }
0x935: {  	[tilespmem:s3+$0xAEA8] =	vst.add.f32.msk $0xffff, v0  }
0x936: {  	v0 =	vld [tilespmem:s0+$0xAEB8];
	_ =	sdelay $0x4  }
0x937: {  	[tilespmem:s3+$0xAEB8] =	vst.add.f32.msk $0xffff, v0  }
0x938: {  	v0 =	vld [tilespmem:s0+$0xAEC8];
	_ =	sdelay $0x4  }
0x939: {  	[tilespmem:s3+$0xAEC8] =	vst.add.f32.msk $0xffff, v0  }
0x93a: {  	v0 =	vld [tilespmem:s0+$0xAED8];
	_ =	sdelay $0x4  }
0x93b: {  	[tilespmem:s3+$0xAED8] =	vst.add.f32.msk $0xffff, v0  }
0x93c: {  	v0 =	vld [tilespmem:s0+$0xAEE8];
	_ =	sdelay $0x4  }
0x93d: {  	[tilespmem:s3+$0xAEE8] =	vst.add.f32.msk $0xffff, v0  }
0x93e: {  	v0 =	vld [tilespmem:s0+$0xAEF8];
	_ =	sdelay $0x4  }
0x93f: {  	[tilespmem:s3+$0xAEF8] =	vst.add.f32.msk $0xffff, v0  }
0x940: {  	v0 =	vld [tilespmem:s0+$0xAF08];
	_ =	sdelay $0x4  }
0x941: {  	[tilespmem:s3+$0xAF08] =	vst.add.f32.msk $0xffff, v0  }
0x942: {  	v0 =	vld [tilespmem:s0+$0xAF18];
	_ =	sdelay $0x4  }
0x943: {  	[tilespmem:s3+$0xAF18] =	vst.add.f32.msk $0xffff, v0  }
0x944: {  	v0 =	vld [tilespmem:s0+$0xAF28];
	_ =	sdelay $0x4  }
0x945: {  	[tilespmem:s3+$0xAF28] =	vst.add.f32.msk $0xffff, v0  }
0x946: {  	v0 =	vld [tilespmem:s0+$0xAF38];
	_ =	sdelay $0x4  }
0x947: {  	[tilespmem:s3+$0xAF38] =	vst.add.f32.msk $0xffff, v0  }
0x948: {  	v0 =	vld [tilespmem:s0+$0xAF48];
	_ =	sdelay $0x4  }
0x949: {  	[tilespmem:s3+$0xAF48] =	vst.add.f32.msk $0xffff, v0  }
0x94a: {  	v0 =	vld [tilespmem:s0+$0xAF58];
	_ =	sdelay $0x4  }
0x94b: {  	[tilespmem:s3+$0xAF58] =	vst.add.f32.msk $0xffff, v0  }
0x94c: {  	v0 =	vld [tilespmem:s0+$0xAF68];
	_ =	sdelay $0x4  }
0x94d: {  	[tilespmem:s3+$0xAF68] =	vst.add.f32.msk $0xffff, v0  }
0x94e: {  	v0 =	vld [tilespmem:s0+$0xAF78]  }
.Ltmp43:
0x94f: {  	_ = 	snop;
	(pc) =	sbr.rel .LBB2_58-.Ltmp43, $2  }
0x950: {  	_ =	sdelay $0x2  }
0x951: {  	[tilespmem:s3+$0xAF78] =	vst.add.f32.msk $0xffff, v0  }
.LBB2_59:
0x952: {  	p1 =	slt.s32 s1, $0x1  }
.Ltmp44:
0x953: {  	_ = 	snop;
	(pc) =	sbr.rel @p1 .LBB2_63-.Ltmp44, $3  }
0x954: {  	_ =	sdelay $0x1  }
0x955: {  	s0 =	simm.s32 $0x8  }
0x956: {  	[sflag:s0] =	ssyncpa.u1 $0x1;
	s0 =	simm.s32 $0x0  }
0x957: {  	s2 =	simm.s32 $0xAE58  }
0x958: {  	v0 =	vld.msk [tilespmem:s2+$0x0], $0x1;
	_ =	sdelay $0x4  }
0x959: {  	(v2sf) =	vpush v0, $0x0;
	_ =	sdelay $0xe  }
0x95a: {  	s3 =	spop (v2sf)  }
0x95b: {  	s1 =	sadd.s32 $0xFFFFFFFF, s1;
	p1 =	sgt.u32 s3, $0x751FF  }
0x95c: {  	s2 =	simm.s32 $0xAE78;
	p2 =	sne.s32 s1, $0x0;
	s5 =	sand.u32 @!p1 $0x7FFF8, s3  }
0x95d: {  	s6 =	sadd.s32 @!p1 $0x80, s3;
	s7 =	sadd.s32 @!p1 $0x100, s3;
	s3 =	sand.u32 @!p1 $0x7, s3  }
0x95e: {  	s5 =	sadd.s32 @!p1 s4, s5;
	s6 =	sand.u32 @!p1 $0xFFFF8, s6;
	s7 =	sand.u32 @!p1 $0xFFFF8, s7  }
0x95f: {  	[hbm4b:s5+s3] =	stream.linear.scatter @!p1 [tilespmem:s2], [sflag:$0x7], $0x80, $0x38;
	[tilespmem:$0x1C218] =	vst v63  }
.Ltmp45:
0x960: {  	s5 =	simm.s32 @!p1 $0xAEF8;
	s6 =	sadd.s32 @!p1 s4, s6;
	(pc) =	sbr.rel @!p2 .LBB2_62-.Ltmp45, $4  }
0x961: {  	[hbm4b:s6+s3] =	stream.linear.scatter @!p1 [tilespmem:s5], [sflag:$0x7], $0x80, $0x38;
	[tilespmem:$0x1C218] =	vst v63  }
0x962: {  	s5 =	simm.s32 @!p1 $0xAF78;
	s6 =	sadd.s32 @!p1 s4, s7  }
0x963: {  	[hbm4b:s6+s3] =	stream.linear.scatter @!p1 [tilespmem:s5], [sflag:$0x7], $0x4, $0x38;
	[tilespmem:$0x1C218] =	vst v63  }
0x964: {  	s3 =	simm.s32 $0x0;
	s5 =	simm.s32 $0xAE59  }
.LBB2_61:
0x965: {  	s6 =	simm.s32 $0x0  }
0x966: {  	v0 =	vld.msk [tilespmem:s5+$0x0], $0x1;
	s1 =	sadd.s32 $0xFFFFFFFF, s1;
	s6 =	simm.s32 @!p1 $0x410  }
0x967: {  	p2 =	sne.s32 s1, $0x0;
	s0 =	sadd.s32 s0, s6;
	_ =	sdelay $0x3  }
0x968: {  	(v2sf) =	vpush v0, $0x0;
	_ =	sdelay $0xe  }
0x969: {  	s6 =	spop (v2sf)  }
0x96a: {  	s2 =	sadd.s32 $0x110, s2;
	p1 =	sgt.u32 s6, $0x751FF  }
0x96b: {  	s7 =	sand.u32 @!p1 $0x7FFF8, s6;
	s8 =	sadd.s32 @!p1 $0x80, s6;
	s9 =	sadd.s32 @!p1 $0x100, s6  }
0x96c: {  	s6 =	sand.u32 @!p1 $0x7, s6;
	s7 =	sadd.s32 @!p1 s4, s7;
	s8 =	sand.u32 @!p1 $0xFFFF8, s8  }
0x96d: {  	[hbm4b:s7+s6] =	stream.linear.scatter @!p1 [tilespmem:s2], [sflag:$0x7], $0x80, $0x38;
	[tilespmem:$0x1C218] =	vst v63  }
.Ltmp46:
0x96e: {  	_ = 	snop;
	(pc) =	sbr.rel @p2 .LBB2_61-.Ltmp46, $4  }
0x96f: {  	s9 =	sand.u32 @!p1 $0xFFFF8, s9;
	s7 =	sadd.s32 @!p1 $0x80, s2;
	s8 =	sadd.s32 @!p1 s4, s8  }
0x970: {  	[hbm4b:s8+s6] =	stream.linear.scatter @!p1 [tilespmem:s7], [sflag:$0x7], $0x80, $0x38;
	[tilespmem:$0x1C218] =	vst v63  }
0x971: {  	s5 =	sadd.s32 $0x1, s5;
	s7 =	sadd.s32 @!p1 $0x100, s2;
	s8 =	sadd.s32 @!p1 s4, s9  }
0x972: {  	[hbm4b:s8+s6] =	stream.linear.scatter @!p1 [tilespmem:s7], [sflag:$0x7], $0x4, $0x38;
	[tilespmem:$0x1C218] =	vst v63  }
.LBB2_62:
0x973: {  	s3 =	simm.s32 @!p1 $0x410  }
0x974: {  	s0 =	sadd.s32 s0, s3  }
0x975: {  	s0 =	sshrl.u32 s0, $0x2  }
.LBB2_63:
0x976: {  	s1 =	simm.s32 $0x7  }
0x977: {  	_ =	swait.ge [sflag:s1], s0  }
0x978: {  	s31 =	ssub.s32 $0x0, s0;
	[sflag:s1] =	ssyncset.done $0x0  }
0x979: {  	[sflag:s1] =	ssyncadd.s32 s31  }
0x97a: {  	[sflag:s1] =	ssyncpa.u1 $0x1  }
.LBB2_64:
0x97b: {  	_ =	sfence;
	s0 =	simm.s32 $0x1  }
0x97c: {  	[sflag:s0] =	ssyncpa.u1 $0x1  }
0x97d: {  	_ =	strace $0x9000005C  }
0x97e: {  	[bflag:$0x2] =	sbarrier.arrive $0xFFFF  }
0x97f: {  	s0 =	rddreg [dreg:$0x3]  }
0x980: {  	s0 =	sadd.s32 @!p0 $0x100000, s0  }
0x981: {  	[sflag:s0] =	ssyncadd.tile.s32 @!p0 $0x1;
	_ =	shalt  }
.Lfunc_end2:
_tile_overlayer_lowered:
.L_overlay_start_2:
0x982: {  	(tag) =	ssettag $0x2  }
0x983: {  	s0 =	rddreg [dreg:$0x0];
	s2 =	stileid.u32  }
0x984: {  	s1 =	rddreg [dreg:$0x1];
	p0 =	sne.s32 s2, $0x0  }
0x985: {  	s3 =	rddreg [dreg:$0x2];
	[bflag:$0x3] =	sbarrier.arrive $0xFFFF;
	s2 =	simm.s32 @!p0 $0x1C01  }
0x986: {  	[timem:s3], [sflag:s2] =	dma.local @!p0 [hbm:s0], s1  }
0x987: {  	s0 =	simm.s32 @!p0 $0x1  }
0x988: {  	_ =	swait.ge @!p0 [sflag:s0], s1  }
0x989: {  	s1 =	ssub.s32 @!p0 $0x0, s1;
	[sflag:s0] =	ssyncset.done @!p0 $0x0  }
0x98a: {  	[sflag:s0] =	ssyncadd.s32 @!p0 s1  }
0x98b: {  	[bflag:$0x3] =	sbarrier.arrive $0xFFFF  }
0x98c: {  	_ =	shalt  }

// kernel: scatter_offload_async_start
scs
__scs_entry_jumppad:
0x0: {  	(pc) =	sbr.rel $0x88, $3  }
0x1: {  	(tag) =	ssettag $0x0;
	lr =	simm.s32 $0x1  }
0x2: {  	[smem:$0x3F90] =	sst lr;
	_ =	strace $0xD0000000  }
0x3: {  	_ = 	snop  }
0x4: {  	_ = 	snop  }
0x5: {  	_ = 	snop  }
0x6: {  	_ = 	snop  }
0x7: {  	_ = 	snop  }
__scs_overlays_trampoline_lowered:
0x8: {  	[smem:$0x3F9F] =	sst s0  }
0x9: {  	[smem:$0x3FA0] =	sst s1  }
0xa: {  	[smem:$0x3FA1] =	sst s2  }
0xb: {  	[smem:$0x3FA2] =	sst s3  }
0xc: {  	[smem:$0x3FA3] =	sst s4  }
0xd: {  	[smem:$0x3FA4] =	sst s5  }
0xe: {  	[smem:$0x3FA5] =	sst s6  }
0xf: {  	[smem:$0x3FA6] =	sst s7  }
0x10: {  	[smem:$0x3FA7] =	sst s8  }
0x11: {  	[smem:$0x3FA8] =	sst s9;
	s0 =	simm.s32 @!p0 $0x0  }
0x12: {  	s1 =	sld [smem:$0x3F8E];
	s0 =	simm.s32 @p0 $0x1  }
0x13: {  	[smem:$0x3FA9] =	sst s0;
	s0 =	simm.s32 @!p1 $0x0  }
0x14: {  	s2 =	sld [smem:$0x3F8D];
	s0 =	simm.s32 @p1 $0x1  }
0x15: {  	[smem:$0x3FAA] =	sst s0;
	s0 =	simm.s32 @!p2 $0x0  }
0x16: {  	s3 =	sld [smem:$0x3FDB];
	s0 =	simm.s32 @p2 $0x1  }
0x17: {  	s4 =	simm.s32 $0x1BF5;
	[smem:$0x3FAC] =	sst s0  }
0x18: {  	s0 =	sld [smem:$0x3F8F];
	_ =	swait.ge [sflag:s4], $0x0  }
0x19: {  	s7 =	sld [smem:$0x3F90]  }
0x1a: {  	s8 =	sadd.s32 $0xFFFFE003, lr  }
0x1b: {  	s9 =	sadd.s32 $0xFFFFFEF7, lr;
	s5 =	simm.s32 $0xFFFFFFFF;
	p2 =	slt.u32 s8, $0xFFFFF086  }
0x1c: {  	p1 =	slt.u32 s9, $0xF7A;
	s5 =	simm.s32 @!p2 $0x0  }
0x1d: {  	s5 =	simm.s32 @p1 $0x1;
	p0 =	seq.s32 s7, s2  }
0x1e: {  	s7 =	smul.u32 @!p0 $0xF7A, s2;
	p2 =	seq.s32 @!p0 s5, $0x0  }
0x1f: {  	s9 =	smul.u32 $0xF7A, s1;
	s8 =	simm.s32 @!p0 $0x1BF5;
	p2 =	por !p2, p0  }
0x20: {  	[sflag:s8] =	ssyncset.s32 @!p0 $0xFFFFF086;
	s6 =	sadd.s32 @!p0 s3, s7;
	s7 =	simm.s32 @!p0 $0x108  }
0x21: {  	s3 =	sadd.s32 s3, s9;
	s6 =	sadd.s32 @!p0 $0x88, s6;
	s7 =	simm.s32 @p2 $0x1082  }
0x22: {  	[simem:s7], [sflag:s8] =	dma.local @!p0 [hbm:s6], $0xF7A  }
0x23: {  	s9 =	sor.u32 $0xD0000000, s2;
	s6 =	simm.s32 $0x108;
	_ =	swait.ge @!p0 [sflag:s8], $0x0  }
0x24: {  	s3 =	sadd.s32 $0x88, s3;
	s6 =	simm.s32 @!p1 $0x1082;
	[sflag:s4] =	ssyncset.s32 $0xFFFFF086  }
0x25: {  	[simem:s6], [sflag:s4] =	dma.local [hbm:s3], $0xF7A  }
0x26: {  	[smem:$0x3F90] =	sst s1;
	(tag) =	ssettag s2;
	_ =	strace s9  }
0x27: {  	s1 =	sld [smem:$0x3FA0]  }
0x28: {  	s2 =	sld [smem:$0x3FA1]  }
0x29: {  	s4 =	sld [smem:$0x3FA3]  }
0x2a: {  	p0 =	seq.s32 s5, $0x0;
	s5 =	sld [smem:$0x3FA4]  }
0x2b: {  	s6 =	sld [smem:$0x3FA5]  }
0x2c: {  	s7 =	sld [smem:$0x3FA6]  }
0x2d: {  	s3 =	simm.s32 $0x108;
	s8 =	sld [smem:$0x3FA7]  }
0x2e: {  	s3 =	simm.s32 @!p0 $0x1082;
	s9 =	sld [smem:$0x3FA8]  }
0x2f: {  	lr =	sadd.s32 s0, s3;
	s0 =	sld [smem:$0x3F9F]  }
0x30: {  	s3 =	sld [smem:$0x3FA2]  }
0x31: {  	[smem:$0x3FAB] =	sst s10  }
0x32: {  	s10 =	sld [smem:$0x3FA9];
	_ =	sdelay $0x3  }
0x33: {  	p0 =	seq.s32 s10, $0x1;
	s10 =	sld [smem:$0x3FAB];
	_ =	sdelay $0x3  }
0x34: {  	[smem:$0x3FAB] =	sst s10  }
0x35: {  	s10 =	sld [smem:$0x3FAA];
	_ =	sdelay $0x3  }
0x36: {  	p1 =	seq.s32 s10, $0x1;
	s10 =	sld [smem:$0x3FAB];
	_ =	sdelay $0x3  }
0x37: {  	[smem:$0x3FAB] =	sst s10  }
0x38: {  	s10 =	sld [smem:$0x3FAC]  }
0x39: {  	_ = 	snop;
	(pc) =	sbr.ind lr, $3  }
0x3a: {  	_ = 	snop  }
0x3b: {  	_ = 	snop  }
0x3c: {  	p2 =	seq.s32 s10, $0x1;
	s10 =	sld [smem:$0x3FAB]  }
0x3d: {  	_ =	shalt  }
0x3e: {  	_ =	shalt  }
0x3f: {  	_ =	shalt  }
0x40: {  	_ =	shalt  }
0x41: {  	_ =	shalt  }
0x42: {  	_ =	shalt  }
0x43: {  	_ =	shalt  }
0x44: {  	_ =	shalt  }
0x45: {  	_ =	shalt  }
0x46: {  	_ =	shalt  }
0x47: {  	_ =	shalt  }
0x48: {  	_ =	shalt  }
0x49: {  	_ =	shalt  }
0x4a: {  	_ =	shalt  }
0x4b: {  	_ =	shalt  }
0x4c: {  	_ =	shalt  }
0x4d: {  	_ =	shalt  }
0x4e: {  	_ =	shalt  }
0x4f: {  	_ =	shalt  }
0x50: {  	_ =	shalt  }
0x51: {  	_ =	shalt  }
0x52: {  	_ =	shalt  }
0x53: {  	_ =	shalt  }
0x54: {  	_ =	shalt  }
0x55: {  	_ =	shalt  }
0x56: {  	_ =	shalt  }
0x57: {  	_ =	shalt  }
0x58: {  	_ =	shalt  }
0x59: {  	_ =	shalt  }
0x5a: {  	_ =	shalt  }
0x5b: {  	_ =	shalt  }
0x5c: {  	_ =	shalt  }
0x5d: {  	_ =	shalt  }
0x5e: {  	_ =	shalt  }
0x5f: {  	_ =	shalt  }
0x60: {  	_ =	shalt  }
0x61: {  	_ =	shalt  }
0x62: {  	_ =	shalt  }
0x63: {  	_ =	shalt  }
0x64: {  	_ =	shalt  }
0x65: {  	_ =	shalt  }
0x66: {  	_ =	shalt  }
0x67: {  	_ =	shalt  }
0x68: {  	_ =	shalt  }
0x69: {  	_ =	shalt  }
0x6a: {  	_ =	shalt  }
0x6b: {  	_ =	shalt  }
0x6c: {  	_ =	shalt  }
0x6d: {  	_ =	shalt  }
0x6e: {  	_ =	shalt  }
0x6f: {  	_ =	shalt  }
0x70: {  	_ =	shalt  }
0x71: {  	_ =	shalt  }
0x72: {  	_ =	shalt  }
0x73: {  	_ =	shalt  }
0x74: {  	_ =	shalt  }
0x75: {  	_ =	shalt  }
0x76: {  	_ =	shalt  }
0x77: {  	_ =	shalt  }
0x78: {  	_ =	shalt  }
0x79: {  	_ =	shalt  }
0x7a: {  	_ =	shalt  }
0x7b: {  	_ =	shalt  }
0x7c: {  	_ =	shalt  }
0x7d: {  	_ =	shalt  }
0x7e: {  	_ =	shalt  }
0x7f: {  	_ =	shalt  }
0x80: {  	_ =	shalt  }
0x81: {  	_ =	shalt  }
0x82: {  	_ =	shalt  }
0x83: {  	_ =	shalt  }
0x84: {  	_ =	shalt  }
0x85: {  	_ =	shalt  }
0x86: {  	_ =	shalt  }
0x87: {  	_ =	shalt  }
.Lfunc_end0:
.L_simem_size_0:
called_computation_lowered:
.L_overlay_start_0:
0x88: {  	s2 =	sld [smem:$0x3FD9]  }
0x89: {  	s3 =	sld [smem:$0x3FFE];
	_ =	sdelay $0x1  }
0x8a: {  	s1 =	srdreg.scid  }
0x8b: {  	s0 =	sand.u32 $0x1, s1  }
0x8c: {  	s15 =	sshll.u32 s0, $0xA;
	s2 =	sadd.s32 s3, s2  }
0x8d: {  	s2 =	sadd.s32 s2, s15  }
0x8e: {  	[smem:$0x3FB7] =	sst s2  }
0x8f: {  	_ = 	snop  }
0x90: {  	(tm) =	ssettm $0x1  }
0x91: {  	s16 =	sld [smem:$0x3FFB];
	_ =	sdelay $0x3  }
0x92: {  	_ =	strace s16  }
0x93: {  	s2 =	sld [smem:$0x3FFC];
	_ =	sdelay $0x3  }
0x94: {  	_ =	strace s2  }
0x95: {  	s2 =	sld [smem:$0x3FFD];
	_ =	sdelay $0x3  }
0x96: {  	_ =	strace s2  }
0x97: {  	_ =	strace $0x8FFFFFFF  }
0x98: {  	s17 =	sld [smem:$0x3FDB];
	_ =	sdelay $0x1  }
0x99: {  	s18 =	simm.s32 $_scs_section_size  }
0x9a: {  	s4 =	simm.s32 $_size__tile_overlayer_lowered;
	s5 =	simm.s32 $_tile_overlayer_lowered  }
0x9b: {  	s21 =	simm.s32 $0x1BFF;
	s20 =	sshll.u32 s5, $0x1;
	s2 =	sadd.s32 s18, s17  }
0x9c: {  	s6 =	simm.s32 $0x0;
	s19 =	sshll.u32 s4, $0x1;
	s4 =	sadd.s32 s20, s2  }
0x9d: {  	[timem:s6], [sflag:s21] =	dma.local [hbm:s4], s19  }
0x9e: {  	_ =	swait.ge [sflag:s21], s19  }
0x9f: {  	s3 =	ssub.s32 $0x0, s19;
	[sflag:s21] =	ssyncset.done $0x0  }
0xa0: {  	[sflag:s21] =	ssyncadd.s32 s3;
	_ =	sdelay $0x1  }
0xa1: {  	s22 =	simm.s32 $0x1B8B  }
0xa2: {  	_ =	swait.ge [sflag:s22], $0x1  }
0xa3: {  	[sflag:s22] =	ssyncset.done $0x0  }
0xa4: {  	s23 =	sld [smem:$0x3FFE];
	[sflag:s22] =	ssyncadd.s32 $0xFFFFFFFF  }
0xa5: {  	s25 =	simm.s32 $0x1B8E;
	s24 =	sld [smem:$0x0]  }
0xa6: {  	s26 =	simm.s32 $execute0_lowered;
	[smem:$0x3FD2] =	sst s25  }
0xa7: {  	s5 =	sshll.u32 s26, $0x1;
	_ =	strace $0x80000052;
	[dreg:$0x1] =	wrdreg $0xFFFFFFFF  }
0xa8: {  	s28 =	simm.s32 $_size_execute0_lowered;
	s2 =	sadd.s32 s2, s5;
	[dreg:$0x0] =	wrdreg $0x0  }
0xa9: {  	s5 =	sshll.u32 s28, $0x1;
	[dreg:$0x2] =	wrdreg s2  }
0xaa: {  	[dreg:$0x3] =	wrdreg s5  }
0xab: {  	[dreg:$0x4] =	wrdreg $0xC0  }
0xac: {  	_ =	task [dreg:s6], $0x5FFFF  }
0xad: {  	[dreg:$0x1] =	wrdreg $0xFFFFFFFF  }
0xae: {  	[dreg:$0x0] =	wrdreg $0x60  }
0xaf: {  	[dreg:$0x2] =	wrdreg s23  }
0xb0: {  	[dreg:$0x3] =	wrdreg s1  }
0xb1: {  	[dreg:$0x4] =	wrdreg s24  }
0xb2: {  	[dreg:$0x5] =	wrdreg $0x9  }
0xb3: {  	_ =	task.clear_ibuf [dreg:s6], $0x6FFFF;
	_ =	strace $0x90000052  }
0xb4: {  	s29 =	simm.s32 $0x9;
	_ =	strace $0x80000054  }
0xb5: {  	_ =	swait.ge [sflag:s29], $0x1  }
0xb6: {  	[sflag:s29] =	ssyncadd.s32 $0xFFFFFFFF  }
0xb7: {  	_ =	strace $0x90000054  }
0xb8: {  	_ =	sfence  }
0xb9: {  	s30 =	sld [smem:$0x0];
	_ =	sdelay $0x2  }
0xba: {  	s31 =	sshll.u32 s1, $0xD;
	s1 =	sshrl.u32 s1, $0x2  }
0xbb: {  	s3 =	sand.u32 $0x4000, s31;
	s1 =	sadd.s32 s1, s30  }
0xbc: {  	s0 =	sor.u32 s3, s0;
	s1 =	sshll.u32 s1, $0x11  }
0xbd: {  	s0 =	sor.u32 s1, s0  }
0xbe: {  	s0 =	sadd.s32 $0x8F2B, s0  }
0xbf: {  	[sflag:s0] =	ssyncadd.remote.s32 $0x1  }
0xc0: {  	_ =	sfence.sel $0xFFFF  }
0xc1: {  	[dreg:$0x0] =	wrdreg $0xFFFFFFFF;
	(pc) =	sbr.abs _section_cstart, $3  }
0xc2: {  	[dreg:$0x1] =	wrdreg $0xFFFFFFFF  }
0xc3: {  	_ =	task.clear_ibuf [dreg:s6], $0x2FFFF;
	_ =	strace $0x9FFFFFFF  }
0xc4: {  	(tm) =	ssettm $0x7FFFFFFF  }
0xc5: {  	_ =	shalt  }
tec
execute0_lowered:
.L_overlay_start_1:
0x0: {  	(tag) =	ssettag $0x1  }
0x1: {  	s4 =	rddreg [dreg:$0x0]  }
0x2: {  	s2 =	rddreg [dreg:$0x1];
	_ =	strace $0x80000053;
	s0 =	simm.s32 $0x1  }
0x3: {  	v0 =	vimm.s32 $0x0;
	[sflag:s0] =	ssyncpa.u1 $0x0  }
0x4: {  	[tilespmem:$0x128] =	vst v0  }
0x5: {  	[tilespmem:$0x138] =	vst v0  }
0x6: {  	[tilespmem:$0x148] =	vst v0  }
0x7: {  	[tilespmem:$0x158] =	vst v0  }
0x8: {  	[tilespmem:$0x168] =	vst v0  }
0x9: {  	[tilespmem:$0x178] =	vst v0  }
0xa: {  	[tilespmem:$0x188] =	vst v0  }
0xb: {  	[tilespmem:$0x198] =	vst v0  }
0xc: {  	[tilespmem:$0x1A8] =	vst v0  }
0xd: {  	[tilespmem:$0x1B8] =	vst v0  }
0xe: {  	[tilespmem:$0x1C8] =	vst v0  }
0xf: {  	[tilespmem:$0x1D8] =	vst v0  }
0x10: {  	[tilespmem:$0x1E8] =	vst v0  }
0x11: {  	[tilespmem:$0x1F8] =	vst v0  }
0x12: {  	[tilespmem:$0x208] =	vst v0  }
0x13: {  	[tilespmem:$0x218] =	vst v0  }
0x14: {  	[tilespmem:$0x228] =	vst v0  }
0x15: {  	[tilespmem:$0x238] =	vst v0  }
0x16: {  	[tilespmem:$0x248] =	vst v0  }
0x17: {  	[tilespmem:$0x258] =	vst v0  }
0x18: {  	[tilespmem:$0x268] =	vst v0  }
0x19: {  	[tilespmem:$0x278] =	vst v0  }
0x1a: {  	[tilespmem:$0x288] =	vst v0  }
0x1b: {  	[tilespmem:$0x298] =	vst v0  }
0x1c: {  	[tilespmem:$0x2A8] =	vst v0  }
0x1d: {  	[tilespmem:$0x2B8] =	vst v0  }
0x1e: {  	[tilespmem:$0x2C8] =	vst v0  }
0x1f: {  	[tilespmem:$0x2D8] =	vst v0  }
0x20: {  	[tilespmem:$0x2E8] =	vst v0  }
0x21: {  	[tilespmem:$0x2F8] =	vst v0  }
0x22: {  	[tilespmem:$0x308] =	vst v0  }
0x23: {  	[tilespmem:$0x318] =	vst v0  }
0x24: {  	[tilespmem:$0x328] =	vst v0  }
0x25: {  	[tilespmem:$0x338] =	vst v0  }
0x26: {  	[tilespmem:$0x348] =	vst v0  }
0x27: {  	[tilespmem:$0x358] =	vst v0  }
0x28: {  	[tilespmem:$0x368] =	vst v0  }
0x29: {  	[tilespmem:$0x378] =	vst v0  }
0x2a: {  	[tilespmem:$0x388] =	vst v0  }
0x2b: {  	[tilespmem:$0x398] =	vst v0  }
0x2c: {  	[tilespmem:$0x3A8] =	vst v0  }
0x2d: {  	[tilespmem:$0x3B8] =	vst v0  }
0x2e: {  	[tilespmem:$0x3C8] =	vst v0  }
0x2f: {  	[tilespmem:$0x3D8] =	vst v0  }
0x30: {  	[tilespmem:$0x3E8] =	vst v0  }
0x31: {  	[tilespmem:$0x3F8] =	vst v0  }
0x32: {  	[tilespmem:$0x408] =	vst v0  }
0x33: {  	[tilespmem:$0x418] =	vst v0  }
0x34: {  	[tilespmem:$0x428] =	vst v0  }
0x35: {  	[tilespmem:$0x438] =	vst v0  }
0x36: {  	[tilespmem:$0x448] =	vst v0  }
0x37: {  	[tilespmem:$0x458] =	vst v0  }
0x38: {  	[tilespmem:$0x468] =	vst v0  }
0x39: {  	[tilespmem:$0x478] =	vst v0  }
0x3a: {  	[tilespmem:$0x488] =	vst v0  }
0x3b: {  	[tilespmem:$0x498] =	vst v0  }
0x3c: {  	[tilespmem:$0x4A8] =	vst v0  }
0x3d: {  	[tilespmem:$0x4B8] =	vst v0  }
0x3e: {  	[tilespmem:$0x4C8] =	vst v0  }
0x3f: {  	[tilespmem:$0x4D8] =	vst v0  }
0x40: {  	[tilespmem:$0x4E8] =	vst v0  }
0x41: {  	[tilespmem:$0x4F8] =	vst v0  }
0x42: {  	[tilespmem:$0x508] =	vst v0  }
0x43: {  	[tilespmem:$0x518] =	vst v0  }
0x44: {  	[tilespmem:$0x528] =	vst v0  }
0x45: {  	[tilespmem:$0x538] =	vst v0  }
0x46: {  	[tilespmem:$0x548] =	vst v0  }
0x47: {  	[tilespmem:$0x558] =	vst v0  }
0x48: {  	[tilespmem:$0x568] =	vst v0  }
0x49: {  	[tilespmem:$0x578] =	vst v0  }
0x4a: {  	[tilespmem:$0x588] =	vst v0  }
0x4b: {  	[tilespmem:$0x598] =	vst v0  }
0x4c: {  	[tilespmem:$0x5A8] =	vst v0  }
0x4d: {  	[tilespmem:$0x5B8] =	vst v0  }
0x4e: {  	[tilespmem:$0x5C8] =	vst v0  }
0x4f: {  	[tilespmem:$0x5D8] =	vst v0  }
0x50: {  	[tilespmem:$0x5E8] =	vst v0  }
0x51: {  	[tilespmem:$0x5F8] =	vst v0  }
0x52: {  	[tilespmem:$0x608] =	vst v0  }
0x53: {  	[tilespmem:$0x618] =	vst v0  }
0x54: {  	[tilespmem:$0x628] =	vst v0  }
0x55: {  	[tilespmem:$0x638] =	vst v0  }
0x56: {  	[tilespmem:$0x648] =	vst v0  }
0x57: {  	[tilespmem:$0x658] =	vst v0  }
0x58: {  	[tilespmem:$0x668] =	vst v0  }
0x59: {  	[tilespmem:$0x678] =	vst v0  }
0x5a: {  	[tilespmem:$0x688] =	vst v0  }
0x5b: {  	[tilespmem:$0x698] =	vst v0  }
0x5c: {  	[tilespmem:$0x6A8] =	vst v0  }
0x5d: {  	[tilespmem:$0x6B8] =	vst v0  }
0x5e: {  	[tilespmem:$0x6C8] =	vst v0  }
0x5f: {  	[tilespmem:$0x6D8] =	vst v0  }
0x60: {  	[tilespmem:$0x6E8] =	vst v0  }
0x61: {  	[tilespmem:$0x6F8] =	vst v0  }
0x62: {  	[tilespmem:$0x708] =	vst v0  }
0x63: {  	[tilespmem:$0x718] =	vst v0  }
0x64: {  	[tilespmem:$0x728] =	vst v0  }
0x65: {  	[tilespmem:$0x738] =	vst v0  }
0x66: {  	[tilespmem:$0x748] =	vst v0  }
0x67: {  	[tilespmem:$0x758] =	vst v0  }
0x68: {  	[tilespmem:$0x768] =	vst v0  }
0x69: {  	[tilespmem:$0x778] =	vst v0  }
0x6a: {  	[tilespmem:$0x788] =	vst v0  }
0x6b: {  	[tilespmem:$0x798] =	vst v0  }
0x6c: {  	[tilespmem:$0x7A8] =	vst v0  }
0x6d: {  	[tilespmem:$0x7B8] =	vst v0  }
0x6e: {  	[tilespmem:$0x7C8] =	vst v0  }
0x6f: {  	[tilespmem:$0x7D8] =	vst v0  }
0x70: {  	[tilespmem:$0x7E8] =	vst v0  }
0x71: {  	[tilespmem:$0x7F8] =	vst v0  }
0x72: {  	[tilespmem:$0x808] =	vst v0  }
0x73: {  	[tilespmem:$0x818] =	vst v0  }
0x74: {  	[tilespmem:$0x828] =	vst v0  }
0x75: {  	[tilespmem:$0x838] =	vst v0  }
0x76: {  	[tilespmem:$0x848] =	vst v0  }
0x77: {  	[tilespmem:$0x858] =	vst v0  }
0x78: {  	[tilespmem:$0x868] =	vst v0  }
0x79: {  	[tilespmem:$0x878] =	vst v0  }
0x7a: {  	[tilespmem:$0x888] =	vst v0  }
0x7b: {  	[tilespmem:$0x898] =	vst v0  }
0x7c: {  	[tilespmem:$0x8A8] =	vst v0  }
0x7d: {  	[tilespmem:$0x8B8] =	vst v0  }
0x7e: {  	[tilespmem:$0x8C8] =	vst v0  }
0x7f: {  	[tilespmem:$0x8D8] =	vst v0  }
0x80: {  	[tilespmem:$0x8E8] =	vst v0  }
0x81: {  	[tilespmem:$0x8F8] =	vst v0  }
0x82: {  	[tilespmem:$0x908] =	vst v0  }
0x83: {  	[tilespmem:$0x918] =	vst v0  }
0x84: {  	[tilespmem:$0x928] =	vst v0  }
0x85: {  	[tilespmem:$0x938] =	vst v0  }
0x86: {  	[tilespmem:$0x948] =	vst v0  }
0x87: {  	[tilespmem:$0x958] =	vst v0  }
0x88: {  	[tilespmem:$0x968] =	vst v0  }
0x89: {  	[tilespmem:$0x978] =	vst v0  }
0x8a: {  	[tilespmem:$0x988] =	vst v0  }
0x8b: {  	[tilespmem:$0x998] =	vst v0  }
0x8c: {  	[tilespmem:$0x9A8] =	vst v0  }
0x8d: {  	[tilespmem:$0x9B8] =	vst v0  }
0x8e: {  	[tilespmem:$0x9C8] =	vst v0  }
0x8f: {  	[tilespmem:$0x9D8] =	vst v0  }
0x90: {  	[tilespmem:$0x9E8] =	vst v0  }
0x91: {  	[tilespmem:$0x9F8] =	vst v0  }
0x92: {  	[tilespmem:$0xA08] =	vst v0  }
0x93: {  	[tilespmem:$0xA18] =	vst v0  }
0x94: {  	[tilespmem:$0xA28] =	vst v0  }
0x95: {  	[tilespmem:$0xA38] =	vst v0  }
0x96: {  	[tilespmem:$0xA48] =	vst v0  }
0x97: {  	[tilespmem:$0xA58] =	vst v0  }
0x98: {  	[tilespmem:$0xA68] =	vst v0  }
0x99: {  	[tilespmem:$0xA78] =	vst v0  }
0x9a: {  	[tilespmem:$0xA88] =	vst v0  }
0x9b: {  	[tilespmem:$0xA98] =	vst v0  }
0x9c: {  	[tilespmem:$0xAA8] =	vst v0  }
0x9d: {  	[tilespmem:$0xAB8] =	vst v0  }
0x9e: {  	[tilespmem:$0xAC8] =	vst v0  }
0x9f: {  	[tilespmem:$0xAD8] =	vst v0  }
0xa0: {  	[tilespmem:$0xAE8] =	vst v0  }
0xa1: {  	[tilespmem:$0xAF8] =	vst v0  }
0xa2: {  	[tilespmem:$0xB08] =	vst v0  }
0xa3: {  	[tilespmem:$0xB18] =	vst v0  }
0xa4: {  	[tilespmem:$0xB28] =	vst v0  }
0xa5: {  	[tilespmem:$0xB38] =	vst v0  }
0xa6: {  	[tilespmem:$0xB48] =	vst v0  }
0xa7: {  	[tilespmem:$0xB58] =	vst v0  }
0xa8: {  	[tilespmem:$0xB68] =	vst v0  }
0xa9: {  	[tilespmem:$0xB78] =	vst v0  }
0xaa: {  	[tilespmem:$0xB88] =	vst v0  }
0xab: {  	[tilespmem:$0xB98] =	vst v0  }
0xac: {  	[tilespmem:$0xBA8] =	vst v0  }
0xad: {  	[tilespmem:$0xBB8] =	vst v0  }
0xae: {  	[tilespmem:$0xBC8] =	vst v0  }
0xaf: {  	[tilespmem:$0xBD8] =	vst v0  }
0xb0: {  	[tilespmem:$0xBE8] =	vst v0  }
0xb1: {  	[tilespmem:$0xBF8] =	vst v0  }
0xb2: {  	[tilespmem:$0xC08] =	vst v0  }
0xb3: {  	[tilespmem:$0xC18] =	vst v0  }
0xb4: {  	[tilespmem:$0xC28] =	vst v0  }
0xb5: {  	[tilespmem:$0xC38] =	vst v0  }
0xb6: {  	[tilespmem:$0xC48] =	vst v0  }
0xb7: {  	[tilespmem:$0xC58] =	vst v0  }
0xb8: {  	[tilespmem:$0xC68] =	vst v0  }
0xb9: {  	[tilespmem:$0xC78] =	vst v0  }
0xba: {  	[tilespmem:$0xC88] =	vst v0  }
0xbb: {  	[tilespmem:$0xC98] =	vst v0  }
0xbc: {  	[tilespmem:$0xCA8] =	vst v0  }
0xbd: {  	[tilespmem:$0xCB8] =	vst v0  }
0xbe: {  	[tilespmem:$0xCC8] =	vst v0  }
0xbf: {  	[tilespmem:$0xCD8] =	vst v0  }
0xc0: {  	[tilespmem:$0xCE8] =	vst v0  }
0xc1: {  	[tilespmem:$0xCF8] =	vst v0  }
0xc2: {  	[tilespmem:$0xD08] =	vst v0  }
0xc3: {  	[tilespmem:$0xD18] =	vst v0  }
0xc4: {  	[tilespmem:$0xD28] =	vst v0  }
0xc5: {  	[tilespmem:$0xD38] =	vst v0  }
0xc6: {  	[tilespmem:$0xD48] =	vst v0  }
0xc7: {  	[tilespmem:$0xD58] =	vst v0  }
0xc8: {  	[tilespmem:$0xD68] =	vst v0  }
0xc9: {  	[tilespmem:$0xD78] =	vst v0  }
0xca: {  	[tilespmem:$0xD88] =	vst v0  }
0xcb: {  	[tilespmem:$0xD98] =	vst v0  }
0xcc: {  	[tilespmem:$0xDA8] =	vst v0  }
0xcd: {  	[tilespmem:$0xDB8] =	vst v0  }
0xce: {  	[tilespmem:$0xDC8] =	vst v0  }
0xcf: {  	[tilespmem:$0xDD8] =	vst v0  }
0xd0: {  	[tilespmem:$0xDE8] =	vst v0  }
0xd1: {  	[tilespmem:$0xDF8] =	vst v0  }
0xd2: {  	[tilespmem:$0xE08] =	vst v0  }
0xd3: {  	[tilespmem:$0xE18] =	vst v0  }
0xd4: {  	[tilespmem:$0xE28] =	vst v0  }
0xd5: {  	[tilespmem:$0xE38] =	vst v0  }
0xd6: {  	[tilespmem:$0xE48] =	vst v0  }
0xd7: {  	[tilespmem:$0xE58] =	vst v0  }
0xd8: {  	[tilespmem:$0xE68] =	vst v0  }
0xd9: {  	[tilespmem:$0xE78] =	vst v0  }
0xda: {  	[tilespmem:$0xE88] =	vst v0  }
0xdb: {  	[tilespmem:$0xE98] =	vst v0  }
0xdc: {  	[tilespmem:$0xEA8] =	vst v0  }
0xdd: {  	[tilespmem:$0xEB8] =	vst v0  }
0xde: {  	[tilespmem:$0xEC8] =	vst v0  }
0xdf: {  	[tilespmem:$0xED8] =	vst v0  }
0xe0: {  	[tilespmem:$0xEE8] =	vst v0  }
0xe1: {  	[tilespmem:$0xEF8] =	vst v0  }
0xe2: {  	[tilespmem:$0xF08] =	vst v0  }
0xe3: {  	[tilespmem:$0xF18] =	vst v0  }
0xe4: {  	[tilespmem:$0xF28] =	vst v0  }
0xe5: {  	[tilespmem:$0xF38] =	vst v0  }
0xe6: {  	[tilespmem:$0xF48] =	vst v0  }
0xe7: {  	[tilespmem:$0xF58] =	vst v0  }
0xe8: {  	[tilespmem:$0xF68] =	vst v0  }
0xe9: {  	[tilespmem:$0xF78] =	vst v0  }
0xea: {  	[tilespmem:$0xF88] =	vst v0  }
0xeb: {  	[tilespmem:$0xF98] =	vst v0  }
0xec: {  	[tilespmem:$0xFA8] =	vst v0  }
0xed: {  	[tilespmem:$0xFB8] =	vst v0  }
0xee: {  	[tilespmem:$0xFC8] =	vst v0  }
0xef: {  	[tilespmem:$0xFD8] =	vst v0  }
0xf0: {  	[tilespmem:$0xFE8] =	vst v0  }
0xf1: {  	[tilespmem:$0xFF8] =	vst v0  }
0xf2: {  	[tilespmem:$0x1008] =	vst v0  }
0xf3: {  	[tilespmem:$0x1018] =	vst v0  }
0xf4: {  	[tilespmem:$0x1028] =	vst v0  }
0xf5: {  	[tilespmem:$0x1038] =	vst v0  }
0xf6: {  	[tilespmem:$0x1048] =	vst v0  }
0xf7: {  	[tilespmem:$0x1058] =	vst v0  }
0xf8: {  	[tilespmem:$0x1068] =	vst v0  }
0xf9: {  	[tilespmem:$0x1078] =	vst v0  }
0xfa: {  	[tilespmem:$0x1088] =	vst v0  }
0xfb: {  	[tilespmem:$0x1098] =	vst v0  }
0xfc: {  	[tilespmem:$0x10A8] =	vst v0  }
0xfd: {  	[tilespmem:$0x10B8] =	vst v0  }
0xfe: {  	[tilespmem:$0x10C8] =	vst v0  }
0xff: {  	[tilespmem:$0x10D8] =	vst v0  }
0x100: {  	[tilespmem:$0x10E8] =	vst v0  }
0x101: {  	[tilespmem:$0x10F8] =	vst v0  }
0x102: {  	[tilespmem:$0x1108] =	vst v0  }
0x103: {  	[tilespmem:$0x1478] =	vst v0  }
0x104: {  	[tilespmem:$0x1118] =	vst v0  }
0x105: {  	[tilespmem:$0x1128] =	vst v0  }
0x106: {  	[tilespmem:$0x1138] =	vst v0  }
0x107: {  	[tilespmem:$0x1148] =	vst v0  }
0x108: {  	[tilespmem:$0x1158] =	vst v0  }
0x109: {  	[tilespmem:$0x1168] =	vst v0  }
0x10a: {  	[tilespmem:$0x1178] =	vst v0  }
0x10b: {  	[tilespmem:$0x1188] =	vst v0  }
0x10c: {  	[tilespmem:$0x1198] =	vst v0  }
0x10d: {  	[tilespmem:$0x11A8] =	vst v0  }
0x10e: {  	[tilespmem:$0x11B8] =	vst v0  }
0x10f: {  	[tilespmem:$0x11C8] =	vst v0  }
0x110: {  	[tilespmem:$0x11D8] =	vst v0  }
0x111: {  	[tilespmem:$0x11E8] =	vst v0  }
0x112: {  	[tilespmem:$0x11F8] =	vst v0  }
0x113: {  	[tilespmem:$0x1208] =	vst v0  }
0x114: {  	[tilespmem:$0x1218] =	vst v0  }
0x115: {  	[tilespmem:$0x1228] =	vst v0  }
0x116: {  	[tilespmem:$0x1238] =	vst v0  }
0x117: {  	[tilespmem:$0x1248] =	vst v0  }
0x118: {  	[tilespmem:$0x1258] =	vst v0  }
0x119: {  	[tilespmem:$0x1268] =	vst v0  }
0x11a: {  	[tilespmem:$0x1278] =	vst v0  }
0x11b: {  	[tilespmem:$0x1288] =	vst v0  }
0x11c: {  	[tilespmem:$0x1298] =	vst v0  }
0x11d: {  	[tilespmem:$0x12A8] =	vst v0  }
0x11e: {  	[tilespmem:$0x12B8] =	vst v0  }
0x11f: {  	[tilespmem:$0x12C8] =	vst v0  }
0x120: {  	[tilespmem:$0x12D8] =	vst v0  }
0x121: {  	[tilespmem:$0x12E8] =	vst v0  }
0x122: {  	[tilespmem:$0x12F8] =	vst v0  }
0x123: {  	[tilespmem:$0x1308] =	vst v0  }
0x124: {  	[tilespmem:$0x1318] =	vst v0  }
0x125: {  	[tilespmem:$0x1328] =	vst v0  }
0x126: {  	[tilespmem:$0x1338] =	vst v0  }
0x127: {  	[tilespmem:$0x1348] =	vst v0  }
0x128: {  	[tilespmem:$0x1358] =	vst v0  }
0x129: {  	[tilespmem:$0x1368] =	vst v0  }
0x12a: {  	[tilespmem:$0x1378] =	vst v0  }
0x12b: {  	[tilespmem:$0x1388] =	vst v0  }
0x12c: {  	[tilespmem:$0x1398] =	vst v0  }
0x12d: {  	[tilespmem:$0x13A8] =	vst v0  }
0x12e: {  	[tilespmem:$0x13B8] =	vst v0  }
0x12f: {  	[tilespmem:$0x13C8] =	vst v0  }
0x130: {  	[tilespmem:$0x13D8] =	vst v0  }
0x131: {  	[tilespmem:$0x13E8] =	vst v0  }
0x132: {  	[tilespmem:$0x13F8] =	vst v0  }
0x133: {  	[tilespmem:$0x1408] =	vst v0  }
0x134: {  	[tilespmem:$0x1418] =	vst v0  }
0x135: {  	[tilespmem:$0x1428] =	vst v0  }
0x136: {  	[tilespmem:$0x1438] =	vst v0  }
0x137: {  	[tilespmem:$0x1448] =	vst v0  }
0x138: {  	[tilespmem:$0x1458] =	vst v0  }
0x139: {  	[tilespmem:$0x1468] =	vst v0  }
0x13a: {  	[tilespmem:$0x1488] =	vst v0  }
0x13b: {  	[tilespmem:$0x1498] =	vst v0  }
0x13c: {  	[tilespmem:$0x14A8] =	vst v0  }
0x13d: {  	[tilespmem:$0x14B8] =	vst v0  }
0x13e: {  	[tilespmem:$0x14C8] =	vst v0  }
0x13f: {  	[tilespmem:$0x14D8] =	vst v0  }
0x140: {  	[tilespmem:$0x14E8] =	vst v0  }
0x141: {  	[tilespmem:$0x14F8] =	vst v0  }
0x142: {  	[tilespmem:$0x1508] =	vst v0  }
0x143: {  	[tilespmem:$0x1518] =	vst v0  }
0x144: {  	[tilespmem:$0x1528] =	vst v0  }
0x145: {  	[tilespmem:$0x1538] =	vst v0  }
0x146: {  	[tilespmem:$0x1548] =	vst v0  }
0x147: {  	[tilespmem:$0x1558] =	vst v0  }
0x148: {  	[tilespmem:$0x1568] =	vst v0  }
0x149: {  	[tilespmem:$0x1578] =	vst v0  }
0x14a: {  	[tilespmem:$0x1588] =	vst v0  }
0x14b: {  	[tilespmem:$0x1598] =	vst v0  }
0x14c: {  	[tilespmem:$0x15A8] =	vst v0  }
0x14d: {  	[tilespmem:$0x15B8] =	vst v0  }
0x14e: {  	[tilespmem:$0x15C8] =	vst v0  }
0x14f: {  	[tilespmem:$0x15D8] =	vst v0  }
0x150: {  	[tilespmem:$0x15E8] =	vst v0  }
0x151: {  	[tilespmem:$0x15F8] =	vst v0  }
0x152: {  	[tilespmem:$0x1608] =	vst v0  }
0x153: {  	[tilespmem:$0x1618] =	vst v0  }
0x154: {  	[tilespmem:$0x1628] =	vst v0  }
0x155: {  	[tilespmem:$0x1638] =	vst v0  }
0x156: {  	[tilespmem:$0x1648] =	vst v0  }
0x157: {  	[tilespmem:$0x1658] =	vst v0  }
0x158: {  	[tilespmem:$0x1668] =	vst v0  }
0x159: {  	[tilespmem:$0x1678] =	vst v0  }
0x15a: {  	[tilespmem:$0x1688] =	vst v0  }
0x15b: {  	[tilespmem:$0x1698] =	vst v0  }
0x15c: {  	[tilespmem:$0x16A8] =	vst v0  }
0x15d: {  	[tilespmem:$0x16B8] =	vst v0  }
0x15e: {  	[tilespmem:$0x16C8] =	vst v0  }
0x15f: {  	[tilespmem:$0x16D8] =	vst v0  }
0x160: {  	[tilespmem:$0x16E8] =	vst v0  }
0x161: {  	[tilespmem:$0x16F8] =	vst v0  }
0x162: {  	[tilespmem:$0x1708] =	vst v0  }
0x163: {  	[tilespmem:$0x1718] =	vst v0  }
0x164: {  	[tilespmem:$0x1728] =	vst v0  }
0x165: {  	[tilespmem:$0x1738] =	vst v0  }
0x166: {  	[tilespmem:$0x1748] =	vst v0  }
0x167: {  	[tilespmem:$0x1758] =	vst v0  }
0x168: {  	[tilespmem:$0x1768] =	vst v0  }
0x169: {  	[tilespmem:$0x1778] =	vst v0  }
0x16a: {  	[tilespmem:$0x1788] =	vst v0  }
0x16b: {  	[tilespmem:$0x1798] =	vst v0  }
0x16c: {  	[tilespmem:$0x17A8] =	vst v0  }
0x16d: {  	[tilespmem:$0x17B8] =	vst v0  }
0x16e: {  	[tilespmem:$0x17C8] =	vst v0  }
0x16f: {  	[tilespmem:$0x17D8] =	vst v0  }
0x170: {  	[tilespmem:$0x17E8] =	vst v0  }
0x171: {  	[tilespmem:$0x17F8] =	vst v0  }
0x172: {  	[tilespmem:$0x1808] =	vst v0  }
0x173: {  	[tilespmem:$0x1818] =	vst v0  }
0x174: {  	[tilespmem:$0x1828] =	vst v0  }
0x175: {  	[tilespmem:$0x1838] =	vst v0  }
0x176: {  	[tilespmem:$0x1848] =	vst v0  }
0x177: {  	[tilespmem:$0x1858] =	vst v0  }
0x178: {  	[tilespmem:$0x1868] =	vst v0  }
0x179: {  	[tilespmem:$0x1878] =	vst v0  }
0x17a: {  	[tilespmem:$0x1888] =	vst v0  }
0x17b: {  	[tilespmem:$0x1898] =	vst v0  }
0x17c: {  	[tilespmem:$0x18A8] =	vst v0  }
0x17d: {  	[tilespmem:$0x18B8] =	vst v0  }
0x17e: {  	[tilespmem:$0x18C8] =	vst v0  }
0x17f: {  	[tilespmem:$0x18D8] =	vst v0  }
0x180: {  	[tilespmem:$0x18E8] =	vst v0  }
0x181: {  	[tilespmem:$0x18F8] =	vst v0  }
0x182: {  	[tilespmem:$0x1908] =	vst v0  }
0x183: {  	[tilespmem:$0x1918] =	vst v0  }
0x184: {  	[tilespmem:$0x1928] =	vst v0  }
0x185: {  	[tilespmem:$0x1938] =	vst v0  }
0x186: {  	[tilespmem:$0x1948] =	vst v0  }
0x187: {  	[tilespmem:$0x1958] =	vst v0  }
0x188: {  	[tilespmem:$0x1968] =	vst v0  }
0x189: {  	[tilespmem:$0x1978] =	vst v0  }
0x18a: {  	[tilespmem:$0x1988] =	vst v0  }
0x18b: {  	[tilespmem:$0x1998] =	vst v0  }
0x18c: {  	[tilespmem:$0x19A8] =	vst v0  }
0x18d: {  	[tilespmem:$0x19B8] =	vst v0  }
0x18e: {  	[tilespmem:$0x19C8] =	vst v0  }
0x18f: {  	[tilespmem:$0x19D8] =	vst v0  }
0x190: {  	[tilespmem:$0x19E8] =	vst v0  }
0x191: {  	[tilespmem:$0x19F8] =	vst v0  }
0x192: {  	[tilespmem:$0x1A08] =	vst v0  }
0x193: {  	[tilespmem:$0x1A18] =	vst v0  }
0x194: {  	[tilespmem:$0x1A28] =	vst v0  }
0x195: {  	[tilespmem:$0x1A38] =	vst v0  }
0x196: {  	[tilespmem:$0x1A48] =	vst v0  }
0x197: {  	[tilespmem:$0x1A58] =	vst v0  }
0x198: {  	[tilespmem:$0x1A68] =	vst v0  }
0x199: {  	[tilespmem:$0x1A78] =	vst v0  }
0x19a: {  	[tilespmem:$0x1A88] =	vst v0  }
0x19b: {  	[tilespmem:$0x1A98] =	vst v0  }
0x19c: {  	[tilespmem:$0x1AA8] =	vst v0  }
0x19d: {  	[tilespmem:$0x1AB8] =	vst v0  }
0x19e: {  	[tilespmem:$0x1AC8] =	vst v0  }
0x19f: {  	[tilespmem:$0x1AD8] =	vst v0  }
0x1a0: {  	[tilespmem:$0x1AE8] =	vst v0  }
0x1a1: {  	[tilespmem:$0x1AF8] =	vst v0  }
0x1a2: {  	[tilespmem:$0x1B08] =	vst v0  }
0x1a3: {  	[tilespmem:$0x1B18] =	vst v0  }
0x1a4: {  	[tilespmem:$0x1B28] =	vst v0  }
0x1a5: {  	[tilespmem:$0x1B38] =	vst v0  }
0x1a6: {  	[tilespmem:$0x1B48] =	vst v0  }
0x1a7: {  	[tilespmem:$0x1B58] =	vst v0  }
0x1a8: {  	[tilespmem:$0x1B68] =	vst v0  }
0x1a9: {  	[tilespmem:$0x1B78] =	vst v0  }
0x1aa: {  	[tilespmem:$0x1B88] =	vst v0  }
0x1ab: {  	[tilespmem:$0x1B98] =	vst v0  }
0x1ac: {  	[tilespmem:$0x1BA8] =	vst v0  }
0x1ad: {  	[tilespmem:$0x1BB8] =	vst v0  }
0x1ae: {  	[tilespmem:$0x1BC8] =	vst v0  }
0x1af: {  	[tilespmem:$0x1BD8] =	vst v0  }
0x1b0: {  	[tilespmem:$0x1BE8] =	vst v0  }
0x1b1: {  	[tilespmem:$0x1BF8] =	vst v0  }
0x1b2: {  	[tilespmem:$0x1C08] =	vst v0  }
0x1b3: {  	[tilespmem:$0x1C18] =	vst v0  }
0x1b4: {  	[tilespmem:$0x1C28] =	vst v0  }
0x1b5: {  	[tilespmem:$0x1C38] =	vst v0  }
0x1b6: {  	[tilespmem:$0x1C48] =	vst v0  }
0x1b7: {  	[tilespmem:$0x1C58] =	vst v0  }
0x1b8: {  	[tilespmem:$0x1C68] =	vst v0  }
0x1b9: {  	[tilespmem:$0x1C78] =	vst v0  }
0x1ba: {  	[tilespmem:$0x1C88] =	vst v0  }
0x1bb: {  	[tilespmem:$0x1C98] =	vst v0  }
0x1bc: {  	[tilespmem:$0x1CA8] =	vst v0  }
0x1bd: {  	[tilespmem:$0x1CB8] =	vst v0  }
0x1be: {  	[tilespmem:$0x1CC8] =	vst v0  }
0x1bf: {  	[tilespmem:$0x1CD8] =	vst v0  }
0x1c0: {  	[tilespmem:$0x1CE8] =	vst v0  }
0x1c1: {  	[tilespmem:$0x1CF8] =	vst v0  }
0x1c2: {  	[tilespmem:$0x1D08] =	vst v0  }
0x1c3: {  	[tilespmem:$0x1D18] =	vst v0  }
0x1c4: {  	[tilespmem:$0x1D28] =	vst v0  }
0x1c5: {  	[tilespmem:$0x1D38] =	vst v0  }
0x1c6: {  	[tilespmem:$0x1D48] =	vst v0  }
0x1c7: {  	[tilespmem:$0x1D58] =	vst v0  }
0x1c8: {  	[tilespmem:$0x1D68] =	vst v0  }
0x1c9: {  	[tilespmem:$0x1D78] =	vst v0  }
0x1ca: {  	[tilespmem:$0x1D88] =	vst v0  }
0x1cb: {  	[tilespmem:$0x1D98] =	vst v0  }
0x1cc: {  	[tilespmem:$0x1DA8] =	vst v0  }
0x1cd: {  	[tilespmem:$0x1DB8] =	vst v0  }
0x1ce: {  	[tilespmem:$0x1DC8] =	vst v0  }
0x1cf: {  	[tilespmem:$0x1DD8] =	vst v0  }
0x1d0: {  	[tilespmem:$0x1DE8] =	vst v0  }
0x1d1: {  	[tilespmem:$0x1DF8] =	vst v0  }
0x1d2: {  	[tilespmem:$0x1E08] =	vst v0  }
0x1d3: {  	[tilespmem:$0x1E18] =	vst v0  }
0x1d4: {  	[tilespmem:$0x1E28] =	vst v0  }
0x1d5: {  	[tilespmem:$0x1E38] =	vst v0  }
0x1d6: {  	[tilespmem:$0x1E48] =	vst v0  }
0x1d7: {  	[tilespmem:$0x1E58] =	vst v0  }
0x1d8: {  	[tilespmem:$0x1E68] =	vst v0  }
0x1d9: {  	[tilespmem:$0x1E78] =	vst v0  }
0x1da: {  	[tilespmem:$0x1E88] =	vst v0  }
0x1db: {  	[tilespmem:$0x1E98] =	vst v0  }
0x1dc: {  	[tilespmem:$0x1EA8] =	vst v0  }
0x1dd: {  	[tilespmem:$0x1EB8] =	vst v0  }
0x1de: {  	[tilespmem:$0x1EC8] =	vst v0  }
0x1df: {  	[tilespmem:$0x1ED8] =	vst v0  }
0x1e0: {  	[tilespmem:$0x1EE8] =	vst v0  }
0x1e1: {  	[tilespmem:$0x1EF8] =	vst v0  }
0x1e2: {  	[tilespmem:$0x1F08] =	vst v0  }
0x1e3: {  	[tilespmem:$0x1F18] =	vst v0  }
0x1e4: {  	[tilespmem:$0x1F28] =	vst v0  }
0x1e5: {  	[tilespmem:$0x1F38] =	vst v0  }
0x1e6: {  	[tilespmem:$0x1F48] =	vst v0  }
0x1e7: {  	[tilespmem:$0x1F58] =	vst v0  }
0x1e8: {  	[tilespmem:$0x1F68] =	vst v0  }
0x1e9: {  	[tilespmem:$0x1F78] =	vst v0  }
0x1ea: {  	[tilespmem:$0x1F88] =	vst v0  }
0x1eb: {  	[tilespmem:$0x1F98] =	vst v0  }
0x1ec: {  	[tilespmem:$0x1FA8] =	vst v0  }
0x1ed: {  	[tilespmem:$0x1FB8] =	vst v0  }
0x1ee: {  	[tilespmem:$0x1FC8] =	vst v0  }
0x1ef: {  	[tilespmem:$0x1FD8] =	vst v0  }
0x1f0: {  	[tilespmem:$0x1FE8] =	vst v0  }
0x1f1: {  	[tilespmem:$0x1FF8] =	vst v0  }
0x1f2: {  	[tilespmem:$0x2008] =	vst v0  }
0x1f3: {  	[tilespmem:$0x2018] =	vst v0  }
0x1f4: {  	[tilespmem:$0x2028] =	vst v0  }
0x1f5: {  	[tilespmem:$0x2038] =	vst v0  }
0x1f6: {  	[tilespmem:$0x2048] =	vst v0  }
0x1f7: {  	[tilespmem:$0x2058] =	vst v0  }
0x1f8: {  	[tilespmem:$0x2068] =	vst v0  }
0x1f9: {  	[tilespmem:$0x2078] =	vst v0  }
0x1fa: {  	[tilespmem:$0x2088] =	vst v0  }
0x1fb: {  	[tilespmem:$0x2098] =	vst v0  }
0x1fc: {  	[tilespmem:$0x20A8] =	vst v0  }
0x1fd: {  	[tilespmem:$0x20B8] =	vst v0  }
0x1fe: {  	[tilespmem:$0x20C8] =	vst v0  }
0x1ff: {  	[tilespmem:$0x20D8] =	vst v0  }
0x200: {  	[tilespmem:$0x20E8] =	vst v0  }
0x201: {  	[tilespmem:$0x20F8] =	vst v0  }
0x202: {  	[tilespmem:$0x2108] =	vst v0  }
0x203: {  	[tilespmem:$0x2118] =	vst v0  }
0x204: {  	[tilespmem:$0x2128] =	vst v0  }
0x205: {  	[tilespmem:$0x2138] =	vst v0  }
0x206: {  	[tilespmem:$0x2148] =	vst v0  }
0x207: {  	[tilespmem:$0x2158] =	vst v0  }
0x208: {  	[tilespmem:$0x2168] =	vst v0  }
0x209: {  	[tilespmem:$0x2178] =	vst v0  }
0x20a: {  	[tilespmem:$0x2188] =	vst v0  }
0x20b: {  	[tilespmem:$0x2198] =	vst v0  }
0x20c: {  	[tilespmem:$0x21A8] =	vst v0  }
0x20d: {  	[tilespmem:$0x21B8] =	vst v0  }
0x20e: {  	[tilespmem:$0x21C8] =	vst v0  }
0x20f: {  	[tilespmem:$0x21D8] =	vst v0  }
0x210: {  	[tilespmem:$0x21E8] =	vst v0  }
0x211: {  	[tilespmem:$0x21F8] =	vst v0  }
0x212: {  	[tilespmem:$0x2208] =	vst v0  }
0x213: {  	[tilespmem:$0x2218] =	vst v0  }
0x214: {  	[tilespmem:$0x2228] =	vst v0  }
0x215: {  	[tilespmem:$0x2238] =	vst v0  }
0x216: {  	[tilespmem:$0x2248] =	vst v0  }
0x217: {  	[tilespmem:$0x2258] =	vst v0  }
0x218: {  	[tilespmem:$0x2268] =	vst v0  }
0x219: {  	[tilespmem:$0x2278] =	vst v0  }
0x21a: {  	[tilespmem:$0x2288] =	vst v0  }
0x21b: {  	[tilespmem:$0x2298] =	vst v0  }
0x21c: {  	[tilespmem:$0x22A8] =	vst v0  }
0x21d: {  	[tilespmem:$0x22B8] =	vst v0  }
0x21e: {  	[tilespmem:$0x22C8] =	vst v0  }
0x21f: {  	[tilespmem:$0x22D8] =	vst v0  }
0x220: {  	[tilespmem:$0x22E8] =	vst v0  }
0x221: {  	[tilespmem:$0x22F8] =	vst v0  }
0x222: {  	[tilespmem:$0x2308] =	vst v0  }
0x223: {  	[tilespmem:$0x2318] =	vst v0  }
0x224: {  	[tilespmem:$0x2328] =	vst v0  }
0x225: {  	[tilespmem:$0x2338] =	vst v0  }
0x226: {  	[tilespmem:$0x2348] =	vst v0  }
0x227: {  	[tilespmem:$0x2358] =	vst v0  }
0x228: {  	[tilespmem:$0x2368] =	vst v0  }
0x229: {  	[tilespmem:$0x2378] =	vst v0  }
0x22a: {  	[tilespmem:$0x2388] =	vst v0  }
0x22b: {  	[tilespmem:$0x2398] =	vst v0  }
0x22c: {  	[tilespmem:$0x23A8] =	vst v0  }
0x22d: {  	[tilespmem:$0x23B8] =	vst v0  }
0x22e: {  	[tilespmem:$0x23C8] =	vst v0  }
0x22f: {  	[tilespmem:$0x23D8] =	vst v0  }
0x230: {  	[tilespmem:$0x23E8] =	vst v0  }
0x231: {  	[tilespmem:$0x23F8] =	vst v0  }
0x232: {  	[tilespmem:$0x2408] =	vst v0  }
0x233: {  	[tilespmem:$0x2418] =	vst v0  }
0x234: {  	[tilespmem:$0x2428] =	vst v0  }
0x235: {  	[tilespmem:$0x2438] =	vst v0  }
0x236: {  	[tilespmem:$0x2448] =	vst v0  }
0x237: {  	[tilespmem:$0x2458] =	vst v0  }
0x238: {  	[tilespmem:$0x2468] =	vst v0  }
0x239: {  	[tilespmem:$0x2478] =	vst v0  }
0x23a: {  	[tilespmem:$0x33A8] =	vst v0  }
0x23b: {  	[tilespmem:$0x33B8] =	vst v0  }
0x23c: {  	[tilespmem:$0x2488] =	vst v0  }
0x23d: {  	[tilespmem:$0x2498] =	vst v0  }
0x23e: {  	[tilespmem:$0x24A8] =	vst v0  }
0x23f: {  	[tilespmem:$0x24B8] =	vst v0  }
0x240: {  	[tilespmem:$0x24C8] =	vst v0  }
0x241: {  	[tilespmem:$0x24D8] =	vst v0  }
0x242: {  	[tilespmem:$0x24E8] =	vst v0  }
0x243: {  	[tilespmem:$0x24F8] =	vst v0  }
0x244: {  	[tilespmem:$0x2508] =	vst v0  }
0x245: {  	[tilespmem:$0x2518] =	vst v0  }
0x246: {  	[tilespmem:$0x2528] =	vst v0  }
0x247: {  	[tilespmem:$0x2538] =	vst v0  }
0x248: {  	[tilespmem:$0x2548] =	vst v0  }
0x249: {  	[tilespmem:$0x2558] =	vst v0  }
0x24a: {  	[tilespmem:$0x2568] =	vst v0  }
0x24b: {  	[tilespmem:$0x2578] =	vst v0  }
0x24c: {  	[tilespmem:$0x2588] =	vst v0  }
0x24d: {  	[tilespmem:$0x2598] =	vst v0  }
0x24e: {  	[tilespmem:$0x25A8] =	vst v0  }
0x24f: {  	[tilespmem:$0x25B8] =	vst v0  }
0x250: {  	[tilespmem:$0x25C8] =	vst v0  }
0x251: {  	[tilespmem:$0x25D8] =	vst v0  }
0x252: {  	[tilespmem:$0x25E8] =	vst v0  }
0x253: {  	[tilespmem:$0x25F8] =	vst v0  }
0x254: {  	[tilespmem:$0x2608] =	vst v0  }
0x255: {  	[tilespmem:$0x2618] =	vst v0  }
0x256: {  	[tilespmem:$0x2628] =	vst v0  }
0x257: {  	[tilespmem:$0x2638] =	vst v0  }
0x258: {  	[tilespmem:$0x2648] =	vst v0  }
0x259: {  	[tilespmem:$0x2658] =	vst v0  }
0x25a: {  	[tilespmem:$0x2668] =	vst v0  }
0x25b: {  	[tilespmem:$0x2678] =	vst v0  }
0x25c: {  	[tilespmem:$0x2688] =	vst v0  }
0x25d: {  	[tilespmem:$0x2698] =	vst v0  }
0x25e: {  	[tilespmem:$0x26A8] =	vst v0  }
0x25f: {  	[tilespmem:$0x26B8] =	vst v0  }
0x260: {  	[tilespmem:$0x26C8] =	vst v0  }
0x261: {  	[tilespmem:$0x26D8] =	vst v0  }
0x262: {  	[tilespmem:$0x26E8] =	vst v0  }
0x263: {  	[tilespmem:$0x26F8] =	vst v0  }
0x264: {  	[tilespmem:$0x2708] =	vst v0  }
0x265: {  	[tilespmem:$0x2718] =	vst v0  }
0x266: {  	[tilespmem:$0x2728] =	vst v0  }
0x267: {  	[tilespmem:$0x2738] =	vst v0  }
0x268: {  	[tilespmem:$0x2748] =	vst v0  }
0x269: {  	[tilespmem:$0x2758] =	vst v0  }
0x26a: {  	[tilespmem:$0x2768] =	vst v0  }
0x26b: {  	[tilespmem:$0x2778] =	vst v0  }
0x26c: {  	[tilespmem:$0x2788] =	vst v0  }
0x26d: {  	[tilespmem:$0x2798] =	vst v0  }
0x26e: {  	[tilespmem:$0x27A8] =	vst v0  }
0x26f: {  	[tilespmem:$0x27B8] =	vst v0  }
0x270: {  	[tilespmem:$0x27C8] =	vst v0  }
0x271: {  	[tilespmem:$0x27D8] =	vst v0  }
0x272: {  	[tilespmem:$0x27E8] =	vst v0  }
0x273: {  	[tilespmem:$0x27F8] =	vst v0  }
0x274: {  	[tilespmem:$0x2808] =	vst v0  }
0x275: {  	[tilespmem:$0x2818] =	vst v0  }
0x276: {  	[tilespmem:$0x2828] =	vst v0  }
0x277: {  	[tilespmem:$0x2838] =	vst v0  }
0x278: {  	[tilespmem:$0x2848] =	vst v0  }
0x279: {  	[tilespmem:$0x2858] =	vst v0  }
0x27a: {  	[tilespmem:$0x2868] =	vst v0  }
0x27b: {  	[tilespmem:$0x2878] =	vst v0  }
0x27c: {  	[tilespmem:$0x2888] =	vst v0  }
0x27d: {  	[tilespmem:$0x2898] =	vst v0  }
0x27e: {  	[tilespmem:$0x28A8] =	vst v0  }
0x27f: {  	[tilespmem:$0x28B8] =	vst v0  }
0x280: {  	[tilespmem:$0x28C8] =	vst v0  }
0x281: {  	[tilespmem:$0x28D8] =	vst v0  }
0x282: {  	[tilespmem:$0x28E8] =	vst v0  }
0x283: {  	[tilespmem:$0x28F8] =	vst v0  }
0x284: {  	[tilespmem:$0x2908] =	vst v0  }
0x285: {  	[tilespmem:$0x2918] =	vst v0  }
0x286: {  	[tilespmem:$0x2928] =	vst v0  }
0x287: {  	[tilespmem:$0x2938] =	vst v0  }
0x288: {  	[tilespmem:$0x2948] =	vst v0  }
0x289: {  	[tilespmem:$0x2958] =	vst v0  }
0x28a: {  	[tilespmem:$0x2968] =	vst v0  }
0x28b: {  	[tilespmem:$0x2978] =	vst v0  }
0x28c: {  	[tilespmem:$0x2988] =	vst v0  }
0x28d: {  	[tilespmem:$0x2998] =	vst v0  }
0x28e: {  	[tilespmem:$0x29A8] =	vst v0  }
0x28f: {  	[tilespmem:$0x29B8] =	vst v0  }
0x290: {  	[tilespmem:$0x29C8] =	vst v0  }
0x291: {  	[tilespmem:$0x29D8] =	vst v0  }
0x292: {  	[tilespmem:$0x29E8] =	vst v0  }
0x293: {  	[tilespmem:$0x29F8] =	vst v0  }
0x294: {  	[tilespmem:$0x2A08] =	vst v0  }
0x295: {  	[tilespmem:$0x2A18] =	vst v0  }
0x296: {  	[tilespmem:$0x2A28] =	vst v0  }
0x297: {  	[tilespmem:$0x2A38] =	vst v0  }
0x298: {  	[tilespmem:$0x2A48] =	vst v0  }
0x299: {  	[tilespmem:$0x2A58] =	vst v0  }
0x29a: {  	[tilespmem:$0x2A68] =	vst v0  }
0x29b: {  	[tilespmem:$0x2A78] =	vst v0  }
0x29c: {  	[tilespmem:$0x2A88] =	vst v0  }
0x29d: {  	[tilespmem:$0x2A98] =	vst v0  }
0x29e: {  	[tilespmem:$0x2AA8] =	vst v0  }
0x29f: {  	[tilespmem:$0x2AB8] =	vst v0  }
0x2a0: {  	[tilespmem:$0x2AC8] =	vst v0  }
0x2a1: {  	[tilespmem:$0x2AD8] =	vst v0  }
0x2a2: {  	[tilespmem:$0x2AE8] =	vst v0  }
0x2a3: {  	[tilespmem:$0x2AF8] =	vst v0  }
0x2a4: {  	[tilespmem:$0x2B08] =	vst v0  }
0x2a5: {  	[tilespmem:$0x2B18] =	vst v0  }
0x2a6: {  	[tilespmem:$0x2B28] =	vst v0  }
0x2a7: {  	[tilespmem:$0x2B38] =	vst v0  }
0x2a8: {  	[tilespmem:$0x2B48] =	vst v0  }
0x2a9: {  	[tilespmem:$0x2B58] =	vst v0  }
0x2aa: {  	[tilespmem:$0x2B68] =	vst v0  }
0x2ab: {  	[tilespmem:$0x2B78] =	vst v0  }
0x2ac: {  	[tilespmem:$0x2B88] =	vst v0  }
0x2ad: {  	[tilespmem:$0x2B98] =	vst v0  }
0x2ae: {  	[tilespmem:$0x2BA8] =	vst v0  }
0x2af: {  	[tilespmem:$0x2BB8] =	vst v0  }
0x2b0: {  	[tilespmem:$0x2BC8] =	vst v0  }
0x2b1: {  	[tilespmem:$0x2BD8] =	vst v0  }
0x2b2: {  	[tilespmem:$0x2BE8] =	vst v0  }
0x2b3: {  	[tilespmem:$0x2BF8] =	vst v0  }
0x2b4: {  	[tilespmem:$0x2C08] =	vst v0  }
0x2b5: {  	[tilespmem:$0x2C18] =	vst v0  }
0x2b6: {  	[tilespmem:$0x2C28] =	vst v0  }
0x2b7: {  	[tilespmem:$0x2C38] =	vst v0  }
0x2b8: {  	[tilespmem:$0x2C48] =	vst v0  }
0x2b9: {  	[tilespmem:$0x2C58] =	vst v0  }
0x2ba: {  	[tilespmem:$0x2C68] =	vst v0  }
0x2bb: {  	[tilespmem:$0x2C78] =	vst v0  }
0x2bc: {  	[tilespmem:$0x2C88] =	vst v0  }
0x2bd: {  	[tilespmem:$0x2C98] =	vst v0  }
0x2be: {  	[tilespmem:$0x2CA8] =	vst v0  }
0x2bf: {  	[tilespmem:$0x2CB8] =	vst v0  }
0x2c0: {  	[tilespmem:$0x2CC8] =	vst v0  }
0x2c1: {  	[tilespmem:$0x2CD8] =	vst v0  }
0x2c2: {  	[tilespmem:$0x2CE8] =	vst v0  }
0x2c3: {  	[tilespmem:$0x2CF8] =	vst v0  }
0x2c4: {  	[tilespmem:$0x2D08] =	vst v0  }
0x2c5: {  	[tilespmem:$0x2D18] =	vst v0  }
0x2c6: {  	[tilespmem:$0x2D28] =	vst v0  }
0x2c7: {  	[tilespmem:$0x2D38] =	vst v0  }
0x2c8: {  	[tilespmem:$0x2D48] =	vst v0  }
0x2c9: {  	[tilespmem:$0x2D58] =	vst v0  }
0x2ca: {  	[tilespmem:$0x2D68] =	vst v0  }
0x2cb: {  	[tilespmem:$0x2D78] =	vst v0  }
0x2cc: {  	[tilespmem:$0x2D88] =	vst v0  }
0x2cd: {  	[tilespmem:$0x2D98] =	vst v0  }
0x2ce: {  	[tilespmem:$0x2DA8] =	vst v0  }
0x2cf: {  	[tilespmem:$0x2DB8] =	vst v0  }
0x2d0: {  	[tilespmem:$0x2DC8] =	vst v0  }
0x2d1: {  	[tilespmem:$0x2DD8] =	vst v0  }
0x2d2: {  	[tilespmem:$0x2DE8] =	vst v0  }
0x2d3: {  	[tilespmem:$0x2DF8] =	vst v0  }
0x2d4: {  	[tilespmem:$0x2E08] =	vst v0  }
0x2d5: {  	[tilespmem:$0x2E18] =	vst v0  }
0x2d6: {  	[tilespmem:$0x2E28] =	vst v0  }
0x2d7: {  	[tilespmem:$0x2E38] =	vst v0  }
0x2d8: {  	[tilespmem:$0x2E48] =	vst v0  }
0x2d9: {  	[tilespmem:$0x2E58] =	vst v0  }
0x2da: {  	[tilespmem:$0x2E68] =	vst v0  }
0x2db: {  	[tilespmem:$0x2E78] =	vst v0  }
0x2dc: {  	[tilespmem:$0x2E88] =	vst v0  }
0x2dd: {  	[tilespmem:$0x2E98] =	vst v0  }
0x2de: {  	[tilespmem:$0x2EA8] =	vst v0  }
0x2df: {  	[tilespmem:$0x2EB8] =	vst v0  }
0x2e0: {  	[tilespmem:$0x2EC8] =	vst v0  }
0x2e1: {  	[tilespmem:$0x2ED8] =	vst v0  }
0x2e2: {  	[tilespmem:$0x2EE8] =	vst v0  }
0x2e3: {  	[tilespmem:$0x2EF8] =	vst v0  }
0x2e4: {  	[tilespmem:$0x2F08] =	vst v0  }
0x2e5: {  	[tilespmem:$0x2F18] =	vst v0  }
0x2e6: {  	[tilespmem:$0x2F28] =	vst v0  }
0x2e7: {  	[tilespmem:$0x2F38] =	vst v0  }
0x2e8: {  	[tilespmem:$0x2F48] =	vst v0  }
0x2e9: {  	[tilespmem:$0x2F58] =	vst v0  }
0x2ea: {  	[tilespmem:$0x2F68] =	vst v0  }
0x2eb: {  	[tilespmem:$0x2F78] =	vst v0  }
0x2ec: {  	[tilespmem:$0x2F88] =	vst v0  }
0x2ed: {  	[tilespmem:$0x2F98] =	vst v0  }
0x2ee: {  	[tilespmem:$0x2FA8] =	vst v0  }
0x2ef: {  	[tilespmem:$0x2FB8] =	vst v0  }
0x2f0: {  	[tilespmem:$0x2FC8] =	vst v0  }
0x2f1: {  	[tilespmem:$0x2FD8] =	vst v0  }
0x2f2: {  	[tilespmem:$0x2FE8] =	vst v0  }
0x2f3: {  	[tilespmem:$0x2FF8] =	vst v0  }
0x2f4: {  	[tilespmem:$0x3008] =	vst v0  }
0x2f5: {  	[tilespmem:$0x3018] =	vst v0  }
0x2f6: {  	[tilespmem:$0x3028] =	vst v0  }
0x2f7: {  	[tilespmem:$0x3038] =	vst v0  }
0x2f8: {  	[tilespmem:$0x3048] =	vst v0  }
0x2f9: {  	[tilespmem:$0x3058] =	vst v0  }
0x2fa: {  	[tilespmem:$0x3068] =	vst v0  }
0x2fb: {  	[tilespmem:$0x3078] =	vst v0  }
0x2fc: {  	[tilespmem:$0x3088] =	vst v0  }
0x2fd: {  	[tilespmem:$0x3098] =	vst v0  }
0x2fe: {  	[tilespmem:$0x30A8] =	vst v0  }
0x2ff: {  	[tilespmem:$0x30B8] =	vst v0  }
0x300: {  	[tilespmem:$0x30C8] =	vst v0  }
0x301: {  	[tilespmem:$0x30D8] =	vst v0  }
0x302: {  	[tilespmem:$0x30E8] =	vst v0  }
0x303: {  	[tilespmem:$0x30F8] =	vst v0  }
0x304: {  	[tilespmem:$0x3108] =	vst v0  }
0x305: {  	[tilespmem:$0x3118] =	vst v0  }
0x306: {  	[tilespmem:$0x3128] =	vst v0  }
0x307: {  	[tilespmem:$0x3138] =	vst v0  }
0x308: {  	[tilespmem:$0x3148] =	vst v0  }
0x309: {  	[tilespmem:$0x3158] =	vst v0  }
0x30a: {  	[tilespmem:$0x3168] =	vst v0  }
0x30b: {  	[tilespmem:$0x3178] =	vst v0  }
0x30c: {  	[tilespmem:$0x3188] =	vst v0  }
0x30d: {  	[tilespmem:$0x3198] =	vst v0  }
0x30e: {  	[tilespmem:$0x31A8] =	vst v0  }
0x30f: {  	[tilespmem:$0x31B8] =	vst v0  }
0x310: {  	[tilespmem:$0x31C8] =	vst v0  }
0x311: {  	[tilespmem:$0x31D8] =	vst v0  }
0x312: {  	[tilespmem:$0x31E8] =	vst v0  }
0x313: {  	[tilespmem:$0x31F8] =	vst v0  }
0x314: {  	[tilespmem:$0x3208] =	vst v0  }
0x315: {  	[tilespmem:$0x3218] =	vst v0  }
0x316: {  	[tilespmem:$0x3228] =	vst v0  }
0x317: {  	[tilespmem:$0x3238] =	vst v0  }
0x318: {  	[tilespmem:$0x3248] =	vst v0  }
0x319: {  	[tilespmem:$0x3258] =	vst v0  }
0x31a: {  	[tilespmem:$0x3268] =	vst v0  }
0x31b: {  	[tilespmem:$0x3278] =	vst v0  }
0x31c: {  	[tilespmem:$0x3288] =	vst v0  }
0x31d: {  	[tilespmem:$0x3298] =	vst v0  }
0x31e: {  	[tilespmem:$0x32A8] =	vst v0  }
0x31f: {  	[tilespmem:$0x32B8] =	vst v0  }
0x320: {  	[tilespmem:$0x32C8] =	vst v0  }
0x321: {  	[tilespmem:$0x32D8] =	vst v0  }
0x322: {  	[tilespmem:$0x32E8] =	vst v0  }
0x323: {  	[tilespmem:$0x32F8] =	vst v0  }
0x324: {  	[tilespmem:$0x3308] =	vst v0  }
0x325: {  	[tilespmem:$0x3318] =	vst v0  }
0x326: {  	[tilespmem:$0x3328] =	vst v0  }
0x327: {  	[tilespmem:$0x3338] =	vst v0  }
0x328: {  	[tilespmem:$0x3348] =	vst v0  }
0x329: {  	[tilespmem:$0x3358] =	vst v0  }
0x32a: {  	[tilespmem:$0x3368] =	vst v0  }
0x32b: {  	[tilespmem:$0x3378] =	vst v0  }
0x32c: {  	[tilespmem:$0x3388] =	vst v0  }
0x32d: {  	[tilespmem:$0x3398] =	vst v0  }
0x32e: {  	[tilespmem:$0x33C8] =	vst v0  }
0x32f: {  	[tilespmem:$0x33D8] =	vst v0  }
0x330: {  	[tilespmem:$0x33E8] =	vst v0  }
0x331: {  	[tilespmem:$0x33F8] =	vst v0  }
0x332: {  	[tilespmem:$0x3408] =	vst v0  }
0x333: {  	[tilespmem:$0x3418] =	vst v0  }
0x334: {  	[tilespmem:$0x3428] =	vst v0  }
0x335: {  	[tilespmem:$0x3438] =	vst v0  }
0x336: {  	[tilespmem:$0x3448] =	vst v0  }
0x337: {  	[tilespmem:$0x3458] =	vst v0  }
0x338: {  	[tilespmem:$0x3468] =	vst v0  }
0x339: {  	[tilespmem:$0x3478] =	vst v0  }
0x33a: {  	[tilespmem:$0x3488] =	vst v0  }
0x33b: {  	[tilespmem:$0x3498] =	vst v0  }
0x33c: {  	[tilespmem:$0x34A8] =	vst v0  }
0x33d: {  	[tilespmem:$0x34B8] =	vst v0  }
0x33e: {  	[tilespmem:$0x34C8] =	vst v0  }
0x33f: {  	[tilespmem:$0x34D8] =	vst v0  }
0x340: {  	[tilespmem:$0x34E8] =	vst v0  }
0x341: {  	[tilespmem:$0x34F8] =	vst v0  }
0x342: {  	[tilespmem:$0x3508] =	vst v0  }
0x343: {  	[tilespmem:$0x3518] =	vst v0  }
0x344: {  	[tilespmem:$0x3528] =	vst v0  }
0x345: {  	[tilespmem:$0x3538] =	vst v0  }
0x346: {  	[tilespmem:$0x3548] =	vst v0  }
0x347: {  	[tilespmem:$0x3558] =	vst v0  }
0x348: {  	[tilespmem:$0x3568] =	vst v0  }
0x349: {  	[tilespmem:$0x3578] =	vst v0  }
0x34a: {  	[tilespmem:$0x3588] =	vst v0  }
0x34b: {  	[tilespmem:$0x3598] =	vst v0  }
0x34c: {  	[tilespmem:$0x35A8] =	vst v0  }
0x34d: {  	[tilespmem:$0x35B8] =	vst v0  }
0x34e: {  	[tilespmem:$0x35C8] =	vst v0  }
0x34f: {  	[tilespmem:$0x35D8] =	vst v0  }
0x350: {  	[tilespmem:$0x35E8] =	vst v0  }
0x351: {  	[tilespmem:$0x35F8] =	vst v0  }
0x352: {  	[tilespmem:$0x3608] =	vst v0  }
0x353: {  	[tilespmem:$0x3618] =	vst v0  }
0x354: {  	[tilespmem:$0x3628] =	vst v0  }
0x355: {  	[tilespmem:$0x3638] =	vst v0  }
0x356: {  	[tilespmem:$0x3648] =	vst v0  }
0x357: {  	[tilespmem:$0x3658] =	vst v0  }
0x358: {  	[tilespmem:$0x3668] =	vst v0  }
0x359: {  	[tilespmem:$0x3678] =	vst v0  }
0x35a: {  	[tilespmem:$0x3688] =	vst v0  }
0x35b: {  	[tilespmem:$0x3698] =	vst v0  }
0x35c: {  	[tilespmem:$0x36A8] =	vst v0  }
0x35d: {  	[tilespmem:$0x36B8] =	vst v0  }
0x35e: {  	[tilespmem:$0x36C8] =	vst v0  }
0x35f: {  	[tilespmem:$0x36D8] =	vst v0  }
0x360: {  	[tilespmem:$0x36E8] =	vst v0  }
0x361: {  	[tilespmem:$0x36F8] =	vst v0  }
0x362: {  	[tilespmem:$0x3708] =	vst v0  }
0x363: {  	[tilespmem:$0x3718] =	vst v0  }
0x364: {  	[tilespmem:$0x3728] =	vst v0  }
0x365: {  	[tilespmem:$0x3738] =	vst v0  }
0x366: {  	[tilespmem:$0x3748] =	vst v0  }
0x367: {  	[tilespmem:$0x3758] =	vst v0  }
0x368: {  	[tilespmem:$0x3768] =	vst v0  }
0x369: {  	[tilespmem:$0x3778] =	vst v0  }
0x36a: {  	[tilespmem:$0x3788] =	vst v0  }
0x36b: {  	[tilespmem:$0x3798] =	vst v0  }
0x36c: {  	[tilespmem:$0x37A8] =	vst v0  }
0x36d: {  	[tilespmem:$0x37B8] =	vst v0  }
0x36e: {  	[tilespmem:$0x37C8] =	vst v0  }
0x36f: {  	[tilespmem:$0x37D8] =	vst v0  }
0x370: {  	[tilespmem:$0x37E8] =	vst v0  }
0x371: {  	[tilespmem:$0x37F8] =	vst v0  }
0x372: {  	[tilespmem:$0x3808] =	vst v0  }
0x373: {  	[tilespmem:$0x3818] =	vst v0  }
0x374: {  	[tilespmem:$0x3828] =	vst v0  }
0x375: {  	[tilespmem:$0x3838] =	vst v0  }
0x376: {  	[tilespmem:$0x3848] =	vst v0  }
0x377: {  	[tilespmem:$0x3858] =	vst v0  }
0x378: {  	[tilespmem:$0x3868] =	vst v0  }
0x379: {  	[tilespmem:$0x3878] =	vst v0  }
0x37a: {  	[tilespmem:$0x3888] =	vst v0  }
0x37b: {  	[tilespmem:$0x3898] =	vst v0  }
0x37c: {  	[tilespmem:$0x38A8] =	vst v0  }
0x37d: {  	[tilespmem:$0x38B8] =	vst v0  }
0x37e: {  	[tilespmem:$0x38C8] =	vst v0  }
0x37f: {  	[tilespmem:$0x38D8] =	vst v0  }
0x380: {  	[tilespmem:$0x38E8] =	vst v0  }
0x381: {  	[tilespmem:$0x38F8] =	vst v0  }
0x382: {  	[tilespmem:$0x3908] =	vst v0  }
0x383: {  	[tilespmem:$0x3918] =	vst v0  }
0x384: {  	[tilespmem:$0x3928] =	vst v0  }
0x385: {  	[tilespmem:$0x3938] =	vst v0  }
0x386: {  	[tilespmem:$0x3948] =	vst v0  }
0x387: {  	[tilespmem:$0x3958] =	vst v0  }
0x388: {  	[tilespmem:$0x3968] =	vst v0  }
0x389: {  	[tilespmem:$0x3978] =	vst v0  }
0x38a: {  	[tilespmem:$0x3988] =	vst v0  }
0x38b: {  	[tilespmem:$0x3998] =	vst v0  }
0x38c: {  	[tilespmem:$0x39A8] =	vst v0  }
0x38d: {  	[tilespmem:$0x39B8] =	vst v0  }
0x38e: {  	[tilespmem:$0x39C8] =	vst v0  }
0x38f: {  	[tilespmem:$0x39D8] =	vst v0  }
0x390: {  	[tilespmem:$0x39E8] =	vst v0  }
0x391: {  	[tilespmem:$0x39F8] =	vst v0  }
0x392: {  	[tilespmem:$0x3A08] =	vst v0  }
0x393: {  	[tilespmem:$0x3A18] =	vst v0  }
0x394: {  	[tilespmem:$0x3A28] =	vst v0  }
0x395: {  	[tilespmem:$0x3A38] =	vst v0  }
0x396: {  	[tilespmem:$0x3A48] =	vst v0  }
0x397: {  	[tilespmem:$0x3A58] =	vst v0  }
0x398: {  	[tilespmem:$0x3A68] =	vst v0  }
0x399: {  	[tilespmem:$0x3A78] =	vst v0  }
0x39a: {  	[tilespmem:$0x3A88] =	vst v0  }
0x39b: {  	[tilespmem:$0x3A98] =	vst v0  }
0x39c: {  	[tilespmem:$0x3AA8] =	vst v0  }
0x39d: {  	[tilespmem:$0x3AB8] =	vst v0  }
0x39e: {  	[tilespmem:$0x3AC8] =	vst v0  }
0x39f: {  	[tilespmem:$0x3AD8] =	vst v0  }
0x3a0: {  	[tilespmem:$0x3AE8] =	vst v0  }
0x3a1: {  	[tilespmem:$0x3AF8] =	vst v0  }
0x3a2: {  	[tilespmem:$0x3B08] =	vst v0  }
0x3a3: {  	[tilespmem:$0x3B18] =	vst v0  }
0x3a4: {  	[tilespmem:$0x3B28] =	vst v0  }
0x3a5: {  	[tilespmem:$0x3B38] =	vst v0  }
0x3a6: {  	[tilespmem:$0x3B48] =	vst v0  }
0x3a7: {  	[tilespmem:$0x3B58] =	vst v0  }
0x3a8: {  	[tilespmem:$0x3B68] =	vst v0  }
0x3a9: {  	[tilespmem:$0x3B78] =	vst v0  }
0x3aa: {  	[tilespmem:$0x3B88] =	vst v0  }
0x3ab: {  	[tilespmem:$0x3B98] =	vst v0  }
0x3ac: {  	[tilespmem:$0x3BA8] =	vst v0  }
0x3ad: {  	[tilespmem:$0x3BB8] =	vst v0  }
0x3ae: {  	[tilespmem:$0x3BC8] =	vst v0  }
0x3af: {  	[tilespmem:$0x3BD8] =	vst v0  }
0x3b0: {  	[tilespmem:$0x3BE8] =	vst v0  }
0x3b1: {  	[tilespmem:$0x3BF8] =	vst v0  }
0x3b2: {  	[tilespmem:$0x3C08] =	vst v0  }
0x3b3: {  	[tilespmem:$0x3C18] =	vst v0  }
0x3b4: {  	[tilespmem:$0x3C28] =	vst v0  }
0x3b5: {  	[tilespmem:$0x3C38] =	vst v0  }
0x3b6: {  	[tilespmem:$0x3C48] =	vst v0  }
0x3b7: {  	[tilespmem:$0x3C58] =	vst v0  }
0x3b8: {  	[tilespmem:$0x3C68] =	vst v0  }
0x3b9: {  	[tilespmem:$0x3C78] =	vst v0  }
0x3ba: {  	[tilespmem:$0x3C88] =	vst v0  }
0x3bb: {  	[tilespmem:$0x3C98] =	vst v0  }
0x3bc: {  	[tilespmem:$0x3CA8] =	vst v0  }
0x3bd: {  	[tilespmem:$0x3CB8] =	vst v0  }
0x3be: {  	[tilespmem:$0x3CC8] =	vst v0  }
0x3bf: {  	[tilespmem:$0x3CD8] =	vst v0  }
0x3c0: {  	[tilespmem:$0x3CE8] =	vst v0  }
0x3c1: {  	[tilespmem:$0x3CF8] =	vst v0  }
0x3c2: {  	[tilespmem:$0x3D08] =	vst v0  }
0x3c3: {  	[tilespmem:$0x3D18] =	vst v0  }
0x3c4: {  	[tilespmem:$0x3D28] =	vst v0  }
0x3c5: {  	[tilespmem:$0x3D38] =	vst v0  }
0x3c6: {  	[tilespmem:$0x3D48] =	vst v0  }
0x3c7: {  	[tilespmem:$0x3D58] =	vst v0  }
0x3c8: {  	[tilespmem:$0x3D68] =	vst v0  }
0x3c9: {  	[tilespmem:$0x3D78] =	vst v0  }
0x3ca: {  	[tilespmem:$0x3D88] =	vst v0  }
0x3cb: {  	[tilespmem:$0x3D98] =	vst v0  }
0x3cc: {  	[tilespmem:$0x3DA8] =	vst v0  }
0x3cd: {  	[tilespmem:$0x3DB8] =	vst v0  }
0x3ce: {  	[tilespmem:$0x3DC8] =	vst v0  }
0x3cf: {  	[tilespmem:$0x3DD8] =	vst v0  }
0x3d0: {  	[tilespmem:$0x3DE8] =	vst v0  }
0x3d1: {  	[tilespmem:$0x3DF8] =	vst v0  }
0x3d2: {  	[tilespmem:$0x3E08] =	vst v0  }
0x3d3: {  	[tilespmem:$0x3E18] =	vst v0  }
0x3d4: {  	[tilespmem:$0x3E28] =	vst v0  }
0x3d5: {  	[tilespmem:$0x3E38] =	vst v0  }
0x3d6: {  	[tilespmem:$0x3E48] =	vst v0  }
0x3d7: {  	[tilespmem:$0x3E58] =	vst v0  }
0x3d8: {  	[tilespmem:$0x3E68] =	vst v0  }
0x3d9: {  	[tilespmem:$0x3E78] =	vst v0  }
0x3da: {  	[tilespmem:$0x3E88] =	vst v0  }
0x3db: {  	[tilespmem:$0x3E98] =	vst v0  }
0x3dc: {  	[tilespmem:$0x3EA8] =	vst v0  }
0x3dd: {  	[tilespmem:$0x3EB8] =	vst v0  }
0x3de: {  	[tilespmem:$0x3EC8] =	vst v0  }
0x3df: {  	[tilespmem:$0x3ED8] =	vst v0  }
0x3e0: {  	[tilespmem:$0x3EE8] =	vst v0  }
0x3e1: {  	[tilespmem:$0x3EF8] =	vst v0  }
0x3e2: {  	[tilespmem:$0x3F08] =	vst v0  }
0x3e3: {  	[tilespmem:$0x3F18] =	vst v0  }
0x3e4: {  	[tilespmem:$0x3F28] =	vst v0  }
0x3e5: {  	[tilespmem:$0x3F38] =	vst v0  }
0x3e6: {  	[tilespmem:$0x3F48] =	vst v0  }
0x3e7: {  	[tilespmem:$0x3F58] =	vst v0  }
0x3e8: {  	[tilespmem:$0x3F68] =	vst v0  }
0x3e9: {  	[tilespmem:$0x3F78] =	vst v0  }
0x3ea: {  	[tilespmem:$0x3F88] =	vst v0  }
0x3eb: {  	[tilespmem:$0x3F98] =	vst v0  }
0x3ec: {  	[tilespmem:$0x3FA8] =	vst v0  }
0x3ed: {  	[tilespmem:$0x3FB8] =	vst v0  }
0x3ee: {  	[tilespmem:$0x3FC8] =	vst v0  }
0x3ef: {  	[tilespmem:$0x3FD8] =	vst v0  }
0x3f0: {  	[tilespmem:$0x3FE8] =	vst v0  }
0x3f1: {  	[tilespmem:$0x3FF8] =	vst v0  }
0x3f2: {  	[tilespmem:$0x4008] =	vst v0  }
0x3f3: {  	[tilespmem:$0x4018] =	vst v0  }
0x3f4: {  	[tilespmem:$0x4028] =	vst v0  }
0x3f5: {  	[tilespmem:$0x4038] =	vst v0  }
0x3f6: {  	[tilespmem:$0x4048] =	vst v0  }
0x3f7: {  	[tilespmem:$0x4058] =	vst v0  }
0x3f8: {  	[tilespmem:$0x4068] =	vst v0  }
0x3f9: {  	[tilespmem:$0x4078] =	vst v0  }
0x3fa: {  	[tilespmem:$0x4088] =	vst v0  }
0x3fb: {  	[tilespmem:$0x4098] =	vst v0  }
0x3fc: {  	[tilespmem:$0x40A8] =	vst v0  }
0x3fd: {  	[tilespmem:$0x40B8] =	vst v0  }
0x3fe: {  	[tilespmem:$0x40C8] =	vst v0  }
0x3ff: {  	[tilespmem:$0x40D8] =	vst v0  }
0x400: {  	[tilespmem:$0x40E8] =	vst v0  }
0x401: {  	[tilespmem:$0x40F8] =	vst v0  }
0x402: {  	[tilespmem:$0x4108] =	vst v0  }
0x403: {  	[tilespmem:$0x4118] =	vst v0  }
0x404: {  	[tilespmem:$0x4128] =	vst v0  }
0x405: {  	[tilespmem:$0x4138] =	vst v0  }
0x406: {  	[tilespmem:$0x4148] =	vst v0  }
0x407: {  	[tilespmem:$0x4158] =	vst v0  }
0x408: {  	[tilespmem:$0x4168] =	vst v0  }
0x409: {  	[tilespmem:$0x4178] =	vst v0  }
0x40a: {  	[tilespmem:$0x4188] =	vst v0  }
0x40b: {  	[tilespmem:$0x4198] =	vst v0  }
0x40c: {  	[tilespmem:$0x41A8] =	vst v0  }
0x40d: {  	[tilespmem:$0x41B8] =	vst v0  }
0x40e: {  	[tilespmem:$0x41C8] =	vst v0  }
0x40f: {  	[tilespmem:$0x41D8] =	vst v0  }
0x410: {  	[tilespmem:$0x41E8] =	vst v0  }
0x411: {  	[tilespmem:$0x41F8] =	vst v0  }
0x412: {  	[tilespmem:$0x4208] =	vst v0  }
0x413: {  	[tilespmem:$0x4218] =	vst v0  }
0x414: {  	[tilespmem:$0x4228] =	vst v0  }
0x415: {  	[tilespmem:$0x4238] =	vst v0  }
0x416: {  	[tilespmem:$0x4248] =	vst v0  }
0x417: {  	[tilespmem:$0x4258] =	vst v0  }
0x418: {  	[tilespmem:$0x4268] =	vst v0  }
0x419: {  	[tilespmem:$0x4278] =	vst v0  }
0x41a: {  	[tilespmem:$0x4288] =	vst v0  }
0x41b: {  	[tilespmem:$0x4298] =	vst v0  }
0x41c: {  	[tilespmem:$0x42A8] =	vst v0  }
0x41d: {  	[tilespmem:$0x42B8] =	vst v0  }
0x41e: {  	[tilespmem:$0x42C8] =	vst v0  }
0x41f: {  	[tilespmem:$0x42D8] =	vst v0  }
0x420: {  	[tilespmem:$0x42E8] =	vst v0  }
0x421: {  	[tilespmem:$0x42F8] =	vst v0  }
0x422: {  	[tilespmem:$0x4308] =	vst v0  }
0x423: {  	[tilespmem:$0x4318] =	vst v0  }
0x424: {  	[tilespmem:$0x4328] =	vst v0  }
0x425: {  	[tilespmem:$0x4338] =	vst v0  }
0x426: {  	[tilespmem:$0x4348] =	vst v0  }
0x427: {  	[tilespmem:$0x4358] =	vst v0  }
0x428: {  	[tilespmem:$0x4368] =	vst v0  }
0x429: {  	[tilespmem:$0x4378] =	vst v0  }
0x42a: {  	[tilespmem:$0x4388] =	vst v0  }
0x42b: {  	[tilespmem:$0x4398] =	vst v0  }
0x42c: {  	[tilespmem:$0x43A8] =	vst v0  }
0x42d: {  	[tilespmem:$0x43C8] =	vst v0  }
0x42e: {  	[tilespmem:$0x4478] =	vst v0  }
0x42f: {  	[tilespmem:$0x52A8] =	vst v0  }
0x430: {  	[tilespmem:$0x5298] =	vst v0  }
0x431: {  	[tilespmem:$0x5288] =	vst v0  }
0x432: {  	[tilespmem:$0x5278] =	vst v0  }
0x433: {  	[tilespmem:$0x5268] =	vst v0  }
0x434: {  	[tilespmem:$0x5258] =	vst v0  }
0x435: {  	[tilespmem:$0x5248] =	vst v0  }
0x436: {  	[tilespmem:$0x5238] =	vst v0  }
0x437: {  	[tilespmem:$0x5228] =	vst v0  }
0x438: {  	[tilespmem:$0x5218] =	vst v0  }
0x439: {  	[tilespmem:$0x5208] =	vst v0  }
0x43a: {  	[tilespmem:$0x51F8] =	vst v0  }
0x43b: {  	[tilespmem:$0x51E8] =	vst v0  }
0x43c: {  	[tilespmem:$0x51D8] =	vst v0  }
0x43d: {  	[tilespmem:$0x51C8] =	vst v0  }
0x43e: {  	[tilespmem:$0x51B8] =	vst v0  }
0x43f: {  	[tilespmem:$0x51A8] =	vst v0  }
0x440: {  	[tilespmem:$0x5198] =	vst v0  }
0x441: {  	[tilespmem:$0x5188] =	vst v0  }
0x442: {  	[tilespmem:$0x5178] =	vst v0  }
0x443: {  	[tilespmem:$0x5168] =	vst v0  }
0x444: {  	[tilespmem:$0x5158] =	vst v0  }
0x445: {  	[tilespmem:$0x5148] =	vst v0  }
0x446: {  	[tilespmem:$0x5138] =	vst v0  }
0x447: {  	[tilespmem:$0x5128] =	vst v0  }
0x448: {  	[tilespmem:$0x5118] =	vst v0  }
0x449: {  	[tilespmem:$0x5108] =	vst v0  }
0x44a: {  	[tilespmem:$0x50F8] =	vst v0  }
0x44b: {  	[tilespmem:$0x50E8] =	vst v0  }
0x44c: {  	[tilespmem:$0x50D8] =	vst v0  }
0x44d: {  	[tilespmem:$0x50C8] =	vst v0  }
0x44e: {  	[tilespmem:$0x50B8] =	vst v0  }
0x44f: {  	[tilespmem:$0x50A8] =	vst v0  }
0x450: {  	[tilespmem:$0x5098] =	vst v0  }
0x451: {  	[tilespmem:$0x5088] =	vst v0  }
0x452: {  	[tilespmem:$0x5078] =	vst v0  }
0x453: {  	[tilespmem:$0x5068] =	vst v0  }
0x454: {  	[tilespmem:$0x5058] =	vst v0  }
0x455: {  	[tilespmem:$0x5048] =	vst v0  }
0x456: {  	[tilespmem:$0x5038] =	vst v0  }
0x457: {  	[tilespmem:$0x5028] =	vst v0  }
0x458: {  	[tilespmem:$0x5018] =	vst v0  }
0x459: {  	[tilespmem:$0x5008] =	vst v0  }
0x45a: {  	[tilespmem:$0x4FF8] =	vst v0  }
0x45b: {  	[tilespmem:$0x4FE8] =	vst v0  }
0x45c: {  	[tilespmem:$0x4FD8] =	vst v0  }
0x45d: {  	[tilespmem:$0x4FC8] =	vst v0  }
0x45e: {  	[tilespmem:$0x4FB8] =	vst v0  }
0x45f: {  	[tilespmem:$0x4FA8] =	vst v0  }
0x460: {  	[tilespmem:$0x4F98] =	vst v0  }
0x461: {  	[tilespmem:$0x4F88] =	vst v0  }
0x462: {  	[tilespmem:$0x4F78] =	vst v0  }
0x463: {  	[tilespmem:$0x4F68] =	vst v0  }
0x464: {  	[tilespmem:$0x4F58] =	vst v0  }
0x465: {  	[tilespmem:$0x4F48] =	vst v0  }
0x466: {  	[tilespmem:$0x4F38] =	vst v0  }
0x467: {  	[tilespmem:$0x4F28] =	vst v0  }
0x468: {  	[tilespmem:$0x4F18] =	vst v0  }
0x469: {  	[tilespmem:$0x4F08] =	vst v0  }
0x46a: {  	[tilespmem:$0x4EF8] =	vst v0  }
0x46b: {  	[tilespmem:$0x4EE8] =	vst v0  }
0x46c: {  	[tilespmem:$0x4ED8] =	vst v0  }
0x46d: {  	[tilespmem:$0x4EC8] =	vst v0  }
0x46e: {  	[tilespmem:$0x4EB8] =	vst v0  }
0x46f: {  	[tilespmem:$0x4EA8] =	vst v0  }
0x470: {  	[tilespmem:$0x4E98] =	vst v0  }
0x471: {  	[tilespmem:$0x4E88] =	vst v0  }
0x472: {  	[tilespmem:$0x4E78] =	vst v0  }
0x473: {  	[tilespmem:$0x4E68] =	vst v0  }
0x474: {  	[tilespmem:$0x4E58] =	vst v0  }
0x475: {  	[tilespmem:$0x4E48] =	vst v0  }
0x476: {  	[tilespmem:$0x4E38] =	vst v0  }
0x477: {  	[tilespmem:$0x4E28] =	vst v0  }
0x478: {  	[tilespmem:$0x4E18] =	vst v0  }
0x479: {  	[tilespmem:$0x4E08] =	vst v0  }
0x47a: {  	[tilespmem:$0x4DF8] =	vst v0  }
0x47b: {  	[tilespmem:$0x4DE8] =	vst v0  }
0x47c: {  	[tilespmem:$0x4DD8] =	vst v0  }
0x47d: {  	[tilespmem:$0x4DC8] =	vst v0  }
0x47e: {  	[tilespmem:$0x4DB8] =	vst v0  }
0x47f: {  	[tilespmem:$0x4DA8] =	vst v0  }
0x480: {  	[tilespmem:$0x4D98] =	vst v0  }
0x481: {  	[tilespmem:$0x4D88] =	vst v0  }
0x482: {  	[tilespmem:$0x4D78] =	vst v0  }
0x483: {  	[tilespmem:$0x4D68] =	vst v0  }
0x484: {  	[tilespmem:$0x4D58] =	vst v0  }
0x485: {  	[tilespmem:$0x4D48] =	vst v0  }
0x486: {  	[tilespmem:$0x4D38] =	vst v0  }
0x487: {  	[tilespmem:$0x4D28] =	vst v0  }
0x488: {  	[tilespmem:$0x4D18] =	vst v0  }
0x489: {  	[tilespmem:$0x4D08] =	vst v0  }
0x48a: {  	[tilespmem:$0x4CF8] =	vst v0  }
0x48b: {  	[tilespmem:$0x4CE8] =	vst v0  }
0x48c: {  	[tilespmem:$0x4CD8] =	vst v0  }
0x48d: {  	[tilespmem:$0x4CC8] =	vst v0  }
0x48e: {  	[tilespmem:$0x4CB8] =	vst v0  }
0x48f: {  	[tilespmem:$0x4CA8] =	vst v0  }
0x490: {  	[tilespmem:$0x4C98] =	vst v0  }
0x491: {  	[tilespmem:$0x4C88] =	vst v0  }
0x492: {  	[tilespmem:$0x4C78] =	vst v0  }
0x493: {  	[tilespmem:$0x4C68] =	vst v0  }
0x494: {  	[tilespmem:$0x4C58] =	vst v0  }
0x495: {  	[tilespmem:$0x4C48] =	vst v0  }
0x496: {  	[tilespmem:$0x4C38] =	vst v0  }
0x497: {  	[tilespmem:$0x4C28] =	vst v0  }
0x498: {  	[tilespmem:$0x4C18] =	vst v0  }
0x499: {  	[tilespmem:$0x4C08] =	vst v0  }
0x49a: {  	[tilespmem:$0x4BF8] =	vst v0  }
0x49b: {  	[tilespmem:$0x4BE8] =	vst v0  }
0x49c: {  	[tilespmem:$0x4BD8] =	vst v0  }
0x49d: {  	[tilespmem:$0x4BC8] =	vst v0  }
0x49e: {  	[tilespmem:$0x4BB8] =	vst v0  }
0x49f: {  	[tilespmem:$0x4BA8] =	vst v0  }
0x4a0: {  	[tilespmem:$0x4B98] =	vst v0  }
0x4a1: {  	[tilespmem:$0x4B88] =	vst v0  }
0x4a2: {  	[tilespmem:$0x4B78] =	vst v0  }
0x4a3: {  	[tilespmem:$0x4B68] =	vst v0  }
0x4a4: {  	[tilespmem:$0x4B58] =	vst v0  }
0x4a5: {  	[tilespmem:$0x4B48] =	vst v0  }
0x4a6: {  	[tilespmem:$0x4B38] =	vst v0  }
0x4a7: {  	[tilespmem:$0x4B28] =	vst v0  }
0x4a8: {  	[tilespmem:$0x4B18] =	vst v0  }
0x4a9: {  	[tilespmem:$0x4B08] =	vst v0  }
0x4aa: {  	[tilespmem:$0x4AF8] =	vst v0  }
0x4ab: {  	[tilespmem:$0x4AE8] =	vst v0  }
0x4ac: {  	[tilespmem:$0x4AD8] =	vst v0  }
0x4ad: {  	[tilespmem:$0x4AC8] =	vst v0  }
0x4ae: {  	[tilespmem:$0x4AB8] =	vst v0  }
0x4af: {  	[tilespmem:$0x4AA8] =	vst v0  }
0x4b0: {  	[tilespmem:$0x4A98] =	vst v0  }
0x4b1: {  	[tilespmem:$0x4A88] =	vst v0  }
0x4b2: {  	[tilespmem:$0x4A78] =	vst v0  }
0x4b3: {  	[tilespmem:$0x4A68] =	vst v0  }
0x4b4: {  	[tilespmem:$0x4A58] =	vst v0  }
0x4b5: {  	[tilespmem:$0x4A48] =	vst v0  }
0x4b6: {  	[tilespmem:$0x4A38] =	vst v0  }
0x4b7: {  	[tilespmem:$0x4A28] =	vst v0  }
0x4b8: {  	[tilespmem:$0x4A18] =	vst v0  }
0x4b9: {  	[tilespmem:$0x4A08] =	vst v0  }
0x4ba: {  	[tilespmem:$0x49F8] =	vst v0  }
0x4bb: {  	[tilespmem:$0x49E8] =	vst v0  }
0x4bc: {  	[tilespmem:$0x49D8] =	vst v0  }
0x4bd: {  	[tilespmem:$0x49C8] =	vst v0  }
0x4be: {  	[tilespmem:$0x49B8] =	vst v0  }
0x4bf: {  	[tilespmem:$0x49A8] =	vst v0  }
0x4c0: {  	[tilespmem:$0x4998] =	vst v0  }
0x4c1: {  	[tilespmem:$0x4988] =	vst v0  }
0x4c2: {  	[tilespmem:$0x4978] =	vst v0  }
0x4c3: {  	[tilespmem:$0x4968] =	vst v0  }
0x4c4: {  	[tilespmem:$0x4958] =	vst v0  }
0x4c5: {  	[tilespmem:$0x4948] =	vst v0  }
0x4c6: {  	[tilespmem:$0x4938] =	vst v0  }
0x4c7: {  	[tilespmem:$0x4928] =	vst v0  }
0x4c8: {  	[tilespmem:$0x4918] =	vst v0  }
0x4c9: {  	[tilespmem:$0x4908] =	vst v0  }
0x4ca: {  	[tilespmem:$0x48F8] =	vst v0  }
0x4cb: {  	[tilespmem:$0x48E8] =	vst v0  }
0x4cc: {  	[tilespmem:$0x48D8] =	vst v0  }
0x4cd: {  	[tilespmem:$0x48C8] =	vst v0  }
0x4ce: {  	[tilespmem:$0x48B8] =	vst v0  }
0x4cf: {  	[tilespmem:$0x48A8] =	vst v0  }
0x4d0: {  	[tilespmem:$0x4898] =	vst v0  }
0x4d1: {  	[tilespmem:$0x4888] =	vst v0  }
0x4d2: {  	[tilespmem:$0x4878] =	vst v0  }
0x4d3: {  	[tilespmem:$0x4868] =	vst v0  }
0x4d4: {  	[tilespmem:$0x4858] =	vst v0  }
0x4d5: {  	[tilespmem:$0x4848] =	vst v0  }
0x4d6: {  	[tilespmem:$0x4838] =	vst v0  }
0x4d7: {  	[tilespmem:$0x4828] =	vst v0  }
0x4d8: {  	[tilespmem:$0x4818] =	vst v0  }
0x4d9: {  	[tilespmem:$0x4808] =	vst v0  }
0x4da: {  	[tilespmem:$0x47F8] =	vst v0  }
0x4db: {  	[tilespmem:$0x47E8] =	vst v0  }
0x4dc: {  	[tilespmem:$0x47D8] =	vst v0  }
0x4dd: {  	[tilespmem:$0x47C8] =	vst v0  }
0x4de: {  	[tilespmem:$0x47B8] =	vst v0  }
0x4df: {  	[tilespmem:$0x47A8] =	vst v0  }
0x4e0: {  	[tilespmem:$0x4798] =	vst v0  }
0x4e1: {  	[tilespmem:$0x4788] =	vst v0  }
0x4e2: {  	[tilespmem:$0x4778] =	vst v0  }
0x4e3: {  	[tilespmem:$0x4768] =	vst v0  }
0x4e4: {  	[tilespmem:$0x4758] =	vst v0  }
0x4e5: {  	[tilespmem:$0x4748] =	vst v0  }
0x4e6: {  	[tilespmem:$0x4738] =	vst v0  }
0x4e7: {  	[tilespmem:$0x4728] =	vst v0  }
0x4e8: {  	[tilespmem:$0x4718] =	vst v0  }
0x4e9: {  	[tilespmem:$0x4708] =	vst v0  }
0x4ea: {  	[tilespmem:$0x46F8] =	vst v0  }
0x4eb: {  	[tilespmem:$0x46E8] =	vst v0  }
0x4ec: {  	[tilespmem:$0x46D8] =	vst v0  }
0x4ed: {  	[tilespmem:$0x46C8] =	vst v0  }
0x4ee: {  	[tilespmem:$0x46B8] =	vst v0  }
0x4ef: {  	[tilespmem:$0x46A8] =	vst v0  }
0x4f0: {  	[tilespmem:$0x4698] =	vst v0  }
0x4f1: {  	[tilespmem:$0x4688] =	vst v0  }
0x4f2: {  	[tilespmem:$0x4678] =	vst v0  }
0x4f3: {  	[tilespmem:$0x4668] =	vst v0  }
0x4f4: {  	[tilespmem:$0x4658] =	vst v0  }
0x4f5: {  	[tilespmem:$0x4648] =	vst v0  }
0x4f6: {  	[tilespmem:$0x4638] =	vst v0  }
0x4f7: {  	[tilespmem:$0x4628] =	vst v0  }
0x4f8: {  	[tilespmem:$0x4618] =	vst v0  }
0x4f9: {  	[tilespmem:$0x4608] =	vst v0  }
0x4fa: {  	[tilespmem:$0x45F8] =	vst v0  }
0x4fb: {  	[tilespmem:$0x45E8] =	vst v0  }
0x4fc: {  	[tilespmem:$0x45D8] =	vst v0  }
0x4fd: {  	[tilespmem:$0x45C8] =	vst v0  }
0x4fe: {  	[tilespmem:$0x45B8] =	vst v0  }
0x4ff: {  	[tilespmem:$0x45A8] =	vst v0  }
0x500: {  	[tilespmem:$0x4598] =	vst v0  }
0x501: {  	[tilespmem:$0x4588] =	vst v0  }
0x502: {  	[tilespmem:$0x4578] =	vst v0  }
0x503: {  	[tilespmem:$0x4568] =	vst v0  }
0x504: {  	[tilespmem:$0x4558] =	vst v0  }
0x505: {  	[tilespmem:$0x4548] =	vst v0  }
0x506: {  	[tilespmem:$0x4538] =	vst v0  }
0x507: {  	[tilespmem:$0x4528] =	vst v0  }
0x508: {  	[tilespmem:$0x4518] =	vst v0  }
0x509: {  	[tilespmem:$0x4508] =	vst v0  }
0x50a: {  	[tilespmem:$0x44F8] =	vst v0  }
0x50b: {  	[tilespmem:$0x44E8] =	vst v0  }
0x50c: {  	[tilespmem:$0x44D8] =	vst v0  }
0x50d: {  	[tilespmem:$0x44C8] =	vst v0  }
0x50e: {  	[tilespmem:$0x44B8] =	vst v0  }
0x50f: {  	s10 =	stileid.u32;
	[tilespmem:$0x44A8] =	vst v0  }
0x510: {  	s26 =	smul.u32 $0x22, s10;
	[tilespmem:$0x4498] =	vst v0  }
0x511: {  	s1 =	smin.u32 s10, $0xC;
	[tilespmem:$0x4488] =	vst v0  }
0x512: {  	[tilespmem:$0x4458] =	vst v0;
	s0 =	sadd.s32 s1, s26  }
0x513: {  	p0 =	slt.u32 s10, $0xC;
	[tilespmem:$0x4468] =	vst v0;
	s1 =	simm.s32 $0x13B0;
	s8 =	smul.u32 $0x90, s0  }
0x514: {  	[tilespmem:$0x4448] =	vst v0;
	s1 =	simm.s32 @!p0 $0x1320  }
0x515: {  	s5 =	simm.s32 $0x2;
	[tilespmem:$0x43D8] =	vst v0;
	s0 =	sadd.s32 s1, s8  }
0x516: {  	s7 =	simm.s32 $0x9;
	s29 =	simm.s32 $0xA;
	[tilespmem:$0x4438] =	vst v0;
	s9 =	smin.u32 s0, $0x13880  }
0x517: {  	s30 =	simm.s32 $0xB;
	s24 =	simm.s32 $0x0;
	[tilespmem:$0x4428] =	vst v0;
	s0 =	ssub.s32 s9, s8  }
0x518: {  	p1 =	por $0x0, $0x0;
	s18 =	simm.s32 $0x80;
	[tilespmem:$0x4418] =	vst v0;
	p0 =	sgt.s32 s0, $0x0  }
0x519: {  	s19 =	simm.s32 $0x400;
	s20 =	simm.s32 $0xC;
	[tilespmem:$0x4408] =	vst v0;
	s0 =	simm.s32 @!p0 $0x0  }
0x51a: {  	s21 =	simm.s32 $0x0;
	s2 =	sand.u32 $0x1, s2;
	[tilespmem:$0x43F8] =	vst v0;
	s28 =	smulhi.u32 $0x38E38E39, s0  }
0x51b: {  	s23 =	simm.s32 $0x0;
	s31 =	smul.u32 $0x480, s10;
	[dreg:$0x4] =	wrdreg s2;
	[tilespmem:$0x43E8] =	vst v0  }
0x51c: {  	[tilespmem:$0x43B8] =	vst v0;
	s2 =	smul.u32 $0x2710, s2;
	[sflag:s5] =	ssyncpa.u1 $0x0;
	v0 =	vimm.s32 $0xFFFFFFFF;
	s1 =	sshrl.u32 s28, $0x5  }
0x51d: {  	s5 =	sadd.s32 $0xDE00, s4;
	[tilespmem:$0xA448] =	vst v0;
	[sflag:s7] =	ssyncpa.u1 $0x0;
	s6 =	smul.u32 $0x90, s1  }
.Ltmp0:
0x51e: {  	s16 =	sshrl.u32 s31, $0x2;
	s2 =	sadd.s32 s2, s4;
	(pc) =	sbr.rel .LBB2_1-.Ltmp0, $4  }
0x51f: {  	[sflag:s29] =	ssyncpa.u1 $0x0;
	p0 =	sne.s32 s0, s6;
	s0 =	simm.s32 $0x1  }
0x520: {  	s4 =	sadd.s32 $0x7E8400, s4;
	[sflag:s30] =	ssyncpa.u1 $0x0;
	s0 =	simm.s32 @!p0 $0x0  }
0x521: {  	s12 =	sadd.s32 $0x8E00, s2;
	s17 =	sadd.s32 $0x3E00, s2;
	s13 =	sadd.s32 s0, s1  }
0x522: {  	v0 =	vlaneseq.u32;
	s22 =	smov.u32 s8;
	p0 =	por $0x1, $0x1;
	s15 =	sadd.s32 $0x1, s13  }
.LBB2_22:
0x523: {  	s1 =	sshrl.u32 s1, $0x2  }
.LBB2_24:
0x524: {  	_ =	swait.ge [sflag:s20], s1  }
0x525: {  	s31 =	ssub.s32 $0x0, s1;
	v1 =	vmov s26;
	vm0 =	veq.s32 v0, $0x0;
	[sflag:s20] =	ssyncset.done $0x0  }
0x526: {  	vm15 =	veq.s32 v0, $0x2;
	v1 =	vsel vm0, s0, v1;
	[sflag:s20] =	ssyncadd.s32 s31  }
0x527: {  	v1 =	vsel vm15, s24, v1;
	[sflag:s20] =	ssyncpa.u1 $0x1  }
0x528: {  	[tilespmem:$0xA448] =	vst v1  }
.LBB2_25:
0x529: {  	s0 =	sadd.s32 $0x90, s22  }
0x52a: {  	s1 =	smov.u32 s8;
	p2 =	slt.s32 s0, s9  }
0x52b: {  	s1 =	smov.u32 @p2 s0;
	p2 =	sne.s32 s23, s15  }
.Ltmp1:
0x52c: {  	_ = 	snop;
	(pc) =	sbr.rel @!p2 .LBB2_26-.Ltmp1, $4  }
0x52d: {  	_ = 	snop  }
0x52e: {  	s24 =	smov.u32 s21  }
0x52f: {  	s31 =	sadd.s32 $0x1, s23;
	s21 =	smov.u32 s22;
	p0 =	por !p0, !p0  }
0x530: {  	p1 =	por !p1, !p1;
	s23 =	smov.u32 s31;
	s22 =	smov.u32 s1  }
.LBB2_1:
0x531: {  	p2 =	sge.u32 s23, s13  }
0x532: {  	s0 =	smulhi.u32 @!p2 $0xAAAAAAAB, s23  }
0x533: {  	s1 =	smov.u32 s22;
	p3 =	sgt.s32 @!p2 s22, $0x137F0  }
0x534: {  	s2 =	sshra.s32 @!p2 s22, $0x1F;
	p3 =	por !p3, p2;
	s0 =	sshrl.u32 @!p2 s0, $0x1  }
0x535: {  	s2 =	sand.u32 @!p2 s2, s22;
	s1 =	simm.s32 @p3 $0x137F0;
	s0 =	smul.u32 @!p2 $0x3, s0  }
0x536: {  	s1 =	ssub.s32 @!p2 s1, s2  }
0x537: {  	s1 =	sadd.s32 @!p2 $0xFFFEC810, s1;
	s0 =	ssub.s32 @!p2 s23, s0  }
0x538: {  	s2 =	sshll.u32 @!p2 s1, $0x2;
	p3 =	sgt.s32 @!p2 s1, $0x8F;
	s0 =	smul.u32 @!p2 $0x240, s0  }
0x539: {  	s6 =	sand.u32 @!p2 $0x7, s22;
	s1 =	ssub.s32 @!p2 $0x240, s2;
	p3 =	por !p3, p2  }
0x53a: {  	s2 =	sshrl.u32 @!p2 s22, $0x3;
	s1 =	sshrl.u32 @!p2 s1, $0x2;
	s0 =	sshrl.u32 @!p2 s0, $0x2  }
0x53b: {  	s2 =	sadd.s32 @!p2 s2, s12;
	s1 =	simm.s32 @!p3 $0x0;
	s0 =	sadd.s32 @!p2 $0xB688, s0  }
0x53c: {  	[tilespmem:s0], [sflag:$0xA] =	stream.linear.gather @!p2 [hbm4b:s2+s6], s1, $0x38;
	[tilespmem:$0x1D958] =	vst v63  }
0x53d: {  	s1 =	sadd.s32 $0xFFFFFFFF, s23  }
0x53e: {  	p2 =	sge.u32 s1, s13  }
0x53f: {  	p3 =	sgt.s32 @!p2 s21, $0x137F0  }
0x540: {  	s0 =	smov.u32 s21;
	s2 =	sshra.s32 @!p2 s21, $0x1F;
	p3 =	por !p3, p2  }
0x541: {  	s2 =	sand.u32 @!p2 s2, s21;
	s0 =	simm.s32 @p3 $0x137F0  }
0x542: {  	s0 =	ssub.s32 @!p2 s0, s2  }
0x543: {  	s0 =	sadd.s32 @!p2 $0xFFFEC810, s0  }
0x544: {  	s2 =	sshll.u32 @!p2 s0, $0x2  }
0x545: {  	p3 =	sgt.s32 @!p2 s0, $0x8F;
	s0 =	ssub.s32 @!p2 $0x240, s2  }
0x546: {  	p3 =	por !p3, p2;
	s0 =	sshrl.u32 @!p2 s0, $0x2  }
0x547: {  	s6 =	simm.s32 @!p2 $0xA;
	s2 =	sand.u32 @!p2 $0x1, s1;
	s0 =	simm.s32 @!p3 $0x0  }
0x548: {  	s2 =	smul.u32 @!p2 $0x240, s2;
	_ =	swait.ge @!p2 [sflag:s6], s0  }
0x549: {  	s7 =	ssub.s32 @!p2 $0x0, s0;
	[sflag:s6] =	ssyncset.done @!p2 $0x0  }
0x54a: {  	s2 =	sshrl.u32 @!p2 s2, $0x2;
	[sflag:s6] =	ssyncadd.s32 @!p2 s7;
	s6 =	sshrl.u32 @!p2 s21, $0x3  }
0x54b: {  	s2 =	sadd.s32 @!p2 $0xB838, s2;
	s7 =	sand.u32 @!p2 $0x7, s21;
	s6 =	sadd.s32 @!p2 s6, s17  }
0x54c: {  	[tilespmem:s2], [sflag:$0xB] =	stream.linear.gather @!p2 [hbm4b:s6+s7], s0, $0x38;
	[tilespmem:$0x1D958] =	vst v63  }
0x54d: {  	s0 =	ssub.s32 @!p2 $0x13880, s21  }
0x54e: {  	p3 =	slt.s32 @!p2 s0, $0x1  }
0x54f: {  	p3 =	por p2, p3  }
.Ltmp2:
0x550: {  	_ = 	snop;
	(pc) =	sbr.rel @p3 .LBB2_7-.Ltmp2, $1  }
0x551: {  	_ =	sdelay $0x3  }
0x552: {  	s2 =	smulhi.u32 $0xAAAAAAAB, s1;
	_ =	sdelay $0x1  }
0x553: {  	s2 =	sshrl.u32 s2, $0x1  }
0x554: {  	s2 =	smul.u32 $0x3, s2;
	_ =	sdelay $0x1  }
0x555: {  	s29 =	ssub.s32 s1, s2  }
0x556: {  	s6 =	simm.s32 $0x1;
	s1 =	smul.u32 $0x240, s29  }
.Ltmp3:
0x557: {  	s6 =	simm.s32 @!p0 $0x0;
	(pc) =	sbr.rel .LBB2_4-.Ltmp3, $4  }
0x558: {  	s30 =	smul.u32 $0x24000, s6  }
0x559: {  	p3 =	slt.s32 @!p2 s0, $0x90;
	s1 =	sshrl.u32 s1, $0x2  }
0x55a: {  	p2 =	por !p3, p2;
	s2 =	sshrl.u32 s30, $0x2;
	s31 =	sadd.s32 $0xB688, s1  }
0x55b: {  	s0 =	simm.s32 @p2 $0x90;
	s1 =	sadd.s32 $0xB958, s2;
	s2 =	simm.s32 $0x0;
	v1 =	vmov s31  }
.LBB2_3:
0x55c: {  	p2 =	sge.s32 s2, s0  }
.Ltmp4:
0x55d: {  	_ = 	snop;
	(pc) =	sbr.rel @p2 .LBB2_7-.Ltmp4, $2  }
0x55e: {  	_ =	sdelay $0x2  }
0x55f: {  	s1 =	sadd.s32 $0x1000, s1  }
.LBB2_4:
0x560: {  	p2 =	sle.s32 s0, s2  }
.Ltmp5:
0x561: {  	_ = 	snop;
	(pc) =	sbr.rel @p2 .LBB2_3-.Ltmp5, $2  }
0x562: {  	_ =	sdelay $0x2  }
0x563: {  	s7 =	smov.u32 s2;
	s2 =	sadd.s32 $0x10, s2  }
0x564: {  	s6 =	ssub.s32 s0, s7  }
0x565: {  	p2 =	slt.s32 s6, $0x10  }
0x566: {  	s6 =	simm.s32 @!p2 $0x10  }
0x567: {  	v2 =	vmov s6  }
0x568: {  	vm0 =	vgt.s32 v2, v0;
	_ =	sdelay $0x5  }
0x569: {  	v2 =	vld.idx.msk [tilespmem:v1+s7+$0x0 ss:$0x1], vm0;
	_ =	sdelay $0x2  }
0x56a: {  	p2 =	slt.s32 s2, s0;
	s6 =	smov.u32 s0  }
0x56b: {  	s10 =	smov.u32 s1;
	s25 =	simm.s32 $0x0;
	s6 =	smov.u32 @p2 s2  }
.LBB2_6:
0x56c: {  	(v2sf) =	vpush v2, s25;
	_ =	sdelay $0xe  }
0x56d: {  	s25 =	sadd.s32 $0x1, s25;
	s11 =	spop (v2sf)  }
0x56e: {  	s31 =	sadd.s32 s25, s7;
	s26 =	sshll.u32 s11, $0x8;
	s11 =	sshll.u32 s11, $0x7  }
0x56f: {  	p2 =	slt.s32 s31, s6;
	s26 =	sand.u32 $0xFFFFF800, s26;
	s11 =	sand.u32 $0x380, s11  }
.Ltmp6:
0x570: {  	s11 =	sor.u32 s11, s26;
	(pc) =	sbr.rel @p2 .LBB2_6-.Ltmp6, $4  }
0x571: {  	s11 =	sshrl.u32 s11, $0x3  }
0x572: {  	s11 =	sadd.s32 s4, s11  }
0x573: {  	[tilespmem:s10], [sflag:$0x9] =	stream.strided.gather [hbm4b:s11+s18], $0x100, s19, s18, $0x38;
	[tilespmem:$0x1D958] =	vst v63  }
0x574: {  	s10 =	sadd.s32 $0x100, s10  }
.Ltmp7:
0x575: {  	_ = 	snop;
	(pc) =	sbr.rel .LBB2_3-.Ltmp7, $1  }
0x576: {  	_ =	sdelay $0x3  }
.LBB2_7:
0x577: {  	p2 =	slt.u32 s23, $0x2  }
.Ltmp8:
0x578: {  	_ = 	snop;
	(pc) =	sbr.rel @p2 .LBB2_25-.Ltmp8, $1  }
0x579: {  	_ =	sdelay $0x3  }
0x57a: {  	p2 =	sgt.s32 s24, $0x137F0  }
0x57b: {  	s0 =	smov.u32 s24;
	s1 =	sshra.s32 s24, $0x1F;
	s2 =	ssub.s32 $0x13880, s24  }
0x57c: {  	s0 =	simm.s32 @!p2 $0x137F0;
	s1 =	sand.u32 s1, s24;
	p2 =	slt.s32 s2, $0x90  }
0x57d: {  	s0 =	ssub.s32 s0, s1;
	s2 =	simm.s32 @!p2 $0x90  }
0x57e: {  	s0 =	sadd.s32 $0xFFFEC810, s0;
	s14 =	sshll.u32 s2, $0x8  }
0x57f: {  	s29 =	simm.s32 $0x9;
	s25 =	sshll.u32 s0, $0x2;
	s1 =	sand.u32 $0x3FFFFF00, s14  }
0x580: {  	p2 =	sgt.s32 s0, $0x8F;
	s26 =	ssub.s32 $0x240, s25;
	_ =	swait.ge [sflag:s29], s1  }
0x581: {  	s1 =	ssub.s32 $0x0, s1;
	[sflag:s29] =	ssyncset.done $0x0;
	s0 =	sshrl.u32 s26, $0x2  }
0x582: {  	s30 =	simm.s32 $0xB;
	[sflag:s29] =	ssyncadd.s32 s1;
	s0 =	simm.s32 @p2 $0x0  }
0x583: {  	_ =	swait.ge [sflag:s30], s0  }
0x584: {  	s0 =	ssub.s32 $0x0, s0;
	[sflag:s30] =	ssyncset.done $0x0  }
0x585: {  	[sflag:s30] =	ssyncadd.s32 s0  }
0x586: {  	v1 =	vld [tilespmem:$0xA448];
	_ =	sdelay $0x4  }
0x587: {  	(v2sf) =	vpush v1, $0x0  }
0x588: {  	(v2sf) =	vpush v1, $0x1  }
0x589: {  	(v2sf) =	vpush v1, $0x2;
	_ =	sdelay $0x3  }
0x58a: {  	s0 =	sadd.s32 $0x90, s24  }
0x58b: {  	s6 =	ssub.s32 $0x27100, s24;
	p2 =	slt.s32 s9, s0  }
0x58c: {  	s0 =	smov.u32 @p2 s9;
	p2 =	sgt.s32 s6, $0x0  }
0x58d: {  	s0 =	ssub.s32 s0, s24;
	s6 =	simm.s32 @!p2 $0x0  }
0x58e: {  	p2 =	slt.s32 s6, s0  }
0x58f: {  	s0 =	smov.u32 @p2 s6  }
0x590: {  	s1 =	simm.s32 $0x1;
	p2 =	slt.s32 s0, $0x1  }
.Ltmp9:
0x591: {  	s1 =	simm.s32 @!p1 $0x0;
	(pc) =	sbr.rel @p2 .LBB2_12-.Ltmp9, $4  }
0x592: {  	s7 =	smul.u32 $0x240, s1  }
0x593: {  	s2 =	spop (v2sf)  }
0x594: {  	s31 =	sshrl.u32 s7, $0x2;
	s28 =	spop (v2sf)  }
0x595: {  	s25 =	sadd.s32 $0xB838, s31;
	s24 =	spop (v2sf)  }
0x596: {  	s6 =	smin.u32 s0, $0x10  }
0x597: {  	v1 =	vmov s6  }
0x598: {  	vm1 =	vgt.u32 v1, v0  }
0x599: {  	p3 =	sgt.s32 s0, $0x10  }
.Ltmp10:
0x59a: {  	_ = 	snop;
	(pc) =	sbr.rel @!p3 .LBB2_11-.Ltmp10, $2  }
0x59b: {  	_ =	sdelay $0x2  }
0x59c: {  	s26 =	simm.s32 $0x10;
	s29 =	sadd.s32 $0xFFFFFFF0, s0;
	s7 =	smov.u32 s25;
	vm0 =	vmmov vm1;
	v1 =	vld.msk [tilespmem:s25+$0x0 ss:$0x1], vm1  }
.LBB2_10:
0x59d: {  	s6 =	smin.u32 s29, $0x10;
	s26 =	sadd.s32 $0x10, s26  }
0x59e: {  	v2 =	vmov s6;
	p3 =	slt.s32 s26, s0  }
0x59f: {  	vm1 =	vgt.u32 v2, v0;
	_ =	sdelay $0x1  }
0x5a0: {  	v2 =	vshll.u32 v1, $0x5;
	v1 =	vshll.u32 v1, $0x4  }
.Ltmp11:
0x5a1: {  	v2 =	vand.u32 $0xFFFFFF00, v2;
	v1 =	vand.u32 $0x70, v1;
	(pc) =	sbr.rel @p3 .LBB2_10-.Ltmp11, $4  }
0x5a2: {  	v1 =	vor.u32 v1, v2  }
0x5a3: {  	[tilespmem:s7+$0x0] =	vst.msk vm0, v1;
	s7 =	sadd.s32 $0x10, s7;
	vm0 =	vmmov vm1  }
0x5a4: {  	v1 =	vld.msk [tilespmem:s7+$0x0 ss:$0x1], vm1  }
0x5a5: {  	s29 =	sadd.s32 $0xFFFFFFF0, s29  }
.LBB2_11:
0x5a6: {  	_ =	sdelay $0x3  }
0x5a7: {  	v2 =	vshll.u32 v1, $0x5;
	v1 =	vshll.u32 v1, $0x4  }
0x5a8: {  	v2 =	vand.u32 $0xFFFFFF00, v2;
	v1 =	vand.u32 $0x70, v1  }
0x5a9: {  	v1 =	vor.u32 v1, v2  }
0x5aa: {  	[tilespmem:s7+$0x0] =	vst.msk vm0, v1  }
.LBB2_12:
0x5ab: {  	s6 =	sand.u32 $0x1, s23  }
0x5ac: {  	s6 =	smul.u32 $0x90, s6  }
0x5ad: {  	p3 =	sne.s32 s28, $0xFFFFFFFF  }
0x5ae: {  	v1 =	vld.msk @!p3 [tilespmem:s6+$0xB838], $0x1;
	_ =	sdelay $0x4  }
0x5af: {  	(v2sf) =	vpush @!p3 v1, $0x0;
	_ =	sdelay $0xc  }
.Ltmp12:
0x5b0: {  	_ = 	snop;
	(pc) =	sbr.rel @p2 .LBB2_23-.Ltmp12, $4  }
0x5b1: {  	_ = 	snop  }
0x5b2: {  	s31 =	spop @!p3 (v2sf)  }
0x5b3: {  	s24 =	simm.s32 @!p3 $0x0;
	s26 =	smov.u32 s31  }
0x5b4: {  	[sflag:s20] =	ssyncpa.u1 $0x0;
	s31 =	smov.u32 @p3 s2;
	s26 =	smov.u32 @p3 s28  }
0x5b5: {  	v1 =	vld.msk [tilespmem:s25+$0x0], $0x1;
	_ =	sdelay $0x4  }
0x5b6: {  	(v2sf) =	vpush v1, $0x0;
	_ =	sdelay $0xd  }
0x5b7: {  	s3 =	smov.u32 s8;
	s8 =	smov.u32 s15  }
0x5b8: {  	s15 =	smov.u32 s12;
	s1 =	smul.u32 $0x24000, s1;
	s2 =	spop (v2sf)  }
0x5b9: {  	s28 =	simm.s32 $0x0;
	s7 =	smov.u32 s31;
	p2 =	seq.s32 s31, s2  }
0x5ba: {  	s30 =	ssub.s32 $0x0, s0;
	p3 =	sgt.s32 @!p2 s31, $0x0;
	s6 =	smul.u32 @!p2 $0x240, s28  }
0x5bb: {  	s0 =	sadd.s32 $0x1, s30;
	s1 =	sshrl.u32 s1, $0x2;
	p3 =	por !p3, p2  }
0x5bc: {  	s29 =	sadd.s32 $0xB998, s1;
	s7 =	simm.s32 @p3 $0x0;
	s1 =	sshra.s32 @!p2 s6, $0x2  }
0x5bd: {  	p3 =	seq.s32 s0, $0x0;
	s6 =	smin.u32 @!p2 s7, $0x4E17F;
	s7 =	simm.s32 @!p2 $0x1  }
.Ltmp13:
0x5be: {  	s10 =	sadd.s32 @!p2 $0x52B8, s1;
	s11 =	sand.u32 @!p2 $0x7FFF8, s6;
	(pc) =	sbr.rel @p3 .LBB2_15-.Ltmp13, $4  }
0x5bf: {  	s12 =	sadd.s32 @!p2 $0x80, s6;
	s6 =	sand.u32 @!p2 $0x7, s6;
	s11 =	sadd.s32 @!p2 s5, s11  }
0x5c0: {  	[tilespmem:s10], [sflag:$0x2] =	stream.linear.gather @!p2 [hbm4b:s11+s6], $0x80, $0x38;
	[tilespmem:$0x1D958] =	vst v63  }
0x5c1: {  	s7 =	smov.u32 @p2 s28;
	s11 =	sand.u32 @!p2 $0xFFFF8, s12  }
0x5c2: {  	s10 =	sadd.s32 @!p2 $0x5338, s1;
	s1 =	sadd.s32 $0x1, s25;
	s11 =	sadd.s32 @!p2 s5, s11  }
.LBB2_14:
0x5c3: {  	s12 =	smov.u32 s7  }
0x5c4: {  	[tilespmem:s10], [sflag:$0x2] =	stream.linear.gather @!p2 [hbm4b:s11+s6], $0x4, $0x38;
	[tilespmem:$0x1D958] =	vst v63  }
0x5c5: {  	s0 =	sadd.s32 $0x1, s0;
	s6 =	smov.u32 s2;
	v1 =	vld.msk [tilespmem:s1+$0x0], $0x1  }
0x5c6: {  	p3 =	seq.s32 s0, $0x0;
	_ =	sdelay $0x3  }
0x5c7: {  	(v2sf) =	vpush v1, $0x0;
	_ =	sdelay $0xe  }
0x5c8: {  	s2 =	spop (v2sf)  }
0x5c9: {  	p2 =	seq.s32 s6, s2  }
0x5ca: {  	p4 =	sgt.s32 @!p2 s6, $0x0;
	s10 =	smul.u32 @!p2 $0x240, s7;
	s7 =	sadd.s32 @!p2 $0x1, s7  }
0x5cb: {  	p4 =	por !p4, p2;
	s7 =	smov.u32 @p2 s12  }
0x5cc: {  	s6 =	simm.s32 @p4 $0x0;
	s10 =	sshra.s32 @!p2 s10, $0x2  }
.Ltmp14:
0x5cd: {  	s6 =	smin.u32 @!p2 s6, $0x4E17F;
	s11 =	sadd.s32 @!p2 $0x52B8, s10;
	(pc) =	sbr.rel @!p3 .LBB2_14-.Ltmp14, $4  }
0x5ce: {  	s10 =	sadd.s32 @!p2 $0x5338, s10;
	s12 =	sand.u32 @!p2 $0x7FFF8, s6;
	s14 =	sadd.s32 @!p2 $0x80, s6  }
0x5cf: {  	s6 =	sand.u32 @!p2 $0x7, s6;
	s12 =	sadd.s32 @!p2 s5, s12;
	s14 =	sand.u32 @!p2 $0xFFFF8, s14  }
0x5d0: {  	[tilespmem:s11], [sflag:$0x2] =	stream.linear.gather @!p2 [hbm4b:s12+s6], $0x80, $0x38;
	[tilespmem:$0x1D958] =	vst v63  }
0x5d1: {  	s1 =	sadd.s32 $0x1, s1;
	s11 =	sadd.s32 @!p2 s5, s14  }
.LBB2_15:
0x5d2: {  	s0 =	smul.u32 $0x210, s7  }
0x5d3: {  	[tilespmem:s10], [sflag:$0x2] =	stream.linear.gather @!p2 [hbm4b:s11+s6], $0x4, $0x38;
	[tilespmem:$0x1D958] =	vst v63  }
.Ltmp15:
0x5d4: {  	_ = 	snop;
	(pc) =	sbr.rel .LBB2_16-.Ltmp15, $4  }
0x5d5: {  	s1 =	simm.s32 $0x2;
	s0 =	sshrl.u32 s0, $0x2  }
0x5d6: {  	s12 =	smov.u32 s15;
	s15 =	smov.u32 s8;
	_ =	swait.ge [sflag:s1], s0  }
0x5d7: {  	s8 =	smov.u32 s3;
	s0 =	ssub.s32 $0x0, s0;
	[sflag:s1] =	ssyncset.done $0x0  }
0x5d8: {  	s3 =	simm.s32 $0x1;
	[sflag:s1] =	ssyncadd.s32 s0;
	s1 =	simm.s32 $0x0  }
.LBB2_17:
0x5d9: {  	v1 =	vld [tilespmem:s29+$0xFFFFFFC0];
	_ =	sdelay $0x4  }
0x5da: {  	[tilespmem:s2+$0x128] =	vst.add.f32.msk $0xffff, v1  }
0x5db: {  	v1 =	vld [tilespmem:s29+$0xFFFFFFD0];
	_ =	sdelay $0x4  }
0x5dc: {  	[tilespmem:s2+$0x138] =	vst.add.f32.msk $0xffff, v1  }
0x5dd: {  	v1 =	vld [tilespmem:s29+$0xFFFFFFE0];
	_ =	sdelay $0x4  }
0x5de: {  	[tilespmem:s2+$0x148] =	vst.add.f32.msk $0xffff, v1  }
0x5df: {  	v1 =	vld [tilespmem:s29+$0xFFFFFFF0];
	_ =	sdelay $0x4  }
0x5e0: {  	[tilespmem:s2+$0x158] =	vst.add.f32.msk $0xffff, v1  }
0x5e1: {  	v1 =	vld [tilespmem:s29+$0x0];
	_ =	sdelay $0x4  }
0x5e2: {  	[tilespmem:s2+$0x168] =	vst.add.f32.msk $0xffff, v1  }
0x5e3: {  	v1 =	vld [tilespmem:s29+$0x10];
	_ =	sdelay $0x4  }
0x5e4: {  	[tilespmem:s2+$0x178] =	vst.add.f32.msk $0xffff, v1  }
0x5e5: {  	v1 =	vld [tilespmem:s29+$0x20];
	_ =	sdelay $0x4  }
0x5e6: {  	[tilespmem:s2+$0x188] =	vst.add.f32.msk $0xffff, v1  }
0x5e7: {  	v1 =	vld [tilespmem:s29+$0x30];
	_ =	sdelay $0x4  }
0x5e8: {  	[tilespmem:s2+$0x198] =	vst.add.f32.msk $0xffff, v1  }
0x5e9: {  	v1 =	vld.msk [tilespmem:s29+$0x40], $0xf;
	_ =	sdelay $0x4  }
0x5ea: {  	[tilespmem:s2+$0x1A8] =	vst.add.f32.msk $0xf, v1  }
.LBB2_21:
0x5eb: {  	s30 =	sadd.s32 $0x1, s30  }
0x5ec: {  	p2 =	seq.s32 s30, $0x0  }
.Ltmp16:
0x5ed: {  	_ = 	snop;
	(pc) =	sbr.rel @p2 .LBB2_22-.Ltmp16, $2  }
0x5ee: {  	_ =	sdelay $0x2  }
0x5ef: {  	s25 =	sadd.s32 $0x1, s25;
	s29 =	sadd.s32 $0x100, s29;
	s31 =	smov.u32 s0  }
.LBB2_16:
0x5f0: {  	v1 =	vld.msk [tilespmem:s25+$0x0], $0x1;
	_ =	sdelay $0x4  }
0x5f1: {  	(v2sf) =	vpush v1, $0x0;
	_ =	sdelay $0xe  }
0x5f2: {  	s0 =	spop (v2sf)  }
0x5f3: {  	p2 =	sne.s32 s31, s0  }
.Ltmp17:
0x5f4: {  	_ = 	snop;
	(pc) =	sbr.rel @!p2 .LBB2_17-.Ltmp17, $3  }
0x5f5: {  	_ = 	snop  }
0x5f6: {  	s2 =	smul.u32 $0x240, s24;
	_ =	sdelay $0x1  }
0x5f7: {  	s2 =	sshra.s32 s2, $0x2  }
0x5f8: {  	p2 =	seq.s32 s31, s26  }
.Ltmp18:
0x5f9: {  	_ = 	snop;
	(pc) =	sbr.rel @!p2 .LBB2_19-.Ltmp18, $1  }
0x5fa: {  	_ =	sdelay $0x3  }
.Ltmp19:
0x5fb: {  	s2 =	sadd.s32 $0x128, s2;
	(pc) =	sbr.rel .LBB2_20-.Ltmp19, $4  }
0x5fc: {  	[spmem:s16] =	stream.linear.scatter [tilespmem:s2], [sflag:$0x1], $0x84, $0x38;
	[tilespmem:$0x1D958] =	vst v63  }
0x5fd: {  	_ =	swait.ge [sflag:s3], $0x84  }
0x5fe: {  	[sflag:s3] =	ssyncset.done $0x0  }
0x5ff: {  	[sflag:s3] =	ssyncadd.s32 $0xFFFFFF7C  }
.LBB2_19:
0x600: {  	s6 =	smul.u32 $0x240, s28;
	_ =	sdelay $0x1  }
0x601: {  	s6 =	sshra.s32 s6, $0x2  }
0x602: {  	v1 =	vld [tilespmem:s6+$0x52B8];
	_ =	sdelay $0x4  }
0x603: {  	[tilespmem:s2+$0x128] =	vst.add.f32.msk $0xffff, v1  }
0x604: {  	v1 =	vld [tilespmem:s6+$0x52C8];
	_ =	sdelay $0x4  }
0x605: {  	[tilespmem:s2+$0x138] =	vst.add.f32.msk $0xffff, v1  }
0x606: {  	v1 =	vld [tilespmem:s6+$0x52D8];
	_ =	sdelay $0x4  }
0x607: {  	[tilespmem:s2+$0x148] =	vst.add.f32.msk $0xffff, v1  }
0x608: {  	v1 =	vld [tilespmem:s6+$0x52E8];
	_ =	sdelay $0x4  }
0x609: {  	[tilespmem:s2+$0x158] =	vst.add.f32.msk $0xffff, v1  }
0x60a: {  	v1 =	vld [tilespmem:s6+$0x52F8];
	_ =	sdelay $0x4  }
0x60b: {  	[tilespmem:s2+$0x168] =	vst.add.f32.msk $0xffff, v1  }
0x60c: {  	v1 =	vld [tilespmem:s6+$0x5308];
	_ =	sdelay $0x4  }
0x60d: {  	[tilespmem:s2+$0x178] =	vst.add.f32.msk $0xffff, v1  }
0x60e: {  	v1 =	vld [tilespmem:s6+$0x5318];
	_ =	sdelay $0x4  }
0x60f: {  	[tilespmem:s2+$0x188] =	vst.add.f32.msk $0xffff, v1  }
0x610: {  	v1 =	vld [tilespmem:s6+$0x5328];
	_ =	sdelay $0x4  }
0x611: {  	[tilespmem:s2+$0x198] =	vst.add.f32.msk $0xffff, v1  }
0x612: {  	v1 =	vld.msk [tilespmem:s6+$0x5338], $0xf;
	_ =	sdelay $0x2  }
0x613: {  	p2 =	sgt.u32 s31, $0x4E17F  }
0x614: {  	s6 =	sand.u32 @!p2 $0x7FFF8, s31  }
0x615: {  	s7 =	sadd.s32 $0x128, s2;
	s10 =	sand.u32 @!p2 $0x7, s31;
	s6 =	sadd.s32 @!p2 s5, s6;
	[tilespmem:s2+$0x1A8] =	vst.add.f32.msk $0xf, v1  }
0x616: {  	[hbm4b:s6+s10] =	stream.linear.scatter @!p2 [tilespmem:s7], [sflag:$0xC], $0x80, $0x38;
	[tilespmem:$0x1D958] =	vst v63  }
0x617: {  	s6 =	sadd.s32 @!p2 $0x80, s31  }
0x618: {  	s6 =	sand.u32 @!p2 $0xFFFF8, s6  }
0x619: {  	s2 =	sadd.s32 $0x1A8, s2;
	s6 =	sadd.s32 @!p2 s5, s6  }
0x61a: {  	[hbm4b:s6+s10] =	stream.linear.scatter @!p2 [tilespmem:s2], [sflag:$0xC], $0x4, $0x38;
	[tilespmem:$0x1D958] =	vst v63  }
0x61b: {  	s2 =	simm.s32 $0x0  }
0x61c: {  	s2 =	simm.s32 @!p2 $0x210  }
0x61d: {  	s1 =	sadd.s32 s2, s1  }
.LBB2_20:
0x61e: {  	s2 =	sadd.s32 $0x1, s24  }
0x61f: {  	s6 =	smulhi.u32 $0x38E38E39, s2;
	_ =	sdelay $0x1  }
0x620: {  	s6 =	sshrl.u32 s6, $0x5  }
0x621: {  	s6 =	smul.u32 $0x90, s6  }
0x622: {  	v1 =	vld [tilespmem:s29+$0xFFFFFFC0]  }
0x623: {  	s24 =	ssub.s32 s2, s6  }
0x624: {  	s2 =	smul.u32 $0x240, s24;
	_ =	sdelay $0x1  }
0x625: {  	s2 =	sshrl.u32 s2, $0x2  }
0x626: {  	[tilespmem:s2+$0x128] =	vst v1  }
0x627: {  	v1 =	vld [tilespmem:s29+$0xFFFFFFD0];
	_ =	sdelay $0x4  }
0x628: {  	[tilespmem:s2+$0x138] =	vst v1  }
0x629: {  	v1 =	vld [tilespmem:s29+$0xFFFFFFE0];
	_ =	sdelay $0x4  }
0x62a: {  	[tilespmem:s2+$0x148] =	vst v1  }
0x62b: {  	v1 =	vld [tilespmem:s29+$0xFFFFFFF0];
	_ =	sdelay $0x4  }
0x62c: {  	[tilespmem:s2+$0x158] =	vst v1  }
0x62d: {  	v1 =	vld [tilespmem:s29+$0x0];
	_ =	sdelay $0x4  }
0x62e: {  	[tilespmem:s2+$0x168] =	vst v1  }
0x62f: {  	v1 =	vld [tilespmem:s29+$0x10];
	_ =	sdelay $0x4  }
0x630: {  	[tilespmem:s2+$0x178] =	vst v1  }
0x631: {  	v1 =	vld [tilespmem:s29+$0x20];
	_ =	sdelay $0x4  }
0x632: {  	[tilespmem:s2+$0x188] =	vst v1  }
0x633: {  	v1 =	vld [tilespmem:s29+$0x30];
	_ =	sdelay $0x4  }
0x634: {  	[tilespmem:s2+$0x198] =	vst v1  }
0x635: {  	v1 =	vld.msk [tilespmem:s29+$0x40], $0xf  }
.Ltmp20:
0x636: {  	_ = 	snop;
	(pc) =	sbr.rel .LBB2_21-.Ltmp20, $2  }
0x637: {  	_ =	sdelay $0x2  }
0x638: {  	s28 =	sadd.s32 $0x1, s28;
	[tilespmem:s2+$0x1A8] =	vst.msk $0xf, v1  }
.LBB2_23:
.Ltmp21:
0x639: {  	(pc) =	sbr.rel .LBB2_24-.Ltmp21, $4  }
0x63a: {  	_ = 	snop  }
0x63b: {  	s0 =	simm.s32 $0x2  }
0x63c: {  	_ =	swait.ge [sflag:s0], $0x0  }
0x63d: {  	s1 =	simm.s32 $0x0;
	[sflag:s0] =	ssyncset.done $0x0;
	s0 =	smov.u32 s31  }
.LBB2_26:
0x63e: {  	_ =	sfence.sel $0x180000  }
0x63f: {  	s0 =	simm.s32 $0x9;
	[bflag:$0x0] =	sbarrier.arrive $0xFFFF  }
0x640: {  	s24 =	simm.s32 $0xA;
	[sflag:s0] =	ssyncpa.u1 $0x1  }
0x641: {  	s25 =	simm.s32 $0xB;
	[sflag:s24] =	ssyncpa.u1 $0x1  }
0x642: {  	s26 =	simm.s32 $0x2;
	[sflag:s25] =	ssyncpa.u1 $0x1  }
0x643: {  	[sflag:s26] =	ssyncpa.u1 $0x1  }
0x644: {  	v0 =	vld [tilespmem:$0xA448];
	_ =	sdelay $0x4  }
0x645: {  	(v2sf) =	vpush v0, $0x0  }
0x646: {  	(v2sf) =	vpush v0, $0x1  }
0x647: {  	(v2sf) =	vpush v0, $0x2;
	_ =	sdelay $0xc  }
0x648: {  	s0 =	spop (v2sf)  }
0x649: {  	s1 =	spop (v2sf)  }
0x64a: {  	s2 =	smov.u32 s0;
	p0 =	sne.s32 s0, s1;
	s3 =	spop (v2sf)  }
0x64b: {  	s2 =	simm.s32 @!p0 $0xFFFFFFFF;
	p0 =	seq.s32 s3, $0xFFFFFFFF  }
0x64c: {  	v2 =	vimm.s32 $0x1;
	v3 =	vlaneseq.u32;
	v1 =	vmov s2;
	p1 =	sne.s32 @!p0 s0, s1  }
0x64d: {  	s14 =	stileid.u32;
	v0 =	vperm.xlane v0, v2;
	s0 =	simm.s32 @!p0 $0x1;
	v1 =	vperm.xlane v1, v3;
	p1 =	por !p1, p0  }
0x64e: {  	vm0 =	vcmask $0x3F04;
	s2 =	sshll.u32 s14, $0x1;
	s1 =	smul.u32 @!p0 $0x240, s3;
	s0 =	simm.s32 @p1 $0x0  }
0x64f: {  	s6 =	simm.s32 $0xA448;
	v0 =	vsel vm0, v1, v0;
	s0 =	sor.u32 @!p0 s0, s2  }
0x650: {  	s4 =	sor.u32 $0x1200, s2;
	s1 =	sshra.s32 @!p0 s1, $0x2;
	[tilespmem:$0xA448] =	vst v0;
	s0 =	smul.u32 @!p0 $0x240, s0  }
0x651: {  	[spmem:s4] =	stream.linear.scatter [tilespmem:s6], [sflag:$0x1], $0x2, $0x38;
	[tilespmem:$0x1D958] =	vst v63  }
0x652: {  	s1 =	sadd.s32 @!p0 $0x128, s1;
	s0 =	sshrl.u32 @!p0 s0, $0x2  }
0x653: {  	[spmem:s0] =	stream.linear.scatter @!p0 [tilespmem:s1], [sflag:$0x1], $0x90, $0x38;
	[tilespmem:$0x1D958] =	vst v63  }
0x654: {  	s0 =	simm.s32 @!p0 $0x92  }
0x655: {  	s28 =	simm.s32 $0x1;
	s0 =	simm.s32 @p0 $0x2  }
0x656: {  	_ =	swait.ge [sflag:s28], s0  }
0x657: {  	s0 =	ssub.s32 $0x0, s0;
	[sflag:s28] =	ssyncset.done $0x0  }
0x658: {  	p0 =	sne.s32 s14, $0x0;
	[sflag:s28] =	ssyncadd.s32 s0  }
.Ltmp22:
0x659: {  	_ =	sfence.stream.spmem;
	(pc) =	sbr.rel @p0 .LBB2_43-.Ltmp22, $4  }
0x65a: {  	s29 =	simm.s32 $0x3;
	[bflag:$0x0] =	sbarrier.arrive $0xFFFF  }
0x65b: {  	s30 =	simm.s32 $0x4;
	[sflag:s29] =	ssyncpa.u1 $0x1  }
0x65c: {  	s31 =	simm.s32 $0x3C;
	[sflag:s30] =	ssyncpa.u1 $0x1  }
0x65d: {  	s15 =	rddreg [dreg:$0x4];
	[sflag:s31] =	ssyncpa.u1 $0x1  }
0x65e: {  	_ =	sfence.stream.spmem;
	s0 =	simm.s32 $0x5  }
0x65f: {  	s1 =	simm.s32 $0x1200;
	s2 =	simm.s32 $0xA458;
	[sflag:s0] =	ssyncpa.u1 $0x0  }
0x660: {  	[tilespmem:s2], [sflag:$0x5] =	stream.linear.gather [spmem:s1], $0x20, $0x38;
	[tilespmem:$0x1D958] =	vst v63  }
0x661: {  	s26 =	simm.s32 $0x0;
	s28 =	simm.s32 $0xA478  }
0x662: {  	[tilespmem:s28], [sflag:$0x5] =	stream.linear.gather [spmem:s26], $0x1200, $0x38;
	[tilespmem:$0x1D958] =	vst v63  }
0x663: {  	_ =	swait.ge [sflag:s0], $0x1220  }
0x664: {  	[sflag:s0] =	ssyncset.done $0x0  }
0x665: {  	s29 =	simm.s32 $0x0;
	[sflag:s0] =	ssyncadd.s32 $0xFFFFEDE0  }
0x666: {  	v0 =	vld.msk [tilespmem:s29+$0xA458], $0x1;
	_ =	sdelay $0x1  }
0x667: {  	s30 =	simm.s32 $0x1  }
0x668: {  	v1 =	vld.msk [tilespmem:s30+$0xA458], $0x1;
	_ =	sdelay $0x1  }
0x669: {  	(v2sf) =	vpush v0, $0x0;
	_ =	sdelay $0x2  }
0x66a: {  	(v2sf) =	vpush v1, $0x0;
	_ =	sdelay $0x2  }
0x66b: {  	s31 =	simm.s32 $0x2  }
0x66c: {  	v0 =	vld.msk [tilespmem:s31+$0xA458], $0x1;
	_ =	sdelay $0x2  }
0x66d: {  	s1 =	simm.s32 $0xFFFFFFFF;
	s2 =	simm.s32 $0xFFFFFFFF;
	s0 =	simm.s32 $0xC  }
.LBB2_28:
0x66e: {  	s3 =	smov.u32 s2;
	s4 =	smov.u32 s1  }
0x66f: {  	s1 =	sshra.s32 s0, $0x2;
	p1 =	sne.s32 s0, $0x7C;
	s0 =	sadd.s32 $0x4, s0;
	(v2sf) =	vpush v0, $0x0  }
0x670: {  	v0 =	vld.msk [tilespmem:s1+$0xA458], $0x1  }
.Ltmp23:
0x671: {  	(pc) =	sbr.rel @p1 .LBB2_28-.Ltmp23, $4  }
0x672: {  	s2 =	spop (v2sf)  }
0x673: {  	p2 =	sne.s32 s4, $0xFFFFFFFF;
	s1 =	smov.u32 s2  }
0x674: {  	p3 =	seq.s32 s2, $0xFFFFFFFF;
	s1 =	smov.u32 @p2 s4  }
0x675: {  	s2 =	smov.u32 @p3 s3;
	s1 =	smov.u32 @p3 s4  }
0x676: {  	(v2sf) =	vpush v0, $0x0;
	_ =	sdelay $0x8  }
0x677: {  	s0 =	spop (v2sf)  }
0x678: {  	p1 =	sne.s32 s1, $0xFFFFFFFF;
	s9 =	simm.s32 $0x6;
	s3 =	smov.u32 s0  }
0x679: {  	s10 =	simm.s32 $0xA3B8;
	p2 =	seq.s32 s0, $0xFFFFFFFF;
	s3 =	smov.u32 @p1 s1  }
0x67a: {  	s11 =	simm.s32 $0xA438;
	s3 =	smov.u32 @p2 s1;
	s1 =	spop (v2sf)  }
0x67b: {  	s0 =	smov.u32 @p2 s2;
	p1 =	sne.s32 s3, $0xFFFFFFFF;
	s6 =	smov.u32 s1  }
.Ltmp24:
0x67c: {  	p2 =	seq.s32 s1, $0xFFFFFFFF;
	s6 =	smov.u32 @p1 s3;
	(pc) =	sbr.rel .LBB2_30-.Ltmp24, $4  }
0x67d: {  	s12 =	simm.s32 $0x0;
	s6 =	smov.u32 @p2 s3;
	s4 =	spop (v2sf)  }
0x67e: {  	[sflag:s9] =	ssyncpa.u1 $0x0;
	p1 =	sne.s32 s6, $0xFFFFFFFF;
	s8 =	smov.u32 s4  }
0x67f: {  	s1 =	smov.u32 @p2 s0;
	p2 =	seq.s32 s4, $0xFFFFFFFF;
	s8 =	smov.u32 @p1 s6  }
0x680: {  	s3 =	simm.s32 $0x0;
	s4 =	smov.u32 @p2 s1;
	s8 =	smov.u32 @p2 s6  }
.LBB2_36:
0x681: {  	p1 =	sgt.u32 s0, $0x4E17F  }
0x682: {  	p2 =	seq.s32 @!p1 s0, s8  }
0x683: {  	p1 =	por p1, p2  }
0x684: {  	p2 =	sne.s32 @!p1 s0, s4  }
0x685: {  	p1 =	por p1, !p2  }
0x686: {  	s0 =	smul.u32 @p1 $0x240, s12;
	_ =	sdelay $0x1  }
0x687: {  	s1 =	sand.u32 @!p1 $0x7FFF8, s0;
	s2 =	sand.u32 @!p1 $0x7, s0;
	s0 =	sadd.s32 @!p1 $0x80, s0  }
0x688: {  	s1 =	sadd.s32 @!p1 s5, s1;
	s0 =	sand.u32 @!p1 $0xFFFF8, s0  }
0x689: {  	[tilespmem:s10], [sflag:$0x6] =	stream.linear.gather @!p1 [hbm4b:s1+s2], $0x80, $0x38;
	[tilespmem:$0x1D958] =	vst v63  }
0x68a: {  	s0 =	sadd.s32 @!p1 s5, s0  }
0x68b: {  	[tilespmem:s11], [sflag:$0x6] =	stream.linear.gather @!p1 [hbm4b:s0+s2], $0x4, $0x38;
	[tilespmem:$0x1D958] =	vst v63  }
0x68c: {  	_ =	swait.ge @!p1 [sflag:s9], $0x84  }
0x68d: {  	[sflag:s9] =	ssyncset.done @!p1 $0x0  }
0x68e: {  	[sflag:s9] =	ssyncadd.s32 @!p1 $0xFFFFFF7C  }
0x68f: {  	v1 =	vld @!p1 [tilespmem:$0xA3B8];
	_ =	sdelay $0x1  }
0x690: {  	s0 =	smul.u32 @!p1 $0x240, s12;
	_ =	sdelay $0x1  }
0x691: {  	s1 =	sshra.s32 @!p1 s0, $0x2  }
0x692: {  	[tilespmem:s1+$0xA478] =	vst.add.f32.msk @!p1 $0xffff, v1  }
0x693: {  	v1 =	vld @!p1 [tilespmem:$0xA3C8];
	_ =	sdelay $0x4  }
0x694: {  	[tilespmem:s1+$0xA488] =	vst.add.f32.msk @!p1 $0xffff, v1  }
0x695: {  	v1 =	vld @!p1 [tilespmem:$0xA3D8];
	_ =	sdelay $0x4  }
0x696: {  	[tilespmem:s1+$0xA498] =	vst.add.f32.msk @!p1 $0xffff, v1  }
0x697: {  	v1 =	vld @!p1 [tilespmem:$0xA3E8];
	_ =	sdelay $0x4  }
0x698: {  	[tilespmem:s1+$0xA4A8] =	vst.add.f32.msk @!p1 $0xffff, v1  }
0x699: {  	v1 =	vld @!p1 [tilespmem:$0xA3F8];
	_ =	sdelay $0x4  }
0x69a: {  	[tilespmem:s1+$0xA4B8] =	vst.add.f32.msk @!p1 $0xffff, v1  }
0x69b: {  	v1 =	vld @!p1 [tilespmem:$0xA408];
	_ =	sdelay $0x4  }
0x69c: {  	[tilespmem:s1+$0xA4C8] =	vst.add.f32.msk @!p1 $0xffff, v1  }
0x69d: {  	v1 =	vld @!p1 [tilespmem:$0xA418];
	_ =	sdelay $0x4  }
0x69e: {  	[tilespmem:s1+$0xA4D8] =	vst.add.f32.msk @!p1 $0xffff, v1  }
0x69f: {  	v1 =	vld @!p1 [tilespmem:$0xA428];
	_ =	sdelay $0x4  }
0x6a0: {  	[tilespmem:s1+$0xA4E8] =	vst.add.f32.msk @!p1 $0xffff, v1  }
0x6a1: {  	v1 =	vld @!p1 [tilespmem:$0xA438];
	_ =	sdelay $0x4  }
0x6a2: {  	[tilespmem:s1+$0xA4F8] =	vst.add.f32.msk @!p1 $0xffff, v1  }
0x6a3: {  	s0 =	sshra.s32 s0, $0x2;
	[tilespmem:s3+$0xA458] =	vst.msk $0x1, v0  }
0x6a4: {  	v0 =	vld [tilespmem:s0+$0xA478];
	_ =	sdelay $0x1  }
0x6a5: {  	s31 =	smul.u32 $0x240, s3;
	_ =	sdelay $0x1  }
0x6a6: {  	s1 =	sshra.s32 s31, $0x2  }
0x6a7: {  	[tilespmem:s1+$0xA478] =	vst v0  }
0x6a8: {  	v0 =	vld [tilespmem:s0+$0xA488];
	_ =	sdelay $0x4  }
0x6a9: {  	[tilespmem:s1+$0xA488] =	vst v0  }
0x6aa: {  	v0 =	vld [tilespmem:s0+$0xA498];
	_ =	sdelay $0x4  }
0x6ab: {  	[tilespmem:s1+$0xA498] =	vst v0  }
0x6ac: {  	v0 =	vld [tilespmem:s0+$0xA4A8];
	_ =	sdelay $0x4  }
0x6ad: {  	[tilespmem:s1+$0xA4A8] =	vst v0  }
0x6ae: {  	v0 =	vld [tilespmem:s0+$0xA4B8];
	_ =	sdelay $0x4  }
0x6af: {  	[tilespmem:s1+$0xA4B8] =	vst v0  }
0x6b0: {  	v0 =	vld [tilespmem:s0+$0xA4C8];
	_ =	sdelay $0x4  }
0x6b1: {  	[tilespmem:s1+$0xA4C8] =	vst v0  }
0x6b2: {  	v0 =	vld [tilespmem:s0+$0xA4D8];
	_ =	sdelay $0x4  }
0x6b3: {  	[tilespmem:s1+$0xA4D8] =	vst v0  }
0x6b4: {  	v0 =	vld [tilespmem:s0+$0xA4E8];
	_ =	sdelay $0x4  }
0x6b5: {  	[tilespmem:s1+$0xA4E8] =	vst v0  }
0x6b6: {  	v0 =	vld [tilespmem:s0+$0xA4F8];
	_ =	sdelay $0x4  }
0x6b7: {  	s3 =	sadd.s32 $0x1, s3;
	[tilespmem:s1+$0xA4F8] =	vst v0  }
.LBB2_37:
0x6b8: {  	s12 =	sadd.s32 $0x1, s12  }
0x6b9: {  	p1 =	sne.s32 s12, $0x20  }
.Ltmp25:
0x6ba: {  	_ = 	snop;
	(pc) =	sbr.rel @!p1 .LBB2_38-.Ltmp25, $1  }
0x6bb: {  	_ =	sdelay $0x3  }
.LBB2_30:
0x6bc: {  	v0 =	vld.msk [tilespmem:s12+$0xA458], $0x1;
	_ =	sdelay $0x4  }
0x6bd: {  	(v2sf) =	vpush v0, $0x0;
	_ =	sdelay $0xe  }
0x6be: {  	s0 =	spop (v2sf)  }
0x6bf: {  	p1 =	seq.s32 s0, $0xFFFFFFFF  }
.Ltmp26:
0x6c0: {  	_ = 	snop;
	(pc) =	sbr.rel @p1 .LBB2_37-.Ltmp26, $1  }
0x6c1: {  	_ =	sdelay $0x3  }
0x6c2: {  	p1 =	slt.s32 s3, $0x1  }
.Ltmp27:
0x6c3: {  	_ = 	snop;
	(pc) =	sbr.rel @p1 .LBB2_36-.Ltmp27, $1  }
0x6c4: {  	_ =	sdelay $0x3  }
0x6c5: {  	s1 =	simm.s32 $0xA458;
	p1 =	por $0x0, $0x0  }
0x6c6: {  	v1 =	vld.msk @!p1 [tilespmem:s1+$0x0], $0x1;
	_ =	sdelay $0x4  }
0x6c7: {  	(v2sf) =	vpush @!p1 v1, $0x0;
	_ =	sdelay $0xd  }
0x6c8: {  	p3 =	sne.s32 s3, $0x1  }
.Ltmp28:
0x6c9: {  	s2 =	spop @!p1 (v2sf);
	(pc) =	sbr.rel @!p3 .LBB2_34-.Ltmp28, $4  }
0x6ca: {  	p2 =	seq.s32 @!p1 s0, s2  }
0x6cb: {  	s2 =	simm.s32 $0x0;
	p2 =	por !p2, p1  }
0x6cc: {  	s6 =	simm.s32 $0xFFFFFFFF;
	s2 =	simm.s32 @p2 $0xFFFFFFFF  }
0x6cd: {  	s13 =	simm.s32 $0x1;
	s2 =	smov.u32 @p1 s6  }
.LBB2_33:
0x6ce: {  	s6 =	smov.u32 s2;
	p1 =	sne.s32 s2, $0xFFFFFFFF  }
0x6cf: {  	s1 =	sadd.s32 $0x1, s1;
	s2 =	smov.u32 s13;
	s13 =	sadd.s32 $0x1, s13  }
0x6d0: {  	p2 =	sne.s32 s3, s13;
	v1 =	vld.msk @!p1 [tilespmem:s1+$0x0], $0x1;
	_ =	sdelay $0x4  }
0x6d1: {  	(v2sf) =	vpush @!p1 v1, $0x0;
	_ =	sdelay $0xe  }
.Ltmp29:
0x6d2: {  	s7 =	spop @!p1 (v2sf);
	(pc) =	sbr.rel @p2 .LBB2_33-.Ltmp29, $4  }
0x6d3: {  	p3 =	seq.s32 @!p1 s0, s7  }
0x6d4: {  	p3 =	por !p3, p1  }
0x6d5: {  	s2 =	simm.s32 @p3 $0xFFFFFFFF  }
0x6d6: {  	s2 =	smov.u32 @p1 s6  }
.LBB2_34:
0x6d7: {  	p1 =	seq.s32 s2, $0xFFFFFFFF  }
.Ltmp30:
0x6d8: {  	_ = 	snop;
	(pc) =	sbr.rel @p1 .LBB2_36-.Ltmp30, $1  }
0x6d9: {  	_ =	sdelay $0x3  }
0x6da: {  	s0 =	smul.u32 $0x240, s12;
	_ =	sdelay $0x1  }
0x6db: {  	s0 =	sshra.s32 s0, $0x2  }
0x6dc: {  	v0 =	vld [tilespmem:s0+$0xA478];
	_ =	sdelay $0x1  }
0x6dd: {  	s1 =	smul.u32 $0x240, s2;
	_ =	sdelay $0x1  }
0x6de: {  	s1 =	sshra.s32 s1, $0x2  }
0x6df: {  	[tilespmem:s1+$0xA478] =	vst.add.f32.msk $0xffff, v0  }
0x6e0: {  	v0 =	vld [tilespmem:s0+$0xA488];
	_ =	sdelay $0x4  }
0x6e1: {  	[tilespmem:s1+$0xA488] =	vst.add.f32.msk $0xffff, v0  }
0x6e2: {  	v0 =	vld [tilespmem:s0+$0xA498];
	_ =	sdelay $0x4  }
0x6e3: {  	[tilespmem:s1+$0xA498] =	vst.add.f32.msk $0xffff, v0  }
0x6e4: {  	v0 =	vld [tilespmem:s0+$0xA4A8];
	_ =	sdelay $0x4  }
0x6e5: {  	[tilespmem:s1+$0xA4A8] =	vst.add.f32.msk $0xffff, v0  }
0x6e6: {  	v0 =	vld [tilespmem:s0+$0xA4B8];
	_ =	sdelay $0x4  }
0x6e7: {  	[tilespmem:s1+$0xA4B8] =	vst.add.f32.msk $0xffff, v0  }
0x6e8: {  	v0 =	vld [tilespmem:s0+$0xA4C8];
	_ =	sdelay $0x4  }
0x6e9: {  	[tilespmem:s1+$0xA4C8] =	vst.add.f32.msk $0xffff, v0  }
0x6ea: {  	v0 =	vld [tilespmem:s0+$0xA4D8];
	_ =	sdelay $0x4  }
0x6eb: {  	[tilespmem:s1+$0xA4D8] =	vst.add.f32.msk $0xffff, v0  }
0x6ec: {  	v0 =	vld [tilespmem:s0+$0xA4E8];
	_ =	sdelay $0x4  }
0x6ed: {  	[tilespmem:s1+$0xA4E8] =	vst.add.f32.msk $0xffff, v0  }
0x6ee: {  	v0 =	vld [tilespmem:s0+$0xA4F8]  }
.Ltmp31:
0x6ef: {  	_ = 	snop;
	(pc) =	sbr.rel .LBB2_37-.Ltmp31, $2  }
0x6f0: {  	_ =	sdelay $0x2  }
0x6f1: {  	[tilespmem:s1+$0xA4F8] =	vst.add.f32.msk $0xffff, v0  }
.LBB2_38:
0x6f2: {  	s0 =	simm.s32 $0x6;
	p1 =	seq.s32 s3, $0x0  }
0x6f3: {  	[sflag:s0] =	ssyncpa.u1 $0x1;
	v0 =	vimm.s32 @p1 $0xFFFFFFFF  }
0x6f4: {  	s0 =	sadd.s32 $0xFFFFFFFF, s3;
	[tilespmem:$0xB678] =	vst @p1 v0  }
0x6f5: {  	v0 =	vld.msk @!p1 [tilespmem:s0+$0xA458], $0x1;
	_ =	sdelay $0x1  }
0x6f6: {  	v1 =	vld.msk @!p1 [tilespmem:$0xA458], $0x1;
	_ =	sdelay $0x2  }
0x6f7: {  	p2 =	seq.s32 @!p1 s0, $0x0;
	v0 =	vbroadcast @!p1 v0, $0x0  }
0x6f8: {  	vm0 =	vmmov @!p1 $0x1;
	p3 =	por !p2, p1  }
0x6f9: {  	p2 =	sne.s32 @!p1 s8, s4;
	v1 =	vnsel @!p1 vm0, $0xFFFFFFFF, v1;
	vm0 =	vcmask @!p1 $0x308;
	v0 =	vpsel !p3, $0xFFFFFFFF, v0  }
0x6fa: {  	p3 =	por !p2, p1;
	v0 =	vsel @!p1 vm0, v1, v0  }
0x6fb: {  	s1 =	simm.s32 @!p1 $0xA478;
	s2 =	simm.s32 @!p1 $0x0;
	s4 =	smul.u32 @!p3 $0x240, s0;
	[tilespmem:$0xB678] =	vst @!p1 v0  }
0x6fc: {  	[spmem:s2] =	stream.linear.scatter @!p1 [tilespmem:s1], [sflag:$0x1], $0x90, $0x38;
	[tilespmem:$0x1D958] =	vst v63  }
0x6fd: {  	s1 =	sshra.s32 @!p3 s4, $0x2  }
0x6fe: {  	s2 =	simm.s32 @!p3 $0x90;
	s1 =	sadd.s32 @!p3 $0xA478, s1  }
0x6ff: {  	[spmem:s2] =	stream.linear.scatter @!p3 [tilespmem:s1], [sflag:$0x1], $0x90, $0x38;
	[tilespmem:$0x1D958] =	vst v63  }
0x700: {  	s1 =	simm.s32 @!p3 $0x1  }
0x701: {  	_ =	swait.ge @!p3 [sflag:s1], $0x120  }
0x702: {  	p1 =	por p2, p1;
	[sflag:s1] =	ssyncset.done @!p3 $0x0  }
0x703: {  	[sflag:s1] =	ssyncadd.s32 @!p3 $0xFFFFFEE0;
	s1 =	simm.s32 @!p1 $0x1  }
0x704: {  	_ =	swait.ge @!p1 [sflag:s1], $0x90  }
0x705: {  	s29 =	simm.s32 $0xB678;
	[sflag:s1] =	ssyncset.done @!p1 $0x0  }
0x706: {  	s30 =	simm.s32 $0x1200;
	s31 =	simm.s32 $0x1;
	[sflag:s1] =	ssyncadd.s32 @!p1 $0xFFFFFF70  }
0x707: {  	[spmem:s30] =	stream.linear.scatter [tilespmem:s29], [sflag:$0x1], $0x10, $0x38;
	[tilespmem:$0x1D958] =	vst v63  }
0x708: {  	_ =	swait.ge [sflag:s31], $0x10  }
0x709: {  	[sflag:s31] =	ssyncset.done $0x0  }
0x70a: {  	p1 =	seq.s32 s15, $0x0;
	s9 =	rddreg [dreg:$0x1];
	[sflag:s31] =	ssyncadd.s32 $0xFFFFFFF0  }
0x70b: {  	s2 =	sshll.u32 @p1 s9, $0xE;
	s8 =	rddreg [dreg:$0x2]  }
0x70c: {  	s1 =	sadd.s32 @p1 $0x15C3C, s2;
	s2 =	sshll.u32 @p1 s8, $0x11  }
0x70d: {  	_ =	sfence.stream.spmem;
	s1 =	sor.u32 @p1 s2, s1  }
0x70e: {  	[sflag:s1] =	ssyncadd.remote.s32 @p1 $0x1;
	s1 =	simm.s32 @p1 $0x4  }
0x70f: {  	s4 =	simm.s32 @!p1 $0x3C;
	s2 =	sand.u32 $0xFFFFFFFE, s9;
	_ =	swait.ge @p1 [sflag:s1], $0x26  }
0x710: {  	s6 =	simm.s32 @!p1 $0x0;
	s2 =	sadd.s32 @!p1 $0x4, s2;
	[sflag:s1] =	ssyncset.done @p1 $0x0  }
0x711: {  	s7 =	simm.s32 @!p1 $0x120;
	[sflag:s1] =	ssyncadd.s32 @p1 $0xFFFFFFDA;
	s1 =	sshll.u32 @!p1 s2, $0x1A  }
0x712: {  	s2 =	sshll.u32 @!p1 s2, $0xD;
	s1 =	sor.u32 @!p1 s1, s8;
	_ =	swait.eq @!p1 [sflag:s4], $0x1  }
0x713: {  	s2 =	sor.u32 @!p1 $0x1C04, s2;
	s4 =	simm.s32 @!p1 $0x1C03;
	s1 =	sor.u32 @!p1 $0x80004000, s1  }
0x714: {  	[spmem:s7], [sflag:s2] =	dma.general @!p1 [spmem:s6], [sflag:s4], length:$0x24, [dreg:$0x0], stride_count:$0x0, ici_dest:s1, dma_misc:DstOpCode:WRITE  }
0x715: {  	p2 =	slt.s32 s0, $0x2;
	s6 =	simm.s32 @!p1 $0x240;
	s7 =	simm.s32 @!p1 $0x242  }
0x716: {  	[spmem:s7], [sflag:s2] =	dma.general @!p1 [spmem:s6], [sflag:s4], length:$0x2, [dreg:$0x0], stride_count:$0x0, ici_dest:s1, dma_misc:DstOpCode:WRITE  }
.Ltmp32:
0x717: {  	s1 =	simm.s32 @!p1 $0x3;
	(pc) =	sbr.rel @p2 .LBB2_42-.Ltmp32, $4  }
0x718: {  	s2 =	sshll.u32 @!p1 s9, $0xE;
	_ =	swait.ge @!p1 [sflag:s1], $0x26  }
0x719: {  	s4 =	sshll.u32 @!p1 s8, $0x11;
	s2 =	sadd.s32 @!p1 $0x11C3C, s2;
	[sflag:s1] =	ssyncset.done @!p1 $0x0  }
0x71a: {  	[sflag:s1] =	ssyncadd.s32 @!p1 $0xFFFFFFDA;
	s1 =	sor.u32 @!p1 s4, s2  }
0x71b: {  	s0 =	simm.s32 $0x0;
	[sflag:s1] =	ssyncadd.remote.s32 @!p1 $0xFFFFFFFF  }
0x71c: {  	s0 =	simm.s32 $0xA459  }
0x71d: {  	v0 =	vld.msk [tilespmem:s0+$0x0], $0x1;
	_ =	sdelay $0x4  }
0x71e: {  	(v2sf) =	vpush v0, $0x0;
	_ =	sdelay $0xd  }
0x71f: {  	s31 =	sadd.s32 $0xFFFFFFFE, s3  }
0x720: {  	s3 =	simm.s32 $0x0;
	s0 =	sadd.s32 $0xFFFFFFFF, s31;
	s2 =	spop (v2sf)  }
0x721: {  	s6 =	simm.s32 $0xA508;
	p1 =	sne.s32 s0, $0x0;
	p2 =	sgt.u32 s2, $0x4E17F  }
.Ltmp33:
0x722: {  	s1 =	simm.s32 $0xA598;
	s4 =	sand.u32 @!p2 $0x7FFF8, s2;
	(pc) =	sbr.rel @!p1 .LBB2_41-.Ltmp33, $4  }
0x723: {  	s7 =	sadd.s32 @!p2 $0x80, s2;
	s3 =	simm.s32 @!p2 $0x210;
	s8 =	sadd.s32 @!p2 s5, s4  }
0x724: {  	s4 =	sand.u32 @!p2 $0x7, s2;
	s2 =	simm.s32 $0xA45A;
	s7 =	sand.u32 @!p2 $0xFFFF8, s7  }
0x725: {  	[hbm4b:s8+s4] =	stream.linear.scatter @!p2 [tilespmem:s6], [sflag:$0x5], $0x80, $0x38;
	[tilespmem:$0x1D958] =	vst v63  }
0x726: {  	s3 =	sadd.s32 $0x0, s3;
	s6 =	simm.s32 @!p2 $0xA588;
	s7 =	sadd.s32 @!p2 s5, s7  }
.LBB2_40:
0x727: {  	[hbm4b:s7+s4] =	stream.linear.scatter @!p2 [tilespmem:s6], [sflag:$0x5], $0x4, $0x38;
	[tilespmem:$0x1D958] =	vst v63  }
0x728: {  	s0 =	sadd.s32 $0xFFFFFFFF, s0;
	s6 =	smov.u32 s1;
	v0 =	vld.msk [tilespmem:s2+$0x0], $0x1  }
0x729: {  	p1 =	sne.s32 s0, $0x0;
	_ =	sdelay $0x3  }
0x72a: {  	(v2sf) =	vpush v0, $0x0;
	_ =	sdelay $0xe  }
0x72b: {  	s1 =	sadd.s32 $0x90, s1;
	s8 =	simm.s32 $0x0;
	s4 =	spop (v2sf)  }
.Ltmp34:
0x72c: {  	s2 =	sadd.s32 $0x1, s2;
	p2 =	sgt.u32 s4, $0x4E17F;
	(pc) =	sbr.rel @p1 .LBB2_40-.Ltmp34, $4  }
0x72d: {  	s8 =	simm.s32 @!p2 $0x210;
	s7 =	sand.u32 @!p2 $0x7FFF8, s4;
	s9 =	sadd.s32 @!p2 $0x80, s4  }
0x72e: {  	s4 =	sand.u32 @!p2 $0x7, s4;
	s7 =	sadd.s32 @!p2 s5, s7;
	s9 =	sand.u32 @!p2 $0xFFFF8, s9  }
0x72f: {  	[hbm4b:s7+s4] =	stream.linear.scatter @!p2 [tilespmem:s6], [sflag:$0x5], $0x80, $0x38;
	[tilespmem:$0x1D958] =	vst v63  }
0x730: {  	s3 =	sadd.s32 s3, s8;
	s6 =	sadd.s32 @!p2 $0x80, s6;
	s7 =	sadd.s32 @!p2 s5, s9  }
.LBB2_41:
0x731: {  	[hbm4b:s7+s4] =	stream.linear.scatter @!p2 [tilespmem:s6], [sflag:$0x5], $0x4, $0x38;
	[tilespmem:$0x1D958] =	vst v63  }
0x732: {  	s0 =	sshrl.u32 s3, $0x2  }
.LBB2_42:
0x733: {  	s1 =	simm.s32 $0x5  }
0x734: {  	_ =	swait.ge [sflag:s1], s0  }
0x735: {  	s31 =	ssub.s32 $0x0, s0;
	[sflag:s1] =	ssyncset.done $0x0  }
0x736: {  	[sflag:s1] =	ssyncadd.s32 s31  }
0x737: {  	[sflag:s1] =	ssyncpa.u1 $0x1  }
.LBB2_43:
0x738: {  	s0 =	sor.u32 s15, s14  }
0x739: {  	p1 =	sne.s32 s0, $0x0  }
.Ltmp35:
0x73a: {  	_ = 	snop;
	(pc) =	sbr.rel @p1 .LBB2_58-.Ltmp35, $3  }
0x73b: {  	_ =	sdelay $0x1  }
0x73c: {  	[bflag:$0x0] =	sbarrier.arrive $0xFFFF  }
0x73d: {  	_ =	sfence  }
0x73e: {  	s0 =	simm.s32 $0x7  }
0x73f: {  	s1 =	simm.s32 $0x1200;
	s2 =	simm.s32 $0xA458;
	[sflag:s0] =	ssyncpa.u1 $0x0  }
0x740: {  	[tilespmem:s2], [sflag:$0x7] =	stream.linear.gather [spmem:s1], $0x20, $0x38;
	[tilespmem:$0x1D958] =	vst v63  }
0x741: {  	s30 =	simm.s32 $0xA478;
	s1 =	simm.s32 $0x0  }
0x742: {  	[tilespmem:s30], [sflag:$0x7] =	stream.linear.gather [spmem:s1], $0x1200, $0x38;
	[tilespmem:$0x1D958] =	vst v63  }
.Ltmp36:
0x743: {  	_ = 	snop;
	(pc) =	sbr.rel .LBB2_45-.Ltmp36, $4  }
0x744: {  	_ =	swait.ge [sflag:s0], $0x1220  }
0x745: {  	[sflag:s0] =	ssyncset.done $0x0  }
0x746: {  	s31 =	simm.s32 $0x8;
	[sflag:s0] =	ssyncadd.s32 $0xFFFFEDE0  }
0x747: {  	s2 =	simm.s32 $0x0;
	[sflag:s31] =	ssyncpa.u1 $0x0  }
.LBB2_51:
0x748: {  	p1 =	slt.u32 s0, $0x4E180  }
0x749: {  	s3 =	sand.u32 @p1 $0x7FFF8, s0;
	s4 =	sand.u32 @p1 $0x7, s0;
	s0 =	sadd.s32 @p1 $0x80, s0  }
0x74a: {  	s6 =	simm.s32 @p1 $0xA3B8;
	s3 =	sadd.s32 @p1 s5, s3;
	s0 =	sand.u32 @p1 $0xFFFF8, s0  }
0x74b: {  	[tilespmem:s6], [sflag:$0x8] =	stream.linear.gather @p1 [hbm4b:s3+s4], $0x80, $0x38;
	[tilespmem:$0x1D958] =	vst v63  }
0x74c: {  	s0 =	sadd.s32 @p1 s5, s0;
	s3 =	simm.s32 @p1 $0xA438  }
0x74d: {  	[tilespmem:s3], [sflag:$0x8] =	stream.linear.gather @p1 [hbm4b:s0+s4], $0x4, $0x38;
	[tilespmem:$0x1D958] =	vst v63  }
0x74e: {  	s0 =	simm.s32 @p1 $0x8  }
0x74f: {  	_ =	swait.ge @p1 [sflag:s0], $0x84  }
0x750: {  	[sflag:s0] =	ssyncset.done @p1 $0x0  }
0x751: {  	[sflag:s0] =	ssyncadd.s32 @p1 $0xFFFFFF7C  }
0x752: {  	v1 =	vld @p1 [tilespmem:$0xA3B8];
	_ =	sdelay $0x1  }
0x753: {  	s0 =	smul.u32 @p1 $0x240, s2;
	_ =	sdelay $0x1  }
0x754: {  	s3 =	sshra.s32 @p1 s0, $0x2  }
0x755: {  	[tilespmem:s3+$0xA478] =	vst.add.f32.msk @p1 $0xffff, v1  }
0x756: {  	v1 =	vld @p1 [tilespmem:$0xA3C8];
	_ =	sdelay $0x4  }
0x757: {  	[tilespmem:s3+$0xA488] =	vst.add.f32.msk @p1 $0xffff, v1  }
0x758: {  	v1 =	vld @p1 [tilespmem:$0xA3D8];
	_ =	sdelay $0x4  }
0x759: {  	[tilespmem:s3+$0xA498] =	vst.add.f32.msk @p1 $0xffff, v1  }
0x75a: {  	v1 =	vld @p1 [tilespmem:$0xA3E8];
	_ =	sdelay $0x4  }
0x75b: {  	[tilespmem:s3+$0xA4A8] =	vst.add.f32.msk @p1 $0xffff, v1  }
0x75c: {  	v1 =	vld @p1 [tilespmem:$0xA3F8];
	_ =	sdelay $0x4  }
0x75d: {  	[tilespmem:s3+$0xA4B8] =	vst.add.f32.msk @p1 $0xffff, v1  }
0x75e: {  	v1 =	vld @p1 [tilespmem:$0xA408];
	_ =	sdelay $0x4  }
0x75f: {  	[tilespmem:s3+$0xA4C8] =	vst.add.f32.msk @p1 $0xffff, v1  }
0x760: {  	v1 =	vld @p1 [tilespmem:$0xA418];
	_ =	sdelay $0x4  }
0x761: {  	[tilespmem:s3+$0xA4D8] =	vst.add.f32.msk @p1 $0xffff, v1  }
0x762: {  	v1 =	vld @p1 [tilespmem:$0xA428];
	_ =	sdelay $0x4  }
0x763: {  	[tilespmem:s3+$0xA4E8] =	vst.add.f32.msk @p1 $0xffff, v1  }
0x764: {  	v1 =	vld @p1 [tilespmem:$0xA438];
	_ =	sdelay $0x2  }
0x765: {  	s4 =	smul.u32 @!p1 $0x240, s2;
	_ =	sdelay $0x1  }
0x766: {  	s4 =	smov.u32 @p1 s0;
	[tilespmem:s3+$0xA4F8] =	vst.add.f32.msk @p1 $0xffff, v1  }
0x767: {  	s0 =	sshra.s32 s4, $0x2;
	[tilespmem:s1+$0xA458] =	vst.msk $0x1, v0  }
0x768: {  	v0 =	vld [tilespmem:s0+$0xA478];
	_ =	sdelay $0x1  }
0x769: {  	s31 =	smul.u32 $0x240, s1;
	_ =	sdelay $0x1  }
0x76a: {  	s3 =	sshra.s32 s31, $0x2  }
0x76b: {  	[tilespmem:s3+$0xA478] =	vst v0  }
0x76c: {  	v0 =	vld [tilespmem:s0+$0xA488];
	_ =	sdelay $0x4  }
0x76d: {  	[tilespmem:s3+$0xA488] =	vst v0  }
0x76e: {  	v0 =	vld [tilespmem:s0+$0xA498];
	_ =	sdelay $0x4  }
0x76f: {  	[tilespmem:s3+$0xA498] =	vst v0  }
0x770: {  	v0 =	vld [tilespmem:s0+$0xA4A8];
	_ =	sdelay $0x4  }
0x771: {  	[tilespmem:s3+$0xA4A8] =	vst v0  }
0x772: {  	v0 =	vld [tilespmem:s0+$0xA4B8];
	_ =	sdelay $0x4  }
0x773: {  	[tilespmem:s3+$0xA4B8] =	vst v0  }
0x774: {  	v0 =	vld [tilespmem:s0+$0xA4C8];
	_ =	sdelay $0x4  }
0x775: {  	[tilespmem:s3+$0xA4C8] =	vst v0  }
0x776: {  	v0 =	vld [tilespmem:s0+$0xA4D8];
	_ =	sdelay $0x4  }
0x777: {  	[tilespmem:s3+$0xA4D8] =	vst v0  }
0x778: {  	v0 =	vld [tilespmem:s0+$0xA4E8];
	_ =	sdelay $0x4  }
0x779: {  	[tilespmem:s3+$0xA4E8] =	vst v0  }
0x77a: {  	v0 =	vld [tilespmem:s0+$0xA4F8];
	_ =	sdelay $0x4  }
0x77b: {  	s1 =	sadd.s32 $0x1, s1;
	[tilespmem:s3+$0xA4F8] =	vst v0  }
.LBB2_52:
0x77c: {  	s2 =	sadd.s32 $0x1, s2  }
0x77d: {  	p1 =	sne.s32 s2, $0x20  }
.Ltmp37:
0x77e: {  	_ = 	snop;
	(pc) =	sbr.rel @!p1 .LBB2_53-.Ltmp37, $1  }
0x77f: {  	_ =	sdelay $0x3  }
.LBB2_45:
0x780: {  	v0 =	vld.msk [tilespmem:s2+$0xA458], $0x1;
	_ =	sdelay $0x4  }
0x781: {  	(v2sf) =	vpush v0, $0x0;
	_ =	sdelay $0xe  }
0x782: {  	s0 =	spop (v2sf)  }
0x783: {  	p1 =	seq.s32 s0, $0xFFFFFFFF  }
.Ltmp38:
0x784: {  	_ = 	snop;
	(pc) =	sbr.rel @p1 .LBB2_52-.Ltmp38, $1  }
0x785: {  	_ =	sdelay $0x3  }
0x786: {  	p1 =	slt.s32 s1, $0x1  }
.Ltmp39:
0x787: {  	_ = 	snop;
	(pc) =	sbr.rel @p1 .LBB2_51-.Ltmp39, $1  }
0x788: {  	_ =	sdelay $0x3  }
0x789: {  	s3 =	simm.s32 $0xA458;
	p1 =	por $0x0, $0x0  }
0x78a: {  	v1 =	vld.msk @!p1 [tilespmem:s3+$0x0], $0x1;
	_ =	sdelay $0x4  }
0x78b: {  	(v2sf) =	vpush @!p1 v1, $0x0;
	_ =	sdelay $0xd  }
0x78c: {  	p3 =	sne.s32 s1, $0x1  }
.Ltmp40:
0x78d: {  	s4 =	spop @!p1 (v2sf);
	(pc) =	sbr.rel @!p3 .LBB2_49-.Ltmp40, $4  }
0x78e: {  	p2 =	seq.s32 @!p1 s0, s4  }
0x78f: {  	s4 =	simm.s32 $0x0;
	p2 =	por !p2, p1  }
0x790: {  	s7 =	simm.s32 $0xFFFFFFFF;
	s4 =	simm.s32 @p2 $0xFFFFFFFF  }
0x791: {  	s6 =	simm.s32 $0x1;
	s4 =	smov.u32 @p1 s7  }
.LBB2_48:
0x792: {  	s7 =	smov.u32 s4;
	p1 =	sne.s32 s4, $0xFFFFFFFF  }
0x793: {  	s3 =	sadd.s32 $0x1, s3;
	s4 =	smov.u32 s6;
	s6 =	sadd.s32 $0x1, s6  }
0x794: {  	p2 =	sne.s32 s1, s6;
	v1 =	vld.msk @!p1 [tilespmem:s3+$0x0], $0x1;
	_ =	sdelay $0x4  }
0x795: {  	(v2sf) =	vpush @!p1 v1, $0x0;
	_ =	sdelay $0xe  }
.Ltmp41:
0x796: {  	s8 =	spop @!p1 (v2sf);
	(pc) =	sbr.rel @p2 .LBB2_48-.Ltmp41, $4  }
0x797: {  	p3 =	seq.s32 @!p1 s0, s8  }
0x798: {  	p3 =	por !p3, p1  }
0x799: {  	s4 =	simm.s32 @p3 $0xFFFFFFFF  }
0x79a: {  	s4 =	smov.u32 @p1 s7  }
.LBB2_49:
0x79b: {  	p1 =	seq.s32 s4, $0xFFFFFFFF  }
.Ltmp42:
0x79c: {  	_ = 	snop;
	(pc) =	sbr.rel @p1 .LBB2_51-.Ltmp42, $1  }
0x79d: {  	_ =	sdelay $0x3  }
0x79e: {  	s0 =	smul.u32 $0x240, s2;
	_ =	sdelay $0x1  }
0x79f: {  	s0 =	sshra.s32 s0, $0x2  }
0x7a0: {  	v0 =	vld [tilespmem:s0+$0xA478];
	_ =	sdelay $0x1  }
0x7a1: {  	s3 =	smul.u32 $0x240, s4;
	_ =	sdelay $0x1  }
0x7a2: {  	s3 =	sshra.s32 s3, $0x2  }
0x7a3: {  	[tilespmem:s3+$0xA478] =	vst.add.f32.msk $0xffff, v0  }
0x7a4: {  	v0 =	vld [tilespmem:s0+$0xA488];
	_ =	sdelay $0x4  }
0x7a5: {  	[tilespmem:s3+$0xA488] =	vst.add.f32.msk $0xffff, v0  }
0x7a6: {  	v0 =	vld [tilespmem:s0+$0xA498];
	_ =	sdelay $0x4  }
0x7a7: {  	[tilespmem:s3+$0xA498] =	vst.add.f32.msk $0xffff, v0  }
0x7a8: {  	v0 =	vld [tilespmem:s0+$0xA4A8];
	_ =	sdelay $0x4  }
0x7a9: {  	[tilespmem:s3+$0xA4A8] =	vst.add.f32.msk $0xffff, v0  }
0x7aa: {  	v0 =	vld [tilespmem:s0+$0xA4B8];
	_ =	sdelay $0x4  }
0x7ab: {  	[tilespmem:s3+$0xA4B8] =	vst.add.f32.msk $0xffff, v0  }
0x7ac: {  	v0 =	vld [tilespmem:s0+$0xA4C8];
	_ =	sdelay $0x4  }
0x7ad: {  	[tilespmem:s3+$0xA4C8] =	vst.add.f32.msk $0xffff, v0  }
0x7ae: {  	v0 =	vld [tilespmem:s0+$0xA4D8];
	_ =	sdelay $0x4  }
0x7af: {  	[tilespmem:s3+$0xA4D8] =	vst.add.f32.msk $0xffff, v0  }
0x7b0: {  	v0 =	vld [tilespmem:s0+$0xA4E8];
	_ =	sdelay $0x4  }
0x7b1: {  	[tilespmem:s3+$0xA4E8] =	vst.add.f32.msk $0xffff, v0  }
0x7b2: {  	v0 =	vld [tilespmem:s0+$0xA4F8]  }
.Ltmp43:
0x7b3: {  	_ = 	snop;
	(pc) =	sbr.rel .LBB2_52-.Ltmp43, $2  }
0x7b4: {  	_ =	sdelay $0x2  }
0x7b5: {  	[tilespmem:s3+$0xA4F8] =	vst.add.f32.msk $0xffff, v0  }
.LBB2_53:
0x7b6: {  	p1 =	slt.s32 s1, $0x1  }
.Ltmp44:
0x7b7: {  	_ = 	snop;
	(pc) =	sbr.rel @p1 .LBB2_57-.Ltmp44, $3  }
0x7b8: {  	_ =	sdelay $0x1  }
0x7b9: {  	s0 =	simm.s32 $0x8  }
0x7ba: {  	s3 =	simm.s32 $0x0;
	[sflag:s0] =	ssyncpa.u1 $0x1  }
0x7bb: {  	s0 =	simm.s32 $0xA458  }
0x7bc: {  	v0 =	vld.msk [tilespmem:s0+$0x0], $0x1;
	_ =	sdelay $0x4  }
0x7bd: {  	(v2sf) =	vpush v0, $0x0;
	_ =	sdelay $0xe  }
0x7be: {  	s0 =	sadd.s32 $0xFFFFFFFF, s1;
	s2 =	spop (v2sf)  }
0x7bf: {  	s6 =	simm.s32 $0xA478;
	p1 =	sne.s32 s0, $0x0;
	p2 =	sgt.u32 s2, $0x4E17F  }
.Ltmp45:
0x7c0: {  	s1 =	simm.s32 $0xA508;
	s4 =	sand.u32 @!p2 $0x7FFF8, s2;
	(pc) =	sbr.rel @!p1 .LBB2_56-.Ltmp45, $4  }
0x7c1: {  	s7 =	sadd.s32 @!p2 $0x80, s2;
	s3 =	simm.s32 @!p2 $0x210;
	s8 =	sadd.s32 @!p2 s5, s4  }
0x7c2: {  	s4 =	sand.u32 @!p2 $0x7, s2;
	s2 =	simm.s32 $0xA459;
	s7 =	sand.u32 @!p2 $0xFFFF8, s7  }
0x7c3: {  	[hbm4b:s8+s4] =	stream.linear.scatter @!p2 [tilespmem:s6], [sflag:$0x7], $0x80, $0x38;
	[tilespmem:$0x1D958] =	vst v63  }
0x7c4: {  	s3 =	sadd.s32 $0x0, s3;
	s6 =	simm.s32 @!p2 $0xA4F8;
	s7 =	sadd.s32 @!p2 s5, s7  }
.LBB2_55:
0x7c5: {  	[hbm4b:s7+s4] =	stream.linear.scatter @!p2 [tilespmem:s6], [sflag:$0x7], $0x4, $0x38;
	[tilespmem:$0x1D958] =	vst v63  }
0x7c6: {  	s0 =	sadd.s32 $0xFFFFFFFF, s0;
	s6 =	smov.u32 s1;
	v0 =	vld.msk [tilespmem:s2+$0x0], $0x1  }
0x7c7: {  	p1 =	sne.s32 s0, $0x0;
	_ =	sdelay $0x3  }
0x7c8: {  	(v2sf) =	vpush v0, $0x0;
	_ =	sdelay $0xe  }
0x7c9: {  	s1 =	sadd.s32 $0x90, s1;
	s8 =	simm.s32 $0x0;
	s4 =	spop (v2sf)  }
.Ltmp46:
0x7ca: {  	s2 =	sadd.s32 $0x1, s2;
	p2 =	sgt.u32 s4, $0x4E17F;
	(pc) =	sbr.rel @p1 .LBB2_55-.Ltmp46, $4  }
0x7cb: {  	s8 =	simm.s32 @!p2 $0x210;
	s7 =	sand.u32 @!p2 $0x7FFF8, s4;
	s9 =	sadd.s32 @!p2 $0x80, s4  }
0x7cc: {  	s4 =	sand.u32 @!p2 $0x7, s4;
	s7 =	sadd.s32 @!p2 s5, s7;
	s9 =	sand.u32 @!p2 $0xFFFF8, s9  }
0x7cd: {  	[hbm4b:s7+s4] =	stream.linear.scatter @!p2 [tilespmem:s6], [sflag:$0x7], $0x80, $0x38;
	[tilespmem:$0x1D958] =	vst v63  }
0x7ce: {  	s3 =	sadd.s32 s3, s8;
	s6 =	sadd.s32 @!p2 $0x80, s6;
	s7 =	sadd.s32 @!p2 s5, s9  }
.LBB2_56:
0x7cf: {  	[hbm4b:s7+s4] =	stream.linear.scatter @!p2 [tilespmem:s6], [sflag:$0x7], $0x4, $0x38;
	[tilespmem:$0x1D958] =	vst v63  }
0x7d0: {  	s3 =	sshrl.u32 s3, $0x2  }
.LBB2_57:
0x7d1: {  	s0 =	simm.s32 $0x7  }
0x7d2: {  	_ =	swait.ge [sflag:s0], s3  }
0x7d3: {  	s1 =	ssub.s32 $0x0, s3;
	[sflag:s0] =	ssyncset.done $0x0  }
0x7d4: {  	[sflag:s0] =	ssyncadd.s32 s1  }
0x7d5: {  	[sflag:s0] =	ssyncpa.u1 $0x1  }
.LBB2_58:
0x7d6: {  	_ =	sfence;
	s0 =	simm.s32 $0x1  }
0x7d7: {  	[sflag:s0] =	ssyncpa.u1 $0x1  }
0x7d8: {  	_ =	strace $0x90000053  }
0x7d9: {  	[bflag:$0x2] =	sbarrier.arrive $0xFFFF  }
0x7da: {  	s0 =	rddreg [dreg:$0x3]  }
0x7db: {  	s0 =	sadd.s32 @!p0 $0x100000, s0  }
0x7dc: {  	[sflag:s0] =	ssyncadd.tile.s32 @!p0 $0x1;
	_ =	shalt  }
.Lfunc_end2:
_tile_overlayer_lowered:
.L_overlay_start_2:
0x7dd: {  	(tag) =	ssettag $0x2  }
0x7de: {  	s0 =	rddreg [dreg:$0x0];
	s2 =	stileid.u32  }
0x7df: {  	s1 =	rddreg [dreg:$0x1];
	p0 =	sne.s32 s2, $0x0  }
0x7e0: {  	s3 =	rddreg [dreg:$0x2];
	[bflag:$0x3] =	sbarrier.arrive $0xFFFF;
	s2 =	simm.s32 @!p0 $0x1C01  }
0x7e1: {  	[timem:s3], [sflag:s2] =	dma.local @!p0 [hbm:s0], s1  }
0x7e2: {  	s0 =	simm.s32 @!p0 $0x1  }
0x7e3: {  	_ =	swait.ge @!p0 [sflag:s0], s1  }
0x7e4: {  	s1 =	ssub.s32 @!p0 $0x0, s1;
	[sflag:s0] =	ssyncset.done @!p0 $0x0  }
0x7e5: {  	[sflag:s0] =	ssyncadd.s32 @!p0 s1  }
0x7e6: {  	[bflag:$0x3] =	sbarrier.arrive $0xFFFF  }
0x7e7: {  	_ =	shalt  }

// kernel: sparse-core-data-format-call.1.cloned.1.call-start
scs
called_computation.3_lowered:
.L_overlay_start_0:
0x0: {  	s1 =	sld [smem:$0x3FD9]  }
0x1: {  	s2 =	sld [smem:$0x3FFE];
	_ =	sdelay $0x1  }
0x2: {  	s3 =	srdreg.scid  }
0x3: {  	s0 =	sand.u32 $0x1, s3  }
0x4: {  	s17 =	sshll.u32 s0, $0xA;
	s1 =	sadd.s32 s2, s1  }
0x5: {  	s1 =	sadd.s32 s1, s17  }
0x6: {  	[smem:$0x3FB7] =	sst s1  }
0x7: {  	_ = 	snop  }
0x8: {  	(tm) =	ssettm $0x1  }
0x9: {  	s18 =	sld [smem:$0x3FFB];
	_ =	sdelay $0x3  }
0xa: {  	_ =	strace s18  }
0xb: {  	s1 =	sld [smem:$0x3FFC];
	_ =	sdelay $0x3  }
0xc: {  	_ =	strace s1  }
0xd: {  	s1 =	sld [smem:$0x3FFD];
	_ =	sdelay $0x3  }
0xe: {  	_ =	strace s1  }
0xf: {  	_ =	strace $0x8FFFFFFF  }
0x10: {  	s19 =	sld [smem:$0x3FDB];
	_ =	sdelay $0x1  }
0x11: {  	s20 =	simm.s32 $_scs_section_size  }
0x12: {  	s4 =	simm.s32 $_size__tile_overlayer_lowered;
	s5 =	simm.s32 $_tile_overlayer_lowered  }
0x13: {  	s23 =	simm.s32 $0x1BFF;
	s22 =	sshll.u32 s5, $0x1;
	s1 =	sadd.s32 s20, s19  }
0x14: {  	s6 =	simm.s32 $0x0;
	s21 =	sshll.u32 s4, $0x1;
	s4 =	sadd.s32 s22, s1  }
0x15: {  	[timem:s6], [sflag:s23] =	dma.local [hbm:s4], s21  }
0x16: {  	_ =	swait.ge [sflag:s23], s21  }
0x17: {  	s2 =	ssub.s32 $0x0, s21;
	[sflag:s23] =	ssyncset.done $0x0  }
0x18: {  	[sflag:s23] =	ssyncadd.s32 s2;
	_ =	sdelay $0x1  }
0x19: {  	s24 =	simm.s32 $0x1B8B  }
0x1a: {  	_ =	swait.ge [sflag:s24], $0x1  }
0x1b: {  	[sflag:s24] =	ssyncset.done $0x0  }
0x1c: {  	s26 =	simm.s32 $0x1B8E;
	s25 =	sld [smem:$0x3FFE];
	[sflag:s24] =	ssyncadd.s32 $0xFFFFFFFF  }
0x1d: {  	s27 =	simm.s32 $execute0_lowered;
	[smem:$0x3FD2] =	sst s26  }
0x1e: {  	s4 =	sshll.u32 s27, $0x1;
	_ =	strace $0x80000055;
	[dreg:$0x1] =	wrdreg $0xFFFFFFFF  }
0x1f: {  	s28 =	simm.s32 $_size_execute0_lowered;
	s1 =	sadd.s32 s1, s4;
	[dreg:$0x0] =	wrdreg $0x0  }
0x20: {  	s4 =	sshll.u32 s28, $0x1;
	[dreg:$0x2] =	wrdreg s1  }
0x21: {  	[dreg:$0x3] =	wrdreg s4  }
0x22: {  	[dreg:$0x4] =	wrdreg $0xC0  }
0x23: {  	_ =	task [dreg:s6], $0x5FFFF  }
0x24: {  	[dreg:$0x1] =	wrdreg $0xFFFFFFFF  }
0x25: {  	[dreg:$0x0] =	wrdreg $0x60  }
0x26: {  	[dreg:$0x2] =	wrdreg s25  }
0x27: {  	[dreg:$0x3] =	wrdreg $0x9  }
0x28: {  	_ =	task.clear_ibuf [dreg:s6], $0x4FFFF;
	_ =	strace $0x90000055  }
0x29: {  	s29 =	simm.s32 $0x9;
	_ =	strace $0x80000057  }
0x2a: {  	_ =	swait.ge [sflag:s29], $0x1  }
0x2b: {  	[sflag:s29] =	ssyncadd.s32 $0xFFFFFFFF  }
0x2c: {  	_ =	strace $0x90000057  }
0x2d: {  	_ =	sfence  }
0x2e: {  	s30 =	sld [smem:$0x0];
	_ =	sdelay $0x2  }
0x2f: {  	s31 =	sshll.u32 s3, $0xD;
	s3 =	sshrl.u32 s3, $0x2  }
0x30: {  	s2 =	sand.u32 $0x4000, s31;
	s1 =	sadd.s32 s3, s30  }
0x31: {  	s0 =	sor.u32 s2, s0;
	s1 =	sshll.u32 s1, $0x11  }
0x32: {  	s0 =	sor.u32 s1, s0  }
0x33: {  	s0 =	sadd.s32 $0x8F2B, s0  }
0x34: {  	[sflag:s0] =	ssyncadd.remote.s32 $0x1  }
0x35: {  	_ =	sfence.sel $0xFFFF  }
0x36: {  	[dreg:$0x0] =	wrdreg $0xFFFFFFFF;
	(pc) =	sbr.abs _section_cstart, $3  }
0x37: {  	[dreg:$0x1] =	wrdreg $0xFFFFFFFF  }
0x38: {  	_ =	task.clear_ibuf [dreg:s6], $0x2FFFF;
	_ =	strace $0x9FFFFFFF  }
0x39: {  	(tm) =	ssettm $0x7FFFFFFF  }
tec
execute0_lowered:
.L_overlay_start_1:
0x0: {  	(tag) =	ssettag $0x1  }
0x1: {  	s7 =	rddreg [dreg:$0x0]  }
0x2: {  	s0 =	rddreg [dreg:$0x1];
	s1 =	stileid.u32  }
0x3: {  	s3 =	srdreg.scid;
	_ =	strace $0x80000056;
	s9 =	simm.s32 $0x1  }
0x4: {  	s31 =	simm.s32 $0x2;
	s14 =	simm.s32 $0x0;
	s13 =	simm.s32 $0x0  }
0x5: {  	s12 =	simm.s32 $0x0;
	s2 =	sshll.u32 s1, $0x7;
	s4 =	sshll.u32 s3, $0x7  }
0x6: {  	s3 =	sadd.s32 $0x5C000, s7;
	s4 =	sand.u32 $0x80, s4;
	s5 =	ssub.s32 $0x27100, s2  }
0x7: {  	s6 =	sshrl.u32 s5, $0xB;
	s5 =	sand.u32 $0x780, s5;
	s8 =	ssub.s32 $0x100, s4  }
0x8: {  	p0 =	sne.s32 s5, $0x0;
	s30 =	sshrl.u32 s8, $0x7;
	s8 =	sshrl.u32 s8, $0x8  }
.Ltmp0:
0x9: {  	s9 =	simm.s32 @!p0 $0x0;
	s10 =	sand.u32 $0x1, s30;
	(pc) =	sbr.rel .LBB1_1-.Ltmp0, $4  }
0xa: {  	s5 =	simm.s32 $0x1;
	s6 =	sadd.s32 s9, s6;
	s8 =	sadd.s32 s8, s10  }
0xb: {  	s7 =	sadd.s32 $0xF3B400, s7;
	[sflag:s5] =	ssyncpa.u1 $0x0;
	s6 =	smul.u32 s6, s8  }
0xc: {  	s11 =	smov.u32 s2;
	p0 =	por $0x0, $0x0;
	[sflag:s31] =	ssyncpa.u1 $0x0  }
0xd: {  	s10 =	simm.s32 $0x138800;
	s8 =	sshll.u32 s4, $0x3;
	s9 =	sadd.s32 $0x1, s6  }
.LBB1_4:
0xe: {  	s14 =	sshrl.u32 s14, $0x3  }
0xf: {  	s20 =	sshll.u32 s13, $0x3;
	s14 =	smul.u32 $0x138800, s14  }
0x10: {  	v5 =	vld [tilespmem:s18+$0xFFFFFFD0];
	[tilespmem:s17+$0x2040 ss:$0x81] =	vst.msk $0xffff, v4;
	s20 =	sand.u32 $0xFFFFFC00, s20  }
0x11: {  	v58 =	vld [tilespmem:s18+$0xFFFFFFE0];
	[tilespmem:s17+$0x2850 ss:$0x81] =	vst.msk $0xffff, v3;
	s30 =	sand.u32 $0x7F, s13;
	s14 =	sadd.s32 s20, s14  }
0x12: {  	s19 =	sshra.s32 s19, $0x2;
	v59 =	vld [tilespmem:s18+$0xFFFFFFF0];
	[tilespmem:s17+$0x3060 ss:$0x81] =	vst.msk $0xffff, v2;
	s13 =	sor.u32 s30, s14  }
0x13: {  	v60 =	vld [tilespmem:s18+$0x0];
	[tilespmem:s17+$0x0 ss:$0x81] =	vst.msk $0xffff, v0;
	s16 =	sadd.s32 s19, s16;
	s31 =	smulhi.u32 $0xD1B71759, s13  }
0x14: {  	v61 =	vld [tilespmem:s18+$0x10];
	[tilespmem:s16+$0x3870 ss:$0x81] =	vst.msk $0xffff, v1  }
0x15: {  	v62 =	vld [tilespmem:s18+$0x20];
	s14 =	smulhi.u32 $0xD1B71759, s14;
	[tilespmem:s16+$0x810 ss:$0x81] =	vst.msk $0xffff, v5;
	s17 =	sshrl.u32 s31, $0x11  }
0x16: {  	v63 =	vld [tilespmem:s18+$0xFFFFFFC0];
	[tilespmem:s16+$0x1020 ss:$0x81] =	vst.msk $0xffff, v58;
	s17 =	smul.u32 $0x27100, s17  }
0x17: {  	[tilespmem:s16+$0x1830 ss:$0x81] =	vst.msk $0xffff, v59;
	s14 =	sshrl.u32 s14, $0x11  }
0x18: {  	[tilespmem:s16+$0x2040 ss:$0x81] =	vst.msk $0xffff, v60;
	s14 =	sand.u32 $0xFF, s14;
	s13 =	ssub.s32 s13, s17  }
0x19: {  	[tilespmem:s16+$0x2850 ss:$0x81] =	vst.msk $0xffff, v61;
	s14 =	smul.u32 $0x4E20, s14;
	s17 =	sshrl.u32 s13, $0x3;
	s13 =	sand.u32 $0x7, s13  }
0x1a: {  	[tilespmem:s16+$0x3060 ss:$0x81] =	vst.msk $0xffff, v62;
	s17 =	sadd.s32 s7, s17;
	s13 =	sshll.u32 s13, $0x12  }
0x1b: {  	[tilespmem:s16+$0x0 ss:$0x81] =	vst.msk $0xffff, v63;
	s14 =	sadd.s32 s14, s17;
	s13 =	sor.u32 $0x400, s13  }
0x1c: {  	[hbm4b:s14+s13] =	stream.strided.scatter [tilespmem:s15], [sflag:$0x2], $0x4000, s10, s13, $0x20;
	[tilespmem:$0x10100] =	vst v63  }
.LBB1_5:
0x1d: {  	s15 =	sadd.s32 $0x800, s11  }
0x1e: {  	p2 =	sgt.s32 s15, $0x270FF  }
0x1f: {  	s15 =	smov.u32 @p2 s2;
	p2 =	sne.s32 s12, s9  }
.Ltmp1:
0x20: {  	p1 =	slt.u32 s12, $0x2;
	(pc) =	sbr.rel @!p2 .LBB1_6-.Ltmp1, $4  }
0x21: {  	s14 =	simm.s32 @!p1 $0x2  }
0x22: {  	s16 =	sadd.s32 $0x1, s12;
	s13 =	smov.u32 s11;
	_ =	swait.ge @!p1 [sflag:s14], $0x4000  }
0x23: {  	p0 =	por !p0, !p0;
	s12 =	smov.u32 s16;
	[sflag:s14] =	ssyncset.done @!p1 $0x0  }
0x24: {  	s11 =	smov.u32 s15;
	[sflag:s14] =	ssyncadd.s32 @!p1 $0xFFFFC000;
	s14 =	smov.u32 s4  }
.LBB1_1:
0x25: {  	p1 =	sge.u32 s12, s6  }
0x26: {  	s15 =	sshll.u32 @!p1 s11, $0x8  }
0x27: {  	s16 =	sshll.u32 @!p1 s11, $0x7;
	s15 =	sand.u32 @!p1 $0xFFFFF800, s15  }
0x28: {  	s16 =	sand.u32 @!p1 $0x300, s16;
	s15 =	sor.u32 @!p1 s8, s15  }
0x29: {  	s15 =	sor.u32 @!p1 s16, s15  }
0x2a: {  	s15 =	sshrl.u32 @!p1 s15, $0x8  }
0x2b: {  	s16 =	smulhi.u32 @!p1 $0x1A36E3, s15;
	_ =	sdelay $0x1  }
0x2c: {  	s16 =	sshrl.u32 @!p1 s16, $0x6  }
0x2d: {  	s16 =	smul.u32 @!p1 $0x27100, s16  }
0x2e: {  	s31 =	sadd.s32 $0xFFFFFFFF, s12;
	s17 =	sxor.u32 @!p1 $0xFFFFFFFF, s12;
	s18 =	sshll.u32 @!p1 s11, $0x4  }
0x2f: {  	s17 =	sshll.u32 @!p1 s17, $0xE;
	s15 =	ssub.s32 @!p1 s15, s16;
	s16 =	sand.u32 @!p1 $0x10, s18  }
0x30: {  	s17 =	sand.u32 @!p1 $0x4000, s17;
	s15 =	sshll.u32 @!p1 s15, $0x5;
	s16 =	sadd.s32 @!p1 s3, s16  }
0x31: {  	s18 =	simm.s32 @!p1 $0x800;
	s15 =	sadd.s32 @!p1 s15, s16;
	s16 =	simm.s32 @!p1 $0x400  }
0x32: {  	[tilespmem:s17], [sflag:$0x1] =	stream.strided.gather @!p1 [hbm4b:s15+s16], $0x4000, s18, s16, $0x38;
	[tilespmem:$0x10100] =	vst v63  }
0x33: {  	p1 =	sge.u32 s31, s6  }
.Ltmp2:
0x34: {  	_ = 	snop;
	(pc) =	sbr.rel @p1 .LBB1_5-.Ltmp2, $1  }
0x35: {  	_ =	sdelay $0x3  }
0x36: {  	s15 =	simm.s32 $0x1  }
0x37: {  	_ =	swait.ge [sflag:s5], $0x4000;
	s15 =	simm.s32 @!p0 $0x0  }
0x38: {  	[sflag:s5] =	ssyncset.done $0x0;
	s16 =	sshll.u32 s15, $0xE  }
0x39: {  	[sflag:s5] =	ssyncadd.s32 $0xFFFFC000;
	s18 =	sor.u32 $0x40, s16  }
0x3a: {  	s15 =	smul.u32 $0x10200, s15;
	v0 =	vld [tilespmem:s18+$0x30]  }
0x3b: {  	v1 =	vld [tilespmem:s18+$0xFFFFFFD0]  }
0x3c: {  	s15 =	sshrl.u32 s15, $0x2;
	v5 =	vld [tilespmem:s18+$0xFFFFFFE0]  }
0x3d: {  	v6 =	vld [tilespmem:s18+$0xFFFFFFF0];
	s16 =	sor.u32 $0x8000, s15  }
0x3e: {  	s31 =	sand.u32 $0x1, s12;
	v4 =	vld [tilespmem:s18+$0x0];
	s17 =	sadd.s32 $0x0, s16  }
0x3f: {  	v3 =	vld [tilespmem:s18+$0x10];
	s15 =	smul.u32 $0x10200, s31;
	[tilespmem:s17+$0x3870 ss:$0x81] =	vst.msk $0xffff, v0  }
0x40: {  	v2 =	vld [tilespmem:s18+$0x20];
	[tilespmem:s17+$0x810 ss:$0x81] =	vst.msk $0xffff, v1  }
0x41: {  	s15 =	sshrl.u32 s15, $0x2;
	v0 =	vld [tilespmem:s18+$0xFFFFFFC0];
	[tilespmem:s17+$0x1020 ss:$0x81] =	vst.msk $0xffff, v5;
	s18 =	sadd.s32 $0x80, s18  }
0x42: {  	s19 =	simm.s32 $0x4;
	s20 =	simm.s32 $0x8;
	s15 =	sor.u32 $0x8000, s15;
	[tilespmem:s17+$0x1830 ss:$0x81] =	vst.msk $0xffff, v6;
	v1 =	vld [tilespmem:s18+$0x30]  }
.LBB1_3:
0x43: {  	p1 =	sne.s32 s20, $0x1FC;
	v5 =	vld [tilespmem:s18+$0xFFFFFFD0];
	[tilespmem:s17+$0x2040 ss:$0x81] =	vst.msk $0xffff, v4  }
0x44: {  	v6 =	vld [tilespmem:s18+$0xFFFFFFE0];
	[tilespmem:s17+$0x2850 ss:$0x81] =	vst.msk $0xffff, v3  }
0x45: {  	s21 =	sshra.s32 s19, $0x2;
	s19 =	smov.u32 s20;
	v7 =	vld [tilespmem:s18+$0xFFFFFFF0];
	[tilespmem:s17+$0x3060 ss:$0x81] =	vst.msk $0xffff, v2  }
.Ltmp3:
0x46: {  	v4 =	vld [tilespmem:s18+$0x0];
	[tilespmem:s17+$0x0 ss:$0x81] =	vst.msk $0xffff, v0;
	s17 =	sadd.s32 s21, s16;
	(pc) =	sbr.rel @p1 .LBB1_3-.Ltmp3, $4  }
0x47: {  	v3 =	vld [tilespmem:s18+$0x10];
	[tilespmem:s17+$0x3870 ss:$0x81] =	vst.msk $0xffff, v1  }
0x48: {  	[tilespmem:s17+$0x810 ss:$0x81] =	vst.msk $0xffff, v5;
	v2 =	vld [tilespmem:s18+$0x20]  }
0x49: {  	v0 =	vld [tilespmem:s18+$0xFFFFFFC0];
	[tilespmem:s17+$0x1020 ss:$0x81] =	vst.msk $0xffff, v6;
	s18 =	sadd.s32 $0x80, s18  }
0x4a: {  	s20 =	sadd.s32 $0x4, s20;
	v1 =	vld [tilespmem:s18+$0x30];
	[tilespmem:s17+$0x1830 ss:$0x81] =	vst.msk $0xffff, v7  }
.Ltmp4:
0x4b: {  	_ = 	snop;
	(pc) =	sbr.rel .LBB1_4-.Ltmp4, $1  }
0x4c: {  	_ =	sdelay $0x3  }
.LBB1_6:
0x4d: {  	_ =	sfence.sel $0x180000  }
0x4e: {  	s2 =	simm.s32 $0x1;
	[bflag:$0x0] =	sbarrier.arrive $0xFFFF  }
0x4f: {  	s31 =	simm.s32 $0x2;
	[sflag:s2] =	ssyncpa.u1 $0x1  }
0x50: {  	[sflag:s31] =	ssyncpa.u1 $0x1  }
0x51: {  	p0 =	sne.s32 s1, $0x0;
	_ =	strace $0x90000056  }
0x52: {  	s0 =	sadd.s32 @!p0 $0x100000, s0;
	[bflag:$0x2] =	sbarrier.arrive $0xFFFF  }
0x53: {  	[sflag:s0] =	ssyncadd.tile.s32 @!p0 $0x1;
	_ =	shalt  }
.Lfunc_end1:
_tile_overlayer_lowered:
.L_overlay_start_2:
0x54: {  	(tag) =	ssettag $0x2  }
0x55: {  	s0 =	rddreg [dreg:$0x0];
	s2 =	stileid.u32  }
0x56: {  	s1 =	rddreg [dreg:$0x1];
	p0 =	sne.s32 s2, $0x0  }
0x57: {  	s3 =	rddreg [dreg:$0x2];
	[bflag:$0x3] =	sbarrier.arrive $0xFFFF;
	s2 =	simm.s32 @!p0 $0x1C01  }
0x58: {  	[timem:s3], [sflag:s2] =	dma.local @!p0 [hbm:s0], s1  }
0x59: {  	s0 =	simm.s32 @!p0 $0x1  }
0x5a: {  	_ =	swait.ge @!p0 [sflag:s0], s1  }
0x5b: {  	s1 =	ssub.s32 @!p0 $0x0, s1;
	[sflag:s0] =	ssyncset.done @!p0 $0x0  }
0x5c: {  	[sflag:s0] =	ssyncadd.s32 @!p0 s1  }
0x5d: {  	[bflag:$0x3] =	sbarrier.arrive $0xFFFF  }
0x5e: {  	_ =	shalt  }

// kernel: sparse-core-data-format-call.2.cloned.1.call-start
scs
called_computation.4_lowered:
.L_overlay_start_0:
0x0: {  	s1 =	sld [smem:$0x3FD9]  }
0x1: {  	s2 =	sld [smem:$0x3FFE];
	_ =	sdelay $0x1  }
0x2: {  	s3 =	srdreg.scid  }
0x3: {  	s0 =	sand.u32 $0x1, s3  }
0x4: {  	s17 =	sshll.u32 s0, $0xA;
	s1 =	sadd.s32 s2, s1  }
0x5: {  	s1 =	sadd.s32 s1, s17  }
0x6: {  	[smem:$0x3FB7] =	sst s1  }
0x7: {  	_ = 	snop  }
0x8: {  	(tm) =	ssettm $0x1  }
0x9: {  	s18 =	sld [smem:$0x3FFB];
	_ =	sdelay $0x3  }
0xa: {  	_ =	strace s18  }
0xb: {  	s1 =	sld [smem:$0x3FFC];
	_ =	sdelay $0x3  }
0xc: {  	_ =	strace s1  }
0xd: {  	s1 =	sld [smem:$0x3FFD];
	_ =	sdelay $0x3  }
0xe: {  	_ =	strace s1  }
0xf: {  	_ =	strace $0x8FFFFFFF  }
0x10: {  	s19 =	sld [smem:$0x3FDB];
	_ =	sdelay $0x1  }
0x11: {  	s20 =	simm.s32 $_scs_section_size  }
0x12: {  	s4 =	simm.s32 $_size__tile_overlayer_lowered;
	s5 =	simm.s32 $_tile_overlayer_lowered  }
0x13: {  	s23 =	simm.s32 $0x1BFF;
	s22 =	sshll.u32 s5, $0x1;
	s1 =	sadd.s32 s20, s19  }
0x14: {  	s6 =	simm.s32 $0x0;
	s21 =	sshll.u32 s4, $0x1;
	s4 =	sadd.s32 s22, s1  }
0x15: {  	[timem:s6], [sflag:s23] =	dma.local [hbm:s4], s21  }
0x16: {  	_ =	swait.ge [sflag:s23], s21  }
0x17: {  	s2 =	ssub.s32 $0x0, s21;
	[sflag:s23] =	ssyncset.done $0x0  }
0x18: {  	[sflag:s23] =	ssyncadd.s32 s2;
	_ =	sdelay $0x1  }
0x19: {  	s24 =	simm.s32 $0x1B8B  }
0x1a: {  	_ =	swait.ge [sflag:s24], $0x1  }
0x1b: {  	[sflag:s24] =	ssyncset.done $0x0  }
0x1c: {  	s26 =	simm.s32 $0x1B8E;
	s25 =	sld [smem:$0x3FFE];
	[sflag:s24] =	ssyncadd.s32 $0xFFFFFFFF  }
0x1d: {  	s27 =	simm.s32 $execute0_lowered;
	[smem:$0x3FD2] =	sst s26  }
0x1e: {  	s4 =	sshll.u32 s27, $0x1;
	_ =	strace $0x8000004F;
	[dreg:$0x1] =	wrdreg $0xFFFFFFFF  }
0x1f: {  	s28 =	simm.s32 $_size_execute0_lowered;
	s1 =	sadd.s32 s1, s4;
	[dreg:$0x0] =	wrdreg $0x0  }
0x20: {  	s4 =	sshll.u32 s28, $0x1;
	[dreg:$0x2] =	wrdreg s1  }
0x21: {  	[dreg:$0x3] =	wrdreg s4  }
0x22: {  	[dreg:$0x4] =	wrdreg $0xC0  }
0x23: {  	_ =	task [dreg:s6], $0x5FFFF  }
0x24: {  	[dreg:$0x1] =	wrdreg $0xFFFFFFFF  }
0x25: {  	[dreg:$0x0] =	wrdreg $0x60  }
0x26: {  	[dreg:$0x2] =	wrdreg s25  }
0x27: {  	[dreg:$0x3] =	wrdreg $0x9  }
0x28: {  	_ =	task.clear_ibuf [dreg:s6], $0x4FFFF;
	_ =	strace $0x9000004F  }
0x29: {  	s29 =	simm.s32 $0x9;
	_ =	strace $0x80000051  }
0x2a: {  	_ =	swait.ge [sflag:s29], $0x1  }
0x2b: {  	[sflag:s29] =	ssyncadd.s32 $0xFFFFFFFF  }
0x2c: {  	_ =	strace $0x90000051  }
0x2d: {  	_ =	sfence  }
0x2e: {  	s30 =	sld [smem:$0x0];
	_ =	sdelay $0x2  }
0x2f: {  	s31 =	sshll.u32 s3, $0xD;
	s3 =	sshrl.u32 s3, $0x2  }
0x30: {  	s2 =	sand.u32 $0x4000, s31;
	s1 =	sadd.s32 s3, s30  }
0x31: {  	s0 =	sor.u32 s2, s0;
	s1 =	sshll.u32 s1, $0x11  }
0x32: {  	s0 =	sor.u32 s1, s0  }
0x33: {  	s0 =	sadd.s32 $0x8F2B, s0  }
0x34: {  	[sflag:s0] =	ssyncadd.remote.s32 $0x1  }
0x35: {  	_ =	sfence.sel $0xFFFF  }
0x36: {  	[dreg:$0x0] =	wrdreg $0xFFFFFFFF;
	(pc) =	sbr.abs _section_cstart, $3  }
0x37: {  	[dreg:$0x1] =	wrdreg $0xFFFFFFFF  }
0x38: {  	_ =	task.clear_ibuf [dreg:s6], $0x2FFFF;
	_ =	strace $0x9FFFFFFF  }
0x39: {  	(tm) =	ssettm $0x7FFFFFFF  }
tec
execute0_lowered:
.L_overlay_start_1:
0x0: {  	(tag) =	ssettag $0x1  }
0x1: {  	s0 =	srdreg.scid  }
0x2: {  	s5 =	rddreg [dreg:$0x0];
	s1 =	sshll.u32 s0, $0x4  }
0x3: {  	s4 =	simm.s32 $0x1;
	s0 =	stileid.u32;
	s1 =	sand.u32 $0x10, s1  }
0x4: {  	s8 =	simm.s32 $0x2;
	s12 =	simm.s32 $0x0;
	s2 =	sor.u32 s0, s1  }
0x5: {  	s11 =	simm.s32 $0x0;
	s9 =	simm.s32 $0x0;
	s2 =	sshll.u32 s2, $0x7  }
0x6: {  	s10 =	simm.s32 $0x0;
	s3 =	sadd.s32 $0x577400, s5;
	s6 =	ssub.s32 $0x27100, s2  }
.Ltmp0:
0x7: {  	s1 =	rddreg [dreg:$0x1];
	s7 =	sand.u32 $0xF80, s6;
	(pc) =	sbr.rel .LBB1_1-.Ltmp0, $4  }
0x8: {  	_ =	strace $0x80000050;
	p0 =	sne.s32 s7, $0x0;
	s7 =	simm.s32 $0x1  }
0x9: {  	[sflag:s4] =	ssyncpa.u1 $0x0;
	s6 =	sshrl.u32 s6, $0xC;
	s7 =	simm.s32 @!p0 $0x0  }
0xa: {  	s5 =	sadd.s32 $0xCCA400, s5;
	[sflag:s8] =	ssyncpa.u1 $0x0;
	s6 =	sadd.s32 s7, s6  }
0xb: {  	s8 =	smov.u32 s2;
	p0 =	por $0x0, $0x0;
	s7 =	sadd.s32 $0x1, s6  }
.LBB1_4:
0xc: {  	s12 =	sshll.u32 s12, $0x7;
	s18 =	sshll.u32 s11, $0x3  }
0xd: {  	v5 =	vld [tilespmem:s16+$0xFFFFFFD0];
	[tilespmem:s15+$0x2040 ss:$0x81] =	vst.msk $0xffff, v4;
	s19 =	sand.u32 $0xFFFFFC00, s12;
	s18 =	sand.u32 $0xFFFFFC00, s18  }
0xe: {  	v58 =	vld [tilespmem:s16+$0xFFFFFFE0];
	[tilespmem:s15+$0x2850 ss:$0x81] =	vst.msk $0xffff, v3;
	s12 =	sand.u32 $0x380, s12;
	s18 =	sadd.s32 s18, s19  }
0xf: {  	s17 =	sshra.s32 s17, $0x2;
	v59 =	vld [tilespmem:s16+$0xFFFFFFF0];
	[tilespmem:s15+$0x3060 ss:$0x81] =	vst.msk $0xffff, v2;
	s12 =	sor.u32 s12, s18  }
0x10: {  	v60 =	vld [tilespmem:s16+$0x0];
	[tilespmem:s15+$0x0 ss:$0x81] =	vst.msk $0xffff, v0;
	s14 =	sadd.s32 s17, s14;
	s12 =	sshrl.u32 s12, $0x7  }
0x11: {  	v61 =	vld [tilespmem:s16+$0x10];
	[tilespmem:s14+$0x3870 ss:$0x81] =	vst.msk $0xffff, v1;
	s28 =	smulhi.u32 $0x1A36E2F, s12  }
0x12: {  	v62 =	vld [tilespmem:s16+$0x20];
	[tilespmem:s14+$0x810 ss:$0x81] =	vst.msk $0xffff, v5  }
0x13: {  	v63 =	vld [tilespmem:s16+$0xFFFFFFC0];
	[tilespmem:s14+$0x1020 ss:$0x81] =	vst.msk $0xffff, v58;
	s15 =	sshrl.u32 s28, $0xA  }
0x14: {  	[tilespmem:s14+$0x1830 ss:$0x81] =	vst.msk $0xffff, v59;
	s15 =	smul.u32 $0x27100, s15  }
0x15: {  	s29 =	sshrl.u32 s11, $0x3;
	[tilespmem:s14+$0x2040 ss:$0x81] =	vst.msk $0xffff, v60  }
0x16: {  	s30 =	sand.u32 $0xF, s29;
	[tilespmem:s14+$0x2850 ss:$0x81] =	vst.msk $0xffff, v61;
	s12 =	ssub.s32 s12, s15  }
0x17: {  	[tilespmem:s14+$0x3060 ss:$0x81] =	vst.msk $0xffff, v62;
	s15 =	sadd.s32 s5, s30;
	s12 =	sshll.u32 s12, $0x4  }
0x18: {  	s31 =	sand.u32 $0x7, s11;
	[tilespmem:s14+$0x0 ss:$0x81] =	vst.msk $0xffff, v63;
	s12 =	sadd.s32 s12, s15  }
0x19: {  	[hbm4b:s12+s31] =	stream.linear.scatter [tilespmem:s13], [sflag:$0x2], $0x4000, $0x20;
	[tilespmem:$0x10100] =	vst v63  }
.LBB1_5:
0x1a: {  	s13 =	sadd.s32 $0x1000, s8  }
0x1b: {  	s11 =	sadd.s32 $0x80, s9;
	s15 =	smov.u32 s9;
	p2 =	sgt.s32 s13, $0x270FF  }
0x1c: {  	s15 =	smov.u32 @p2 s11  }
0x1d: {  	s13 =	smov.u32 @p2 s2;
	p2 =	sgt.s32 s15, $0x7F  }
0x1e: {  	s15 =	simm.s32 @p2 $0x0;
	p2 =	sne.s32 s10, s7  }
.Ltmp1:
0x1f: {  	p1 =	slt.u32 s10, $0x2;
	(pc) =	sbr.rel @!p2 .LBB1_6-.Ltmp1, $4  }
0x20: {  	s14 =	simm.s32 @!p1 $0x2  }
0x21: {  	s12 =	smov.u32 s8;
	p0 =	por !p0, !p0;
	_ =	swait.ge @!p1 [sflag:s14], $0x4000  }
0x22: {  	s11 =	smov.u32 s9;
	[sflag:s14] =	ssyncset.done @!p1 $0x0;
	s8 =	smov.u32 s13  }
0x23: {  	s10 =	sadd.s32 $0x1, s10;
	[sflag:s14] =	ssyncadd.s32 @!p1 $0xFFFFC000;
	s9 =	smov.u32 s15  }
.LBB1_1:
0x24: {  	p1 =	sge.u32 s10, s6  }
0x25: {  	s13 =	sshrl.u32 @!p1 s9, $0x3  }
0x26: {  	s14 =	sshll.u32 @!p1 s8, $0x3;
	s13 =	smul.u32 @!p1 $0x138800, s13  }
0x27: {  	s15 =	sshll.u32 @!p1 s9, $0x7;
	s14 =	sand.u32 @!p1 $0xFFFFFC00, s14  }
0x28: {  	s13 =	sadd.s32 @!p1 s13, s14;
	s14 =	sand.u32 @!p1 $0x380, s15  }
0x29: {  	s15 =	sand.u32 @!p1 $0x7F, s8;
	s13 =	sor.u32 @!p1 s14, s13  }
0x2a: {  	s14 =	sor.u32 @!p1 s15, s13  }
0x2b: {  	s15 =	smulhi.u32 @!p1 $0xD1B71759, s14;
	_ =	sdelay $0x1  }
0x2c: {  	s13 =	smulhi.u32 @!p1 $0xD1B71759, s13;
	s15 =	sshrl.u32 @!p1 s15, $0x11  }
0x2d: {  	s15 =	smul.u32 @!p1 $0x27100, s15  }
0x2e: {  	s31 =	sadd.s32 $0xFFFFFFFF, s10;
	s16 =	sxor.u32 @!p1 $0xFFFFFFFF, s10;
	s13 =	sshrl.u32 @!p1 s13, $0x11  }
0x2f: {  	s16 =	sshll.u32 @!p1 s16, $0xE;
	s13 =	sand.u32 @!p1 $0x7F, s13;
	s14 =	ssub.s32 @!p1 s14, s15  }
0x30: {  	s13 =	smul.u32 @!p1 $0x4E20, s13;
	s15 =	sshrl.u32 @!p1 s14, $0x3;
	s14 =	sand.u32 @!p1 $0x7, s14  }
0x31: {  	s16 =	sand.u32 @!p1 $0x4000, s16;
	s15 =	sadd.s32 @!p1 s3, s15;
	s14 =	sshll.u32 @!p1 s14, $0x12  }
0x32: {  	s13 =	sadd.s32 @!p1 s13, s15;
	s14 =	sor.u32 @!p1 $0x400, s14;
	s15 =	simm.s32 @!p1 $0x138800  }
0x33: {  	[tilespmem:s16], [sflag:$0x1] =	stream.strided.gather @!p1 [hbm4b:s13+s14], $0x4000, s15, s14, $0x38;
	[tilespmem:$0x10100] =	vst v63  }
0x34: {  	p1 =	sge.u32 s31, s6  }
.Ltmp2:
0x35: {  	_ = 	snop;
	(pc) =	sbr.rel @p1 .LBB1_5-.Ltmp2, $1  }
0x36: {  	_ =	sdelay $0x3  }
0x37: {  	s13 =	simm.s32 $0x1  }
0x38: {  	_ =	swait.ge [sflag:s4], $0x4000;
	s13 =	simm.s32 @!p0 $0x0  }
0x39: {  	[sflag:s4] =	ssyncset.done $0x0;
	s14 =	sshll.u32 s13, $0xE  }
0x3a: {  	[sflag:s4] =	ssyncadd.s32 $0xFFFFC000;
	s16 =	sor.u32 $0x40, s14  }
0x3b: {  	s13 =	smul.u32 $0x10200, s13;
	v0 =	vld [tilespmem:s16+$0x30]  }
0x3c: {  	v1 =	vld [tilespmem:s16+$0xFFFFFFD0]  }
0x3d: {  	s13 =	sshrl.u32 s13, $0x2;
	v5 =	vld [tilespmem:s16+$0xFFFFFFE0]  }
0x3e: {  	v6 =	vld [tilespmem:s16+$0xFFFFFFF0];
	s14 =	sor.u32 $0x8000, s13  }
0x3f: {  	s31 =	sand.u32 $0x1, s10;
	v4 =	vld [tilespmem:s16+$0x0];
	s15 =	sadd.s32 $0x0, s14  }
0x40: {  	v3 =	vld [tilespmem:s16+$0x10];
	s13 =	smul.u32 $0x10200, s31;
	[tilespmem:s15+$0x3870 ss:$0x81] =	vst.msk $0xffff, v0  }
0x41: {  	v2 =	vld [tilespmem:s16+$0x20];
	[tilespmem:s15+$0x810 ss:$0x81] =	vst.msk $0xffff, v1  }
0x42: {  	s13 =	sshrl.u32 s13, $0x2;
	v0 =	vld [tilespmem:s16+$0xFFFFFFC0];
	[tilespmem:s15+$0x1020 ss:$0x81] =	vst.msk $0xffff, v5;
	s16 =	sadd.s32 $0x80, s16  }
0x43: {  	s17 =	simm.s32 $0x4;
	s18 =	simm.s32 $0x8;
	s13 =	sor.u32 $0x8000, s13;
	[tilespmem:s15+$0x1830 ss:$0x81] =	vst.msk $0xffff, v6;
	v1 =	vld [tilespmem:s16+$0x30]  }
.LBB1_3:
0x44: {  	p1 =	sne.s32 s18, $0x1FC;
	v5 =	vld [tilespmem:s16+$0xFFFFFFD0];
	[tilespmem:s15+$0x2040 ss:$0x81] =	vst.msk $0xffff, v4  }
0x45: {  	v6 =	vld [tilespmem:s16+$0xFFFFFFE0];
	[tilespmem:s15+$0x2850 ss:$0x81] =	vst.msk $0xffff, v3  }
0x46: {  	s19 =	sshra.s32 s17, $0x2;
	s17 =	smov.u32 s18;
	v7 =	vld [tilespmem:s16+$0xFFFFFFF0];
	[tilespmem:s15+$0x3060 ss:$0x81] =	vst.msk $0xffff, v2  }
.Ltmp3:
0x47: {  	v4 =	vld [tilespmem:s16+$0x0];
	[tilespmem:s15+$0x0 ss:$0x81] =	vst.msk $0xffff, v0;
	s15 =	sadd.s32 s19, s14;
	(pc) =	sbr.rel @p1 .LBB1_3-.Ltmp3, $4  }
0x48: {  	v3 =	vld [tilespmem:s16+$0x10];
	[tilespmem:s15+$0x3870 ss:$0x81] =	vst.msk $0xffff, v1  }
0x49: {  	[tilespmem:s15+$0x810 ss:$0x81] =	vst.msk $0xffff, v5;
	v2 =	vld [tilespmem:s16+$0x20]  }
0x4a: {  	v0 =	vld [tilespmem:s16+$0xFFFFFFC0];
	[tilespmem:s15+$0x1020 ss:$0x81] =	vst.msk $0xffff, v6;
	s16 =	sadd.s32 $0x80, s16  }
0x4b: {  	s18 =	sadd.s32 $0x4, s18;
	v1 =	vld [tilespmem:s16+$0x30];
	[tilespmem:s15+$0x1830 ss:$0x81] =	vst.msk $0xffff, v7  }
.Ltmp4:
0x4c: {  	_ = 	snop;
	(pc) =	sbr.rel .LBB1_4-.Ltmp4, $1  }
0x4d: {  	_ =	sdelay $0x3  }
.LBB1_6:
0x4e: {  	_ =	sfence.sel $0x180000  }
0x4f: {  	s2 =	simm.s32 $0x1;
	[bflag:$0x0] =	sbarrier.arrive $0xFFFF  }
0x50: {  	s31 =	simm.s32 $0x2;
	[sflag:s2] =	ssyncpa.u1 $0x1  }
0x51: {  	[sflag:s31] =	ssyncpa.u1 $0x1  }
0x52: {  	p0 =	sne.s32 s0, $0x0;
	_ =	strace $0x90000050  }
0x53: {  	s0 =	sadd.s32 @!p0 $0x100000, s1;
	[bflag:$0x2] =	sbarrier.arrive $0xFFFF  }
0x54: {  	[sflag:s0] =	ssyncadd.tile.s32 @!p0 $0x1;
	_ =	shalt  }
.Lfunc_end1:
_tile_overlayer_lowered:
.L_overlay_start_2:
0x55: {  	(tag) =	ssettag $0x2  }
0x56: {  	s0 =	rddreg [dreg:$0x0];
	s2 =	stileid.u32  }
0x57: {  	s1 =	rddreg [dreg:$0x1];
	p0 =	sne.s32 s2, $0x0  }
0x58: {  	s3 =	rddreg [dreg:$0x2];
	[bflag:$0x3] =	sbarrier.arrive $0xFFFF;
	s2 =	simm.s32 @!p0 $0x1C01  }
0x59: {  	[timem:s3], [sflag:s2] =	dma.local @!p0 [hbm:s0], s1  }
0x5a: {  	s0 =	simm.s32 @!p0 $0x1  }
0x5b: {  	_ =	swait.ge @!p0 [sflag:s0], s1  }
0x5c: {  	s1 =	ssub.s32 @!p0 $0x0, s1;
	[sflag:s0] =	ssyncset.done @!p0 $0x0  }
0x5d: {  	[sflag:s0] =	ssyncadd.s32 @!p0 s1  }
0x5e: {  	[bflag:$0x3] =	sbarrier.arrive $0xFFFF  }
0x5f: {  	_ =	shalt  }

// kernel: sparse-core-data-format-call.3.cloned.1.call-start
scs
called_computation.5_lowered:
.L_overlay_start_0:
0x0: {  	s2 =	sld [smem:$0x3FD9]  }
0x1: {  	s3 =	sld [smem:$0x3FFE];
	_ =	sdelay $0x1  }
0x2: {  	s1 =	srdreg.scid  }
0x3: {  	s0 =	sand.u32 $0x1, s1  }
0x4: {  	s18 =	sshll.u32 s0, $0xA;
	s2 =	sadd.s32 s3, s2  }
0x5: {  	s2 =	sadd.s32 s2, s18  }
0x6: {  	[smem:$0x3FB7] =	sst s2  }
0x7: {  	_ = 	snop  }
0x8: {  	(tm) =	ssettm $0x1  }
0x9: {  	s19 =	sld [smem:$0x3FFB];
	_ =	sdelay $0x3  }
0xa: {  	_ =	strace s19  }
0xb: {  	s2 =	sld [smem:$0x3FFC];
	_ =	sdelay $0x3  }
0xc: {  	_ =	strace s2  }
0xd: {  	s2 =	sld [smem:$0x3FFD];
	_ =	sdelay $0x3  }
0xe: {  	_ =	strace s2  }
0xf: {  	_ =	strace $0x8FFFFFFF  }
0x10: {  	s20 =	sld [smem:$0x3FDB];
	_ =	sdelay $0x1  }
0x11: {  	s21 =	simm.s32 $_scs_section_size  }
0x12: {  	s4 =	simm.s32 $_size__tile_overlayer_lowered;
	s5 =	simm.s32 $_tile_overlayer_lowered  }
0x13: {  	s6 =	simm.s32 $0x1BFF;
	s22 =	sshll.u32 s5, $0x1;
	s3 =	sadd.s32 s21, s20  }
0x14: {  	s23 =	simm.s32 $0x0;
	s4 =	sshll.u32 s4, $0x1;
	s5 =	sadd.s32 s22, s3  }
0x15: {  	[timem:s23], [sflag:s6] =	dma.local [hbm:s5], s4  }
0x16: {  	_ =	swait.ge [sflag:s6], s4  }
0x17: {  	s4 =	ssub.s32 $0x0, s4;
	[sflag:s6] =	ssyncset.done $0x0  }
0x18: {  	[sflag:s6] =	ssyncadd.s32 s4;
	_ =	sdelay $0x1  }
0x19: {  	s24 =	simm.s32 $0x1B8B  }
0x1a: {  	_ =	swait.ge [sflag:s24], $0x1  }
0x1b: {  	[sflag:s24] =	ssyncset.done $0x0  }
0x1c: {  	[sflag:s24] =	ssyncadd.s32 $0xFFFFFFFF  }
0x1d: {  	s4 =	sld [smem:$0x0]  }
0x1e: {  	s5 =	sand.u32 $0xFFFFFFFE, s1  }
0x1f: {  	p0 =	sne.s32 s1, s5  }
0x20: {  	s5 =	sshll.u32 @p0 s5, $0xE  }
0x21: {  	s5 =	sadd.s32 @p0 $0x11B8D, s5;
	s6 =	sshll.u32 @p0 s4, $0x11  }
0x22: {  	s5 =	sor.u32 @p0 s6, s5  }
0x23: {  	[sflag:s5] =	ssyncadd.remote.s32 @p0 $0x1;
	_ =	sdelay $0x1  }
0x24: {  	s5 =	simm.s32 @p0 $0x1B8D  }
0x25: {  	_ =	swait.eq @p0 [sflag:s5], $0x1  }
0x26: {  	[sflag:s5] =	ssyncadd.s32 @p0 $0xFFFFFFFF  }
0x27: {  	s6 =	sshll.u32 @!p0 s1, $0xE  }
0x28: {  	s6 =	sor.u32 @!p0 $0x4000, s6;
	s5 =	simm.s32 @!p0 $0x1B8D  }
0x29: {  	s4 =	sshll.u32 @!p0 s4, $0x11;
	s6 =	sadd.s32 @!p0 $0x11B8D, s6;
	_ =	swait.eq @!p0 [sflag:s5], $0x1  }
0x2a: {  	s4 =	sor.u32 @!p0 s4, s6;
	[sflag:s5] =	ssyncadd.s32 @!p0 $0xFFFFFFFF  }
0x2b: {  	s26 =	simm.s32 $0x1B8E;
	s25 =	sld [smem:$0x3FFE];
	[sflag:s4] =	ssyncadd.remote.s32 @!p0 $0x1  }
0x2c: {  	s27 =	simm.s32 $execute0_lowered;
	[smem:$0x3FD2] =	sst s26  }
0x2d: {  	s5 =	sshll.u32 s27, $0x1;
	_ =	strace $0x80000049;
	[dreg:$0x1] =	wrdreg $0xFFFFFFFF  }
0x2e: {  	s28 =	simm.s32 $_size_execute0_lowered;
	s3 =	sadd.s32 s3, s5;
	[dreg:$0x0] =	wrdreg $0x0  }
0x2f: {  	s5 =	sshll.u32 s28, $0x1;
	[dreg:$0x2] =	wrdreg s3  }
0x30: {  	[dreg:$0x3] =	wrdreg s5  }
0x31: {  	[dreg:$0x4] =	wrdreg $0xC0  }
0x32: {  	_ =	task [dreg:s23], $0x5FFFF  }
0x33: {  	[dreg:$0x1] =	wrdreg $0xFFFFFFFF  }
0x34: {  	[dreg:$0x0] =	wrdreg $0x60  }
0x35: {  	[dreg:$0x2] =	wrdreg s25  }
0x36: {  	[dreg:$0x3] =	wrdreg $0x9  }
0x37: {  	_ =	task.clear_ibuf [dreg:s23], $0x4FFFF;
	_ =	strace $0x90000049  }
0x38: {  	s29 =	simm.s32 $0x9;
	_ =	strace $0x8000004B  }
0x39: {  	_ =	swait.ge [sflag:s29], $0x1  }
0x3a: {  	[sflag:s29] =	ssyncadd.s32 $0xFFFFFFFF  }
0x3b: {  	_ =	strace $0x9000004B  }
0x3c: {  	_ =	sfence  }
0x3d: {  	s30 =	sld [smem:$0x0];
	_ =	sdelay $0x2  }
0x3e: {  	s31 =	sshll.u32 s1, $0xD;
	s1 =	sshrl.u32 s1, $0x2  }
0x3f: {  	s4 =	sand.u32 $0x4000, s31;
	s1 =	sadd.s32 s1, s30  }
0x40: {  	s0 =	sor.u32 s4, s0;
	s1 =	sshll.u32 s1, $0x11  }
0x41: {  	s0 =	sor.u32 s1, s0  }
0x42: {  	s0 =	sadd.s32 $0x8F2B, s0  }
0x43: {  	[sflag:s0] =	ssyncadd.remote.s32 $0x1  }
0x44: {  	_ =	sfence.sel $0xFFFF  }
0x45: {  	[dreg:$0x0] =	wrdreg $0xFFFFFFFF;
	(pc) =	sbr.abs _section_cstart, $3  }
0x46: {  	[dreg:$0x1] =	wrdreg $0xFFFFFFFF  }
0x47: {  	_ =	task.clear_ibuf [dreg:s23], $0x2FFFF;
	_ =	strace $0x9FFFFFFF  }
0x48: {  	(tm) =	ssettm $0x7FFFFFFF  }
0x49: {  	_ =	shalt  }
tec
execute0_lowered:
.L_overlay_start_1:
0x0: {  	(tag) =	ssettag $0x1  }
0x1: {  	s0 =	srdreg.scid  }
0x2: {  	s1 =	sshll.u32 s0, $0x4  }
0x3: {  	s4 =	rddreg [dreg:$0x0];
	s0 =	stileid.u32;
	s1 =	sand.u32 $0x10, s1  }
0x4: {  	s7 =	simm.s32 $0x1;
	s8 =	simm.s32 $0x2;
	s1 =	sor.u32 s0, s1  }
0x5: {  	s11 =	simm.s32 $0x0;
	s10 =	simm.s32 $0x0;
	s2 =	sshll.u32 s1, $0x7  }
0x6: {  	s3 =	sadd.s32 $0x8D400, s4;
	s4 =	sadd.s32 $0x2FE400, s4;
	s6 =	ssub.s32 $0x27100, s2  }
.Ltmp0:
0x7: {  	s1 =	rddreg [dreg:$0x1];
	s5 =	sand.u32 $0xF80, s6;
	(pc) =	sbr.rel .LBB1_1-.Ltmp0, $4  }
0x8: {  	_ =	strace $0x8000004A;
	s9 =	smov.u32 s2;
	p0 =	sne.s32 s5, $0x0  }
0x9: {  	s6 =	sshrl.u32 s6, $0xC;
	s5 =	simm.s32 $0x1;
	s7 =	simm.s32 @!p0 $0x0  }
0xa: {  	[sflag:s5] =	ssyncpa.u1 $0x0;
	p0 =	por $0x0, $0x0;
	s6 =	sadd.s32 s7, s6  }
0xb: {  	[sflag:s8] =	ssyncpa.u1 $0x0;
	s8 =	simm.s32 $0x138800;
	s7 =	sadd.s32 $0x1, s6  }
.LBB1_4:
0xc: {  	v5 =	vld [tilespmem:s15+$0xFFFFFFD0];
	[tilespmem:s14+$0x2040 ss:$0x81] =	vst.msk $0xffff, v3;
	s17 =	sshll.u32 s11, $0x3  }
0xd: {  	v58 =	vld [tilespmem:s15+$0xFFFFFFE0];
	[tilespmem:s14+$0x2850 ss:$0x81] =	vst.msk $0xffff, v4;
	s25 =	sand.u32 $0x7F, s11;
	s17 =	sand.u32 $0xFFFFFC00, s17  }
0xe: {  	s16 =	sshra.s32 s16, $0x2;
	v59 =	vld [tilespmem:s15+$0xFFFFFFF0];
	[tilespmem:s14+$0x3060 ss:$0x81] =	vst.msk $0xffff, v2;
	s11 =	sor.u32 s25, s17  }
0xf: {  	v60 =	vld [tilespmem:s15+$0x0];
	[tilespmem:s14+$0x0 ss:$0x81] =	vst.msk $0xffff, v0;
	s13 =	sadd.s32 s16, s13;
	s26 =	smulhi.u32 $0xD1B71759, s11  }
0x10: {  	v61 =	vld [tilespmem:s15+$0x10];
	[tilespmem:s13+$0x3870 ss:$0x81] =	vst.msk $0xffff, v1  }
0x11: {  	v62 =	vld [tilespmem:s15+$0x20];
	s27 =	smulhi.u32 $0xD1B71759, s17;
	[tilespmem:s13+$0x810 ss:$0x81] =	vst.msk $0xffff, v5;
	s14 =	sshrl.u32 s26, $0x11  }
0x12: {  	v63 =	vld [tilespmem:s15+$0xFFFFFFC0];
	[tilespmem:s13+$0x1020 ss:$0x81] =	vst.msk $0xffff, v58;
	s14 =	smul.u32 $0x27100, s14  }
0x13: {  	s28 =	sshrl.u32 s27, $0x11;
	[tilespmem:s13+$0x1830 ss:$0x81] =	vst.msk $0xffff, v59  }
0x14: {  	[tilespmem:s13+$0x2040 ss:$0x81] =	vst.msk $0xffff, v60;
	s29 =	sand.u32 $0x7F, s28;
	s11 =	ssub.s32 s11, s14  }
0x15: {  	[tilespmem:s13+$0x2850 ss:$0x81] =	vst.msk $0xffff, v61;
	s14 =	smul.u32 $0x4E20, s29;
	s30 =	sshrl.u32 s11, $0x3;
	s11 =	sand.u32 $0x7, s11  }
0x16: {  	[tilespmem:s13+$0x3060 ss:$0x81] =	vst.msk $0xffff, v62;
	s15 =	sadd.s32 s4, s30;
	s11 =	sshll.u32 s11, $0x12  }
0x17: {  	[tilespmem:s13+$0x0 ss:$0x81] =	vst.msk $0xffff, v63;
	s31 =	sadd.s32 s14, s15;
	s11 =	sor.u32 $0x400, s11  }
0x18: {  	[hbm4b:s31+s11] =	stream.strided.scatter [tilespmem:s12], [sflag:$0x2], $0x4000, s8, s11, $0x20;
	[tilespmem:$0x10100] =	vst v63  }
.LBB1_5:
0x19: {  	s13 =	sadd.s32 $0x1000, s9  }
0x1a: {  	p2 =	sgt.s32 s13, $0x270FF  }
0x1b: {  	s13 =	smov.u32 @p2 s2;
	p2 =	sne.s32 s10, s7  }
.Ltmp1:
0x1c: {  	p1 =	slt.u32 s10, $0x2;
	(pc) =	sbr.rel @!p2 .LBB1_6-.Ltmp1, $4  }
0x1d: {  	s12 =	simm.s32 @!p1 $0x2  }
0x1e: {  	s14 =	sadd.s32 $0x1, s10;
	_ =	swait.ge @!p1 [sflag:s12], $0x4000  }
0x1f: {  	s11 =	smov.u32 s9;
	p0 =	por !p0, !p0;
	[sflag:s12] =	ssyncset.done @!p1 $0x0  }
0x20: {  	s10 =	smov.u32 s14;
	s9 =	smov.u32 s13;
	[sflag:s12] =	ssyncadd.s32 @!p1 $0xFFFFC000  }
.LBB1_1:
0x21: {  	p1 =	sge.u32 s10, s6  }
0x22: {  	s12 =	sand.u32 @!p1 $0x1FFFFFF, s9  }
0x23: {  	s13 =	smulhi.u32 @!p1 $0x1A36E2F, s12;
	_ =	sdelay $0x1  }
0x24: {  	s13 =	sshrl.u32 @!p1 s13, $0xA  }
0x25: {  	s13 =	smul.u32 @!p1 $0x27100, s13;
	_ =	sdelay $0x1  }
0x26: {  	s14 =	sxor.u32 @!p1 $0xFFFFFFFF, s10;
	s12 =	ssub.s32 @!p1 s12, s13  }
0x27: {  	s31 =	sadd.s32 $0xFFFFFFFF, s10;
	s13 =	sshll.u32 @!p1 s14, $0xE;
	s12 =	sshll.u32 @!p1 s12, $0x4  }
0x28: {  	s14 =	simm.s32 @!p1 $0x0;
	s13 =	sand.u32 @!p1 $0x4000, s13;
	s12 =	sadd.s32 @!p1 s3, s12  }
0x29: {  	[tilespmem:s13], [sflag:$0x1] =	stream.linear.gather @!p1 [hbm4b:s12+s14], $0x4000, $0x38;
	[tilespmem:$0x10100] =	vst v63  }
0x2a: {  	p1 =	sge.u32 s31, s6  }
.Ltmp2:
0x2b: {  	_ = 	snop;
	(pc) =	sbr.rel @p1 .LBB1_5-.Ltmp2, $1  }
0x2c: {  	_ =	sdelay $0x3  }
0x2d: {  	s12 =	simm.s32 $0x1  }
0x2e: {  	_ =	swait.ge [sflag:s5], $0x4000;
	s12 =	simm.s32 @!p0 $0x0  }
0x2f: {  	[sflag:s5] =	ssyncset.done $0x0;
	s13 =	sshll.u32 s12, $0xE  }
0x30: {  	[sflag:s5] =	ssyncadd.s32 $0xFFFFC000;
	s15 =	sor.u32 $0x40, s13  }
0x31: {  	s12 =	smul.u32 $0x10200, s12;
	v0 =	vld [tilespmem:s15+$0x30]  }
0x32: {  	v1 =	vld [tilespmem:s15+$0xFFFFFFD0]  }
0x33: {  	s12 =	sshrl.u32 s12, $0x2;
	v5 =	vld [tilespmem:s15+$0xFFFFFFE0]  }
0x34: {  	v6 =	vld [tilespmem:s15+$0xFFFFFFF0];
	s13 =	sor.u32 $0x8000, s12  }
0x35: {  	s31 =	sand.u32 $0x1, s10;
	v3 =	vld [tilespmem:s15+$0x0];
	s14 =	sadd.s32 $0x0, s13  }
0x36: {  	v4 =	vld [tilespmem:s15+$0x10];
	s12 =	smul.u32 $0x10200, s31;
	[tilespmem:s14+$0x3870 ss:$0x81] =	vst.msk $0xffff, v0  }
0x37: {  	v2 =	vld [tilespmem:s15+$0x20];
	[tilespmem:s14+$0x810 ss:$0x81] =	vst.msk $0xffff, v1  }
0x38: {  	s12 =	sshrl.u32 s12, $0x2;
	v0 =	vld [tilespmem:s15+$0xFFFFFFC0];
	[tilespmem:s14+$0x1020 ss:$0x81] =	vst.msk $0xffff, v5;
	s15 =	sadd.s32 $0x80, s15  }
0x39: {  	s16 =	simm.s32 $0x4;
	s17 =	simm.s32 $0x8;
	s12 =	sor.u32 $0x8000, s12;
	[tilespmem:s14+$0x1830 ss:$0x81] =	vst.msk $0xffff, v6;
	v1 =	vld [tilespmem:s15+$0x30]  }
.LBB1_3:
0x3a: {  	p1 =	sne.s32 s17, $0x1FC;
	v5 =	vld [tilespmem:s15+$0xFFFFFFD0];
	[tilespmem:s14+$0x2040 ss:$0x81] =	vst.msk $0xffff, v3  }
0x3b: {  	v6 =	vld [tilespmem:s15+$0xFFFFFFE0];
	[tilespmem:s14+$0x2850 ss:$0x81] =	vst.msk $0xffff, v4  }
0x3c: {  	s18 =	sshra.s32 s16, $0x2;
	s16 =	smov.u32 s17;
	v7 =	vld [tilespmem:s15+$0xFFFFFFF0];
	[tilespmem:s14+$0x3060 ss:$0x81] =	vst.msk $0xffff, v2  }
.Ltmp3:
0x3d: {  	v3 =	vld [tilespmem:s15+$0x0];
	[tilespmem:s14+$0x0 ss:$0x81] =	vst.msk $0xffff, v0;
	s14 =	sadd.s32 s18, s13;
	(pc) =	sbr.rel @p1 .LBB1_3-.Ltmp3, $4  }
0x3e: {  	v4 =	vld [tilespmem:s15+$0x10];
	[tilespmem:s14+$0x3870 ss:$0x81] =	vst.msk $0xffff, v1  }
0x3f: {  	[tilespmem:s14+$0x810 ss:$0x81] =	vst.msk $0xffff, v5;
	v2 =	vld [tilespmem:s15+$0x20]  }
0x40: {  	v0 =	vld [tilespmem:s15+$0xFFFFFFC0];
	[tilespmem:s14+$0x1020 ss:$0x81] =	vst.msk $0xffff, v6;
	s15 =	sadd.s32 $0x80, s15  }
0x41: {  	s17 =	sadd.s32 $0x4, s17;
	v1 =	vld [tilespmem:s15+$0x30];
	[tilespmem:s14+$0x1830 ss:$0x81] =	vst.msk $0xffff, v7  }
.Ltmp4:
0x42: {  	_ = 	snop;
	(pc) =	sbr.rel .LBB1_4-.Ltmp4, $1  }
0x43: {  	_ =	sdelay $0x3  }
.LBB1_6:
0x44: {  	_ =	sfence.sel $0x180000  }
0x45: {  	s2 =	simm.s32 $0x1;
	[bflag:$0x0] =	sbarrier.arrive $0xFFFF  }
0x46: {  	s31 =	simm.s32 $0x2;
	[sflag:s2] =	ssyncpa.u1 $0x1  }
0x47: {  	[sflag:s31] =	ssyncpa.u1 $0x1  }
0x48: {  	p0 =	sne.s32 s0, $0x0;
	_ =	strace $0x9000004A  }
0x49: {  	s0 =	sadd.s32 @!p0 $0x100000, s1;
	[bflag:$0x2] =	sbarrier.arrive $0xFFFF  }
0x4a: {  	[sflag:s0] =	ssyncadd.tile.s32 @!p0 $0x1;
	_ =	shalt  }
.Lfunc_end1:
_tile_overlayer_lowered:
.L_overlay_start_2:
0x4b: {  	(tag) =	ssettag $0x2  }
0x4c: {  	s0 =	rddreg [dreg:$0x0];
	s2 =	stileid.u32  }
0x4d: {  	s1 =	rddreg [dreg:$0x1];
	p0 =	sne.s32 s2, $0x0  }
0x4e: {  	s3 =	rddreg [dreg:$0x2];
	[bflag:$0x3] =	sbarrier.arrive $0xFFFF;
	s2 =	simm.s32 @!p0 $0x1C01  }
0x4f: {  	[timem:s3], [sflag:s2] =	dma.local @!p0 [hbm:s0], s1  }
0x50: {  	s0 =	simm.s32 @!p0 $0x1  }
0x51: {  	_ =	swait.ge @!p0 [sflag:s0], s1  }
0x52: {  	s1 =	ssub.s32 @!p0 $0x0, s1;
	[sflag:s0] =	ssyncset.done @!p0 $0x0  }
0x53: {  	[sflag:s0] =	ssyncadd.s32 @!p0 s1  }
0x54: {  	[bflag:$0x3] =	sbarrier.arrive $0xFFFF  }
0x55: {  	_ =	shalt  }

// kernel: sparse-core-data-format-call.4.cloned.1.call-start
scs
called_computation.6_lowered:
.L_overlay_start_0:
0x0: {  	s2 =	sld [smem:$0x3FD9]  }
0x1: {  	s3 =	sld [smem:$0x3FFE];
	_ =	sdelay $0x1  }
0x2: {  	s1 =	srdreg.scid  }
0x3: {  	s0 =	sand.u32 $0x1, s1  }
0x4: {  	s18 =	sshll.u32 s0, $0xA;
	s2 =	sadd.s32 s3, s2  }
0x5: {  	s2 =	sadd.s32 s2, s18  }
0x6: {  	[smem:$0x3FB7] =	sst s2  }
0x7: {  	_ = 	snop  }
0x8: {  	(tm) =	ssettm $0x1  }
0x9: {  	s19 =	sld [smem:$0x3FFB];
	_ =	sdelay $0x3  }
0xa: {  	_ =	strace s19  }
0xb: {  	s2 =	sld [smem:$0x3FFC];
	_ =	sdelay $0x3  }
0xc: {  	_ =	strace s2  }
0xd: {  	s2 =	sld [smem:$0x3FFD];
	_ =	sdelay $0x3  }
0xe: {  	_ =	strace s2  }
0xf: {  	_ =	strace $0x8FFFFFFF  }
0x10: {  	s20 =	sld [smem:$0x3FDB];
	_ =	sdelay $0x1  }
0x11: {  	s21 =	simm.s32 $_scs_section_size  }
0x12: {  	s4 =	simm.s32 $_size__tile_overlayer_lowered;
	s5 =	simm.s32 $_tile_overlayer_lowered  }
0x13: {  	s6 =	simm.s32 $0x1BFF;
	s22 =	sshll.u32 s5, $0x1;
	s3 =	sadd.s32 s21, s20  }
0x14: {  	s23 =	simm.s32 $0x0;
	s4 =	sshll.u32 s4, $0x1;
	s5 =	sadd.s32 s22, s3  }
0x15: {  	[timem:s23], [sflag:s6] =	dma.local [hbm:s5], s4  }
0x16: {  	_ =	swait.ge [sflag:s6], s4  }
0x17: {  	s4 =	ssub.s32 $0x0, s4;
	[sflag:s6] =	ssyncset.done $0x0  }
0x18: {  	[sflag:s6] =	ssyncadd.s32 s4;
	_ =	sdelay $0x1  }
0x19: {  	s24 =	simm.s32 $0x1B8B  }
0x1a: {  	_ =	swait.ge [sflag:s24], $0x1  }
0x1b: {  	[sflag:s24] =	ssyncset.done $0x0  }
0x1c: {  	[sflag:s24] =	ssyncadd.s32 $0xFFFFFFFF  }
0x1d: {  	s4 =	sld [smem:$0x0]  }
0x1e: {  	s5 =	sand.u32 $0xFFFFFFFE, s1  }
0x1f: {  	p0 =	sne.s32 s1, s5  }
0x20: {  	s5 =	sshll.u32 @p0 s5, $0xE  }
0x21: {  	s5 =	sadd.s32 @p0 $0x11B8D, s5;
	s6 =	sshll.u32 @p0 s4, $0x11  }
0x22: {  	s5 =	sor.u32 @p0 s6, s5  }
0x23: {  	[sflag:s5] =	ssyncadd.remote.s32 @p0 $0x1;
	_ =	sdelay $0x1  }
0x24: {  	s5 =	simm.s32 @p0 $0x1B8D  }
0x25: {  	_ =	swait.eq @p0 [sflag:s5], $0x1  }
0x26: {  	[sflag:s5] =	ssyncadd.s32 @p0 $0xFFFFFFFF  }
0x27: {  	s6 =	sshll.u32 @!p0 s1, $0xE  }
0x28: {  	s6 =	sor.u32 @!p0 $0x4000, s6;
	s5 =	simm.s32 @!p0 $0x1B8D  }
0x29: {  	s4 =	sshll.u32 @!p0 s4, $0x11;
	s6 =	sadd.s32 @!p0 $0x11B8D, s6;
	_ =	swait.eq @!p0 [sflag:s5], $0x1  }
0x2a: {  	s4 =	sor.u32 @!p0 s4, s6;
	[sflag:s5] =	ssyncadd.s32 @!p0 $0xFFFFFFFF  }
0x2b: {  	s26 =	simm.s32 $0x1B8E;
	s25 =	sld [smem:$0x3FFE];
	[sflag:s4] =	ssyncadd.remote.s32 @!p0 $0x1  }
0x2c: {  	s27 =	simm.s32 $execute0_lowered;
	[smem:$0x3FD2] =	sst s26  }
0x2d: {  	s5 =	sshll.u32 s27, $0x1;
	_ =	strace $0x8000004C;
	[dreg:$0x1] =	wrdreg $0xFFFFFFFF  }
0x2e: {  	s28 =	simm.s32 $_size_execute0_lowered;
	s3 =	sadd.s32 s3, s5;
	[dreg:$0x0] =	wrdreg $0x0  }
0x2f: {  	s5 =	sshll.u32 s28, $0x1;
	[dreg:$0x2] =	wrdreg s3  }
0x30: {  	[dreg:$0x3] =	wrdreg s5  }
0x31: {  	[dreg:$0x4] =	wrdreg $0xC0  }
0x32: {  	_ =	task [dreg:s23], $0x5FFFF  }
0x33: {  	[dreg:$0x1] =	wrdreg $0xFFFFFFFF  }
0x34: {  	[dreg:$0x0] =	wrdreg $0x60  }
0x35: {  	[dreg:$0x2] =	wrdreg s25  }
0x36: {  	[dreg:$0x3] =	wrdreg $0xA  }
0x37: {  	_ =	task.clear_ibuf [dreg:s23], $0x4FFFF;
	_ =	strace $0x9000004C  }
0x38: {  	s29 =	simm.s32 $0xA;
	_ =	strace $0x8000004E  }
0x39: {  	_ =	swait.ge [sflag:s29], $0x1  }
0x3a: {  	[sflag:s29] =	ssyncadd.s32 $0xFFFFFFFF  }
0x3b: {  	_ =	strace $0x9000004E  }
0x3c: {  	_ =	sfence  }
0x3d: {  	s30 =	sld [smem:$0x0];
	_ =	sdelay $0x2  }
0x3e: {  	s31 =	sshll.u32 s1, $0xD;
	s1 =	sshrl.u32 s1, $0x2  }
0x3f: {  	s4 =	sand.u32 $0x4000, s31;
	s1 =	sadd.s32 s1, s30  }
0x40: {  	s0 =	sor.u32 s4, s0;
	s1 =	sshll.u32 s1, $0x11  }
0x41: {  	s0 =	sor.u32 s1, s0  }
0x42: {  	s0 =	sadd.s32 $0x8F2B, s0  }
0x43: {  	[sflag:s0] =	ssyncadd.remote.s32 $0x1  }
0x44: {  	_ =	sfence.sel $0xFFFF  }
0x45: {  	[dreg:$0x0] =	wrdreg $0xFFFFFFFF;
	(pc) =	sbr.abs _section_cstart, $3  }
0x46: {  	[dreg:$0x1] =	wrdreg $0xFFFFFFFF  }
0x47: {  	_ =	task.clear_ibuf [dreg:s23], $0x2FFFF;
	_ =	strace $0x9FFFFFFF  }
0x48: {  	(tm) =	ssettm $0x7FFFFFFF  }
0x49: {  	_ =	shalt  }
tec
execute0_lowered:
.L_overlay_start_1:
0x0: {  	(tag) =	ssettag $0x1  }
0x1: {  	s0 =	srdreg.scid  }
0x2: {  	s1 =	sshll.u32 s0, $0x4  }
0x3: {  	s4 =	rddreg [dreg:$0x0];
	s0 =	stileid.u32;
	s1 =	sand.u32 $0x10, s1  }
0x4: {  	s7 =	simm.s32 $0x1;
	s8 =	simm.s32 $0x2;
	s2 =	sor.u32 s0, s1  }
0x5: {  	s11 =	simm.s32 $0x0;
	s3 =	sadd.s32 $0x577400, s4;
	s2 =	sshll.u32 s2, $0x7  }
0x6: {  	s10 =	simm.s32 $0x0;
	s4 =	sadd.s32 $0xCCA400, s4;
	s6 =	ssub.s32 $0x27100, s2  }
.Ltmp0:
0x7: {  	s1 =	rddreg [dreg:$0x1];
	s5 =	sand.u32 $0xF80, s6;
	(pc) =	sbr.rel .LBB1_1-.Ltmp0, $4  }
0x8: {  	_ =	strace $0x8000004D;
	s9 =	smov.u32 s2;
	p0 =	sne.s32 s5, $0x0  }
0x9: {  	s6 =	sshrl.u32 s6, $0xC;
	s5 =	simm.s32 $0x1;
	s7 =	simm.s32 @!p0 $0x0  }
0xa: {  	[sflag:s5] =	ssyncpa.u1 $0x0;
	p0 =	por $0x0, $0x0;
	s6 =	sadd.s32 s7, s6  }
0xb: {  	[sflag:s8] =	ssyncpa.u1 $0x0;
	s8 =	simm.s32 $0x138800;
	s7 =	sadd.s32 $0x1, s6  }
.LBB1_4:
0xc: {  	v5 =	vld [tilespmem:s15+$0xFFFFFFD0];
	[tilespmem:s14+$0x2040 ss:$0x81] =	vst.msk $0xffff, v3;
	s17 =	sshll.u32 s11, $0x3  }
0xd: {  	v58 =	vld [tilespmem:s15+$0xFFFFFFE0];
	[tilespmem:s14+$0x2850 ss:$0x81] =	vst.msk $0xffff, v4;
	s25 =	sand.u32 $0x7F, s11;
	s17 =	sand.u32 $0xFFFFFC00, s17  }
0xe: {  	s16 =	sshra.s32 s16, $0x2;
	v59 =	vld [tilespmem:s15+$0xFFFFFFF0];
	[tilespmem:s14+$0x3060 ss:$0x81] =	vst.msk $0xffff, v2;
	s11 =	sor.u32 s25, s17  }
0xf: {  	v60 =	vld [tilespmem:s15+$0x0];
	[tilespmem:s14+$0x0 ss:$0x81] =	vst.msk $0xffff, v0;
	s13 =	sadd.s32 s16, s13;
	s26 =	smulhi.u32 $0xD1B71759, s11  }
0x10: {  	v61 =	vld [tilespmem:s15+$0x10];
	[tilespmem:s13+$0x3870 ss:$0x81] =	vst.msk $0xffff, v1  }
0x11: {  	v62 =	vld [tilespmem:s15+$0x20];
	s27 =	smulhi.u32 $0xD1B71759, s17;
	[tilespmem:s13+$0x810 ss:$0x81] =	vst.msk $0xffff, v5;
	s14 =	sshrl.u32 s26, $0x11  }
0x12: {  	v63 =	vld [tilespmem:s15+$0xFFFFFFC0];
	[tilespmem:s13+$0x1020 ss:$0x81] =	vst.msk $0xffff, v58;
	s14 =	smul.u32 $0x27100, s14  }
0x13: {  	s28 =	sshrl.u32 s27, $0x11;
	[tilespmem:s13+$0x1830 ss:$0x81] =	vst.msk $0xffff, v59  }
0x14: {  	[tilespmem:s13+$0x2040 ss:$0x81] =	vst.msk $0xffff, v60;
	s29 =	sand.u32 $0x7F, s28;
	s11 =	ssub.s32 s11, s14  }
0x15: {  	[tilespmem:s13+$0x2850 ss:$0x81] =	vst.msk $0xffff, v61;
	s14 =	smul.u32 $0x4E20, s29;
	s30 =	sshrl.u32 s11, $0x3;
	s11 =	sand.u32 $0x7, s11  }
0x16: {  	[tilespmem:s13+$0x3060 ss:$0x81] =	vst.msk $0xffff, v62;
	s15 =	sadd.s32 s4, s30;
	s11 =	sshll.u32 s11, $0x12  }
0x17: {  	[tilespmem:s13+$0x0 ss:$0x81] =	vst.msk $0xffff, v63;
	s31 =	sadd.s32 s14, s15;
	s11 =	sor.u32 $0x400, s11  }
0x18: {  	[hbm4b:s31+s11] =	stream.strided.scatter [tilespmem:s12], [sflag:$0x2], $0x4000, s8, s11, $0x20;
	[tilespmem:$0x10100] =	vst v63  }
.LBB1_5:
0x19: {  	s13 =	sadd.s32 $0x1000, s9  }
0x1a: {  	p2 =	sgt.s32 s13, $0x270FF  }
0x1b: {  	s13 =	smov.u32 @p2 s2;
	p2 =	sne.s32 s10, s7  }
.Ltmp1:
0x1c: {  	p1 =	slt.u32 s10, $0x2;
	(pc) =	sbr.rel @!p2 .LBB1_6-.Ltmp1, $4  }
0x1d: {  	s12 =	simm.s32 @!p1 $0x2  }
0x1e: {  	s14 =	sadd.s32 $0x1, s10;
	_ =	swait.ge @!p1 [sflag:s12], $0x4000  }
0x1f: {  	s11 =	smov.u32 s9;
	p0 =	por !p0, !p0;
	[sflag:s12] =	ssyncset.done @!p1 $0x0  }
0x20: {  	s10 =	smov.u32 s14;
	s9 =	smov.u32 s13;
	[sflag:s12] =	ssyncadd.s32 @!p1 $0xFFFFC000  }
.LBB1_1:
0x21: {  	p1 =	sge.u32 s10, s6  }
0x22: {  	s12 =	sand.u32 @!p1 $0x1FFFFFF, s9  }
0x23: {  	s13 =	smulhi.u32 @!p1 $0x1A36E2F, s12;
	_ =	sdelay $0x1  }
0x24: {  	s13 =	sshrl.u32 @!p1 s13, $0xA  }
0x25: {  	s13 =	smul.u32 @!p1 $0x27100, s13;
	_ =	sdelay $0x1  }
0x26: {  	s14 =	sxor.u32 @!p1 $0xFFFFFFFF, s10;
	s12 =	ssub.s32 @!p1 s12, s13  }
0x27: {  	s31 =	sadd.s32 $0xFFFFFFFF, s10;
	s13 =	sshll.u32 @!p1 s14, $0xE;
	s12 =	sshll.u32 @!p1 s12, $0x4  }
0x28: {  	s14 =	simm.s32 @!p1 $0x0;
	s13 =	sand.u32 @!p1 $0x4000, s13;
	s12 =	sadd.s32 @!p1 s3, s12  }
0x29: {  	[tilespmem:s13], [sflag:$0x1] =	stream.linear.gather @!p1 [hbm4b:s12+s14], $0x4000, $0x38;
	[tilespmem:$0x10100] =	vst v63  }
0x2a: {  	p1 =	sge.u32 s31, s6  }
.Ltmp2:
0x2b: {  	_ = 	snop;
	(pc) =	sbr.rel @p1 .LBB1_5-.Ltmp2, $1  }
0x2c: {  	_ =	sdelay $0x3  }
0x2d: {  	s12 =	simm.s32 $0x1  }
0x2e: {  	_ =	swait.ge [sflag:s5], $0x4000;
	s12 =	simm.s32 @!p0 $0x0  }
0x2f: {  	[sflag:s5] =	ssyncset.done $0x0;
	s13 =	sshll.u32 s12, $0xE  }
0x30: {  	[sflag:s5] =	ssyncadd.s32 $0xFFFFC000;
	s15 =	sor.u32 $0x40, s13  }
0x31: {  	s12 =	smul.u32 $0x10200, s12;
	v0 =	vld [tilespmem:s15+$0x30]  }
0x32: {  	v1 =	vld [tilespmem:s15+$0xFFFFFFD0]  }
0x33: {  	s12 =	sshrl.u32 s12, $0x2;
	v5 =	vld [tilespmem:s15+$0xFFFFFFE0]  }
0x34: {  	v6 =	vld [tilespmem:s15+$0xFFFFFFF0];
	s13 =	sor.u32 $0x8000, s12  }
0x35: {  	s31 =	sand.u32 $0x1, s10;
	v3 =	vld [tilespmem:s15+$0x0];
	s14 =	sadd.s32 $0x0, s13  }
0x36: {  	v4 =	vld [tilespmem:s15+$0x10];
	s12 =	smul.u32 $0x10200, s31;
	[tilespmem:s14+$0x3870 ss:$0x81] =	vst.msk $0xffff, v0  }
0x37: {  	v2 =	vld [tilespmem:s15+$0x20];
	[tilespmem:s14+$0x810 ss:$0x81] =	vst.msk $0xffff, v1  }
0x38: {  	s12 =	sshrl.u32 s12, $0x2;
	v0 =	vld [tilespmem:s15+$0xFFFFFFC0];
	[tilespmem:s14+$0x1020 ss:$0x81] =	vst.msk $0xffff, v5;
	s15 =	sadd.s32 $0x80, s15  }
0x39: {  	s16 =	simm.s32 $0x4;
	s17 =	simm.s32 $0x8;
	s12 =	sor.u32 $0x8000, s12;
	[tilespmem:s14+$0x1830 ss:$0x81] =	vst.msk $0xffff, v6;
	v1 =	vld [tilespmem:s15+$0x30]  }
.LBB1_3:
0x3a: {  	p1 =	sne.s32 s17, $0x1FC;
	v5 =	vld [tilespmem:s15+$0xFFFFFFD0];
	[tilespmem:s14+$0x2040 ss:$0x81] =	vst.msk $0xffff, v3  }
0x3b: {  	v6 =	vld [tilespmem:s15+$0xFFFFFFE0];
	[tilespmem:s14+$0x2850 ss:$0x81] =	vst.msk $0xffff, v4  }
0x3c: {  	s18 =	sshra.s32 s16, $0x2;
	s16 =	smov.u32 s17;
	v7 =	vld [tilespmem:s15+$0xFFFFFFF0];
	[tilespmem:s14+$0x3060 ss:$0x81] =	vst.msk $0xffff, v2  }
.Ltmp3:
0x3d: {  	v3 =	vld [tilespmem:s15+$0x0];
	[tilespmem:s14+$0x0 ss:$0x81] =	vst.msk $0xffff, v0;
	s14 =	sadd.s32 s18, s13;
	(pc) =	sbr.rel @p1 .LBB1_3-.Ltmp3, $4  }
0x3e: {  	v4 =	vld [tilespmem:s15+$0x10];
	[tilespmem:s14+$0x3870 ss:$0x81] =	vst.msk $0xffff, v1  }
0x3f: {  	[tilespmem:s14+$0x810 ss:$0x81] =	vst.msk $0xffff, v5;
	v2 =	vld [tilespmem:s15+$0x20]  }
0x40: {  	v0 =	vld [tilespmem:s15+$0xFFFFFFC0];
	[tilespmem:s14+$0x1020 ss:$0x81] =	vst.msk $0xffff, v6;
	s15 =	sadd.s32 $0x80, s15  }
0x41: {  	s17 =	sadd.s32 $0x4, s17;
	v1 =	vld [tilespmem:s15+$0x30];
	[tilespmem:s14+$0x1830 ss:$0x81] =	vst.msk $0xffff, v7  }
.Ltmp4:
0x42: {  	_ = 	snop;
	(pc) =	sbr.rel .LBB1_4-.Ltmp4, $1  }
0x43: {  	_ =	sdelay $0x3  }
.LBB1_6:
0x44: {  	_ =	sfence.sel $0x180000  }
0x45: {  	s2 =	simm.s32 $0x1;
	[bflag:$0x0] =	sbarrier.arrive $0xFFFF  }
0x46: {  	s31 =	simm.s32 $0x2;
	[sflag:s2] =	ssyncpa.u1 $0x1  }
0x47: {  	[sflag:s31] =	ssyncpa.u1 $0x1  }
0x48: {  	p0 =	sne.s32 s0, $0x0;
	_ =	strace $0x9000004D  }
0x49: {  	s0 =	sadd.s32 @!p0 $0x100000, s1;
	[bflag:$0x2] =	sbarrier.arrive $0xFFFF  }
0x4a: {  	[sflag:s0] =	ssyncadd.tile.s32 @!p0 $0x1;
	_ =	shalt  }
.Lfunc_end1:
_tile_overlayer_lowered:
.L_overlay_start_2:
0x4b: {  	(tag) =	ssettag $0x2  }
0x4c: {  	s0 =	rddreg [dreg:$0x0];
	s2 =	stileid.u32  }
0x4d: {  	s1 =	rddreg [dreg:$0x1];
	p0 =	sne.s32 s2, $0x0  }
0x4e: {  	s3 =	rddreg [dreg:$0x2];
	[bflag:$0x3] =	sbarrier.arrive $0xFFFF;
	s2 =	simm.s32 @!p0 $0x1C01  }
0x4f: {  	[timem:s3], [sflag:s2] =	dma.local @!p0 [hbm:s0], s1  }
0x50: {  	s0 =	simm.s32 @!p0 $0x1  }
0x51: {  	_ =	swait.ge @!p0 [sflag:s0], s1  }
0x52: {  	s1 =	ssub.s32 @!p0 $0x0, s1;
	[sflag:s0] =	ssyncset.done @!p0 $0x0  }
0x53: {  	[sflag:s0] =	ssyncadd.s32 @!p0 s1  }
0x54: {  	[bflag:$0x3] =	sbarrier.arrive $0xFFFF  }
0x55: {  	_ =	shalt  }

// kernel: sparse-core-data-format-call.cloned.1.call-start
scs
called_computation.2_lowered:
.L_overlay_start_0:
0x0: {  	s1 =	sld [smem:$0x3FD9]  }
0x1: {  	s2 =	sld [smem:$0x3FFE];
	_ =	sdelay $0x1  }
0x2: {  	s3 =	srdreg.scid  }
0x3: {  	s0 =	sand.u32 $0x1, s3  }
0x4: {  	s17 =	sshll.u32 s0, $0xA;
	s1 =	sadd.s32 s2, s1  }
0x5: {  	s1 =	sadd.s32 s1, s17  }
0x6: {  	[smem:$0x3FB7] =	sst s1  }
0x7: {  	_ = 	snop  }
0x8: {  	(tm) =	ssettm $0x1  }
0x9: {  	s18 =	sld [smem:$0x3FFB];
	_ =	sdelay $0x3  }
0xa: {  	_ =	strace s18  }
0xb: {  	s1 =	sld [smem:$0x3FFC];
	_ =	sdelay $0x3  }
0xc: {  	_ =	strace s1  }
0xd: {  	s1 =	sld [smem:$0x3FFD];
	_ =	sdelay $0x3  }
0xe: {  	_ =	strace s1  }
0xf: {  	_ =	strace $0x8FFFFFFF  }
0x10: {  	s19 =	sld [smem:$0x3FDB];
	_ =	sdelay $0x1  }
0x11: {  	s20 =	simm.s32 $_scs_section_size  }
0x12: {  	s4 =	simm.s32 $_size__tile_overlayer_lowered;
	s5 =	simm.s32 $_tile_overlayer_lowered  }
0x13: {  	s23 =	simm.s32 $0x1BFF;
	s22 =	sshll.u32 s5, $0x1;
	s1 =	sadd.s32 s20, s19  }
0x14: {  	s6 =	simm.s32 $0x0;
	s21 =	sshll.u32 s4, $0x1;
	s4 =	sadd.s32 s22, s1  }
0x15: {  	[timem:s6], [sflag:s23] =	dma.local [hbm:s4], s21  }
0x16: {  	_ =	swait.ge [sflag:s23], s21  }
0x17: {  	s2 =	ssub.s32 $0x0, s21;
	[sflag:s23] =	ssyncset.done $0x0  }
0x18: {  	[sflag:s23] =	ssyncadd.s32 s2;
	_ =	sdelay $0x1  }
0x19: {  	s24 =	simm.s32 $0x1B8B  }
0x1a: {  	_ =	swait.ge [sflag:s24], $0x1  }
0x1b: {  	[sflag:s24] =	ssyncset.done $0x0  }
0x1c: {  	s26 =	simm.s32 $0x1B8E;
	s25 =	sld [smem:$0x3FFE];
	[sflag:s24] =	ssyncadd.s32 $0xFFFFFFFF  }
0x1d: {  	s27 =	simm.s32 $execute0_lowered;
	[smem:$0x3FD2] =	sst s26  }
0x1e: {  	s4 =	sshll.u32 s27, $0x1;
	_ =	strace $0x80000058;
	[dreg:$0x1] =	wrdreg $0xFFFFFFFF  }
0x1f: {  	s28 =	simm.s32 $_size_execute0_lowered;
	s1 =	sadd.s32 s1, s4;
	[dreg:$0x0] =	wrdreg $0x0  }
0x20: {  	s4 =	sshll.u32 s28, $0x1;
	[dreg:$0x2] =	wrdreg s1  }
0x21: {  	[dreg:$0x3] =	wrdreg s4  }
0x22: {  	[dreg:$0x4] =	wrdreg $0xC0  }
0x23: {  	_ =	task [dreg:s6], $0x5FFFF  }
0x24: {  	[dreg:$0x1] =	wrdreg $0xFFFFFFFF  }
0x25: {  	[dreg:$0x0] =	wrdreg $0x60  }
0x26: {  	[dreg:$0x2] =	wrdreg s25  }
0x27: {  	[dreg:$0x3] =	wrdreg $0x9  }
0x28: {  	_ =	task.clear_ibuf [dreg:s6], $0x4FFFF;
	_ =	strace $0x90000058  }
0x29: {  	s29 =	simm.s32 $0x9;
	_ =	strace $0x8000005A  }
0x2a: {  	_ =	swait.ge [sflag:s29], $0x1  }
0x2b: {  	[sflag:s29] =	ssyncadd.s32 $0xFFFFFFFF  }
0x2c: {  	_ =	strace $0x9000005A  }
0x2d: {  	_ =	sfence  }
0x2e: {  	s30 =	sld [smem:$0x0];
	_ =	sdelay $0x2  }
0x2f: {  	s31 =	sshll.u32 s3, $0xD;
	s3 =	sshrl.u32 s3, $0x2  }
0x30: {  	s2 =	sand.u32 $0x4000, s31;
	s1 =	sadd.s32 s3, s30  }
0x31: {  	s0 =	sor.u32 s2, s0;
	s1 =	sshll.u32 s1, $0x11  }
0x32: {  	s0 =	sor.u32 s1, s0  }
0x33: {  	s0 =	sadd.s32 $0x8F2B, s0  }
0x34: {  	[sflag:s0] =	ssyncadd.remote.s32 $0x1  }
0x35: {  	_ =	sfence.sel $0xFFFF  }
0x36: {  	[dreg:$0x0] =	wrdreg $0xFFFFFFFF;
	(pc) =	sbr.abs _section_cstart, $3  }
0x37: {  	[dreg:$0x1] =	wrdreg $0xFFFFFFFF  }
0x38: {  	_ =	task.clear_ibuf [dreg:s6], $0x2FFFF;
	_ =	strace $0x9FFFFFFF  }
0x39: {  	(tm) =	ssettm $0x7FFFFFFF  }
tec
execute0_lowered:
.L_overlay_start_1:
0x0: {  	(tag) =	ssettag $0x1  }
0x1: {  	s0 =	stileid.u32  }
0x2: {  	s1 =	srdreg.scid;
	s7 =	rddreg [dreg:$0x0]  }
0x3: {  	s31 =	simm.s32 $0x2;
	s14 =	simm.s32 $0x0;
	s13 =	simm.s32 $0x0  }
0x4: {  	s2 =	sshll.u32 s0, $0x6;
	s1 =	sshll.u32 s1, $0xA;
	s3 =	sshll.u32 s0, $0x7  }
0x5: {  	s12 =	simm.s32 $0x0;
	s1 =	sor.u32 s2, s1;
	s2 =	sand.u32 $0x80, s3  }
0x6: {  	s3 =	sand.u32 $0x780, s1;
	s1 =	rddreg [dreg:$0x1];
	s4 =	ssub.s32 $0x100, s2  }
0x7: {  	_ =	strace $0x80000059;
	s11 =	smov.u32 s2;
	s5 =	ssub.s32 $0x27100, s3  }
0x8: {  	s6 =	sshrl.u32 s4, $0x8;
	s4 =	sshrl.u32 s4, $0x7;
	s8 =	sand.u32 $0x780, s5  }
0x9: {  	s9 =	sand.u32 $0x1, s4;
	p0 =	sne.s32 s8, $0x0;
	s8 =	simm.s32 $0x1  }
.Ltmp0:
0xa: {  	s5 =	sshrl.u32 s5, $0xB;
	s8 =	simm.s32 @!p0 $0x0;
	(pc) =	sbr.rel .LBB1_1-.Ltmp0, $4  }
0xb: {  	s4 =	simm.s32 $0x1;
	s6 =	sadd.s32 s6, s9;
	s5 =	sadd.s32 s8, s5  }
0xc: {  	s10 =	smov.u32 s3;
	[sflag:s4] =	ssyncpa.u1 $0x0;
	s5 =	smul.u32 s6, s5  }
0xd: {  	s9 =	simm.s32 $0x800;
	[sflag:s31] =	ssyncpa.u1 $0x0;
	p0 =	por $0x0, $0x0  }
0xe: {  	s6 =	sadd.s32 $0xDE00, s7;
	s7 =	sadd.s32 $0xF3B400, s7;
	s8 =	sadd.s32 $0x1, s5  }
.LBB1_4:
0xf: {  	s20 =	sshll.u32 s14, $0x8;
	s21 =	sshll.u32 s13, $0x3  }
0x10: {  	v5 =	vld [tilespmem:s18+$0xFFFFFFD0];
	[tilespmem:s17+$0x2040 ss:$0x81] =	vst.msk $0xffff, v4;
	s25 =	sshll.u32 s14, $0x7;
	s20 =	sand.u32 $0xFFFFF800, s20;
	s21 =	sand.u32 $0xFFFFFC00, s21  }
0x11: {  	v58 =	vld [tilespmem:s18+$0xFFFFFFE0];
	[tilespmem:s17+$0x2850 ss:$0x81] =	vst.msk $0xffff, v3;
	s26 =	sand.u32 $0x300, s25;
	s20 =	sadd.s32 s21, s20  }
0x12: {  	s19 =	sshra.s32 s19, $0x2;
	v59 =	vld [tilespmem:s18+$0xFFFFFFF0];
	[tilespmem:s17+$0x3060 ss:$0x81] =	vst.msk $0xffff, v2;
	s20 =	sor.u32 s26, s20  }
0x13: {  	v60 =	vld [tilespmem:s18+$0x0];
	[tilespmem:s17+$0x0 ss:$0x81] =	vst.msk $0xffff, v0;
	s16 =	sadd.s32 s19, s16;
	s27 =	sshrl.u32 s20, $0x8  }
0x14: {  	v61 =	vld [tilespmem:s18+$0x10];
	[tilespmem:s16+$0x3870 ss:$0x81] =	vst.msk $0xffff, v1;
	s28 =	smulhi.u32 $0x1A36E3, s27  }
0x15: {  	v62 =	vld [tilespmem:s18+$0x20];
	[tilespmem:s16+$0x810 ss:$0x81] =	vst.msk $0xffff, v5  }
0x16: {  	v63 =	vld [tilespmem:s18+$0xFFFFFFC0];
	[tilespmem:s16+$0x1020 ss:$0x81] =	vst.msk $0xffff, v58;
	s29 =	sshrl.u32 s28, $0x6  }
0x17: {  	s30 =	sand.u32 $0x78, s13;
	s14 =	sand.u32 $0x80, s25;
	[tilespmem:s16+$0x1830 ss:$0x81] =	vst.msk $0xffff, v59;
	s18 =	smul.u32 $0x27100, s29  }
0x18: {  	s14 =	sor.u32 s30, s14;
	[tilespmem:s16+$0x2040 ss:$0x81] =	vst.msk $0xffff, v60  }
0x19: {  	s31 =	sand.u32 $0x7, s13;
	s14 =	sshrl.u32 s14, $0x3;
	[tilespmem:s16+$0x2850 ss:$0x81] =	vst.msk $0xffff, v61;
	s17 =	ssub.s32 s27, s18  }
0x1a: {  	s13 =	sshll.u32 s31, $0x12;
	s14 =	sadd.s32 s7, s14;
	[tilespmem:s16+$0x3060 ss:$0x81] =	vst.msk $0xffff, v62;
	s17 =	sshll.u32 s17, $0x5  }
0x1b: {  	s13 =	sor.u32 $0x400, s13;
	[tilespmem:s16+$0x0 ss:$0x81] =	vst.msk $0xffff, v63;
	s14 =	sadd.s32 s17, s14  }
0x1c: {  	[hbm4b:s14+s13] =	stream.strided.scatter [tilespmem:s15], [sflag:$0x2], $0x4000, s9, s13, $0x20;
	[tilespmem:$0x10100] =	vst v63  }
.LBB1_5:
0x1d: {  	s15 =	sadd.s32 $0x800, s10  }
0x1e: {  	s13 =	sadd.s32 $0x100, s11;
	s17 =	smov.u32 s11;
	p2 =	sgt.s32 s15, $0x270FF  }
0x1f: {  	s17 =	smov.u32 @p2 s13  }
0x20: {  	s15 =	smov.u32 @p2 s3;
	p2 =	sgt.s32 s17, $0xFF  }
0x21: {  	s17 =	smov.u32 @p2 s2;
	p2 =	sne.s32 s12, s8  }
.Ltmp1:
0x22: {  	p1 =	slt.u32 s12, $0x2;
	(pc) =	sbr.rel @!p2 .LBB1_6-.Ltmp1, $4  }
0x23: {  	s16 =	simm.s32 @!p1 $0x2  }
0x24: {  	s14 =	smov.u32 s10;
	p0 =	por !p0, !p0;
	_ =	swait.ge @!p1 [sflag:s16], $0x4000  }
0x25: {  	s13 =	smov.u32 s11;
	[sflag:s16] =	ssyncset.done @!p1 $0x0;
	s10 =	smov.u32 s15  }
0x26: {  	s12 =	sadd.s32 $0x1, s12;
	[sflag:s16] =	ssyncadd.s32 @!p1 $0xFFFFC000;
	s11 =	smov.u32 s17  }
.LBB1_1:
0x27: {  	p1 =	sge.u32 s12, s5  }
0x28: {  	s15 =	sshrl.u32 @!p1 s11, $0x3  }
0x29: {  	s16 =	sshll.u32 @!p1 s10, $0x3;
	s15 =	smul.u32 @!p1 $0x138800, s15  }
0x2a: {  	s17 =	sshll.u32 @!p1 s11, $0x7;
	s16 =	sand.u32 @!p1 $0xFFFFFC00, s16  }
0x2b: {  	s15 =	sadd.s32 @!p1 s15, s16;
	s16 =	sand.u32 @!p1 $0x380, s17  }
0x2c: {  	s17 =	sand.u32 @!p1 $0x7F, s10;
	s15 =	sor.u32 @!p1 s16, s15  }
0x2d: {  	s16 =	sor.u32 @!p1 s17, s15  }
0x2e: {  	s17 =	smulhi.u32 @!p1 $0xD1B71759, s16;
	_ =	sdelay $0x1  }
0x2f: {  	s15 =	smulhi.u32 @!p1 $0xD1B71759, s15;
	s17 =	sshrl.u32 @!p1 s17, $0x11  }
0x30: {  	s17 =	smul.u32 @!p1 $0x27100, s17  }
0x31: {  	s31 =	sadd.s32 $0xFFFFFFFF, s12;
	s18 =	sxor.u32 @!p1 $0xFFFFFFFF, s12;
	s15 =	sshrl.u32 @!p1 s15, $0x11  }
0x32: {  	s18 =	sshll.u32 @!p1 s18, $0xE;
	s15 =	sand.u32 @!p1 $0xFF, s15;
	s16 =	ssub.s32 @!p1 s16, s17  }
0x33: {  	s15 =	smul.u32 @!p1 $0x4E20, s15;
	s17 =	sshrl.u32 @!p1 s16, $0x3;
	s16 =	sand.u32 @!p1 $0x7, s16  }
0x34: {  	s18 =	sand.u32 @!p1 $0x4000, s18;
	s17 =	sadd.s32 @!p1 s6, s17;
	s16 =	sshll.u32 @!p1 s16, $0x12  }
0x35: {  	s15 =	sadd.s32 @!p1 s15, s17;
	s16 =	sor.u32 @!p1 $0x400, s16;
	s17 =	simm.s32 @!p1 $0x138800  }
0x36: {  	[tilespmem:s18], [sflag:$0x1] =	stream.strided.gather @!p1 [hbm4b:s15+s16], $0x4000, s17, s16, $0x38;
	[tilespmem:$0x10100] =	vst v63  }
0x37: {  	p1 =	sge.u32 s31, s5  }
.Ltmp2:
0x38: {  	_ = 	snop;
	(pc) =	sbr.rel @p1 .LBB1_5-.Ltmp2, $1  }
0x39: {  	_ =	sdelay $0x3  }
0x3a: {  	s15 =	simm.s32 $0x1  }
0x3b: {  	_ =	swait.ge [sflag:s4], $0x4000;
	s15 =	simm.s32 @!p0 $0x0  }
0x3c: {  	[sflag:s4] =	ssyncset.done $0x0;
	s16 =	sshll.u32 s15, $0xE  }
0x3d: {  	[sflag:s4] =	ssyncadd.s32 $0xFFFFC000;
	s18 =	sor.u32 $0x40, s16  }
0x3e: {  	s15 =	smul.u32 $0x10200, s15;
	v0 =	vld [tilespmem:s18+$0x30]  }
0x3f: {  	v1 =	vld [tilespmem:s18+$0xFFFFFFD0]  }
0x40: {  	s15 =	sshrl.u32 s15, $0x2;
	v5 =	vld [tilespmem:s18+$0xFFFFFFE0]  }
0x41: {  	v6 =	vld [tilespmem:s18+$0xFFFFFFF0];
	s16 =	sor.u32 $0x8000, s15  }
0x42: {  	s31 =	sand.u32 $0x1, s12;
	v4 =	vld [tilespmem:s18+$0x0];
	s17 =	sadd.s32 $0x0, s16  }
0x43: {  	v3 =	vld [tilespmem:s18+$0x10];
	s15 =	smul.u32 $0x10200, s31;
	[tilespmem:s17+$0x3870 ss:$0x81] =	vst.msk $0xffff, v0  }
0x44: {  	v2 =	vld [tilespmem:s18+$0x20];
	[tilespmem:s17+$0x810 ss:$0x81] =	vst.msk $0xffff, v1  }
0x45: {  	s15 =	sshrl.u32 s15, $0x2;
	v0 =	vld [tilespmem:s18+$0xFFFFFFC0];
	[tilespmem:s17+$0x1020 ss:$0x81] =	vst.msk $0xffff, v5;
	s18 =	sadd.s32 $0x80, s18  }
0x46: {  	s19 =	simm.s32 $0x4;
	s20 =	simm.s32 $0x8;
	s15 =	sor.u32 $0x8000, s15;
	[tilespmem:s17+$0x1830 ss:$0x81] =	vst.msk $0xffff, v6;
	v1 =	vld [tilespmem:s18+$0x30]  }
.LBB1_3:
0x47: {  	p1 =	sne.s32 s20, $0x1FC;
	v5 =	vld [tilespmem:s18+$0xFFFFFFD0];
	[tilespmem:s17+$0x2040 ss:$0x81] =	vst.msk $0xffff, v4  }
0x48: {  	v6 =	vld [tilespmem:s18+$0xFFFFFFE0];
	[tilespmem:s17+$0x2850 ss:$0x81] =	vst.msk $0xffff, v3  }
0x49: {  	s21 =	sshra.s32 s19, $0x2;
	s19 =	smov.u32 s20;
	v7 =	vld [tilespmem:s18+$0xFFFFFFF0];
	[tilespmem:s17+$0x3060 ss:$0x81] =	vst.msk $0xffff, v2  }
.Ltmp3:
0x4a: {  	v4 =	vld [tilespmem:s18+$0x0];
	[tilespmem:s17+$0x0 ss:$0x81] =	vst.msk $0xffff, v0;
	s17 =	sadd.s32 s21, s16;
	(pc) =	sbr.rel @p1 .LBB1_3-.Ltmp3, $4  }
0x4b: {  	v3 =	vld [tilespmem:s18+$0x10];
	[tilespmem:s17+$0x3870 ss:$0x81] =	vst.msk $0xffff, v1  }
0x4c: {  	[tilespmem:s17+$0x810 ss:$0x81] =	vst.msk $0xffff, v5;
	v2 =	vld [tilespmem:s18+$0x20]  }
0x4d: {  	v0 =	vld [tilespmem:s18+$0xFFFFFFC0];
	[tilespmem:s17+$0x1020 ss:$0x81] =	vst.msk $0xffff, v6;
	s18 =	sadd.s32 $0x80, s18  }
0x4e: {  	s20 =	sadd.s32 $0x4, s20;
	v1 =	vld [tilespmem:s18+$0x30];
	[tilespmem:s17+$0x1830 ss:$0x81] =	vst.msk $0xffff, v7  }
.Ltmp4:
0x4f: {  	_ = 	snop;
	(pc) =	sbr.rel .LBB1_4-.Ltmp4, $1  }
0x50: {  	_ =	sdelay $0x3  }
.LBB1_6:
0x51: {  	_ =	sfence.sel $0x180000  }
0x52: {  	s2 =	simm.s32 $0x1;
	[bflag:$0x0] =	sbarrier.arrive $0xFFFF  }
0x53: {  	s31 =	simm.s32 $0x2;
	[sflag:s2] =	ssyncpa.u1 $0x1  }
0x54: {  	[sflag:s31] =	ssyncpa.u1 $0x1  }
0x55: {  	p0 =	sne.s32 s0, $0x0;
	_ =	strace $0x90000059  }
0x56: {  	s0 =	sadd.s32 @!p0 $0x100000, s1;
	[bflag:$0x2] =	sbarrier.arrive $0xFFFF  }
0x57: {  	[sflag:s0] =	ssyncadd.tile.s32 @!p0 $0x1;
	_ =	shalt  }
.Lfunc_end1:
_tile_overlayer_lowered:
.L_overlay_start_2:
0x58: {  	(tag) =	ssettag $0x2  }
0x59: {  	s0 =	rddreg [dreg:$0x0];
	s2 =	stileid.u32  }
0x5a: {  	s1 =	rddreg [dreg:$0x1];
	p0 =	sne.s32 s2, $0x0  }
0x5b: {  	s3 =	rddreg [dreg:$0x2];
	[bflag:$0x3] =	sbarrier.arrive $0xFFFF;
	s2 =	simm.s32 @!p0 $0x1C01  }
0x5c: {  	[timem:s3], [sflag:s2] =	dma.local @!p0 [hbm:s0], s1  }
0x5d: {  	s0 =	simm.s32 @!p0 $0x1  }
0x5e: {  	_ =	swait.ge @!p0 [sflag:s0], s1  }
0x5f: {  	s1 =	ssub.s32 @!p0 $0x0, s1;
	[sflag:s0] =	ssyncset.done @!p0 $0x0  }
0x60: {  	[sflag:s0] =	ssyncadd.s32 @!p0 s1  }
0x61: {  	[bflag:$0x3] =	sbarrier.arrive $0xFFFF  }
0x62: {  	_ =	shalt  }

</sc_bundles>
